<compile_context>
chip_gen: v7x
topology: tpu7x:2x2x1
jax: 0.10.2.dev20260603
libtpu: 0.0.44.dev20260713+nightly
codegen_flags: <defaults>
</compile_context>

<pallas_src>
import functools

import jax
import jax.numpy as jnp
from jax import lax
from jax.experimental import pallas as pl
from jax.experimental.pallas import tpu as pltpu
from jax.experimental.pallas import tpu_sc as plsc

N = 10000
DF = 128
K = 60

_IMASK = 0x3FFF
_IMAXI = 2**31 - 1


_NW = 32


def _gather_rows_sc(table, idx3):
    g = idx3.shape[1]
    out_rows = _NW * g * 128
    mesh = plsc.VectorSubcoreMesh(core_axis_name="c", subcore_axis_name="s")

    @functools.partial(
        pl.kernel, mesh=mesh,
        compiler_params=pltpu.CompilerParams(use_tc_tiling_on_sc=False),
        out_type=jax.ShapeDtypeStruct((out_rows, 64), jnp.float32),
        scratch_types=(
            [pltpu.VMEM((g, 128), jnp.int32)]
            + [pltpu.VMEM((128, 64), jnp.float32) for _ in range(8)]
            + [pltpu.SemaphoreType.DMA for _ in range(8)]),
    )
    def k(table_hbm, idx_hbm, out_hbm, idxv,
          r0, r1, r2, r3, r4, r5, r6, r7,
          s0, s1, s2, s3, s4, s5, s6, s7):
        wid = lax.axis_index("s") * 2 + lax.axis_index("c")
        pltpu.sync_copy(idx_hbm.at[wid], idxv)
        rbufs = (r0, r1, r2, r3, r4, r5, r6, r7)
        sems = (s0, s1, s2, s3, s4, s5, s6, s7)
        base = wid * (g * 128)
        ngroups = g // 4

        def fire(grp, s):
            for b in range(4):
                pltpu.async_copy(table_hbm.at[idxv.at[grp * 4 + b]],
                                 rbufs[s * 4 + b], sems[s * 4 + b])

        def drain(grp, s):
            for b in range(4):
                pltpu.make_async_copy(
                    table_hbm.at[idxv.at[grp * 4 + b]],
                    rbufs[s * 4 + b], sems[s * 4 + b]).wait()
                pltpu.sync_copy(
                    rbufs[s * 4 + b],
                    out_hbm.at[pl.ds(base + (grp * 4 + b) * 128, 128)])

        fire(0, 0)

        def body(i, _):
            s = lax.rem(i, 2)

            @pl.when(i + 1 < ngroups)
            def _():
                @pl.when(s == 0)
                def _():
                    fire(i + 1, 1)

                @pl.when(s == 1)
                def _():
                    fire(i + 1, 0)

            @pl.when(s == 0)
            def _():
                drain(i, 0)

            @pl.when(s == 1)
            def _():
                drain(i, 1)

            return 0

        lax.fori_loop(0, ngroups, body, 0)

    return k(table, idx3)


def _sc_gather(table, idx):
    e = idx.shape[0]
    g = -(-e // (_NW * 128))
    g += (-g) % 4
    tot = _NW * g * 128
    idxp = jnp.concatenate(
        [idx.astype(jnp.int32), jnp.zeros((tot - e,), jnp.int32)]
    ).reshape(_NW, g, 128)
    return _gather_rows_sc(table, idxp)[:e]


def _matmul_body(x_ref, w_ref, o_ref):
    o_ref[...] = jnp.dot(x_ref[...], w_ref[...],
                         preferred_element_type=jnp.float32)


def _node_linear(x, w):
    n, fin = x.shape
    fout = w.shape[1]
    return pl.pallas_call(
        _matmul_body,
        out_shape=jax.ShapeDtypeStruct((n, fout), jnp.float32),
    )(x, w)


_KNN_R = 200
_NPAD = 10240
_TOPP = 5


def _knn_body(xb_ref, xt_ref, x2_ref, o_ref, key_ref, cand_ref, acc_ref):
    i = pl.program_id(0)
    xb = xb_ref[...]
    d = (x2_ref[...]
         - 2.0 * jnp.dot(xb, xt_ref[...], preferred_element_type=jnp.float32)
         + jnp.sum(xb * xb, axis=1, keepdims=True))
    bits = jax.lax.bitcast_convert_type(d, jnp.int32)
    skey = bits ^ ((bits >> 31) & jnp.int32(0x7FFFFFFF))
    jcol = jax.lax.broadcasted_iota(jnp.int32, d.shape, 1)
    rowg = jax.lax.broadcasted_iota(jnp.int32, d.shape, 0) + i * _KNN_R
    key = (skey & jnp.int32(~_IMASK)) | jcol
    key_ref[...] = jnp.where((jcol == rowg) | (jcol >= N),
                             jnp.int32(_IMAXI), key)

    banks = [[jnp.full((_KNN_R, 128), _IMAXI, jnp.int32)
              for _ in range(_TOPP)] for _ in range(2)]
    for c in range(_NPAD // 128):
        a = key_ref[:, c * 128:(c + 1) * 128]
        m = banks[c % 2]
        for t in range(_TOPP):
            lo = jnp.minimum(m[t], a)
            if t < _TOPP - 1:
                a = jnp.maximum(m[t], a)
            m[t] = lo

    cand_ref[...] = jnp.concatenate(banks[0] + banks[1], axis=1)
    lane = jax.lax.broadcasted_iota(jnp.int32, acc_ref.shape, 1)

    def body(t, _):
        k = cand_ref[...]
        kmin = jnp.min(k, axis=1, keepdims=True)
        acc_ref[...] = jnp.where(lane == t, kmin & _IMASK, acc_ref[...])
        cand_ref[...] = jnp.where(k == kmin, jnp.int32(_IMAXI), k)
        return 0

    jax.lax.fori_loop(0, K, body, 0)
    o_ref[...] = acc_ref[...]


def _knn(x):
    n, f = x.shape
    xt = jnp.concatenate(
        [x.T, jnp.zeros((f, _NPAD - n), jnp.float32)], axis=1)
    x2 = jnp.concatenate(
        [jnp.sum(x * x, axis=1), jnp.zeros((_NPAD - n,), jnp.float32)]
    ).reshape(1, _NPAD)
    grid = n // _KNN_R
    nbr = pl.pallas_call(
        _knn_body,
        grid=(grid,),
        in_specs=[
            pl.BlockSpec((_KNN_R, f), lambda i: (i, 0)),
            pl.BlockSpec((f, _NPAD), lambda i: (0, 0)),
            pl.BlockSpec((1, _NPAD), lambda i: (0, 0)),
        ],
        out_specs=pl.BlockSpec((_KNN_R, 64), lambda i: (i, 0)),
        out_shape=jax.ShapeDtypeStruct((n, 64), jnp.int32),
        scratch_shapes=[
            pltpu.VMEM((_KNN_R, _NPAD), jnp.int32),
            pltpu.VMEM((_KNN_R, 256 * _TOPP), jnp.int32),
            pltpu.VMEM((_KNN_R, 64), jnp.int32),
        ],
    )(x, xt, x2)
    return nbr[:, :K]


_EC_R = 400


def _ec2_body(g_ref, h_ref, b1_ref, w2_ref, b2_ref, o_ref):
    h3 = jnp.broadcast_to(h_ref[...][:, None, :], (_EC_R, K, 64))
    m = jax.nn.relu(g_ref[...].reshape(_EC_R, K, 64) - h3
                    + b1_ref[...].reshape(1, 1, 64))
    y = jax.nn.relu(
        jnp.dot(m.reshape(_EC_R * K, 64), w2_ref[...],
                preferred_element_type=jnp.float32) + b2_ref[...])
    o_ref[...] = jnp.max(y.reshape(_EC_R, K, 64), axis=1)


def _edgeconv_knn2(gath, h, b1, w2, b2):
    grid = N // _EC_R
    return pl.pallas_call(
        _ec2_body,
        grid=(grid,),
        in_specs=[
            pl.BlockSpec((_EC_R * K, 64), lambda i: (i, 0)),
            pl.BlockSpec((_EC_R, 64), lambda i: (i, 0)),
            pl.BlockSpec((1, 64), lambda i: (0, 0)),
            pl.BlockSpec((64, 64), lambda i: (0, 0)),
            pl.BlockSpec((1, 64), lambda i: (0, 0)),
        ],
        out_specs=pl.BlockSpec((_EC_R, 64), lambda i: (i, 0)),
        out_shape=jax.ShapeDtypeStruct((N, 64), jnp.float32),
    )(gath, h, b1.reshape(1, 64), w2, b2.reshape(1, 64))


def _ec1l_body(g_ref, h_ref, b_ref, o_ref):
    h3 = jnp.broadcast_to(h_ref[...][:, None, :], (_EC_R, K, 64))
    m = jax.nn.relu(g_ref[...].reshape(_EC_R, K, 64) - h3
                    + b_ref[...].reshape(1, 1, 64))
    o_ref[...] = jnp.max(m, axis=1)


def _edgeconv_knn1(gath, h, b):
    grid = N // _EC_R
    return pl.pallas_call(
        _ec1l_body,
        grid=(grid,),
        in_specs=[
            pl.BlockSpec((_EC_R * K, 64), lambda i: (i, 0)),
            pl.BlockSpec((_EC_R, 64), lambda i: (i, 0)),
            pl.BlockSpec((1, 64), lambda i: (0, 0)),
        ],
        out_specs=pl.BlockSpec((_EC_R, 64), lambda i: (i, 0)),
        out_shape=jax.ShapeDtypeStruct((N, 64), jnp.float32),
    )(gath, h, b.reshape(1, 64))


_E1B = 4000


def _ec1msg_body(gs_ref, gd_ref, b1_ref, w2_ref, b2_ref, o_ref):
    m = jax.nn.relu(gs_ref[...] - gd_ref[...] + b1_ref[...])
    o_ref[...] = jax.nn.relu(
        jnp.dot(m, w2_ref[...], preferred_element_type=jnp.float32)
        + b2_ref[...])


def _ec1_messages(gs, gd, b1, w2, b2):
    e = gs.shape[0]
    grid = e // _E1B
    return pl.pallas_call(
        _ec1msg_body,
        grid=(grid,),
        in_specs=[
            pl.BlockSpec((_E1B, 64), lambda i: (i, 0)),
            pl.BlockSpec((_E1B, 64), lambda i: (i, 0)),
            pl.BlockSpec((1, 64), lambda i: (0, 0)),
            pl.BlockSpec((64, 64), lambda i: (0, 0)),
            pl.BlockSpec((1, 64), lambda i: (0, 0)),
        ],
        out_specs=pl.BlockSpec((_E1B, 64), lambda i: (i, 0)),
        out_shape=jax.ShapeDtypeStruct((e, 64), jnp.float32),
    )(gs, gd, b1.reshape(1, 64), w2, b2.reshape(1, 64))


_ROWS = 400


def _fc_head_body(s1_ref, lab_ref, w1, b1, w2, b2, w3, b3, w4, b4, w5, b5,
                  out_ref, loss_ref):
    i = pl.program_id(0)
    s1 = s1_ref[...]
    a = jax.nn.relu(jnp.dot(s1, w1[...], preferred_element_type=jnp.float32)
                    + b1[...])
    w2a = w2[0:192, :]
    w2b = w2[192:, :]
    h = jax.nn.relu(jnp.dot(s1, w2a, preferred_element_type=jnp.float32)
                    + jnp.dot(a, w2b, preferred_element_type=jnp.float32)
                    + b2[...])
    h = jax.nn.relu(jnp.dot(h, w3[...], preferred_element_type=jnp.float32)
                    + b3[...])
    h = jax.nn.relu(jnp.dot(h, w4[...], preferred_element_type=jnp.float32)
                    + b4[...])
    logit = jnp.dot(h, w5[...], preferred_element_type=jnp.float32) + b5[...]
    bprob = jax.nn.sigmoid(logit)
    out_ref[...] = bprob
    p = jnp.clip(bprob[:, 0], 1e-7, 1.0 - 1e-7)
    lab = lab_ref[0, 0, :]
    ll = lab * jnp.log(p) + (1.0 - lab) * jnp.log(1.0 - p)
    part = jnp.sum(ll)

    @pl.when(i == 0)
    def _():
        loss_ref[...] = jnp.zeros_like(loss_ref)

    loss_ref[...] += part.reshape(1, 1)


def _fc_head(stack1, labels, params):
    grid = N // _ROWS
    fc = [params["fc1"], params["fc2"], params["fc3"], params["fc4"],
          params["fc5"]]
    wb = []
    for p in fc:
        wb.append(p["W"])
        wb.append(p["b"].reshape(1, -1))
    lab2 = labels.reshape(grid, 1, _ROWS)
    out, losssum = pl.pallas_call(
        _fc_head_body,
        grid=(grid,),
        in_specs=[
            pl.BlockSpec((_ROWS, 192), lambda i: (i, 0)),
            pl.BlockSpec((1, 1, _ROWS), lambda i: (i, 0, 0)),
        ] + [pl.BlockSpec(w.shape, lambda i: (0, 0)) for w in wb],
        out_specs=[
            pl.BlockSpec((_ROWS, 1), lambda i: (i, 0)),
            pl.BlockSpec((1, 1), lambda i: (0, 0)),
        ],
        out_shape=[
            jax.ShapeDtypeStruct((N, 1), jnp.float32),
            jax.ShapeDtypeStruct((1, 1), jnp.float32),
        ],
    )(stack1, lab2, *wb)
    loss = -losssum[0, 0] / N
    return loss, out


def kernel(x, edge_index, labels, params):
    p1, p2, p3 = params["ec1"], params["ec2"], params["ec3"]

    h1 = _node_linear(x, p1["lin1"]["W"])
    src, dst = edge_index[0], edge_index[1]
    gs = _sc_gather(h1, src)
    gd = _sc_gather(h1, dst)
    msg = _ec1_messages(gs, gd, p1["lin1"]["b"], p1["lin2"]["W"],
                        p1["lin2"]["b"])
    agg = jax.ops.segment_max(msg, dst, num_segments=N)
    xo = jnp.where(jnp.isfinite(agg), agg, 0.0)

    nbr2 = _knn(xo)
    h2 = _node_linear(xo, p2["lin1"]["W"])
    g2 = _sc_gather(h2, nbr2.reshape(-1))
    y = _edgeconv_knn2(g2, h2, p2["lin1"]["b"], p2["lin2"]["W"],
                       p2["lin2"]["b"])

    nbr3 = _knn(y)
    h3 = _node_linear(y, p3["lin"]["W"])
    g3 = _sc_gather(h3, nbr3.reshape(-1))
    z = _edgeconv_knn1(g3, h3, p3["lin"]["b"])

    stack1 = jnp.concatenate([xo, y, z], axis=-1)
    return _fc_head(stack1, labels, params)

# --- scband reference (transcript-rebuilt; emitter-appended) ---
"""Pipeline reference for scband-dgcnn-21337397526629 (READ-ONLY COPY).

The authoritative reference and input builder live on the scoring server;
editing this copy changes nothing except your own understanding.
"""

import jax, jax.numpy as jnp
import numpy as np

N = 10000
E = 320000
DF = 128
K = 60


def _init_linear(key, fin, fout):
    k1, k2 = jax.random.split(key)
    return {"W": jax.random.normal(k1, (fin, fout), jnp.float32) * 0.05,
            "b": jax.random.normal(k2, (fout,), jnp.float32) * 0.05}


def setup_inputs(seed: int = 0) -> dict:
    key = jax.random.key(seed)
    ks = jax.random.split(key, 16)
    x = jax.random.normal(ks[0], (N, DF), jnp.float32)
    edge_index = jax.random.randint(ks[1], (2, E), 0, N)
    labels = jax.random.uniform(ks[2], (N,), jnp.float32)
    params = {
        "ec1": {"lin1": _init_linear(ks[3], DF, 64), "lin2": _init_linear(ks[4], 64, 64)},
        "ec2": {"lin1": _init_linear(ks[5], 64, 64), "lin2": _init_linear(ks[6], 64, 64)},
        "ec3": {"lin": _init_linear(ks[7], 64, 64)},
        "fc1": _init_linear(ks[8], 192, 1024),
        "fc2": _init_linear(ks[9], 1216, 256),
        "fc3": _init_linear(ks[10], 256, 256),
        "fc4": _init_linear(ks[11], 256, 128),
        "fc5": _init_linear(ks[12], 128, 1),
    }
    return {"x": x, "edge_index": edge_index, "labels": labels, "params": params}


def _linear(p, x):
    return x @ p["W"] + p["b"]


def _ef2(p, m):
    # edge_function_2: lin1 -> relu -> lin2 -> relu
    return jax.nn.relu(_linear(p["lin2"], jax.nn.relu(_linear(p["lin1"], m))))


def _ef1(p, m):
    # edge_function_1: lin -> relu
    return jax.nn.relu(_linear(p["lin"], m))


def _edge_conv(mlp, p, x, edge_index):
    src = edge_index[0]
    dst = edge_index[1]
    msg = mlp(p, x[src] - x[dst])
    agg = jax.ops.segment_max(msg, dst, num_segments=x.shape[0])
    return jnp.where(jnp.isfinite(agg), agg, 0.0)


def _knn_graph(x, k):
    n = x.shape[0]
    x2 = jnp.sum(x * x, axis=1)
    chunks = []
    cs = 2000
    for s in range(0, n, cs):
        xc = x[s:s + cs]
        d = x2[None, :] - 2.0 * (xc @ x.T) + jnp.sum(xc * xc, axis=1)[:, None]
        r = jnp.arange(xc.shape[0])
        d = d.at[r, r + s].set(jnp.inf)  # exclude self
        _, nbr = jax.lax.top_k(-d, k)
        chunks.append(nbr)
    nbr = jnp.concatenate(chunks, axis=0)  # [n, k]
    srcs = nbr.reshape(-1)
    dsts = jnp.repeat(jnp.arange(n), k)
    return jnp.stack([srcs, dsts])


def _forward(x, edge_index, labels, params):
    xo = _edge_conv(_ef2, params["ec1"], x, edge_index)          # EdgeConv, max aggr
    ei2 = _knn_graph(xo, K)
    y = _edge_conv(_ef2, params["ec2"], xo, ei2)                 # DynamicEdgeConv k=60
    ei3 = _knn_graph(y, K)
    z = _edge_conv(_ef1, params["ec3"], y, ei3)                  # DynamicEdgeConv k=60
    stack1 = jnp.concatenate([xo, y, z], axis=-1)                # [N, 192]
    a = jax.nn.relu(_linear(params["fc1"], stack1))              # [N, 1024]
    stack2 = jnp.concatenate([stack1, a], axis=-1)               # [N, 1216]
    b = jax.nn.relu(_linear(params["fc2"], stack2))
    b = jax.nn.relu(_linear(params["fc3"], b))
    b = jax.nn.relu(_linear(params["fc4"], b))
    b = jax.nn.sigmoid(_linear(params["fc5"], b))                # [N, 1]
    p = jnp.clip(b[:, 0], 1e-7, 1.0 - 1e-7)
    loss = -jnp.mean(labels * jnp.log(p) + (1.0 - labels) * jnp.log(1.0 - p))
    return loss, b


def reference(x, edge_index, labels, params):
    return _forward(x, edge_index, labels, params)

if __name__ == "__main__":
    import jax
    _d = setup_inputs()
    print(jax.jit(kernel)(*tuple(_d.values())))

</pallas_src>

<mosaic_0001>
#map = affine_map<(d0, d1) -> (0, 0)>
#map1 = affine_map<(d0, d1) -> (0, 0, 0)>
module attributes {stable_mosaic.version = 14 : i64} {
  func.func @k(%arg0: i32, %arg1: i32, %arg2: memref<10000x64xf32, #tpu.memory_space<hbm>>, %arg3: memref<32x80x128xi32, #tpu.memory_space<hbm>>, %arg4: memref<327680x64xf32, #tpu.memory_space<hbm>>, %arg5: memref<80x128xi32, #tpu.memory_space<vmem>>, %arg6: memref<128x64xf32, #tpu.memory_space<vmem>>, %arg7: memref<128x64xf32, #tpu.memory_space<vmem>>, %arg8: memref<128x64xf32, #tpu.memory_space<vmem>>, %arg9: memref<128x64xf32, #tpu.memory_space<vmem>>, %arg10: memref<128x64xf32, #tpu.memory_space<vmem>>, %arg11: memref<128x64xf32, #tpu.memory_space<vmem>>, %arg12: memref<128x64xf32, #tpu.memory_space<vmem>>, %arg13: memref<128x64xf32, #tpu.memory_space<vmem>>, %arg14: memref<!tpu.dma_semaphore, #tpu.memory_space<semaphore_mem>>, %arg15: memref<!tpu.dma_semaphore, #tpu.memory_space<semaphore_mem>>, %arg16: memref<!tpu.dma_semaphore, #tpu.memory_space<semaphore_mem>>, %arg17: memref<!tpu.dma_semaphore, #tpu.memory_space<semaphore_mem>>, %arg18: memref<!tpu.dma_semaphore, #tpu.memory_space<semaphore_mem>>, %arg19: memref<!tpu.dma_semaphore, #tpu.memory_space<semaphore_mem>>, %arg20: memref<!tpu.dma_semaphore, #tpu.memory_space<semaphore_mem>>, %arg21: memref<!tpu.dma_semaphore, #tpu.memory_space<semaphore_mem>>) attributes {dimension_semantics = [#tpu.dimension_semantics<core_parallel>, #tpu.dimension_semantics<subcore_parallel>], iteration_bounds = array<i64: 2, 16>, scalar_prefetch = 0 : i64, scratch_operands = 17 : i64, tpu.core_type = #tpu.core_type<sc_vector_subcore>, window_params = [{transform_indices = #map}, {transform_indices = #map1}, {transform_indices = #map}]} {
    %mul3A = arith.constant 2 : i32
    %mul3A_0 = arith.muli %arg1, %mul3A : i32
    %add3A = arith.addi %mul3A_0, %arg0 : i32
    "tpu.region"() ({
      %run_scoped3A = tpu.sem_alloc : memref<!tpu.dma_semaphore, #tpu.memory_space<semaphore_mem>>
      %dma_start3A_36 = arith.constant 0 : i32
      %dma_start3A_37 = arith.constant 0 : i32
      %dma_start3A_38 = tpu.memref_slice %arg3[%add3A, %dma_start3A_36, %dma_start3A_37] : memref<32x80x128xi32, #tpu.memory_space<hbm>> -> memref<1x80x128xi32, #tpu.memory_space<hbm>>
      %dma_start3A_39 = tpu.memref_squeeze %dma_start3A_38 : memref<1x80x128xi32, #tpu.memory_space<hbm>> -> memref<80x128xi32, #tpu.memory_space<hbm>>
      %dma_start3A_40 = arith.constant 0 : i32
      %dma_start3A_41 = arith.constant 0 : i32
      %dma_start3A_42 = tpu.memref_slice %arg3[%add3A, %dma_start3A_40, %dma_start3A_41] : memref<32x80x128xi32, #tpu.memory_space<hbm>> -> memref<1x80x128xi32, #tpu.memory_space<hbm>>
      %dma_start3A_43 = tpu.memref_squeeze %dma_start3A_42 : memref<1x80x128xi32, #tpu.memory_space<hbm>> -> memref<80x128xi32, #tpu.memory_space<hbm>>
      tpu.enqueue_dma source(%dma_start3A_43 : memref<80x128xi32, #tpu.memory_space<hbm>>) target(%arg5 : memref<80x128xi32, #tpu.memory_space<vmem>>) target_semaphore(%run_scoped3A : memref<!tpu.dma_semaphore, #tpu.memory_space<semaphore_mem>>)
      %dma_wait3A = arith.constant 0 : i32
      %dma_wait3A_44 = arith.constant 0 : i32
      %dma_wait3A_45 = tpu.memref_slice %arg3[%add3A, %dma_wait3A, %dma_wait3A_44] : memref<32x80x128xi32, #tpu.memory_space<hbm>> -> memref<1x80x128xi32, #tpu.memory_space<hbm>>
      %dma_wait3A_46 = tpu.memref_squeeze %dma_wait3A_45 : memref<1x80x128xi32, #tpu.memory_space<hbm>> -> memref<80x128xi32, #tpu.memory_space<hbm>>
      %dma_wait3A_47 = arith.constant 0 : i32
      %dma_wait3A_48 = arith.constant 0 : i32
      %dma_wait3A_49 = tpu.memref_slice %arg3[%add3A, %dma_wait3A_47, %dma_wait3A_48] : memref<32x80x128xi32, #tpu.memory_space<hbm>> -> memref<1x80x128xi32, #tpu.memory_space<hbm>>
      %dma_wait3A_50 = tpu.memref_squeeze %dma_wait3A_49 : memref<1x80x128xi32, #tpu.memory_space<hbm>> -> memref<80x128xi32, #tpu.memory_space<hbm>>
      tpu.wait_dma2 semaphore(%run_scoped3A : memref<!tpu.dma_semaphore, #tpu.memory_space<semaphore_mem>>) src(%dma_wait3A_50 : memref<80x128xi32, #tpu.memory_space<hbm>>) dst(%arg5 : memref<80x128xi32, #tpu.memory_space<vmem>>)
      tpu.yield
    }) : () -> ()
    %mul3A_1 = arith.constant 10240 : i32
    %mul3A_2 = arith.muli %add3A, %mul3A_1 : i32
    %dma_start3A = arith.constant 0 : i32
    %dma_start3A_3 = arith.constant 0 : i32
    %dma_start3A_4 = tpu.memref_slice %arg5[%dma_start3A, %dma_start3A_3] : memref<80x128xi32, #tpu.memory_space<vmem>> -> memref<1x128xi32, #tpu.memory_space<vmem>>
    %dma_start3A_5 = tpu.memref_squeeze %dma_start3A_4 : memref<1x128xi32, #tpu.memory_space<vmem>> -> memref<128xi32, #tpu.memory_space<vmem>>
    %dma_start3A_6 = arith.constant 0 : i32
    %dma_start3A_7 = arith.constant 0 : i32
    %dma_start3A_8 = tpu.memref_slice %arg2[%dma_start3A_6, %dma_start3A_7] : memref<10000x64xf32, #tpu.memory_space<hbm>> -> memref<10000x64xf32, #tpu.memory_space<hbm>>
    tpu.enqueue_indirect_dma source(%dma_start3A_8 : memref<10000x64xf32, #tpu.memory_space<hbm>>) target(%arg6 : memref<128x64xf32, #tpu.memory_space<vmem>>) offsets(%dma_start3A_5 : memref<128xi32, #tpu.memory_space<vmem>>) semaphore(%arg14 : memref<!tpu.dma_semaphore, #tpu.memory_space<semaphore_mem>>)
    %dma_start3A_9 = arith.constant 1 : i32
    %dma_start3A_10 = arith.constant 0 : i32
    %dma_start3A_11 = tpu.memref_slice %arg5[%dma_start3A_9, %dma_start3A_10] : memref<80x128xi32, #tpu.memory_space<vmem>> -> memref<1x128xi32, #tpu.memory_space<vmem>>
    %dma_start3A_12 = tpu.memref_squeeze %dma_start3A_11 : memref<1x128xi32, #tpu.memory_space<vmem>> -> memref<128xi32, #tpu.memory_space<vmem>>
    %dma_start3A_13 = arith.constant 0 : i32
    %dma_start3A_14 = arith.constant 0 : i32
    %dma_start3A_15 = tpu.memref_slice %arg2[%dma_start3A_13, %dma_start3A_14] : memref<10000x64xf32, #tpu.memory_space<hbm>> -> memref<10000x64xf32, #tpu.memory_space<hbm>>
    tpu.enqueue_indirect_dma source(%dma_start3A_15 : memref<10000x64xf32, #tpu.memory_space<hbm>>) target(%arg7 : memref<128x64xf32, #tpu.memory_space<vmem>>) offsets(%dma_start3A_12 : memref<128xi32, #tpu.memory_space<vmem>>) semaphore(%arg15 : memref<!tpu.dma_semaphore, #tpu.memory_space<semaphore_mem>>)
    %dma_start3A_16 = arith.constant 2 : i32
    %dma_start3A_17 = arith.constant 0 : i32
    %dma_start3A_18 = tpu.memref_slice %arg5[%dma_start3A_16, %dma_start3A_17] : memref<80x128xi32, #tpu.memory_space<vmem>> -> memref<1x128xi32, #tpu.memory_space<vmem>>
    %dma_start3A_19 = tpu.memref_squeeze %dma_start3A_18 : memref<1x128xi32, #tpu.memory_space<vmem>> -> memref<128xi32, #tpu.memory_space<vmem>>
    %dma_start3A_20 = arith.constant 0 : i32
    %dma_start3A_21 = arith.constant 0 : i32
    %dma_start3A_22 = tpu.memref_slice %arg2[%dma_start3A_20, %dma_start3A_21] : memref<10000x64xf32, #tpu.memory_space<hbm>> -> memref<10000x64xf32, #tpu.memory_space<hbm>>
    tpu.enqueue_indirect_dma source(%dma_start3A_22 : memref<10000x64xf32, #tpu.memory_space<hbm>>) target(%arg8 : memref<128x64xf32, #tpu.memory_space<vmem>>) offsets(%dma_start3A_19 : memref<128xi32, #tpu.memory_space<vmem>>) semaphore(%arg16 : memref<!tpu.dma_semaphore, #tpu.memory_space<semaphore_mem>>)
    %dma_start3A_23 = arith.constant 3 : i32
    %dma_start3A_24 = arith.constant 0 : i32
    %dma_start3A_25 = tpu.memref_slice %arg5[%dma_start3A_23, %dma_start3A_24] : memref<80x128xi32, #tpu.memory_space<vmem>> -> memref<1x128xi32, #tpu.memory_space<vmem>>
    %dma_start3A_26 = tpu.memref_squeeze %dma_start3A_25 : memref<1x128xi32, #tpu.memory_space<vmem>> -> memref<128xi32, #tpu.memory_space<vmem>>
    %dma_start3A_27 = arith.constant 0 : i32
    %dma_start3A_28 = arith.constant 0 : i32
    %dma_start3A_29 = tpu.memref_slice %arg2[%dma_start3A_27, %dma_start3A_28] : memref<10000x64xf32, #tpu.memory_space<hbm>> -> memref<10000x64xf32, #tpu.memory_space<hbm>>
    tpu.enqueue_indirect_dma source(%dma_start3A_29 : memref<10000x64xf32, #tpu.memory_space<hbm>>) target(%arg9 : memref<128x64xf32, #tpu.memory_space<vmem>>) offsets(%dma_start3A_26 : memref<128xi32, #tpu.memory_space<vmem>>) semaphore(%arg17 : memref<!tpu.dma_semaphore, #tpu.memory_space<semaphore_mem>>)
    %scan3A = arith.constant 0 : i32
    %scan3A_30 = arith.constant 0 : i32
    %scan3A_31 = arith.constant 20 : i32
    %scan3A_32 = arith.addi %scan3A_30, %scan3A_31 : i32
    %scan3A_33 = arith.constant 1 : i32
    %scan3A_34 = scf.for %scan3A_36 = %scan3A_30 to %scan3A_32 step %scan3A_33 iter_args(%scan3A_37 = %scan3A) -> (i32)  : i32 {
      %rem3A = arith.constant 2 : i32
      %rem3A_38 = arith.remsi %scan3A_36, %rem3A : i32
      %add3A_39 = arith.constant 1 : i32
      %add3A_40 = arith.addi %scan3A_36, %add3A_39 : i32
      %lt3A = arith.constant 20 : i32
      %lt3A_41 = arith.cmpi slt, %add3A_40, %lt3A : i32
      %convert_element_type3A = arith.extui %lt3A_41 : i1 to i32
      %cond3A = arith.constant 0 : i32
      %cond3A_42 = arith.cmpi ne, %convert_element_type3A, %cond3A : i32
      scf.if %cond3A_42 {
        %eq3A_53 = arith.constant 0 : i32
        %eq3A_54 = arith.cmpi eq, %rem3A_38, %eq3A_53 : i32
        %convert_element_type3A_55 = arith.extui %eq3A_54 : i1 to i32
        %cond3A_56 = arith.constant 0 : i32
        %cond3A_57 = arith.cmpi ne, %convert_element_type3A_55, %cond3A_56 : i32
        scf.if %cond3A_57 {
          %add3A_63 = arith.constant 1 : i32
          %add3A_64 = arith.addi %scan3A_36, %add3A_63 : i32
          %mul3A_65 = arith.constant 4 : i32
          %mul3A_66 = arith.muli %add3A_64, %mul3A_65 : i32
          %add3A_67 = arith.constant 0 : i32
          %add3A_68 = arith.addi %mul3A_66, %add3A_67 : i32
          %dma_start3A_69 = arith.constant 0 : i32
          %dma_start3A_70 = tpu.memref_slice %arg5[%add3A_68, %dma_start3A_69] : memref<80x128xi32, #tpu.memory_space<vmem>> -> memref<1x128xi32, #tpu.memory_space<vmem>>
          %dma_start3A_71 = tpu.memref_squeeze %dma_start3A_70 : memref<1x128xi32, #tpu.memory_space<vmem>> -> memref<128xi32, #tpu.memory_space<vmem>>
          %dma_start3A_72 = arith.constant 0 : i32
          %dma_start3A_73 = arith.constant 0 : i32
          %dma_start3A_74 = tpu.memref_slice %arg2[%dma_start3A_72, %dma_start3A_73] : memref<10000x64xf32, #tpu.memory_space<hbm>> -> memref<10000x64xf32, #tpu.memory_space<hbm>>
          tpu.enqueue_indirect_dma source(%dma_start3A_74 : memref<10000x64xf32, #tpu.memory_space<hbm>>) target(%arg10 : memref<128x64xf32, #tpu.memory_space<vmem>>) offsets(%dma_start3A_71 : memref<128xi32, #tpu.memory_space<vmem>>) semaphore(%arg18 : memref<!tpu.dma_semaphore, #tpu.memory_space<semaphore_mem>>)
          %mul3A_75 = arith.constant 4 : i32
          %mul3A_76 = arith.muli %add3A_64, %mul3A_75 : i32
          %add3A_77 = arith.constant 1 : i32
          %add3A_78 = arith.addi %mul3A_76, %add3A_77 : i32
          %dma_start3A_79 = arith.constant 0 : i32
          %dma_start3A_80 = tpu.memref_slice %arg5[%add3A_78, %dma_start3A_79] : memref<80x128xi32, #tpu.memory_space<vmem>> -> memref<1x128xi32, #tpu.memory_space<vmem>>
          %dma_start3A_81 = tpu.memref_squeeze %dma_start3A_80 : memref<1x128xi32, #tpu.memory_space<vmem>> -> memref<128xi32, #tpu.memory_space<vmem>>
          %dma_start3A_82 = arith.constant 0 : i32
          %dma_start3A_83 = arith.constant 0 : i32
          %dma_start3A_84 = tpu.memref_slice %arg2[%dma_start3A_82, %dma_start3A_83] : memref<10000x64xf32, #tpu.memory_space<hbm>> -> memref<10000x64xf32, #tpu.memory_space<hbm>>
          tpu.enqueue_indirect_dma source(%dma_start3A_84 : memref<10000x64xf32, #tpu.memory_space<hbm>>) target(%arg11 : memref<128x64xf32, #tpu.memory_space<vmem>>) offsets(%dma_start3A_81 : memref<128xi32, #tpu.memory_space<vmem>>) semaphore(%arg19 : memref<!tpu.dma_semaphore, #tpu.memory_space<semaphore_mem>>)
          %mul3A_85 = arith.constant 4 : i32
          %mul3A_86 = arith.muli %add3A_64, %mul3A_85 : i32
          %add3A_87 = arith.constant 2 : i32
          %add3A_88 = arith.addi %mul3A_86, %add3A_87 : i32
          %dma_start3A_89 = arith.constant 0 : i32
          %dma_start3A_90 = tpu.memref_slice %arg5[%add3A_88, %dma_start3A_89] : memref<80x128xi32, #tpu.memory_space<vmem>> -> memref<1x128xi32, #tpu.memory_space<vmem>>
          %dma_start3A_91 = tpu.memref_squeeze %dma_start3A_90 : memref<1x128xi32, #tpu.memory_space<vmem>> -> memref<128xi32, #tpu.memory_space<vmem>>
          %dma_start3A_92 = arith.constant 0 : i32
          %dma_start3A_93 = arith.constant 0 : i32
          %dma_start3A_94 = tpu.memref_slice %arg2[%dma_start3A_92, %dma_start3A_93] : memref<10000x64xf32, #tpu.memory_space<hbm>> -> memref<10000x64xf32, #tpu.memory_space<hbm>>
          tpu.enqueue_indirect_dma source(%dma_start3A_94 : memref<10000x64xf32, #tpu.memory_space<hbm>>) target(%arg12 : memref<128x64xf32, #tpu.memory_space<vmem>>) offsets(%dma_start3A_91 : memref<128xi32, #tpu.memory_space<vmem>>) semaphore(%arg20 : memref<!tpu.dma_semaphore, #tpu.memory_space<semaphore_mem>>)
          %mul3A_95 = arith.constant 4 : i32
          %mul3A_96 = arith.muli %add3A_64, %mul3A_95 : i32
          %add3A_97 = arith.constant 3 : i32
          %add3A_98 = arith.addi %mul3A_96, %add3A_97 : i32
          %dma_start3A_99 = arith.constant 0 : i32
          %dma_start3A_100 = tpu.memref_slice %arg5[%add3A_98, %dma_start3A_99] : memref<80x128xi32, #tpu.memory_space<vmem>> -> memref<1x128xi32, #tpu.memory_space<vmem>>
          %dma_start3A_101 = tpu.memref_squeeze %dma_start3A_100 : memref<1x128xi32, #tpu.memory_space<vmem>> -> memref<128xi32, #tpu.memory_space<vmem>>
          %dma_start3A_102 = arith.constant 0 : i32
          %dma_start3A_103 = arith.constant 0 : i32
          %dma_start3A_104 = tpu.memref_slice %arg2[%dma_start3A_102, %dma_start3A_103] : memref<10000x64xf32, #tpu.memory_space<hbm>> -> memref<10000x64xf32, #tpu.memory_space<hbm>>
          tpu.enqueue_indirect_dma source(%dma_start3A_104 : memref<10000x64xf32, #tpu.memory_space<hbm>>) target(%arg13 : memref<128x64xf32, #tpu.memory_space<vmem>>) offsets(%dma_start3A_101 : memref<128xi32, #tpu.memory_space<vmem>>) semaphore(%arg21 : memref<!tpu.dma_semaphore, #tpu.memory_space<semaphore_mem>>)
        } else {
        }
        %eq3A_58 = arith.constant 1 : i32
        %eq3A_59 = arith.cmpi eq, %rem3A_38, %eq3A_58 : i32
        %convert_element_type3A_60 = arith.extui %eq3A_59 : i1 to i32
        %cond3A_61 = arith.constant 0 : i32
        %cond3A_62 = arith.cmpi ne, %convert_element_type3A_60, %cond3A_61 : i32
        scf.if %cond3A_62 {
          %add3A_63 = arith.constant 1 : i32
          %add3A_64 = arith.addi %scan3A_36, %add3A_63 : i32
          %mul3A_65 = arith.constant 4 : i32
          %mul3A_66 = arith.muli %add3A_64, %mul3A_65 : i32
          %add3A_67 = arith.constant 0 : i32
          %add3A_68 = arith.addi %mul3A_66, %add3A_67 : i32
          %dma_start3A_69 = arith.constant 0 : i32
          %dma_start3A_70 = tpu.memref_slice %arg5[%add3A_68, %dma_start3A_69] : memref<80x128xi32, #tpu.memory_space<vmem>> -> memref<1x128xi32, #tpu.memory_space<vmem>>
          %dma_start3A_71 = tpu.memref_squeeze %dma_start3A_70 : memref<1x128xi32, #tpu.memory_space<vmem>> -> memref<128xi32, #tpu.memory_space<vmem>>
          %dma_start3A_72 = arith.constant 0 : i32
          %dma_start3A_73 = arith.constant 0 : i32
          %dma_start3A_74 = tpu.memref_slice %arg2[%dma_start3A_72, %dma_start3A_73] : memref<10000x64xf32, #tpu.memory_space<hbm>> -> memref<10000x64xf32, #tpu.memory_space<hbm>>
          tpu.enqueue_indirect_dma source(%dma_start3A_74 : memref<10000x64xf32, #tpu.memory_space<hbm>>) target(%arg6 : memref<128x64xf32, #tpu.memory_space<vmem>>) offsets(%dma_start3A_71 : memref<128xi32, #tpu.memory_space<vmem>>) semaphore(%arg14 : memref<!tpu.dma_semaphore, #tpu.memory_space<semaphore_mem>>)
          %mul3A_75 = arith.constant 4 : i32
          %mul3A_76 = arith.muli %add3A_64, %mul3A_75 : i32
          %add3A_77 = arith.constant 1 : i32
          %add3A_78 = arith.addi %mul3A_76, %add3A_77 : i32
          %dma_start3A_79 = arith.constant 0 : i32
          %dma_start3A_80 = tpu.memref_slice %arg5[%add3A_78, %dma_start3A_79] : memref<80x128xi32, #tpu.memory_space<vmem>> -> memref<1x128xi32, #tpu.memory_space<vmem>>
          %dma_start3A_81 = tpu.memref_squeeze %dma_start3A_80 : memref<1x128xi32, #tpu.memory_space<vmem>> -> memref<128xi32, #tpu.memory_space<vmem>>
          %dma_start3A_82 = arith.constant 0 : i32
          %dma_start3A_83 = arith.constant 0 : i32
          %dma_start3A_84 = tpu.memref_slice %arg2[%dma_start3A_82, %dma_start3A_83] : memref<10000x64xf32, #tpu.memory_space<hbm>> -> memref<10000x64xf32, #tpu.memory_space<hbm>>
          tpu.enqueue_indirect_dma source(%dma_start3A_84 : memref<10000x64xf32, #tpu.memory_space<hbm>>) target(%arg7 : memref<128x64xf32, #tpu.memory_space<vmem>>) offsets(%dma_start3A_81 : memref<128xi32, #tpu.memory_space<vmem>>) semaphore(%arg15 : memref<!tpu.dma_semaphore, #tpu.memory_space<semaphore_mem>>)
          %mul3A_85 = arith.constant 4 : i32
          %mul3A_86 = arith.muli %add3A_64, %mul3A_85 : i32
          %add3A_87 = arith.constant 2 : i32
          %add3A_88 = arith.addi %mul3A_86, %add3A_87 : i32
          %dma_start3A_89 = arith.constant 0 : i32
          %dma_start3A_90 = tpu.memref_slice %arg5[%add3A_88, %dma_start3A_89] : memref<80x128xi32, #tpu.memory_space<vmem>> -> memref<1x128xi32, #tpu.memory_space<vmem>>
          %dma_start3A_91 = tpu.memref_squeeze %dma_start3A_90 : memref<1x128xi32, #tpu.memory_space<vmem>> -> memref<128xi32, #tpu.memory_space<vmem>>
          %dma_start3A_92 = arith.constant 0 : i32
          %dma_start3A_93 = arith.constant 0 : i32
          %dma_start3A_94 = tpu.memref_slice %arg2[%dma_start3A_92, %dma_start3A_93] : memref<10000x64xf32, #tpu.memory_space<hbm>> -> memref<10000x64xf32, #tpu.memory_space<hbm>>
          tpu.enqueue_indirect_dma source(%dma_start3A_94 : memref<10000x64xf32, #tpu.memory_space<hbm>>) target(%arg8 : memref<128x64xf32, #tpu.memory_space<vmem>>) offsets(%dma_start3A_91 : memref<128xi32, #tpu.memory_space<vmem>>) semaphore(%arg16 : memref<!tpu.dma_semaphore, #tpu.memory_space<semaphore_mem>>)
          %mul3A_95 = arith.constant 4 : i32
          %mul3A_96 = arith.muli %add3A_64, %mul3A_95 : i32
          %add3A_97 = arith.constant 3 : i32
          %add3A_98 = arith.addi %mul3A_96, %add3A_97 : i32
          %dma_start3A_99 = arith.constant 0 : i32
          %dma_start3A_100 = tpu.memref_slice %arg5[%add3A_98, %dma_start3A_99] : memref<80x128xi32, #tpu.memory_space<vmem>> -> memref<1x128xi32, #tpu.memory_space<vmem>>
          %dma_start3A_101 = tpu.memref_squeeze %dma_start3A_100 : memref<1x128xi32, #tpu.memory_space<vmem>> -> memref<128xi32, #tpu.memory_space<vmem>>
          %dma_start3A_102 = arith.constant 0 : i32
          %dma_start3A_103 = arith.constant 0 : i32
          %dma_start3A_104 = tpu.memref_slice %arg2[%dma_start3A_102, %dma_start3A_103] : memref<10000x64xf32, #tpu.memory_space<hbm>> -> memref<10000x64xf32, #tpu.memory_space<hbm>>
          tpu.enqueue_indirect_dma source(%dma_start3A_104 : memref<10000x64xf32, #tpu.memory_space<hbm>>) target(%arg9 : memref<128x64xf32, #tpu.memory_space<vmem>>) offsets(%dma_start3A_101 : memref<128xi32, #tpu.memory_space<vmem>>) semaphore(%arg17 : memref<!tpu.dma_semaphore, #tpu.memory_space<semaphore_mem>>)
        } else {
        }
      } else {
      }
      %eq3A = arith.constant 0 : i32
      %eq3A_43 = arith.cmpi eq, %rem3A_38, %eq3A : i32
      %convert_element_type3A_44 = arith.extui %eq3A_43 : i1 to i32
      %cond3A_45 = arith.constant 0 : i32
      %cond3A_46 = arith.cmpi ne, %convert_element_type3A_44, %cond3A_45 : i32
      scf.if %cond3A_46 {
        %mul3A_53 = arith.constant 4 : i32
        %mul3A_54 = arith.muli %scan3A_36, %mul3A_53 : i32
        %add3A_55 = arith.constant 0 : i32
        %add3A_56 = arith.addi %mul3A_54, %add3A_55 : i32
        %dma_wait3A = arith.constant 0 : i32
        %dma_wait3A_57 = tpu.memref_slice %arg5[%add3A_56, %dma_wait3A] : memref<80x128xi32, #tpu.memory_space<vmem>> -> memref<1x128xi32, #tpu.memory_space<vmem>>
        %dma_wait3A_58 = tpu.memref_squeeze %dma_wait3A_57 : memref<1x128xi32, #tpu.memory_space<vmem>> -> memref<128xi32, #tpu.memory_space<vmem>>
        %dma_wait3A_59 = arith.constant 0 : i32
        %dma_wait3A_60 = arith.constant 0 : i32
        %dma_wait3A_61 = tpu.memref_slice %arg2[%dma_wait3A_59, %dma_wait3A_60] : memref<10000x64xf32, #tpu.memory_space<hbm>> -> memref<10000x64xf32, #tpu.memory_space<hbm>>
        tpu.wait_indirect_dma semaphore(%arg14 : memref<!tpu.dma_semaphore, #tpu.memory_space<semaphore_mem>>) src(%dma_wait3A_61 : memref<10000x64xf32, #tpu.memory_space<hbm>>) dst(%arg6 : memref<128x64xf32, #tpu.memory_space<vmem>>)
        %mul3A_62 = arith.constant 4 : i32
        %mul3A_63 = arith.muli %scan3A_36, %mul3A_62 : i32
        %add3A_64 = arith.constant 0 : i32
        %add3A_65 = arith.addi %mul3A_63, %add3A_64 : i32
        %mul3A_66 = arith.constant 128 : i32
        %mul3A_67 = arith.muli %add3A_65, %mul3A_66 : i32
        %add3A_68 = arith.addi %mul3A_2, %mul3A_67 : i32
        "tpu.region"() ({
          %run_scoped3A = tpu.sem_alloc : memref<!tpu.dma_semaphore, #tpu.memory_space<semaphore_mem>>
          %dma_start3A_120 = arith.constant 0 : i32
          %dma_start3A_121 = tpu.memref_slice %arg4[%add3A_68, %dma_start3A_120] : memref<327680x64xf32, #tpu.memory_space<hbm>> -> memref<128x64xf32, #tpu.memory_space<hbm>>
          %dma_start3A_122 = arith.constant 0 : i32
          %dma_start3A_123 = tpu.memref_slice %arg4[%add3A_68, %dma_start3A_122] : memref<327680x64xf32, #tpu.memory_space<hbm>> -> memref<128x64xf32, #tpu.memory_space<hbm>>
          tpu.enqueue_dma source(%arg6 : memref<128x64xf32, #tpu.memory_space<vmem>>) target(%dma_start3A_123 : memref<128x64xf32, #tpu.memory_space<hbm>>) target_semaphore(%run_scoped3A : memref<!tpu.dma_semaphore, #tpu.memory_space<semaphore_mem>>)
          %dma_wait3A_124 = arith.constant 0 : i32
          %dma_wait3A_125 = tpu.memref_slice %arg4[%add3A_68, %dma_wait3A_124] : memref<327680x64xf32, #tpu.memory_space<hbm>> -> memref<128x64xf32, #tpu.memory_space<hbm>>
          %dma_wait3A_126 = arith.constant 0 : i32
          %dma_wait3A_127 = tpu.memref_slice %arg4[%add3A_68, %dma_wait3A_126] : memref<327680x64xf32, #tpu.memory_space<hbm>> -> memref<128x64xf32, #tpu.memory_space<hbm>>
          tpu.wait_dma2 semaphore(%run_scoped3A : memref<!tpu.dma_semaphore, #tpu.memory_space<semaphore_mem>>) src(%arg6 : memref<128x64xf32, #tpu.memory_space<vmem>>) dst(%dma_wait3A_127 : memref<128x64xf32, #tpu.memory_space<hbm>>)
          tpu.yield
        }) : () -> ()
        %mul3A_69 = arith.constant 4 : i32
        %mul3A_70 = arith.muli %scan3A_36, %mul3A_69 : i32
        %add3A_71 = arith.constant 1 : i32
        %add3A_72 = arith.addi %mul3A_70, %add3A_71 : i32
        %dma_wait3A_73 = arith.constant 0 : i32
        %dma_wait3A_74 = tpu.memref_slice %arg5[%add3A_72, %dma_wait3A_73] : memref<80x128xi32, #tpu.memory_space<vmem>> -> memref<1x128xi32, #tpu.memory_space<vmem>>
        %dma_wait3A_75 = tpu.memref_squeeze %dma_wait3A_74 : memref<1x128xi32, #tpu.memory_space<vmem>> -> memref<128xi32, #tpu.memory_space<vmem>>
        %dma_wait3A_76 = arith.constant 0 : i32
        %dma_wait3A_77 = arith.constant 0 : i32
        %dma_wait3A_78 = tpu.memref_slice %arg2[%dma_wait3A_76, %dma_wait3A_77] : memref<10000x64xf32, #tpu.memory_space<hbm>> -> memref<10000x64xf32, #tpu.memory_space<hbm>>
        tpu.wait_indirect_dma semaphore(%arg15 : memref<!tpu.dma_semaphore, #tpu.memory_space<semaphore_mem>>) src(%dma_wait3A_78 : memref<10000x64xf32, #tpu.memory_space<hbm>>) dst(%arg7 : memref<128x64xf32, #tpu.memory_space<vmem>>)
        %mul3A_79 = arith.constant 4 : i32
        %mul3A_80 = arith.muli %scan3A_36, %mul3A_79 : i32
        %add3A_81 = arith.constant 1 : i32
        %add3A_82 = arith.addi %mul3A_80, %add3A_81 : i32
        %mul3A_83 = arith.constant 128 : i32
        %mul3A_84 = arith.muli %add3A_82, %mul3A_83 : i32
        %add3A_85 = arith.addi %mul3A_2, %mul3A_84 : i32
        "tpu.region"() ({
          %run_scoped3A = tpu.sem_alloc : memref<!tpu.dma_semaphore, #tpu.memory_space<semaphore_mem>>
          %dma_start3A_120 = arith.constant 0 : i32
          %dma_start3A_121 = tpu.memref_slice %arg4[%add3A_85, %dma_start3A_120] : memref<327680x64xf32, #tpu.memory_space<hbm>> -> memref<128x64xf32, #tpu.memory_space<hbm>>
          %dma_start3A_122 = arith.constant 0 : i32
          %dma_start3A_123 = tpu.memref_slice %arg4[%add3A_85, %dma_start3A_122] : memref<327680x64xf32, #tpu.memory_space<hbm>> -> memref<128x64xf32, #tpu.memory_space<hbm>>
          tpu.enqueue_dma source(%arg7 : memref<128x64xf32, #tpu.memory_space<vmem>>) target(%dma_start3A_123 : memref<128x64xf32, #tpu.memory_space<hbm>>) target_semaphore(%run_scoped3A : memref<!tpu.dma_semaphore, #tpu.memory_space<semaphore_mem>>)
          %dma_wait3A_124 = arith.constant 0 : i32
          %dma_wait3A_125 = tpu.memref_slice %arg4[%add3A_85, %dma_wait3A_124] : memref<327680x64xf32, #tpu.memory_space<hbm>> -> memref<128x64xf32, #tpu.memory_space<hbm>>
          %dma_wait3A_126 = arith.constant 0 : i32
          %dma_wait3A_127 = tpu.memref_slice %arg4[%add3A_85, %dma_wait3A_126] : memref<327680x64xf32, #tpu.memory_space<hbm>> -> memref<128x64xf32, #tpu.memory_space<hbm>>
          tpu.wait_dma2 semaphore(%run_scoped3A : memref<!tpu.dma_semaphore, #tpu.memory_space<semaphore_mem>>) src(%arg7 : memref<128x64xf32, #tpu.memory_space<vmem>>) dst(%dma_wait3A_127 : memref<128x64xf32, #tpu.memory_space<hbm>>)
          tpu.yield
        }) : () -> ()
        %mul3A_86 = arith.constant 4 : i32
        %mul3A_87 = arith.muli %scan3A_36, %mul3A_86 : i32
        %add3A_88 = arith.constant 2 : i32
        %add3A_89 = arith.addi %mul3A_87, %add3A_88 : i32
        %dma_wait3A_90 = arith.constant 0 : i32
        %dma_wait3A_91 = tpu.memref_slice %arg5[%add3A_89, %dma_wait3A_90] : memref<80x128xi32, #tpu.memory_space<vmem>> -> memref<1x128xi32, #tpu.memory_space<vmem>>
        %dma_wait3A_92 = tpu.memref_squeeze %dma_wait3A_91 : memref<1x128xi32, #tpu.memory_space<vmem>> -> memref<128xi32, #tpu.memory_space<vmem>>
        %dma_wait3A_93 = arith.constant 0 : i32
        %dma_wait3A_94 = arith.constant 0 : i32
        %dma_wait3A_95 = tpu.memref_slice %arg2[%dma_wait3A_93, %dma_wait3A_94] : memref<10000x64xf32, #tpu.memory_space<hbm>> -> memref<10000x64xf32, #tpu.memory_space<hbm>>
        tpu.wait_indirect_dma semaphore(%arg16 : memref<!tpu.dma_semaphore, #tpu.memory_space<semaphore_mem>>) src(%dma_wait3A_95 : memref<10000x64xf32, #tpu.memory_space<hbm>>) dst(%arg8 : memref<128x64xf32, #tpu.memory_space<vmem>>)
        %mul3A_96 = arith.constant 4 : i32
        %mul3A_97 = arith.muli %scan3A_36, %mul3A_96 : i32
        %add3A_98 = arith.constant 2 : i32
        %add3A_99 = arith.addi %mul3A_97, %add3A_98 : i32
        %mul3A_100 = arith.constant 128 : i32
        %mul3A_101 = arith.muli %add3A_99, %mul3A_100 : i32
        %add3A_102 = arith.addi %mul3A_2, %mul3A_101 : i32
        "tpu.region"() ({
          %run_scoped3A = tpu.sem_alloc : memref<!tpu.dma_semaphore, #tpu.memory_space<semaphore_mem>>
          %dma_start3A_120 = arith.constant 0 : i32
          %dma_start3A_121 = tpu.memref_slice %arg4[%add3A_102, %dma_start3A_120] : memref<327680x64xf32, #tpu.memory_space<hbm>> -> memref<128x64xf32, #tpu.memory_space<hbm>>
          %dma_start3A_122 = arith.constant 0 : i32
          %dma_start3A_123 = tpu.memref_slice %arg4[%add3A_102, %dma_start3A_122] : memref<327680x64xf32, #tpu.memory_space<hbm>> -> memref<128x64xf32, #tpu.memory_space<hbm>>
          tpu.enqueue_dma source(%arg8 : memref<128x64xf32, #tpu.memory_space<vmem>>) target(%dma_start3A_123 : memref<128x64xf32, #tpu.memory_space<hbm>>) target_semaphore(%run_scoped3A : memref<!tpu.dma_semaphore, #tpu.memory_space<semaphore_mem>>)
          %dma_wait3A_124 = arith.constant 0 : i32
          %dma_wait3A_125 = tpu.memref_slice %arg4[%add3A_102, %dma_wait3A_124] : memref<327680x64xf32, #tpu.memory_space<hbm>> -> memref<128x64xf32, #tpu.memory_space<hbm>>
          %dma_wait3A_126 = arith.constant 0 : i32
          %dma_wait3A_127 = tpu.memref_slice %arg4[%add3A_102, %dma_wait3A_126] : memref<327680x64xf32, #tpu.memory_space<hbm>> -> memref<128x64xf32, #tpu.memory_space<hbm>>
          tpu.wait_dma2 semaphore(%run_scoped3A : memref<!tpu.dma_semaphore, #tpu.memory_space<semaphore_mem>>) src(%arg8 : memref<128x64xf32, #tpu.memory_space<vmem>>) dst(%dma_wait3A_127 : memref<128x64xf32, #tpu.memory_space<hbm>>)
          tpu.yield
        }) : () -> ()
        %mul3A_103 = arith.constant 4 : i32
        %mul3A_104 = arith.muli %scan3A_36, %mul3A_103 : i32
        %add3A_105 = arith.constant 3 : i32
        %add3A_106 = arith.addi %mul3A_104, %add3A_105 : i32
        %dma_wait3A_107 = arith.constant 0 : i32
        %dma_wait3A_108 = tpu.memref_slice %arg5[%add3A_106, %dma_wait3A_107] : memref<80x128xi32, #tpu.memory_space<vmem>> -> memref<1x128xi32, #tpu.memory_space<vmem>>
        %dma_wait3A_109 = tpu.memref_squeeze %dma_wait3A_108 : memref<1x128xi32, #tpu.memory_space<vmem>> -> memref<128xi32, #tpu.memory_space<vmem>>
        %dma_wait3A_110 = arith.constant 0 : i32
        %dma_wait3A_111 = arith.constant 0 : i32
        %dma_wait3A_112 = tpu.memref_slice %arg2[%dma_wait3A_110, %dma_wait3A_111] : memref<10000x64xf32, #tpu.memory_space<hbm>> -> memref<10000x64xf32, #tpu.memory_space<hbm>>
        tpu.wait_indirect_dma semaphore(%arg17 : memref<!tpu.dma_semaphore, #tpu.memory_space<semaphore_mem>>) src(%dma_wait3A_112 : memref<10000x64xf32, #tpu.memory_space<hbm>>) dst(%arg9 : memref<128x64xf32, #tpu.memory_space<vmem>>)
        %mul3A_113 = arith.constant 4 : i32
        %mul3A_114 = arith.muli %scan3A_36, %mul3A_113 : i32
        %add3A_115 = arith.constant 3 : i32
        %add3A_116 = arith.addi %mul3A_114, %add3A_115 : i32
        %mul3A_117 = arith.constant 128 : i32
        %mul3A_118 = arith.muli %add3A_116, %mul3A_117 : i32
        %add3A_119 = arith.addi %mul3A_2, %mul3A_118 : i32
        "tpu.region"() ({
          %run_scoped3A = tpu.sem_alloc : memref<!tpu.dma_semaphore, #tpu.memory_space<semaphore_mem>>
          %dma_start3A_120 = arith.constant 0 : i32
          %dma_start3A_121 = tpu.memref_slice %arg4[%add3A_119, %dma_start3A_120] : memref<327680x64xf32, #tpu.memory_space<hbm>> -> memref<128x64xf32, #tpu.memory_space<hbm>>
          %dma_start3A_122 = arith.constant 0 : i32
          %dma_start3A_123 = tpu.memref_slice %arg4[%add3A_119, %dma_start3A_122] : memref<327680x64xf32, #tpu.memory_space<hbm>> -> memref<128x64xf32, #tpu.memory_space<hbm>>
          tpu.enqueue_dma source(%arg9 : memref<128x64xf32, #tpu.memory_space<vmem>>) target(%dma_start3A_123 : memref<128x64xf32, #tpu.memory_space<hbm>>) target_semaphore(%run_scoped3A : memref<!tpu.dma_semaphore, #tpu.memory_space<semaphore_mem>>)
          %dma_wait3A_124 = arith.constant 0 : i32
          %dma_wait3A_125 = tpu.memref_slice %arg4[%add3A_119, %dma_wait3A_124] : memref<327680x64xf32, #tpu.memory_space<hbm>> -> memref<128x64xf32, #tpu.memory_space<hbm>>
          %dma_wait3A_126 = arith.constant 0 : i32
          %dma_wait3A_127 = tpu.memref_slice %arg4[%add3A_119, %dma_wait3A_126] : memref<327680x64xf32, #tpu.memory_space<hbm>> -> memref<128x64xf32, #tpu.memory_space<hbm>>
          tpu.wait_dma2 semaphore(%run_scoped3A : memref<!tpu.dma_semaphore, #tpu.memory_space<semaphore_mem>>) src(%arg9 : memref<128x64xf32, #tpu.memory_space<vmem>>) dst(%dma_wait3A_127 : memref<128x64xf32, #tpu.memory_space<hbm>>)
          tpu.yield
        }) : () -> ()
      } else {
      }
      %eq3A_47 = arith.constant 1 : i32
      %eq3A_48 = arith.cmpi eq, %rem3A_38, %eq3A_47 : i32
      %convert_element_type3A_49 = arith.extui %eq3A_48 : i1 to i32
      %cond3A_50 = arith.constant 0 : i32
      %cond3A_51 = arith.cmpi ne, %convert_element_type3A_49, %cond3A_50 : i32
      scf.if %cond3A_51 {
        %mul3A_53 = arith.constant 4 : i32
        %mul3A_54 = arith.muli %scan3A_36, %mul3A_53 : i32
        %add3A_55 = arith.constant 0 : i32
        %add3A_56 = arith.addi %mul3A_54, %add3A_55 : i32
        %dma_wait3A = arith.constant 0 : i32
        %dma_wait3A_57 = tpu.memref_slice %arg5[%add3A_56, %dma_wait3A] : memref<80x128xi32, #tpu.memory_space<vmem>> -> memref<1x128xi32, #tpu.memory_space<vmem>>
        %dma_wait3A_58 = tpu.memref_squeeze %dma_wait3A_57 : memref<1x128xi32, #tpu.memory_space<vmem>> -> memref<128xi32, #tpu.memory_space<vmem>>
        %dma_wait3A_59 = arith.constant 0 : i32
        %dma_wait3A_60 = arith.constant 0 : i32
        %dma_wait3A_61 = tpu.memref_slice %arg2[%dma_wait3A_59, %dma_wait3A_60] : memref<10000x64xf32, #tpu.memory_space<hbm>> -> memref<10000x64xf32, #tpu.memory_space<hbm>>
        tpu.wait_indirect_dma semaphore(%arg18 : memref<!tpu.dma_semaphore, #tpu.memory_space<semaphore_mem>>) src(%dma_wait3A_61 : memref<10000x64xf32, #tpu.memory_space<hbm>>) dst(%arg10 : memref<128x64xf32, #tpu.memory_space<vmem>>)
        %mul3A_62 = arith.constant 4 : i32
        %mul3A_63 = arith.muli %scan3A_36, %mul3A_62 : i32
        %add3A_64 = arith.constant 0 : i32
        %add3A_65 = arith.addi %mul3A_63, %add3A_64 : i32
        %mul3A_66 = arith.constant 128 : i32
        %mul3A_67 = arith.muli %add3A_65, %mul3A_66 : i32
        %add3A_68 = arith.addi %mul3A_2, %mul3A_67 : i32
        "tpu.region"() ({
          %run_scoped3A = tpu.sem_alloc : memref<!tpu.dma_semaphore, #tpu.memory_space<semaphore_mem>>
          %dma_start3A_120 = arith.constant 0 : i32
          %dma_start3A_121 = tpu.memref_slice %arg4[%add3A_68, %dma_start3A_120] : memref<327680x64xf32, #tpu.memory_space<hbm>> -> memref<128x64xf32, #tpu.memory_space<hbm>>
          %dma_start3A_122 = arith.constant 0 : i32
          %dma_start3A_123 = tpu.memref_slice %arg4[%add3A_68, %dma_start3A_122] : memref<327680x64xf32, #tpu.memory_space<hbm>> -> memref<128x64xf32, #tpu.memory_space<hbm>>
          tpu.enqueue_dma source(%arg10 : memref<128x64xf32, #tpu.memory_space<vmem>>) target(%dma_start3A_123 : memref<128x64xf32, #tpu.memory_space<hbm>>) target_semaphore(%run_scoped3A : memref<!tpu.dma_semaphore, #tpu.memory_space<semaphore_mem>>)
          %dma_wait3A_124 = arith.constant 0 : i32
          %dma_wait3A_125 = tpu.memref_slice %arg4[%add3A_68, %dma_wait3A_124] : memref<327680x64xf32, #tpu.memory_space<hbm>> -> memref<128x64xf32, #tpu.memory_space<hbm>>
          %dma_wait3A_126 = arith.constant 0 : i32
          %dma_wait3A_127 = tpu.memref_slice %arg4[%add3A_68, %dma_wait3A_126] : memref<327680x64xf32, #tpu.memory_space<hbm>> -> memref<128x64xf32, #tpu.memory_space<hbm>>
          tpu.wait_dma2 semaphore(%run_scoped3A : memref<!tpu.dma_semaphore, #tpu.memory_space<semaphore_mem>>) src(%arg10 : memref<128x64xf32, #tpu.memory_space<vmem>>) dst(%dma_wait3A_127 : memref<128x64xf32, #tpu.memory_space<hbm>>)
          tpu.yield
        }) : () -> ()
        %mul3A_69 = arith.constant 4 : i32
        %mul3A_70 = arith.muli %scan3A_36, %mul3A_69 : i32
        %add3A_71 = arith.constant 1 : i32
        %add3A_72 = arith.addi %mul3A_70, %add3A_71 : i32
        %dma_wait3A_73 = arith.constant 0 : i32
        %dma_wait3A_74 = tpu.memref_slice %arg5[%add3A_72, %dma_wait3A_73] : memref<80x128xi32, #tpu.memory_space<vmem>> -> memref<1x128xi32, #tpu.memory_space<vmem>>
        %dma_wait3A_75 = tpu.memref_squeeze %dma_wait3A_74 : memref<1x128xi32, #tpu.memory_space<vmem>> -> memref<128xi32, #tpu.memory_space<vmem>>
        %dma_wait3A_76 = arith.constant 0 : i32
        %dma_wait3A_77 = arith.constant 0 : i32
        %dma_wait3A_78 = tpu.memref_slice %arg2[%dma_wait3A_76, %dma_wait3A_77] : memref<10000x64xf32, #tpu.memory_space<hbm>> -> memref<10000x64xf32, #tpu.memory_space<hbm>>
        tpu.wait_indirect_dma semaphore(%arg19 : memref<!tpu.dma_semaphore, #tpu.memory_space<semaphore_mem>>) src(%dma_wait3A_78 : memref<10000x64xf32, #tpu.memory_space<hbm>>) dst(%arg11 : memref<128x64xf32, #tpu.memory_space<vmem>>)
        %mul3A_79 = arith.constant 4 : i32
        %mul3A_80 = arith.muli %scan3A_36, %mul3A_79 : i32
        %add3A_81 = arith.constant 1 : i32
        %add3A_82 = arith.addi %mul3A_80, %add3A_81 : i32
        %mul3A_83 = arith.constant 128 : i32
        %mul3A_84 = arith.muli %add3A_82, %mul3A_83 : i32
        %add3A_85 = arith.addi %mul3A_2, %mul3A_84 : i32
        "tpu.region"() ({
          %run_scoped3A = tpu.sem_alloc : memref<!tpu.dma_semaphore, #tpu.memory_space<semaphore_mem>>
          %dma_start3A_120 = arith.constant 0 : i32
          %dma_start3A_121 = tpu.memref_slice %arg4[%add3A_85, %dma_start3A_120] : memref<327680x64xf32, #tpu.memory_space<hbm>> -> memref<128x64xf32, #tpu.memory_space<hbm>>
          %dma_start3A_122 = arith.constant 0 : i32
          %dma_start3A_123 = tpu.memref_slice %arg4[%add3A_85, %dma_start3A_122] : memref<327680x64xf32, #tpu.memory_space<hbm>> -> memref<128x64xf32, #tpu.memory_space<hbm>>
          tpu.enqueue_dma source(%arg11 : memref<128x64xf32, #tpu.memory_space<vmem>>) target(%dma_start3A_123 : memref<128x64xf32, #tpu.memory_space<hbm>>) target_semaphore(%run_scoped3A : memref<!tpu.dma_semaphore, #tpu.memory_space<semaphore_mem>>)
          %dma_wait3A_124 = arith.constant 0 : i32
          %dma_wait3A_125 = tpu.memref_slice %arg4[%add3A_85, %dma_wait3A_124] : memref<327680x64xf32, #tpu.memory_space<hbm>> -> memref<128x64xf32, #tpu.memory_space<hbm>>
          %dma_wait3A_126 = arith.constant 0 : i32
          %dma_wait3A_127 = tpu.memref_slice %arg4[%add3A_85, %dma_wait3A_126] : memref<327680x64xf32, #tpu.memory_space<hbm>> -> memref<128x64xf32, #tpu.memory_space<hbm>>
          tpu.wait_dma2 semaphore(%run_scoped3A : memref<!tpu.dma_semaphore, #tpu.memory_space<semaphore_mem>>) src(%arg11 : memref<128x64xf32, #tpu.memory_space<vmem>>) dst(%dma_wait3A_127 : memref<128x64xf32, #tpu.memory_space<hbm>>)
          tpu.yield
        }) : () -> ()
        %mul3A_86 = arith.constant 4 : i32
        %mul3A_87 = arith.muli %scan3A_36, %mul3A_86 : i32
        %add3A_88 = arith.constant 2 : i32
        %add3A_89 = arith.addi %mul3A_87, %add3A_88 : i32
        %dma_wait3A_90 = arith.constant 0 : i32
        %dma_wait3A_91 = tpu.memref_slice %arg5[%add3A_89, %dma_wait3A_90] : memref<80x128xi32, #tpu.memory_space<vmem>> -> memref<1x128xi32, #tpu.memory_space<vmem>>
        %dma_wait3A_92 = tpu.memref_squeeze %dma_wait3A_91 : memref<1x128xi32, #tpu.memory_space<vmem>> -> memref<128xi32, #tpu.memory_space<vmem>>
        %dma_wait3A_93 = arith.constant 0 : i32
        %dma_wait3A_94 = arith.constant 0 : i32
        %dma_wait3A_95 = tpu.memref_slice %arg2[%dma_wait3A_93, %dma_wait3A_94] : memref<10000x64xf32, #tpu.memory_space<hbm>> -> memref<10000x64xf32, #tpu.memory_space<hbm>>
        tpu.wait_indirect_dma semaphore(%arg20 : memref<!tpu.dma_semaphore, #tpu.memory_space<semaphore_mem>>) src(%dma_wait3A_95 : memref<10000x64xf32, #tpu.memory_space<hbm>>) dst(%arg12 : memref<128x64xf32, #tpu.memory_space<vmem>>)
        %mul3A_96 = arith.constant 4 : i32
        %mul3A_97 = arith.muli %scan3A_36, %mul3A_96 : i32
        %add3A_98 = arith.constant 2 : i32
        %add3A_99 = arith.addi %mul3A_97, %add3A_98 : i32
        %mul3A_100 = arith.constant 128 : i32
        %mul3A_101 = arith.muli %add3A_99, %mul3A_100 : i32
        %add3A_102 = arith.addi %mul3A_2, %mul3A_101 : i32
        "tpu.region"() ({
          %run_scoped3A = tpu.sem_alloc : memref<!tpu.dma_semaphore, #tpu.memory_space<semaphore_mem>>
          %dma_start3A_120 = arith.constant 0 : i32
          %dma_start3A_121 = tpu.memref_slice %arg4[%add3A_102, %dma_start3A_120] : memref<327680x64xf32, #tpu.memory_space<hbm>> -> memref<128x64xf32, #tpu.memory_space<hbm>>
          %dma_start3A_122 = arith.constant 0 : i32
          %dma_start3A_123 = tpu.memref_slice %arg4[%add3A_102, %dma_start3A_122] : memref<327680x64xf32, #tpu.memory_space<hbm>> -> memref<128x64xf32, #tpu.memory_space<hbm>>
          tpu.enqueue_dma source(%arg12 : memref<128x64xf32, #tpu.memory_space<vmem>>) target(%dma_start3A_123 : memref<128x64xf32, #tpu.memory_space<hbm>>) target_semaphore(%run_scoped3A : memref<!tpu.dma_semaphore, #tpu.memory_space<semaphore_mem>>)
          %dma_wait3A_124 = arith.constant 0 : i32
          %dma_wait3A_125 = tpu.memref_slice %arg4[%add3A_102, %dma_wait3A_124] : memref<327680x64xf32, #tpu.memory_space<hbm>> -> memref<128x64xf32, #tpu.memory_space<hbm>>
          %dma_wait3A_126 = arith.constant 0 : i32
          %dma_wait3A_127 = tpu.memref_slice %arg4[%add3A_102, %dma_wait3A_126] : memref<327680x64xf32, #tpu.memory_space<hbm>> -> memref<128x64xf32, #tpu.memory_space<hbm>>
          tpu.wait_dma2 semaphore(%run_scoped3A : memref<!tpu.dma_semaphore, #tpu.memory_space<semaphore_mem>>) src(%arg12 : memref<128x64xf32, #tpu.memory_space<vmem>>) dst(%dma_wait3A_127 : memref<128x64xf32, #tpu.memory_space<hbm>>)
          tpu.yield
        }) : () -> ()
        %mul3A_103 = arith.constant 4 : i32
        %mul3A_104 = arith.muli %scan3A_36, %mul3A_103 : i32
        %add3A_105 = arith.constant 3 : i32
        %add3A_106 = arith.addi %mul3A_104, %add3A_105 : i32
        %dma_wait3A_107 = arith.constant 0 : i32
        %dma_wait3A_108 = tpu.memref_slice %arg5[%add3A_106, %dma_wait3A_107] : memref<80x128xi32, #tpu.memory_space<vmem>> -> memref<1x128xi32, #tpu.memory_space<vmem>>
        %dma_wait3A_109 = tpu.memref_squeeze %dma_wait3A_108 : memref<1x128xi32, #tpu.memory_space<vmem>> -> memref<128xi32, #tpu.memory_space<vmem>>
        %dma_wait3A_110 = arith.constant 0 : i32
        %dma_wait3A_111 = arith.constant 0 : i32
        %dma_wait3A_112 = tpu.memref_slice %arg2[%dma_wait3A_110, %dma_wait3A_111] : memref<10000x64xf32, #tpu.memory_space<hbm>> -> memref<10000x64xf32, #tpu.memory_space<hbm>>
        tpu.wait_indirect_dma semaphore(%arg21 : memref<!tpu.dma_semaphore, #tpu.memory_space<semaphore_mem>>) src(%dma_wait3A_112 : memref<10000x64xf32, #tpu.memory_space<hbm>>) dst(%arg13 : memref<128x64xf32, #tpu.memory_space<vmem>>)
        %mul3A_113 = arith.constant 4 : i32
        %mul3A_114 = arith.muli %scan3A_36, %mul3A_113 : i32
        %add3A_115 = arith.constant 3 : i32
        %add3A_116 = arith.addi %mul3A_114, %add3A_115 : i32
        %mul3A_117 = arith.constant 128 : i32
        %mul3A_118 = arith.muli %add3A_116, %mul3A_117 : i32
        %add3A_119 = arith.addi %mul3A_2, %mul3A_118 : i32
        "tpu.region"() ({
          %run_scoped3A = tpu.sem_alloc : memref<!tpu.dma_semaphore, #tpu.memory_space<semaphore_mem>>
          %dma_start3A_120 = arith.constant 0 : i32
          %dma_start3A_121 = tpu.memref_slice %arg4[%add3A_119, %dma_start3A_120] : memref<327680x64xf32, #tpu.memory_space<hbm>> -> memref<128x64xf32, #tpu.memory_space<hbm>>
          %dma_start3A_122 = arith.constant 0 : i32
          %dma_start3A_123 = tpu.memref_slice %arg4[%add3A_119, %dma_start3A_122] : memref<327680x64xf32, #tpu.memory_space<hbm>> -> memref<128x64xf32, #tpu.memory_space<hbm>>
          tpu.enqueue_dma source(%arg13 : memref<128x64xf32, #tpu.memory_space<vmem>>) target(%dma_start3A_123 : memref<128x64xf32, #tpu.memory_space<hbm>>) target_semaphore(%run_scoped3A : memref<!tpu.dma_semaphore, #tpu.memory_space<semaphore_mem>>)
          %dma_wait3A_124 = arith.constant 0 : i32
          %dma_wait3A_125 = tpu.memref_slice %arg4[%add3A_119, %dma_wait3A_124] : memref<327680x64xf32, #tpu.memory_space<hbm>> -> memref<128x64xf32, #tpu.memory_space<hbm>>
          %dma_wait3A_126 = arith.constant 0 : i32
          %dma_wait3A_127 = tpu.memref_slice %arg4[%add3A_119, %dma_wait3A_126] : memref<327680x64xf32, #tpu.memory_space<hbm>> -> memref<128x64xf32, #tpu.memory_space<hbm>>
          tpu.wait_dma2 semaphore(%run_scoped3A : memref<!tpu.dma_semaphore, #tpu.memory_space<semaphore_mem>>) src(%arg13 : memref<128x64xf32, #tpu.memory_space<vmem>>) dst(%dma_wait3A_127 : memref<128x64xf32, #tpu.memory_space<hbm>>)
          tpu.yield
        }) : () -> ()
      } else {
      }
      %scan3A_52 = arith.constant 0 : i32
      scf.yield %scan3A_52 : i32
    }
    %scan3A_35 = arith.constant 20 : i32
    return
  }
}

#map = affine_map<(d0, d1) -> (0, 0)>
#map1 = affine_map<(d0, d1) -> (0, 0, 0)>
module attributes {stable_mosaic.version = 14 : i64} {
  func.func @k(%arg0: i32, %arg1: i32, %arg2: memref<10000x64xf32, #tpu.memory_space<hbm>>, %arg3: memref<32x148x128xi32, #tpu.memory_space<hbm>>, %arg4: memref<606208x64xf32, #tpu.memory_space<hbm>>, %arg5: memref<148x128xi32, #tpu.memory_space<vmem>>, %arg6: memref<128x64xf32, #tpu.memory_space<vmem>>, %arg7: memref<128x64xf32, #tpu.memory_space<vmem>>, %arg8: memref<128x64xf32, #tpu.memory_space<vmem>>, %arg9: memref<128x64xf32, #tpu.memory_space<vmem>>, %arg10: memref<128x64xf32, #tpu.memory_space<vmem>>, %arg11: memref<128x64xf32, #tpu.memory_space<vmem>>, %arg12: memref<128x64xf32, #tpu.memory_space<vmem>>, %arg13: memref<128x64xf32, #tpu.memory_space<vmem>>, %arg14: memref<!tpu.dma_semaphore, #tpu.memory_space<semaphore_mem>>, %arg15: memref<!tpu.dma_semaphore, #tpu.memory_space<semaphore_mem>>, %arg16: memref<!tpu.dma_semaphore, #tpu.memory_space<semaphore_mem>>, %arg17: memref<!tpu.dma_semaphore, #tpu.memory_space<semaphore_mem>>, %arg18: memref<!tpu.dma_semaphore, #tpu.memory_space<semaphore_mem>>, %arg19: memref<!tpu.dma_semaphore, #tpu.memory_space<semaphore_mem>>, %arg20: memref<!tpu.dma_semaphore, #tpu.memory_space<semaphore_mem>>, %arg21: memref<!tpu.dma_semaphore, #tpu.memory_space<semaphore_mem>>) attributes {dimension_semantics = [#tpu.dimension_semantics<core_parallel>, #tpu.dimension_semantics<subcore_parallel>], iteration_bounds = array<i64: 2, 16>, scalar_prefetch = 0 : i64, scratch_operands = 17 : i64, tpu.core_type = #tpu.core_type<sc_vector_subcore>, window_params = [{transform_indices = #map}, {transform_indices = #map1}, {transform_indices = #map}]} {
    %mul3A = arith.constant 2 : i32
    %mul3A_0 = arith.muli %arg1, %mul3A : i32
    %add3A = arith.addi %mul3A_0, %arg0 : i32
    "tpu.region"() ({
      %run_scoped3A = tpu.sem_alloc : memref<!tpu.dma_semaphore, #tpu.memory_space<semaphore_mem>>
      %dma_start3A_36 = arith.constant 0 : i32
      %dma_start3A_37 = arith.constant 0 : i32
      %dma_start3A_38 = tpu.memref_slice %arg3[%add3A, %dma_start3A_36, %dma_start3A_37] : memref<32x148x128xi32, #tpu.memory_space<hbm>> -> memref<1x148x128xi32, #tpu.memory_space<hbm>>
      %dma_start3A_39 = tpu.memref_squeeze %dma_start3A_38 : memref<1x148x128xi32, #tpu.memory_space<hbm>> -> memref<148x128xi32, #tpu.memory_space<hbm>>
      %dma_start3A_40 = arith.constant 0 : i32
      %dma_start3A_41 = arith.constant 0 : i32
      %dma_start3A_42 = tpu.memref_slice %arg3[%add3A, %dma_start3A_40, %dma_start3A_41] : memref<32x148x128xi32, #tpu.memory_space<hbm>> -> memref<1x148x128xi32, #tpu.memory_space<hbm>>
      %dma_start3A_43 = tpu.memref_squeeze %dma_start3A_42 : memref<1x148x128xi32, #tpu.memory_space<hbm>> -> memref<148x128xi32, #tpu.memory_space<hbm>>
      tpu.enqueue_dma source(%dma_start3A_43 : memref<148x128xi32, #tpu.memory_space<hbm>>) target(%arg5 : memref<148x128xi32, #tpu.memory_space<vmem>>) target_semaphore(%run_scoped3A : memref<!tpu.dma_semaphore, #tpu.memory_space<semaphore_mem>>)
      %dma_wait3A = arith.constant 0 : i32
      %dma_wait3A_44 = arith.constant 0 : i32
      %dma_wait3A_45 = tpu.memref_slice %arg3[%add3A, %dma_wait3A, %dma_wait3A_44] : memref<32x148x128xi32, #tpu.memory_space<hbm>> -> memref<1x148x128xi32, #tpu.memory_space<hbm>>
      %dma_wait3A_46 = tpu.memref_squeeze %dma_wait3A_45 : memref<1x148x128xi32, #tpu.memory_space<hbm>> -> memref<148x128xi32, #tpu.memory_space<hbm>>
      %dma_wait3A_47 = arith.constant 0 : i32
      %dma_wait3A_48 = arith.constant 0 : i32
      %dma_wait3A_49 = tpu.memref_slice %arg3[%add3A, %dma_wait3A_47, %dma_wait3A_48] : memref<32x148x128xi32, #tpu.memory_space<hbm>> -> memref<1x148x128xi32, #tpu.memory_space<hbm>>
      %dma_wait3A_50 = tpu.memref_squeeze %dma_wait3A_49 : memref<1x148x128xi32, #tpu.memory_space<hbm>> -> memref<148x128xi32, #tpu.memory_space<hbm>>
      tpu.wait_dma2 semaphore(%run_scoped3A : memref<!tpu.dma_semaphore, #tpu.memory_space<semaphore_mem>>) src(%dma_wait3A_50 : memref<148x128xi32, #tpu.memory_space<hbm>>) dst(%arg5 : memref<148x128xi32, #tpu.memory_space<vmem>>)
      tpu.yield
    }) : () -> ()
    %mul3A_1 = arith.constant 18944 : i32
    %mul3A_2 = arith.muli %add3A, %mul3A_1 : i32
    %dma_start3A = arith.constant 0 : i32
    %dma_start3A_3 = arith.constant 0 : i32
    %dma_start3A_4 = tpu.memref_slice %arg5[%dma_start3A, %dma_start3A_3] : memref<148x128xi32, #tpu.memory_space<vmem>> -> memref<1x128xi32, #tpu.memory_space<vmem>>
    %dma_start3A_5 = tpu.memref_squeeze %dma_start3A_4 : memref<1x128xi32, #tpu.memory_space<vmem>> -> memref<128xi32, #tpu.memory_space<vmem>>
    %dma_start3A_6 = arith.constant 0 : i32
    %dma_start3A_7 = arith.constant 0 : i32
    %dma_start3A_8 = tpu.memref_slice %arg2[%dma_start3A_6, %dma_start3A_7] : memref<10000x64xf32, #tpu.memory_space<hbm>> -> memref<10000x64xf32, #tpu.memory_space<hbm>>
    tpu.enqueue_indirect_dma source(%dma_start3A_8 : memref<10000x64xf32, #tpu.memory_space<hbm>>) target(%arg6 : memref<128x64xf32, #tpu.memory_space<vmem>>) offsets(%dma_start3A_5 : memref<128xi32, #tpu.memory_space<vmem>>) semaphore(%arg14 : memref<!tpu.dma_semaphore, #tpu.memory_space<semaphore_mem>>)
    %dma_start3A_9 = arith.constant 1 : i32
    %dma_start3A_10 = arith.constant 0 : i32
    %dma_start3A_11 = tpu.memref_slice %arg5[%dma_start3A_9, %dma_start3A_10] : memref<148x128xi32, #tpu.memory_space<vmem>> -> memref<1x128xi32, #tpu.memory_space<vmem>>
    %dma_start3A_12 = tpu.memref_squeeze %dma_start3A_11 : memref<1x128xi32, #tpu.memory_space<vmem>> -> memref<128xi32, #tpu.memory_space<vmem>>
    %dma_start3A_13 = arith.constant 0 : i32
    %dma_start3A_14 = arith.constant 0 : i32
    %dma_start3A_15 = tpu.memref_slice %arg2[%dma_start3A_13, %dma_start3A_14] : memref<10000x64xf32, #tpu.memory_space<hbm>> -> memref<10000x64xf32, #tpu.memory_space<hbm>>
    tpu.enqueue_indirect_dma source(%dma_start3A_15 : memref<10000x64xf32, #tpu.memory_space<hbm>>) target(%arg7 : memref<128x64xf32, #tpu.memory_space<vmem>>) offsets(%dma_start3A_12 : memref<128xi32, #tpu.memory_space<vmem>>) semaphore(%arg15 : memref<!tpu.dma_semaphore, #tpu.memory_space<semaphore_mem>>)
    %dma_start3A_16 = arith.constant 2 : i32
    %dma_start3A_17 = arith.constant 0 : i32
    %dma_start3A_18 = tpu.memref_slice %arg5[%dma_start3A_16, %dma_start3A_17] : memref<148x128xi32, #tpu.memory_space<vmem>> -> memref<1x128xi32, #tpu.memory_space<vmem>>
    %dma_start3A_19 = tpu.memref_squeeze %dma_start3A_18 : memref<1x128xi32, #tpu.memory_space<vmem>> -> memref<128xi32, #tpu.memory_space<vmem>>
    %dma_start3A_20 = arith.constant 0 : i32
    %dma_start3A_21 = arith.constant 0 : i32
    %dma_start3A_22 = tpu.memref_slice %arg2[%dma_start3A_20, %dma_start3A_21] : memref<10000x64xf32, #tpu.memory_space<hbm>> -> memref<10000x64xf32, #tpu.memory_space<hbm>>
    tpu.enqueue_indirect_dma source(%dma_start3A_22 : memref<10000x64xf32, #tpu.memory_space<hbm>>) target(%arg8 : memref<128x64xf32, #tpu.memory_space<vmem>>) offsets(%dma_start3A_19 : memref<128xi32, #tpu.memory_space<vmem>>) semaphore(%arg16 : memref<!tpu.dma_semaphore, #tpu.memory_space<semaphore_mem>>)
    %dma_start3A_23 = arith.constant 3 : i32
    %dma_start3A_24 = arith.constant 0 : i32
    %dma_start3A_25 = tpu.memref_slice %arg5[%dma_start3A_23, %dma_start3A_24] : memref<148x128xi32, #tpu.memory_space<vmem>> -> memref<1x128xi32, #tpu.memory_space<vmem>>
    %dma_start3A_26 = tpu.memref_squeeze %dma_start3A_25 : memref<1x128xi32, #tpu.memory_space<vmem>> -> memref<128xi32, #tpu.memory_space<vmem>>
    %dma_start3A_27 = arith.constant 0 : i32
    %dma_start3A_28 = arith.constant 0 : i32
    %dma_start3A_29 = tpu.memref_slice %arg2[%dma_start3A_27, %dma_start3A_28] : memref<10000x64xf32, #tpu.memory_space<hbm>> -> memref<10000x64xf32, #tpu.memory_space<hbm>>
    tpu.enqueue_indirect_dma source(%dma_start3A_29 : memref<10000x64xf32, #tpu.memory_space<hbm>>) target(%arg9 : memref<128x64xf32, #tpu.memory_space<vmem>>) offsets(%dma_start3A_26 : memref<128xi32, #tpu.memory_space<vmem>>) semaphore(%arg17 : memref<!tpu.dma_semaphore, #tpu.memory_space<semaphore_mem>>)
    %scan3A = arith.constant 0 : i32
    %scan3A_30 = arith.constant 0 : i32
    %scan3A_31 = arith.constant 37 : i32
    %scan3A_32 = arith.addi %scan3A_30, %scan3A_31 : i32
    %scan3A_33 = arith.constant 1 : i32
    %scan3A_34 = scf.for %scan3A_36 = %scan3A_30 to %scan3A_32 step %scan3A_33 iter_args(%scan3A_37 = %scan3A) -> (i32)  : i32 {
      %rem3A = arith.constant 2 : i32
      %rem3A_38 = arith.remsi %scan3A_36, %rem3A : i32
      %add3A_39 = arith.constant 1 : i32
      %add3A_40 = arith.addi %scan3A_36, %add3A_39 : i32
      %lt3A = arith.constant 37 : i32
      %lt3A_41 = arith.cmpi slt, %add3A_40, %lt3A : i32
      %convert_element_type3A = arith.extui %lt3A_41 : i1 to i32
      %cond3A = arith.constant 0 : i32
      %cond3A_42 = arith.cmpi ne, %convert_element_type3A, %cond3A : i32
      scf.if %cond3A_42 {
        %eq3A_53 = arith.constant 0 : i32
        %eq3A_54 = arith.cmpi eq, %rem3A_38, %eq3A_53 : i32
        %convert_element_type3A_55 = arith.extui %eq3A_54 : i1 to i32
        %cond3A_56 = arith.constant 0 : i32
        %cond3A_57 = arith.cmpi ne, %convert_element_type3A_55, %cond3A_56 : i32
        scf.if %cond3A_57 {
          %add3A_63 = arith.constant 1 : i32
          %add3A_64 = arith.addi %scan3A_36, %add3A_63 : i32
          %mul3A_65 = arith.constant 4 : i32
          %mul3A_66 = arith.muli %add3A_64, %mul3A_65 : i32
          %add3A_67 = arith.constant 0 : i32
          %add3A_68 = arith.addi %mul3A_66, %add3A_67 : i32
          %dma_start3A_69 = arith.constant 0 : i32
          %dma_start3A_70 = tpu.memref_slice %arg5[%add3A_68, %dma_start3A_69] : memref<148x128xi32, #tpu.memory_space<vmem>> -> memref<1x128xi32, #tpu.memory_space<vmem>>
          %dma_start3A_71 = tpu.memref_squeeze %dma_start3A_70 : memref<1x128xi32, #tpu.memory_space<vmem>> -> memref<128xi32, #tpu.memory_space<vmem>>
          %dma_start3A_72 = arith.constant 0 : i32
          %dma_start3A_73 = arith.constant 0 : i32
          %dma_start3A_74 = tpu.memref_slice %arg2[%dma_start3A_72, %dma_start3A_73] : memref<10000x64xf32, #tpu.memory_space<hbm>> -> memref<10000x64xf32, #tpu.memory_space<hbm>>
          tpu.enqueue_indirect_dma source(%dma_start3A_74 : memref<10000x64xf32, #tpu.memory_space<hbm>>) target(%arg10 : memref<128x64xf32, #tpu.memory_space<vmem>>) offsets(%dma_start3A_71 : memref<128xi32, #tpu.memory_space<vmem>>) semaphore(%arg18 : memref<!tpu.dma_semaphore, #tpu.memory_space<semaphore_mem>>)
          %mul3A_75 = arith.constant 4 : i32
          %mul3A_76 = arith.muli %add3A_64, %mul3A_75 : i32
          %add3A_77 = arith.constant 1 : i32
          %add3A_78 = arith.addi %mul3A_76, %add3A_77 : i32
          %dma_start3A_79 = arith.constant 0 : i32
          %dma_start3A_80 = tpu.memref_slice %arg5[%add3A_78, %dma_start3A_79] : memref<148x128xi32, #tpu.memory_space<vmem>> -> memref<1x128xi32, #tpu.memory_space<vmem>>
          %dma_start3A_81 = tpu.memref_squeeze %dma_start3A_80 : memref<1x128xi32, #tpu.memory_space<vmem>> -> memref<128xi32, #tpu.memory_space<vmem>>
          %dma_start3A_82 = arith.constant 0 : i32
          %dma_start3A_83 = arith.constant 0 : i32
          %dma_start3A_84 = tpu.memref_slice %arg2[%dma_start3A_82, %dma_start3A_83] : memref<10000x64xf32, #tpu.memory_space<hbm>> -> memref<10000x64xf32, #tpu.memory_space<hbm>>
          tpu.enqueue_indirect_dma source(%dma_start3A_84 : memref<10000x64xf32, #tpu.memory_space<hbm>>) target(%arg11 : memref<128x64xf32, #tpu.memory_space<vmem>>) offsets(%dma_start3A_81 : memref<128xi32, #tpu.memory_space<vmem>>) semaphore(%arg19 : memref<!tpu.dma_semaphore, #tpu.memory_space<semaphore_mem>>)
          %mul3A_85 = arith.constant 4 : i32
          %mul3A_86 = arith.muli %add3A_64, %mul3A_85 : i32
          %add3A_87 = arith.constant 2 : i32
          %add3A_88 = arith.addi %mul3A_86, %add3A_87 : i32
          %dma_start3A_89 = arith.constant 0 : i32
          %dma_start3A_90 = tpu.memref_slice %arg5[%add3A_88, %dma_start3A_89] : memref<148x128xi32, #tpu.memory_space<vmem>> -> memref<1x128xi32, #tpu.memory_space<vmem>>
          %dma_start3A_91 = tpu.memref_squeeze %dma_start3A_90 : memref<1x128xi32, #tpu.memory_space<vmem>> -> memref<128xi32, #tpu.memory_space<vmem>>
          %dma_start3A_92 = arith.constant 0 : i32
          %dma_start3A_93 = arith.constant 0 : i32
          %dma_start3A_94 = tpu.memref_slice %arg2[%dma_start3A_92, %dma_start3A_93] : memref<10000x64xf32, #tpu.memory_space<hbm>> -> memref<10000x64xf32, #tpu.memory_space<hbm>>
          tpu.enqueue_indirect_dma source(%dma_start3A_94 : memref<10000x64xf32, #tpu.memory_space<hbm>>) target(%arg12 : memref<128x64xf32, #tpu.memory_space<vmem>>) offsets(%dma_start3A_91 : memref<128xi32, #tpu.memory_space<vmem>>) semaphore(%arg20 : memref<!tpu.dma_semaphore, #tpu.memory_space<semaphore_mem>>)
          %mul3A_95 = arith.constant 4 : i32
          %mul3A_96 = arith.muli %add3A_64, %mul3A_95 : i32
          %add3A_97 = arith.constant 3 : i32
          %add3A_98 = arith.addi %mul3A_96, %add3A_97 : i32
          %dma_start3A_99 = arith.constant 0 : i32
          %dma_start3A_100 = tpu.memref_slice %arg5[%add3A_98, %dma_start3A_99] : memref<148x128xi32, #tpu.memory_space<vmem>> -> memref<1x128xi32, #tpu.memory_space<vmem>>
          %dma_start3A_101 = tpu.memref_squeeze %dma_start3A_100 : memref<1x128xi32, #tpu.memory_space<vmem>> -> memref<128xi32, #tpu.memory_space<vmem>>
          %dma_start3A_102 = arith.constant 0 : i32
          %dma_start3A_103 = arith.constant 0 : i32
          %dma_start3A_104 = tpu.memref_slice %arg2[%dma_start3A_102, %dma_start3A_103] : memref<10000x64xf32, #tpu.memory_space<hbm>> -> memref<10000x64xf32, #tpu.memory_space<hbm>>
          tpu.enqueue_indirect_dma source(%dma_start3A_104 : memref<10000x64xf32, #tpu.memory_space<hbm>>) target(%arg13 : memref<128x64xf32, #tpu.memory_space<vmem>>) offsets(%dma_start3A_101 : memref<128xi32, #tpu.memory_space<vmem>>) semaphore(%arg21 : memref<!tpu.dma_semaphore, #tpu.memory_space<semaphore_mem>>)
        } else {
        }
        %eq3A_58 = arith.constant 1 : i32
        %eq3A_59 = arith.cmpi eq, %rem3A_38, %eq3A_58 : i32
        %convert_element_type3A_60 = arith.extui %eq3A_59 : i1 to i32
        %cond3A_61 = arith.constant 0 : i32
        %cond3A_62 = arith.cmpi ne, %convert_element_type3A_60, %cond3A_61 : i32
        scf.if %cond3A_62 {
          %add3A_63 = arith.constant 1 : i32
          %add3A_64 = arith.addi %scan3A_36, %add3A_63 : i32
          %mul3A_65 = arith.constant 4 : i32
          %mul3A_66 = arith.muli %add3A_64, %mul3A_65 : i32
          %add3A_67 = arith.constant 0 : i32
          %add3A_68 = arith.addi %mul3A_66, %add3A_67 : i32
          %dma_start3A_69 = arith.constant 0 : i32
          %dma_start3A_70 = tpu.memref_slice %arg5[%add3A_68, %dma_start3A_69] : memref<148x128xi32, #tpu.memory_space<vmem>> -> memref<1x128xi32, #tpu.memory_space<vmem>>
          %dma_start3A_71 = tpu.memref_squeeze %dma_start3A_70 : memref<1x128xi32, #tpu.memory_space<vmem>> -> memref<128xi32, #tpu.memory_space<vmem>>
          %dma_start3A_72 = arith.constant 0 : i32
          %dma_start3A_73 = arith.constant 0 : i32
          %dma_start3A_74 = tpu.memref_slice %arg2[%dma_start3A_72, %dma_start3A_73] : memref<10000x64xf32, #tpu.memory_space<hbm>> -> memref<10000x64xf32, #tpu.memory_space<hbm>>
          tpu.enqueue_indirect_dma source(%dma_start3A_74 : memref<10000x64xf32, #tpu.memory_space<hbm>>) target(%arg6 : memref<128x64xf32, #tpu.memory_space<vmem>>) offsets(%dma_start3A_71 : memref<128xi32, #tpu.memory_space<vmem>>) semaphore(%arg14 : memref<!tpu.dma_semaphore, #tpu.memory_space<semaphore_mem>>)
          %mul3A_75 = arith.constant 4 : i32
          %mul3A_76 = arith.muli %add3A_64, %mul3A_75 : i32
          %add3A_77 = arith.constant 1 : i32
          %add3A_78 = arith.addi %mul3A_76, %add3A_77 : i32
          %dma_start3A_79 = arith.constant 0 : i32
          %dma_start3A_80 = tpu.memref_slice %arg5[%add3A_78, %dma_start3A_79] : memref<148x128xi32, #tpu.memory_space<vmem>> -> memref<1x128xi32, #tpu.memory_space<vmem>>
          %dma_start3A_81 = tpu.memref_squeeze %dma_start3A_80 : memref<1x128xi32, #tpu.memory_space<vmem>> -> memref<128xi32, #tpu.memory_space<vmem>>
          %dma_start3A_82 = arith.constant 0 : i32
          %dma_start3A_83 = arith.constant 0 : i32
          %dma_start3A_84 = tpu.memref_slice %arg2[%dma_start3A_82, %dma_start3A_83] : memref<10000x64xf32, #tpu.memory_space<hbm>> -> memref<10000x64xf32, #tpu.memory_space<hbm>>
          tpu.enqueue_indirect_dma source(%dma_start3A_84 : memref<10000x64xf32, #tpu.memory_space<hbm>>) target(%arg7 : memref<128x64xf32, #tpu.memory_space<vmem>>) offsets(%dma_start3A_81 : memref<128xi32, #tpu.memory_space<vmem>>) semaphore(%arg15 : memref<!tpu.dma_semaphore, #tpu.memory_space<semaphore_mem>>)
          %mul3A_85 = arith.constant 4 : i32
          %mul3A_86 = arith.muli %add3A_64, %mul3A_85 : i32
          %add3A_87 = arith.constant 2 : i32
          %add3A_88 = arith.addi %mul3A_86, %add3A_87 : i32
          %dma_start3A_89 = arith.constant 0 : i32
          %dma_start3A_90 = tpu.memref_slice %arg5[%add3A_88, %dma_start3A_89] : memref<148x128xi32, #tpu.memory_space<vmem>> -> memref<1x128xi32, #tpu.memory_space<vmem>>
          %dma_start3A_91 = tpu.memref_squeeze %dma_start3A_90 : memref<1x128xi32, #tpu.memory_space<vmem>> -> memref<128xi32, #tpu.memory_space<vmem>>
          %dma_start3A_92 = arith.constant 0 : i32
          %dma_start3A_93 = arith.constant 0 : i32
          %dma_start3A_94 = tpu.memref_slice %arg2[%dma_start3A_92, %dma_start3A_93] : memref<10000x64xf32, #tpu.memory_space<hbm>> -> memref<10000x64xf32, #tpu.memory_space<hbm>>
          tpu.enqueue_indirect_dma source(%dma_start3A_94 : memref<10000x64xf32, #tpu.memory_space<hbm>>) target(%arg8 : memref<128x64xf32, #tpu.memory_space<vmem>>) offsets(%dma_start3A_91 : memref<128xi32, #tpu.memory_space<vmem>>) semaphore(%arg16 : memref<!tpu.dma_semaphore, #tpu.memory_space<semaphore_mem>>)
          %mul3A_95 = arith.constant 4 : i32
          %mul3A_96 = arith.muli %add3A_64, %mul3A_95 : i32
          %add3A_97 = arith.constant 3 : i32
          %add3A_98 = arith.addi %mul3A_96, %add3A_97 : i32
          %dma_start3A_99 = arith.constant 0 : i32
          %dma_start3A_100 = tpu.memref_slice %arg5[%add3A_98, %dma_start3A_99] : memref<148x128xi32, #tpu.memory_space<vmem>> -> memref<1x128xi32, #tpu.memory_space<vmem>>
          %dma_start3A_101 = tpu.memref_squeeze %dma_start3A_100 : memref<1x128xi32, #tpu.memory_space<vmem>> -> memref<128xi32, #tpu.memory_space<vmem>>
          %dma_start3A_102 = arith.constant 0 : i32
          %dma_start3A_103 = arith.constant 0 : i32
          %dma_start3A_104 = tpu.memref_slice %arg2[%dma_start3A_102, %dma_start3A_103] : memref<10000x64xf32, #tpu.memory_space<hbm>> -> memref<10000x64xf32, #tpu.memory_space<hbm>>
          tpu.enqueue_indirect_dma source(%dma_start3A_104 : memref<10000x64xf32, #tpu.memory_space<hbm>>) target(%arg9 : memref<128x64xf32, #tpu.memory_space<vmem>>) offsets(%dma_start3A_101 : memref<128xi32, #tpu.memory_space<vmem>>) semaphore(%arg17 : memref<!tpu.dma_semaphore, #tpu.memory_space<semaphore_mem>>)
        } else {
        }
      } else {
      }
      %eq3A = arith.constant 0 : i32
      %eq3A_43 = arith.cmpi eq, %rem3A_38, %eq3A : i32
      %convert_element_type3A_44 = arith.extui %eq3A_43 : i1 to i32
      %cond3A_45 = arith.constant 0 : i32
      %cond3A_46 = arith.cmpi ne, %convert_element_type3A_44, %cond3A_45 : i32
      scf.if %cond3A_46 {
        %mul3A_53 = arith.constant 4 : i32
        %mul3A_54 = arith.muli %scan3A_36, %mul3A_53 : i32
        %add3A_55 = arith.constant 0 : i32
        %add3A_56 = arith.addi %mul3A_54, %add3A_55 : i32
        %dma_wait3A = arith.constant 0 : i32
        %dma_wait3A_57 = tpu.memref_slice %arg5[%add3A_56, %dma_wait3A] : memref<148x128xi32, #tpu.memory_space<vmem>> -> memref<1x128xi32, #tpu.memory_space<vmem>>
        %dma_wait3A_58 = tpu.memref_squeeze %dma_wait3A_57 : memref<1x128xi32, #tpu.memory_space<vmem>> -> memref<128xi32, #tpu.memory_space<vmem>>
        %dma_wait3A_59 = arith.constant 0 : i32
        %dma_wait3A_60 = arith.constant 0 : i32
        %dma_wait3A_61 = tpu.memref_slice %arg2[%dma_wait3A_59, %dma_wait3A_60] : memref<10000x64xf32, #tpu.memory_space<hbm>> -> memref<10000x64xf32, #tpu.memory_space<hbm>>
        tpu.wait_indirect_dma semaphore(%arg14 : memref<!tpu.dma_semaphore, #tpu.memory_space<semaphore_mem>>) src(%dma_wait3A_61 : memref<10000x64xf32, #tpu.memory_space<hbm>>) dst(%arg6 : memref<128x64xf32, #tpu.memory_space<vmem>>)
        %mul3A_62 = arith.constant 4 : i32
        %mul3A_63 = arith.muli %scan3A_36, %mul3A_62 : i32
        %add3A_64 = arith.constant 0 : i32
        %add3A_65 = arith.addi %mul3A_63, %add3A_64 : i32
        %mul3A_66 = arith.constant 128 : i32
        %mul3A_67 = arith.muli %add3A_65, %mul3A_66 : i32
        %add3A_68 = arith.addi %mul3A_2, %mul3A_67 : i32
        "tpu.region"() ({
          %run_scoped3A = tpu.sem_alloc : memref<!tpu.dma_semaphore, #tpu.memory_space<semaphore_mem>>
          %dma_start3A_120 = arith.constant 0 : i32
          %dma_start3A_121 = tpu.memref_slice %arg4[%add3A_68, %dma_start3A_120] : memref<606208x64xf32, #tpu.memory_space<hbm>> -> memref<128x64xf32, #tpu.memory_space<hbm>>
          %dma_start3A_122 = arith.constant 0 : i32
          %dma_start3A_123 = tpu.memref_slice %arg4[%add3A_68, %dma_start3A_122] : memref<606208x64xf32, #tpu.memory_space<hbm>> -> memref<128x64xf32, #tpu.memory_space<hbm>>
          tpu.enqueue_dma source(%arg6 : memref<128x64xf32, #tpu.memory_space<vmem>>) target(%dma_start3A_123 : memref<128x64xf32, #tpu.memory_space<hbm>>) target_semaphore(%run_scoped3A : memref<!tpu.dma_semaphore, #tpu.memory_space<semaphore_mem>>)
          %dma_wait3A_124 = arith.constant 0 : i32
          %dma_wait3A_125 = tpu.memref_slice %arg4[%add3A_68, %dma_wait3A_124] : memref<606208x64xf32, #tpu.memory_space<hbm>> -> memref<128x64xf32, #tpu.memory_space<hbm>>
          %dma_wait3A_126 = arith.constant 0 : i32
          %dma_wait3A_127 = tpu.memref_slice %arg4[%add3A_68, %dma_wait3A_126] : memref<606208x64xf32, #tpu.memory_space<hbm>> -> memref<128x64xf32, #tpu.memory_space<hbm>>
          tpu.wait_dma2 semaphore(%run_scoped3A : memref<!tpu.dma_semaphore, #tpu.memory_space<semaphore_mem>>) src(%arg6 : memref<128x64xf32, #tpu.memory_space<vmem>>) dst(%dma_wait3A_127 : memref<128x64xf32, #tpu.memory_space<hbm>>)
          tpu.yield
        }) : () -> ()
        %mul3A_69 = arith.constant 4 : i32
        %mul3A_70 = arith.muli %scan3A_36, %mul3A_69 : i32
        %add3A_71 = arith.constant 1 : i32
        %add3A_72 = arith.addi %mul3A_70, %add3A_71 : i32
        %dma_wait3A_73 = arith.constant 0 : i32
        %dma_wait3A_74 = tpu.memref_slice %arg5[%add3A_72, %dma_wait3A_73] : memref<148x128xi32, #tpu.memory_space<vmem>> -> memref<1x128xi32, #tpu.memory_space<vmem>>
        %dma_wait3A_75 = tpu.memref_squeeze %dma_wait3A_74 : memref<1x128xi32, #tpu.memory_space<vmem>> -> memref<128xi32, #tpu.memory_space<vmem>>
        %dma_wait3A_76 = arith.constant 0 : i32
        %dma_wait3A_77 = arith.constant 0 : i32
        %dma_wait3A_78 = tpu.memref_slice %arg2[%dma_wait3A_76, %dma_wait3A_77] : memref<10000x64xf32, #tpu.memory_space<hbm>> -> memref<10000x64xf32, #tpu.memory_space<hbm>>
        tpu.wait_indirect_dma semaphore(%arg15 : memref<!tpu.dma_semaphore, #tpu.memory_space<semaphore_mem>>) src(%dma_wait3A_78 : memref<10000x64xf32, #tpu.memory_space<hbm>>) dst(%arg7 : memref<128x64xf32, #tpu.memory_space<vmem>>)
        %mul3A_79 = arith.constant 4 : i32
        %mul3A_80 = arith.muli %scan3A_36, %mul3A_79 : i32
        %add3A_81 = arith.constant 1 : i32
        %add3A_82 = arith.addi %mul3A_80, %add3A_81 : i32
        %mul3A_83 = arith.constant 128 : i32
        %mul3A_84 = arith.muli %add3A_82, %mul3A_83 : i32
        %add3A_85 = arith.addi %mul3A_2, %mul3A_84 : i32
        "tpu.region"() ({
          %run_scoped3A = tpu.sem_alloc : memref<!tpu.dma_semaphore, #tpu.memory_space<semaphore_mem>>
          %dma_start3A_120 = arith.constant 0 : i32
          %dma_start3A_121 = tpu.memref_slice %arg4[%add3A_85, %dma_start3A_120] : memref<606208x64xf32, #tpu.memory_space<hbm>> -> memref<128x64xf32, #tpu.memory_space<hbm>>
          %dma_start3A_122 = arith.constant 0 : i32
          %dma_start3A_123 = tpu.memref_slice %arg4[%add3A_85, %dma_start3A_122] : memref<606208x64xf32, #tpu.memory_space<hbm>> -> memref<128x64xf32, #tpu.memory_space<hbm>>
          tpu.enqueue_dma source(%arg7 : memref<128x64xf32, #tpu.memory_space<vmem>>) target(%dma_start3A_123 : memref<128x64xf32, #tpu.memory_space<hbm>>) target_semaphore(%run_scoped3A : memref<!tpu.dma_semaphore, #tpu.memory_space<semaphore_mem>>)
          %dma_wait3A_124 = arith.constant 0 : i32
          %dma_wait3A_125 = tpu.memref_slice %arg4[%add3A_85, %dma_wait3A_124] : memref<606208x64xf32, #tpu.memory_space<hbm>> -> memref<128x64xf32, #tpu.memory_space<hbm>>
          %dma_wait3A_126 = arith.constant 0 : i32
          %dma_wait3A_127 = tpu.memref_slice %arg4[%add3A_85, %dma_wait3A_126] : memref<606208x64xf32, #tpu.memory_space<hbm>> -> memref<128x64xf32, #tpu.memory_space<hbm>>
          tpu.wait_dma2 semaphore(%run_scoped3A : memref<!tpu.dma_semaphore, #tpu.memory_space<semaphore_mem>>) src(%arg7 : memref<128x64xf32, #tpu.memory_space<vmem>>) dst(%dma_wait3A_127 : memref<128x64xf32, #tpu.memory_space<hbm>>)
          tpu.yield
        }) : () -> ()
        %mul3A_86 = arith.constant 4 : i32
        %mul3A_87 = arith.muli %scan3A_36, %mul3A_86 : i32
        %add3A_88 = arith.constant 2 : i32
        %add3A_89 = arith.addi %mul3A_87, %add3A_88 : i32
        %dma_wait3A_90 = arith.constant 0 : i32
        %dma_wait3A_91 = tpu.memref_slice %arg5[%add3A_89, %dma_wait3A_90] : memref<148x128xi32, #tpu.memory_space<vmem>> -> memref<1x128xi32, #tpu.memory_space<vmem>>
        %dma_wait3A_92 = tpu.memref_squeeze %dma_wait3A_91 : memref<1x128xi32, #tpu.memory_space<vmem>> -> memref<128xi32, #tpu.memory_space<vmem>>
        %dma_wait3A_93 = arith.constant 0 : i32
        %dma_wait3A_94 = arith.constant 0 : i32
        %dma_wait3A_95 = tpu.memref_slice %arg2[%dma_wait3A_93, %dma_wait3A_94] : memref<10000x64xf32, #tpu.memory_space<hbm>> -> memref<10000x64xf32, #tpu.memory_space<hbm>>
        tpu.wait_indirect_dma semaphore(%arg16 : memref<!tpu.dma_semaphore, #tpu.memory_space<semaphore_mem>>) src(%dma_wait3A_95 : memref<10000x64xf32, #tpu.memory_space<hbm>>) dst(%arg8 : memref<128x64xf32, #tpu.memory_space<vmem>>)
        %mul3A_96 = arith.constant 4 : i32
        %mul3A_97 = arith.muli %scan3A_36, %mul3A_96 : i32
        %add3A_98 = arith.constant 2 : i32
        %add3A_99 = arith.addi %mul3A_97, %add3A_98 : i32
        %mul3A_100 = arith.constant 128 : i32
        %mul3A_101 = arith.muli %add3A_99, %mul3A_100 : i32
        %add3A_102 = arith.addi %mul3A_2, %mul3A_101 : i32
        "tpu.region"() ({
          %run_scoped3A = tpu.sem_alloc : memref<!tpu.dma_semaphore, #tpu.memory_space<semaphore_mem>>
          %dma_start3A_120 = arith.constant 0 : i32
          %dma_start3A_121 = tpu.memref_slice %arg4[%add3A_102, %dma_start3A_120] : memref<606208x64xf32, #tpu.memory_space<hbm>> -> memref<128x64xf32, #tpu.memory_space<hbm>>
          %dma_start3A_122 = arith.constant 0 : i32
          %dma_start3A_123 = tpu.memref_slice %arg4[%add3A_102, %dma_start3A_122] : memref<606208x64xf32, #tpu.memory_space<hbm>> -> memref<128x64xf32, #tpu.memory_space<hbm>>
          tpu.enqueue_dma source(%arg8 : memref<128x64xf32, #tpu.memory_space<vmem>>) target(%dma_start3A_123 : memref<128x64xf32, #tpu.memory_space<hbm>>) target_semaphore(%run_scoped3A : memref<!tpu.dma_semaphore, #tpu.memory_space<semaphore_mem>>)
          %dma_wait3A_124 = arith.constant 0 : i32
          %dma_wait3A_125 = tpu.memref_slice %arg4[%add3A_102, %dma_wait3A_124] : memref<606208x64xf32, #tpu.memory_space<hbm>> -> memref<128x64xf32, #tpu.memory_space<hbm>>
          %dma_wait3A_126 = arith.constant 0 : i32
          %dma_wait3A_127 = tpu.memref_slice %arg4[%add3A_102, %dma_wait3A_126] : memref<606208x64xf32, #tpu.memory_space<hbm>> -> memref<128x64xf32, #tpu.memory_space<hbm>>
          tpu.wait_dma2 semaphore(%run_scoped3A : memref<!tpu.dma_semaphore, #tpu.memory_space<semaphore_mem>>) src(%arg8 : memref<128x64xf32, #tpu.memory_space<vmem>>) dst(%dma_wait3A_127 : memref<128x64xf32, #tpu.memory_space<hbm>>)
          tpu.yield
        }) : () -> ()
        %mul3A_103 = arith.constant 4 : i32
        %mul3A_104 = arith.muli %scan3A_36, %mul3A_103 : i32
        %add3A_105 = arith.constant 3 : i32
        %add3A_106 = arith.addi %mul3A_104, %add3A_105 : i32
        %dma_wait3A_107 = arith.constant 0 : i32
        %dma_wait3A_108 = tpu.memref_slice %arg5[%add3A_106, %dma_wait3A_107] : memref<148x128xi32, #tpu.memory_space<vmem>> -> memref<1x128xi32, #tpu.memory_space<vmem>>
        %dma_wait3A_109 = tpu.memref_squeeze %dma_wait3A_108 : memref<1x128xi32, #tpu.memory_space<vmem>> -> memref<128xi32, #tpu.memory_space<vmem>>
        %dma_wait3A_110 = arith.constant 0 : i32
        %dma_wait3A_111 = arith.constant 0 : i32
        %dma_wait3A_112 = tpu.memref_slice %arg2[%dma_wait3A_110, %dma_wait3A_111] : memref<10000x64xf32, #tpu.memory_space<hbm>> -> memref<10000x64xf32, #tpu.memory_space<hbm>>
        tpu.wait_indirect_dma semaphore(%arg17 : memref<!tpu.dma_semaphore, #tpu.memory_space<semaphore_mem>>) src(%dma_wait3A_112 : memref<10000x64xf32, #tpu.memory_space<hbm>>) dst(%arg9 : memref<128x64xf32, #tpu.memory_space<vmem>>)
        %mul3A_113 = arith.constant 4 : i32
        %mul3A_114 = arith.muli %scan3A_36, %mul3A_113 : i32
        %add3A_115 = arith.constant 3 : i32
        %add3A_116 = arith.addi %mul3A_114, %add3A_115 : i32
        %mul3A_117 = arith.constant 128 : i32
        %mul3A_118 = arith.muli %add3A_116, %mul3A_117 : i32
        %add3A_119 = arith.addi %mul3A_2, %mul3A_118 : i32
        "tpu.region"() ({
          %run_scoped3A = tpu.sem_alloc : memref<!tpu.dma_semaphore, #tpu.memory_space<semaphore_mem>>
          %dma_start3A_120 = arith.constant 0 : i32
          %dma_start3A_121 = tpu.memref_slice %arg4[%add3A_119, %dma_start3A_120] : memref<606208x64xf32, #tpu.memory_space<hbm>> -> memref<128x64xf32, #tpu.memory_space<hbm>>
          %dma_start3A_122 = arith.constant 0 : i32
          %dma_start3A_123 = tpu.memref_slice %arg4[%add3A_119, %dma_start3A_122] : memref<606208x64xf32, #tpu.memory_space<hbm>> -> memref<128x64xf32, #tpu.memory_space<hbm>>
          tpu.enqueue_dma source(%arg9 : memref<128x64xf32, #tpu.memory_space<vmem>>) target(%dma_start3A_123 : memref<128x64xf32, #tpu.memory_space<hbm>>) target_semaphore(%run_scoped3A : memref<!tpu.dma_semaphore, #tpu.memory_space<semaphore_mem>>)
          %dma_wait3A_124 = arith.constant 0 : i32
          %dma_wait3A_125 = tpu.memref_slice %arg4[%add3A_119, %dma_wait3A_124] : memref<606208x64xf32, #tpu.memory_space<hbm>> -> memref<128x64xf32, #tpu.memory_space<hbm>>
          %dma_wait3A_126 = arith.constant 0 : i32
          %dma_wait3A_127 = tpu.memref_slice %arg4[%add3A_119, %dma_wait3A_126] : memref<606208x64xf32, #tpu.memory_space<hbm>> -> memref<128x64xf32, #tpu.memory_space<hbm>>
          tpu.wait_dma2 semaphore(%run_scoped3A : memref<!tpu.dma_semaphore, #tpu.memory_space<semaphore_mem>>) src(%arg9 : memref<128x64xf32, #tpu.memory_space<vmem>>) dst(%dma_wait3A_127 : memref<128x64xf32, #tpu.memory_space<hbm>>)
          tpu.yield
        }) : () -> ()
      } else {
      }
      %eq3A_47 = arith.constant 1 : i32
      %eq3A_48 = arith.cmpi eq, %rem3A_38, %eq3A_47 : i32
      %convert_element_type3A_49 = arith.extui %eq3A_48 : i1 to i32
      %cond3A_50 = arith.constant 0 : i32
      %cond3A_51 = arith.cmpi ne, %convert_element_type3A_49, %cond3A_50 : i32
      scf.if %cond3A_51 {
        %mul3A_53 = arith.constant 4 : i32
        %mul3A_54 = arith.muli %scan3A_36, %mul3A_53 : i32
        %add3A_55 = arith.constant 0 : i32
        %add3A_56 = arith.addi %mul3A_54, %add3A_55 : i32
        %dma_wait3A = arith.constant 0 : i32
        %dma_wait3A_57 = tpu.memref_slice %arg5[%add3A_56, %dma_wait3A] : memref<148x128xi32, #tpu.memory_space<vmem>> -> memref<1x128xi32, #tpu.memory_space<vmem>>
        %dma_wait3A_58 = tpu.memref_squeeze %dma_wait3A_57 : memref<1x128xi32, #tpu.memory_space<vmem>> -> memref<128xi32, #tpu.memory_space<vmem>>
        %dma_wait3A_59 = arith.constant 0 : i32
        %dma_wait3A_60 = arith.constant 0 : i32
        %dma_wait3A_61 = tpu.memref_slice %arg2[%dma_wait3A_59, %dma_wait3A_60] : memref<10000x64xf32, #tpu.memory_space<hbm>> -> memref<10000x64xf32, #tpu.memory_space<hbm>>
        tpu.wait_indirect_dma semaphore(%arg18 : memref<!tpu.dma_semaphore, #tpu.memory_space<semaphore_mem>>) src(%dma_wait3A_61 : memref<10000x64xf32, #tpu.memory_space<hbm>>) dst(%arg10 : memref<128x64xf32, #tpu.memory_space<vmem>>)
        %mul3A_62 = arith.constant 4 : i32
        %mul3A_63 = arith.muli %scan3A_36, %mul3A_62 : i32
        %add3A_64 = arith.constant 0 : i32
        %add3A_65 = arith.addi %mul3A_63, %add3A_64 : i32
        %mul3A_66 = arith.constant 128 : i32
        %mul3A_67 = arith.muli %add3A_65, %mul3A_66 : i32
        %add3A_68 = arith.addi %mul3A_2, %mul3A_67 : i32
        "tpu.region"() ({
          %run_scoped3A = tpu.sem_alloc : memref<!tpu.dma_semaphore, #tpu.memory_space<semaphore_mem>>
          %dma_start3A_120 = arith.constant 0 : i32
          %dma_start3A_121 = tpu.memref_slice %arg4[%add3A_68, %dma_start3A_120] : memref<606208x64xf32, #tpu.memory_space<hbm>> -> memref<128x64xf32, #tpu.memory_space<hbm>>
          %dma_start3A_122 = arith.constant 0 : i32
          %dma_start3A_123 = tpu.memref_slice %arg4[%add3A_68, %dma_start3A_122] : memref<606208x64xf32, #tpu.memory_space<hbm>> -> memref<128x64xf32, #tpu.memory_space<hbm>>
          tpu.enqueue_dma source(%arg10 : memref<128x64xf32, #tpu.memory_space<vmem>>) target(%dma_start3A_123 : memref<128x64xf32, #tpu.memory_space<hbm>>) target_semaphore(%run_scoped3A : memref<!tpu.dma_semaphore, #tpu.memory_space<semaphore_mem>>)
          %dma_wait3A_124 = arith.constant 0 : i32
          %dma_wait3A_125 = tpu.memref_slice %arg4[%add3A_68, %dma_wait3A_124] : memref<606208x64xf32, #tpu.memory_space<hbm>> -> memref<128x64xf32, #tpu.memory_space<hbm>>
          %dma_wait3A_126 = arith.constant 0 : i32
          %dma_wait3A_127 = tpu.memref_slice %arg4[%add3A_68, %dma_wait3A_126] : memref<606208x64xf32, #tpu.memory_space<hbm>> -> memref<128x64xf32, #tpu.memory_space<hbm>>
          tpu.wait_dma2 semaphore(%run_scoped3A : memref<!tpu.dma_semaphore, #tpu.memory_space<semaphore_mem>>) src(%arg10 : memref<128x64xf32, #tpu.memory_space<vmem>>) dst(%dma_wait3A_127 : memref<128x64xf32, #tpu.memory_space<hbm>>)
          tpu.yield
        }) : () -> ()
        %mul3A_69 = arith.constant 4 : i32
        %mul3A_70 = arith.muli %scan3A_36, %mul3A_69 : i32
        %add3A_71 = arith.constant 1 : i32
        %add3A_72 = arith.addi %mul3A_70, %add3A_71 : i32
        %dma_wait3A_73 = arith.constant 0 : i32
        %dma_wait3A_74 = tpu.memref_slice %arg5[%add3A_72, %dma_wait3A_73] : memref<148x128xi32, #tpu.memory_space<vmem>> -> memref<1x128xi32, #tpu.memory_space<vmem>>
        %dma_wait3A_75 = tpu.memref_squeeze %dma_wait3A_74 : memref<1x128xi32, #tpu.memory_space<vmem>> -> memref<128xi32, #tpu.memory_space<vmem>>
        %dma_wait3A_76 = arith.constant 0 : i32
        %dma_wait3A_77 = arith.constant 0 : i32
        %dma_wait3A_78 = tpu.memref_slice %arg2[%dma_wait3A_76, %dma_wait3A_77] : memref<10000x64xf32, #tpu.memory_space<hbm>> -> memref<10000x64xf32, #tpu.memory_space<hbm>>
        tpu.wait_indirect_dma semaphore(%arg19 : memref<!tpu.dma_semaphore, #tpu.memory_space<semaphore_mem>>) src(%dma_wait3A_78 : memref<10000x64xf32, #tpu.memory_space<hbm>>) dst(%arg11 : memref<128x64xf32, #tpu.memory_space<vmem>>)
        %mul3A_79 = arith.constant 4 : i32
        %mul3A_80 = arith.muli %scan3A_36, %mul3A_79 : i32
        %add3A_81 = arith.constant 1 : i32
        %add3A_82 = arith.addi %mul3A_80, %add3A_81 : i32
        %mul3A_83 = arith.constant 128 : i32
        %mul3A_84 = arith.muli %add3A_82, %mul3A_83 : i32
        %add3A_85 = arith.addi %mul3A_2, %mul3A_84 : i32
        "tpu.region"() ({
          %run_scoped3A = tpu.sem_alloc : memref<!tpu.dma_semaphore, #tpu.memory_space<semaphore_mem>>
          %dma_start3A_120 = arith.constant 0 : i32
          %dma_start3A_121 = tpu.memref_slice %arg4[%add3A_85, %dma_start3A_120] : memref<606208x64xf32, #tpu.memory_space<hbm>> -> memref<128x64xf32, #tpu.memory_space<hbm>>
          %dma_start3A_122 = arith.constant 0 : i32
          %dma_start3A_123 = tpu.memref_slice %arg4[%add3A_85, %dma_start3A_122] : memref<606208x64xf32, #tpu.memory_space<hbm>> -> memref<128x64xf32, #tpu.memory_space<hbm>>
          tpu.enqueue_dma source(%arg11 : memref<128x64xf32, #tpu.memory_space<vmem>>) target(%dma_start3A_123 : memref<128x64xf32, #tpu.memory_space<hbm>>) target_semaphore(%run_scoped3A : memref<!tpu.dma_semaphore, #tpu.memory_space<semaphore_mem>>)
          %dma_wait3A_124 = arith.constant 0 : i32
          %dma_wait3A_125 = tpu.memref_slice %arg4[%add3A_85, %dma_wait3A_124] : memref<606208x64xf32, #tpu.memory_space<hbm>> -> memref<128x64xf32, #tpu.memory_space<hbm>>
          %dma_wait3A_126 = arith.constant 0 : i32
          %dma_wait3A_127 = tpu.memref_slice %arg4[%add3A_85, %dma_wait3A_126] : memref<606208x64xf32, #tpu.memory_space<hbm>> -> memref<128x64xf32, #tpu.memory_space<hbm>>
          tpu.wait_dma2 semaphore(%run_scoped3A : memref<!tpu.dma_semaphore, #tpu.memory_space<semaphore_mem>>) src(%arg11 : memref<128x64xf32, #tpu.memory_space<vmem>>) dst(%dma_wait3A_127 : memref<128x64xf32, #tpu.memory_space<hbm>>)
          tpu.yield
        }) : () -> ()
        %mul3A_86 = arith.constant 4 : i32
        %mul3A_87 = arith.muli %scan3A_36, %mul3A_86 : i32
        %add3A_88 = arith.constant 2 : i32
        %add3A_89 = arith.addi %mul3A_87, %add3A_88 : i32
        %dma_wait3A_90 = arith.constant 0 : i32
        %dma_wait3A_91 = tpu.memref_slice %arg5[%add3A_89, %dma_wait3A_90] : memref<148x128xi32, #tpu.memory_space<vmem>> -> memref<1x128xi32, #tpu.memory_space<vmem>>
        %dma_wait3A_92 = tpu.memref_squeeze %dma_wait3A_91 : memref<1x128xi32, #tpu.memory_space<vmem>> -> memref<128xi32, #tpu.memory_space<vmem>>
        %dma_wait3A_93 = arith.constant 0 : i32
        %dma_wait3A_94 = arith.constant 0 : i32
        %dma_wait3A_95 = tpu.memref_slice %arg2[%dma_wait3A_93, %dma_wait3A_94] : memref<10000x64xf32, #tpu.memory_space<hbm>> -> memref<10000x64xf32, #tpu.memory_space<hbm>>
        tpu.wait_indirect_dma semaphore(%arg20 : memref<!tpu.dma_semaphore, #tpu.memory_space<semaphore_mem>>) src(%dma_wait3A_95 : memref<10000x64xf32, #tpu.memory_space<hbm>>) dst(%arg12 : memref<128x64xf32, #tpu.memory_space<vmem>>)
        %mul3A_96 = arith.constant 4 : i32
        %mul3A_97 = arith.muli %scan3A_36, %mul3A_96 : i32
        %add3A_98 = arith.constant 2 : i32
        %add3A_99 = arith.addi %mul3A_97, %add3A_98 : i32
        %mul3A_100 = arith.constant 128 : i32
        %mul3A_101 = arith.muli %add3A_99, %mul3A_100 : i32
        %add3A_102 = arith.addi %mul3A_2, %mul3A_101 : i32
        "tpu.region"() ({
          %run_scoped3A = tpu.sem_alloc : memref<!tpu.dma_semaphore, #tpu.memory_space<semaphore_mem>>
          %dma_start3A_120 = arith.constant 0 : i32
          %dma_start3A_121 = tpu.memref_slice %arg4[%add3A_102, %dma_start3A_120] : memref<606208x64xf32, #tpu.memory_space<hbm>> -> memref<128x64xf32, #tpu.memory_space<hbm>>
          %dma_start3A_122 = arith.constant 0 : i32
          %dma_start3A_123 = tpu.memref_slice %arg4[%add3A_102, %dma_start3A_122] : memref<606208x64xf32, #tpu.memory_space<hbm>> -> memref<128x64xf32, #tpu.memory_space<hbm>>
          tpu.enqueue_dma source(%arg12 : memref<128x64xf32, #tpu.memory_space<vmem>>) target(%dma_start3A_123 : memref<128x64xf32, #tpu.memory_space<hbm>>) target_semaphore(%run_scoped3A : memref<!tpu.dma_semaphore, #tpu.memory_space<semaphore_mem>>)
          %dma_wait3A_124 = arith.constant 0 : i32
          %dma_wait3A_125 = tpu.memref_slice %arg4[%add3A_102, %dma_wait3A_124] : memref<606208x64xf32, #tpu.memory_space<hbm>> -> memref<128x64xf32, #tpu.memory_space<hbm>>
          %dma_wait3A_126 = arith.constant 0 : i32
          %dma_wait3A_127 = tpu.memref_slice %arg4[%add3A_102, %dma_wait3A_126] : memref<606208x64xf32, #tpu.memory_space<hbm>> -> memref<128x64xf32, #tpu.memory_space<hbm>>
          tpu.wait_dma2 semaphore(%run_scoped3A : memref<!tpu.dma_semaphore, #tpu.memory_space<semaphore_mem>>) src(%arg12 : memref<128x64xf32, #tpu.memory_space<vmem>>) dst(%dma_wait3A_127 : memref<128x64xf32, #tpu.memory_space<hbm>>)
          tpu.yield
        }) : () -> ()
        %mul3A_103 = arith.constant 4 : i32
        %mul3A_104 = arith.muli %scan3A_36, %mul3A_103 : i32
        %add3A_105 = arith.constant 3 : i32
        %add3A_106 = arith.addi %mul3A_104, %add3A_105 : i32
        %dma_wait3A_107 = arith.constant 0 : i32
        %dma_wait3A_108 = tpu.memref_slice %arg5[%add3A_106, %dma_wait3A_107] : memref<148x128xi32, #tpu.memory_space<vmem>> -> memref<1x128xi32, #tpu.memory_space<vmem>>
        %dma_wait3A_109 = tpu.memref_squeeze %dma_wait3A_108 : memref<1x128xi32, #tpu.memory_space<vmem>> -> memref<128xi32, #tpu.memory_space<vmem>>
        %dma_wait3A_110 = arith.constant 0 : i32
        %dma_wait3A_111 = arith.constant 0 : i32
        %dma_wait3A_112 = tpu.memref_slice %arg2[%dma_wait3A_110, %dma_wait3A_111] : memref<10000x64xf32, #tpu.memory_space<hbm>> -> memref<10000x64xf32, #tpu.memory_space<hbm>>
        tpu.wait_indirect_dma semaphore(%arg21 : memref<!tpu.dma_semaphore, #tpu.memory_space<semaphore_mem>>) src(%dma_wait3A_112 : memref<10000x64xf32, #tpu.memory_space<hbm>>) dst(%arg13 : memref<128x64xf32, #tpu.memory_space<vmem>>)
        %mul3A_113 = arith.constant 4 : i32
        %mul3A_114 = arith.muli %scan3A_36, %mul3A_113 : i32
        %add3A_115 = arith.constant 3 : i32
        %add3A_116 = arith.addi %mul3A_114, %add3A_115 : i32
        %mul3A_117 = arith.constant 128 : i32
        %mul3A_118 = arith.muli %add3A_116, %mul3A_117 : i32
        %add3A_119 = arith.addi %mul3A_2, %mul3A_118 : i32
        "tpu.region"() ({
          %run_scoped3A = tpu.sem_alloc : memref<!tpu.dma_semaphore, #tpu.memory_space<semaphore_mem>>
          %dma_start3A_120 = arith.constant 0 : i32
          %dma_start3A_121 = tpu.memref_slice %arg4[%add3A_119, %dma_start3A_120] : memref<606208x64xf32, #tpu.memory_space<hbm>> -> memref<128x64xf32, #tpu.memory_space<hbm>>
          %dma_start3A_122 = arith.constant 0 : i32
          %dma_start3A_123 = tpu.memref_slice %arg4[%add3A_119, %dma_start3A_122] : memref<606208x64xf32, #tpu.memory_space<hbm>> -> memref<128x64xf32, #tpu.memory_space<hbm>>
          tpu.enqueue_dma source(%arg13 : memref<128x64xf32, #tpu.memory_space<vmem>>) target(%dma_start3A_123 : memref<128x64xf32, #tpu.memory_space<hbm>>) target_semaphore(%run_scoped3A : memref<!tpu.dma_semaphore, #tpu.memory_space<semaphore_mem>>)
          %dma_wait3A_124 = arith.constant 0 : i32
          %dma_wait3A_125 = tpu.memref_slice %arg4[%add3A_119, %dma_wait3A_124] : memref<606208x64xf32, #tpu.memory_space<hbm>> -> memref<128x64xf32, #tpu.memory_space<hbm>>
          %dma_wait3A_126 = arith.constant 0 : i32
          %dma_wait3A_127 = tpu.memref_slice %arg4[%add3A_119, %dma_wait3A_126] : memref<606208x64xf32, #tpu.memory_space<hbm>> -> memref<128x64xf32, #tpu.memory_space<hbm>>
          tpu.wait_dma2 semaphore(%run_scoped3A : memref<!tpu.dma_semaphore, #tpu.memory_space<semaphore_mem>>) src(%arg13 : memref<128x64xf32, #tpu.memory_space<vmem>>) dst(%dma_wait3A_127 : memref<128x64xf32, #tpu.memory_space<hbm>>)
          tpu.yield
        }) : () -> ()
      } else {
      }
      %scan3A_52 = arith.constant 0 : i32
      scf.yield %scan3A_52 : i32
    }
    %scan3A_35 = arith.constant 37 : i32
    return
  }
}

#map = affine_map<(d0, d1) -> (0, 0)>
#map1 = affine_map<(d0, d1) -> (0, 0, 0)>
module attributes {stable_mosaic.version = 14 : i64} {
  func.func @k(%arg0: i32, %arg1: i32, %arg2: memref<10000x64xf32, #tpu.memory_space<hbm>>, %arg3: memref<32x80x128xi32, #tpu.memory_space<hbm>>, %arg4: memref<327680x64xf32, #tpu.memory_space<hbm>>, %arg5: memref<80x128xi32, #tpu.memory_space<vmem>>, %arg6: memref<128x64xf32, #tpu.memory_space<vmem>>, %arg7: memref<128x64xf32, #tpu.memory_space<vmem>>, %arg8: memref<128x64xf32, #tpu.memory_space<vmem>>, %arg9: memref<128x64xf32, #tpu.memory_space<vmem>>, %arg10: memref<128x64xf32, #tpu.memory_space<vmem>>, %arg11: memref<128x64xf32, #tpu.memory_space<vmem>>, %arg12: memref<128x64xf32, #tpu.memory_space<vmem>>, %arg13: memref<128x64xf32, #tpu.memory_space<vmem>>, %arg14: memref<!tpu.dma_semaphore, #tpu.memory_space<semaphore_mem>>, %arg15: memref<!tpu.dma_semaphore, #tpu.memory_space<semaphore_mem>>, %arg16: memref<!tpu.dma_semaphore, #tpu.memory_space<semaphore_mem>>, %arg17: memref<!tpu.dma_semaphore, #tpu.memory_space<semaphore_mem>>, %arg18: memref<!tpu.dma_semaphore, #tpu.memory_space<semaphore_mem>>, %arg19: memref<!tpu.dma_semaphore, #tpu.memory_space<semaphore_mem>>, %arg20: memref<!tpu.dma_semaphore, #tpu.memory_space<semaphore_mem>>, %arg21: memref<!tpu.dma_semaphore, #tpu.memory_space<semaphore_mem>>) attributes {dimension_semantics = [#tpu.dimension_semantics<core_parallel>, #tpu.dimension_semantics<subcore_parallel>], iteration_bounds = array<i64: 2, 16>, scalar_prefetch = 0 : i64, scratch_operands = 17 : i64, tpu.core_type = #tpu.core_type<sc_vector_subcore>, window_params = [{transform_indices = #map}, {transform_indices = #map1}, {transform_indices = #map}]} {
    %mul3A = arith.constant 2 : i32
    %mul3A_0 = arith.muli %arg1, %mul3A : i32
    %add3A = arith.addi %mul3A_0, %arg0 : i32
    "tpu.region"() ({
      %run_scoped3A = tpu.sem_alloc : memref<!tpu.dma_semaphore, #tpu.memory_space<semaphore_mem>>
      %dma_start3A_36 = arith.constant 0 : i32
      %dma_start3A_37 = arith.constant 0 : i32
      %dma_start3A_38 = tpu.memref_slice %arg3[%add3A, %dma_start3A_36, %dma_start3A_37] : memref<32x80x128xi32, #tpu.memory_space<hbm>> -> memref<1x80x128xi32, #tpu.memory_space<hbm>>
      %dma_start3A_39 = tpu.memref_squeeze %dma_start3A_38 : memref<1x80x128xi32, #tpu.memory_space<hbm>> -> memref<80x128xi32, #tpu.memory_space<hbm>>
      %dma_start3A_40 = arith.constant 0 : i32
      %dma_start3A_41 = arith.constant 0 : i32
      %dma_start3A_42 = tpu.memref_slice %arg3[%add3A, %dma_start3A_40, %dma_start3A_41] : memref<32x80x128xi32, #tpu.memory_space<hbm>> -> memref<1x80x128xi32, #tpu.memory_space<hbm>>
      %dma_start3A_43 = tpu.memref_squeeze %dma_start3A_42 : memref<1x80x128xi32, #tpu.memory_space<hbm>> -> memref<80x128xi32, #tpu.memory_space<hbm>>
      tpu.enqueue_dma source(%dma_start3A_43 : memref<80x128xi32, #tpu.memory_space<hbm>>) target(%arg5 : memref<80x128xi32, #tpu.memory_space<vmem>>) target_semaphore(%run_scoped3A : memref<!tpu.dma_semaphore, #tpu.memory_space<semaphore_mem>>)
      %dma_wait3A = arith.constant 0 : i32
      %dma_wait3A_44 = arith.constant 0 : i32
      %dma_wait3A_45 = tpu.memref_slice %arg3[%add3A, %dma_wait3A, %dma_wait3A_44] : memref<32x80x128xi32, #tpu.memory_space<hbm>> -> memref<1x80x128xi32, #tpu.memory_space<hbm>>
      %dma_wait3A_46 = tpu.memref_squeeze %dma_wait3A_45 : memref<1x80x128xi32, #tpu.memory_space<hbm>> -> memref<80x128xi32, #tpu.memory_space<hbm>>
      %dma_wait3A_47 = arith.constant 0 : i32
      %dma_wait3A_48 = arith.constant 0 : i32
      %dma_wait3A_49 = tpu.memref_slice %arg3[%add3A, %dma_wait3A_47, %dma_wait3A_48] : memref<32x80x128xi32, #tpu.memory_space<hbm>> -> memref<1x80x128xi32, #tpu.memory_space<hbm>>
      %dma_wait3A_50 = tpu.memref_squeeze %dma_wait3A_49 : memref<1x80x128xi32, #tpu.memory_space<hbm>> -> memref<80x128xi32, #tpu.memory_space<hbm>>
      tpu.wait_dma2 semaphore(%run_scoped3A : memref<!tpu.dma_semaphore, #tpu.memory_space<semaphore_mem>>) src(%dma_wait3A_50 : memref<80x128xi32, #tpu.memory_space<hbm>>) dst(%arg5 : memref<80x128xi32, #tpu.memory_space<vmem>>)
      tpu.yield
    }) : () -> ()
    %mul3A_1 = arith.constant 10240 : i32
    %mul3A_2 = arith.muli %add3A, %mul3A_1 : i32
    %dma_start3A = arith.constant 0 : i32
    %dma_start3A_3 = arith.constant 0 : i32
    %dma_start3A_4 = tpu.memref_slice %arg5[%dma_start3A, %dma_start3A_3] : memref<80x128xi32, #tpu.memory_space<vmem>> -> memref<1x128xi32, #tpu.memory_space<vmem>>
    %dma_start3A_5 = tpu.memref_squeeze %dma_start3A_4 : memref<1x128xi32, #tpu.memory_space<vmem>> -> memref<128xi32, #tpu.memory_space<vmem>>
    %dma_start3A_6 = arith.constant 0 : i32
    %dma_start3A_7 = arith.constant 0 : i32
    %dma_start3A_8 = tpu.memref_slice %arg2[%dma_start3A_6, %dma_start3A_7] : memref<10000x64xf32, #tpu.memory_space<hbm>> -> memref<10000x64xf32, #tpu.memory_space<hbm>>
    tpu.enqueue_indirect_dma source(%dma_start3A_8 : memref<10000x64xf32, #tpu.memory_space<hbm>>) target(%arg6 : memref<128x64xf32, #tpu.memory_space<vmem>>) offsets(%dma_start3A_5 : memref<128xi32, #tpu.memory_space<vmem>>) semaphore(%arg14 : memref<!tpu.dma_semaphore, #tpu.memory_space<semaphore_mem>>)
    %dma_start3A_9 = arith.constant 1 : i32
    %dma_start3A_10 = arith.constant 0 : i32
    %dma_start3A_11 = tpu.memref_slice %arg5[%dma_start3A_9, %dma_start3A_10] : memref<80x128xi32, #tpu.memory_space<vmem>> -> memref<1x128xi32, #tpu.memory_space<vmem>>
    %dma_start3A_12 = tpu.memref_squeeze %dma_start3A_11 : memref<1x128xi32, #tpu.memory_space<vmem>> -> memref<128xi32, #tpu.memory_space<vmem>>
    %dma_start3A_13 = arith.constant 0 : i32
    %dma_start3A_14 = arith.constant 0 : i32
    %dma_start3A_15 = tpu.memref_slice %arg2[%dma_start3A_13, %dma_start3A_14] : memref<10000x64xf32, #tpu.memory_space<hbm>> -> memref<10000x64xf32, #tpu.memory_space<hbm>>
    tpu.enqueue_indirect_dma source(%dma_start3A_15 : memref<10000x64xf32, #tpu.memory_space<hbm>>) target(%arg7 : memref<128x64xf32, #tpu.memory_space<vmem>>) offsets(%dma_start3A_12 : memref<128xi32, #tpu.memory_space<vmem>>) semaphore(%arg15 : memref<!tpu.dma_semaphore, #tpu.memory_space<semaphore_mem>>)
    %dma_start3A_16 = arith.constant 2 : i32
    %dma_start3A_17 = arith.constant 0 : i32
    %dma_start3A_18 = tpu.memref_slice %arg5[%dma_start3A_16, %dma_start3A_17] : memref<80x128xi32, #tpu.memory_space<vmem>> -> memref<1x128xi32, #tpu.memory_space<vmem>>
    %dma_start3A_19 = tpu.memref_squeeze %dma_start3A_18 : memref<1x128xi32, #tpu.memory_space<vmem>> -> memref<128xi32, #tpu.memory_space<vmem>>
    %dma_start3A_20 = arith.constant 0 : i32
    %dma_start3A_21 = arith.constant 0 : i32
    %dma_start3A_22 = tpu.memref_slice %arg2[%dma_start3A_20, %dma_start3A_21] : memref<10000x64xf32, #tpu.memory_space<hbm>> -> memref<10000x64xf32, #tpu.memory_space<hbm>>
    tpu.enqueue_indirect_dma source(%dma_start3A_22 : memref<10000x64xf32, #tpu.memory_space<hbm>>) target(%arg8 : memref<128x64xf32, #tpu.memory_space<vmem>>) offsets(%dma_start3A_19 : memref<128xi32, #tpu.memory_space<vmem>>) semaphore(%arg16 : memref<!tpu.dma_semaphore, #tpu.memory_space<semaphore_mem>>)
    %dma_start3A_23 = arith.constant 3 : i32
    %dma_start3A_24 = arith.constant 0 : i32
    %dma_start3A_25 = tpu.memref_slice %arg5[%dma_start3A_23, %dma_start3A_24] : memref<80x128xi32, #tpu.memory_space<vmem>> -> memref<1x128xi32, #tpu.memory_space<vmem>>
    %dma_start3A_26 = tpu.memref_squeeze %dma_start3A_25 : memref<1x128xi32, #tpu.memory_space<vmem>> -> memref<128xi32, #tpu.memory_space<vmem>>
    %dma_start3A_27 = arith.constant 0 : i32
    %dma_start3A_28 = arith.constant 0 : i32
    %dma_start3A_29 = tpu.memref_slice %arg2[%dma_start3A_27, %dma_start3A_28] : memref<10000x64xf32, #tpu.memory_space<hbm>> -> memref<10000x64xf32, #tpu.memory_space<hbm>>
    tpu.enqueue_indirect_dma source(%dma_start3A_29 : memref<10000x64xf32, #tpu.memory_space<hbm>>) target(%arg9 : memref<128x64xf32, #tpu.memory_space<vmem>>) offsets(%dma_start3A_26 : memref<128xi32, #tpu.memory_space<vmem>>) semaphore(%arg17 : memref<!tpu.dma_semaphore, #tpu.memory_space<semaphore_mem>>)
    %scan3A = arith.constant 0 : i32
    %scan3A_30 = arith.constant 0 : i32
    %scan3A_31 = arith.constant 20 : i32
    %scan3A_32 = arith.addi %scan3A_30, %scan3A_31 : i32
    %scan3A_33 = arith.constant 1 : i32
    %scan3A_34 = scf.for %scan3A_36 = %scan3A_30 to %scan3A_32 step %scan3A_33 iter_args(%scan3A_37 = %scan3A) -> (i32)  : i32 {
      %rem3A = arith.constant 2 : i32
      %rem3A_38 = arith.remsi %scan3A_36, %rem3A : i32
      %add3A_39 = arith.constant 1 : i32
      %add3A_40 = arith.addi %scan3A_36, %add3A_39 : i32
      %lt3A = arith.constant 20 : i32
      %lt3A_41 = arith.cmpi slt, %add3A_40, %lt3A : i32
      %convert_element_type3A = arith.extui %lt3A_41 : i1 to i32
      %cond3A = arith.constant 0 : i32
      %cond3A_42 = arith.cmpi ne, %convert_element_type3A, %cond3A : i32
      scf.if %cond3A_42 {
        %eq3A_53 = arith.constant 0 : i32
        %eq3A_54 = arith.cmpi eq, %rem3A_38, %eq3A_53 : i32
        %convert_element_type3A_55 = arith.extui %eq3A_54 : i1 to i32
        %cond3A_56 = arith.constant 0 : i32
        %cond3A_57 = arith.cmpi ne, %convert_element_type3A_55, %cond3A_56 : i32
        scf.if %cond3A_57 {
          %add3A_63 = arith.constant 1 : i32
          %add3A_64 = arith.addi %scan3A_36, %add3A_63 : i32
          %mul3A_65 = arith.constant 4 : i32
          %mul3A_66 = arith.muli %add3A_64, %mul3A_65 : i32
          %add3A_67 = arith.constant 0 : i32
          %add3A_68 = arith.addi %mul3A_66, %add3A_67 : i32
          %dma_start3A_69 = arith.constant 0 : i32
          %dma_start3A_70 = tpu.memref_slice %arg5[%add3A_68, %dma_start3A_69] : memref<80x128xi32, #tpu.memory_space<vmem>> -> memref<1x128xi32, #tpu.memory_space<vmem>>
          %dma_start3A_71 = tpu.memref_squeeze %dma_start3A_70 : memref<1x128xi32, #tpu.memory_space<vmem>> -> memref<128xi32, #tpu.memory_space<vmem>>
          %dma_start3A_72 = arith.constant 0 : i32
          %dma_start3A_73 = arith.constant 0 : i32
          %dma_start3A_74 = tpu.memref_slice %arg2[%dma_start3A_72, %dma_start3A_73] : memref<10000x64xf32, #tpu.memory_space<hbm>> -> memref<10000x64xf32, #tpu.memory_space<hbm>>
          tpu.enqueue_indirect_dma source(%dma_start3A_74 : memref<10000x64xf32, #tpu.memory_space<hbm>>) target(%arg10 : memref<128x64xf32, #tpu.memory_space<vmem>>) offsets(%dma_start3A_71 : memref<128xi32, #tpu.memory_space<vmem>>) semaphore(%arg18 : memref<!tpu.dma_semaphore, #tpu.memory_space<semaphore_mem>>)
          %mul3A_75 = arith.constant 4 : i32
          %mul3A_76 = arith.muli %add3A_64, %mul3A_75 : i32
          %add3A_77 = arith.constant 1 : i32
          %add3A_78 = arith.addi %mul3A_76, %add3A_77 : i32
          %dma_start3A_79 = arith.constant 0 : i32
          %dma_start3A_80 = tpu.memref_slice %arg5[%add3A_78, %dma_start3A_79] : memref<80x128xi32, #tpu.memory_space<vmem>> -> memref<1x128xi32, #tpu.memory_space<vmem>>
          %dma_start3A_81 = tpu.memref_squeeze %dma_start3A_80 : memref<1x128xi32, #tpu.memory_space<vmem>> -> memref<128xi32, #tpu.memory_space<vmem>>
          %dma_start3A_82 = arith.constant 0 : i32
          %dma_start3A_83 = arith.constant 0 : i32
          %dma_start3A_84 = tpu.memref_slice %arg2[%dma_start3A_82, %dma_start3A_83] : memref<10000x64xf32, #tpu.memory_space<hbm>> -> memref<10000x64xf32, #tpu.memory_space<hbm>>
          tpu.enqueue_indirect_dma source(%dma_start3A_84 : memref<10000x64xf32, #tpu.memory_space<hbm>>) target(%arg11 : memref<128x64xf32, #tpu.memory_space<vmem>>) offsets(%dma_start3A_81 : memref<128xi32, #tpu.memory_space<vmem>>) semaphore(%arg19 : memref<!tpu.dma_semaphore, #tpu.memory_space<semaphore_mem>>)
          %mul3A_85 = arith.constant 4 : i32
          %mul3A_86 = arith.muli %add3A_64, %mul3A_85 : i32
          %add3A_87 = arith.constant 2 : i32
          %add3A_88 = arith.addi %mul3A_86, %add3A_87 : i32
          %dma_start3A_89 = arith.constant 0 : i32
          %dma_start3A_90 = tpu.memref_slice %arg5[%add3A_88, %dma_start3A_89] : memref<80x128xi32, #tpu.memory_space<vmem>> -> memref<1x128xi32, #tpu.memory_space<vmem>>
          %dma_start3A_91 = tpu.memref_squeeze %dma_start3A_90 : memref<1x128xi32, #tpu.memory_space<vmem>> -> memref<128xi32, #tpu.memory_space<vmem>>
          %dma_start3A_92 = arith.constant 0 : i32
          %dma_start3A_93 = arith.constant 0 : i32
          %dma_start3A_94 = tpu.memref_slice %arg2[%dma_start3A_92, %dma_start3A_93] : memref<10000x64xf32, #tpu.memory_space<hbm>> -> memref<10000x64xf32, #tpu.memory_space<hbm>>
          tpu.enqueue_indirect_dma source(%dma_start3A_94 : memref<10000x64xf32, #tpu.memory_space<hbm>>) target(%arg12 : memref<128x64xf32, #tpu.memory_space<vmem>>) offsets(%dma_start3A_91 : memref<128xi32, #tpu.memory_space<vmem>>) semaphore(%arg20 : memref<!tpu.dma_semaphore, #tpu.memory_space<semaphore_mem>>)
          %mul3A_95 = arith.constant 4 : i32
          %mul3A_96 = arith.muli %add3A_64, %mul3A_95 : i32
          %add3A_97 = arith.constant 3 : i32
          %add3A_98 = arith.addi %mul3A_96, %add3A_97 : i32
          %dma_start3A_99 = arith.constant 0 : i32
          %dma_start3A_100 = tpu.memref_slice %arg5[%add3A_98, %dma_start3A_99] : memref<80x128xi32, #tpu.memory_space<vmem>> -> memref<1x128xi32, #tpu.memory_space<vmem>>
          %dma_start3A_101 = tpu.memref_squeeze %dma_start3A_100 : memref<1x128xi32, #tpu.memory_space<vmem>> -> memref<128xi32, #tpu.memory_space<vmem>>
          %dma_start3A_102 = arith.constant 0 : i32
          %dma_start3A_103 = arith.constant 0 : i32
          %dma_start3A_104 = tpu.memref_slice %arg2[%dma_start3A_102, %dma_start3A_103] : memref<10000x64xf32, #tpu.memory_space<hbm>> -> memref<10000x64xf32, #tpu.memory_space<hbm>>
          tpu.enqueue_indirect_dma source(%dma_start3A_104 : memref<10000x64xf32, #tpu.memory_space<hbm>>) target(%arg13 : memref<128x64xf32, #tpu.memory_space<vmem>>) offsets(%dma_start3A_101 : memref<128xi32, #tpu.memory_space<vmem>>) semaphore(%arg21 : memref<!tpu.dma_semaphore, #tpu.memory_space<semaphore_mem>>)
        } else {
        }
        %eq3A_58 = arith.constant 1 : i32
        %eq3A_59 = arith.cmpi eq, %rem3A_38, %eq3A_58 : i32
        %convert_element_type3A_60 = arith.extui %eq3A_59 : i1 to i32
        %cond3A_61 = arith.constant 0 : i32
        %cond3A_62 = arith.cmpi ne, %convert_element_type3A_60, %cond3A_61 : i32
        scf.if %cond3A_62 {
          %add3A_63 = arith.constant 1 : i32
          %add3A_64 = arith.addi %scan3A_36, %add3A_63 : i32
          %mul3A_65 = arith.constant 4 : i32
          %mul3A_66 = arith.muli %add3A_64, %mul3A_65 : i32
          %add3A_67 = arith.constant 0 : i32
          %add3A_68 = arith.addi %mul3A_66, %add3A_67 : i32
          %dma_start3A_69 = arith.constant 0 : i32
          %dma_start3A_70 = tpu.memref_slice %arg5[%add3A_68, %dma_start3A_69] : memref<80x128xi32, #tpu.memory_space<vmem>> -> memref<1x128xi32, #tpu.memory_space<vmem>>
          %dma_start3A_71 = tpu.memref_squeeze %dma_start3A_70 : memref<1x128xi32, #tpu.memory_space<vmem>> -> memref<128xi32, #tpu.memory_space<vmem>>
          %dma_start3A_72 = arith.constant 0 : i32
          %dma_start3A_73 = arith.constant 0 : i32
          %dma_start3A_74 = tpu.memref_slice %arg2[%dma_start3A_72, %dma_start3A_73] : memref<10000x64xf32, #tpu.memory_space<hbm>> -> memref<10000x64xf32, #tpu.memory_space<hbm>>
          tpu.enqueue_indirect_dma source(%dma_start3A_74 : memref<10000x64xf32, #tpu.memory_space<hbm>>) target(%arg6 : memref<128x64xf32, #tpu.memory_space<vmem>>) offsets(%dma_start3A_71 : memref<128xi32, #tpu.memory_space<vmem>>) semaphore(%arg14 : memref<!tpu.dma_semaphore, #tpu.memory_space<semaphore_mem>>)
          %mul3A_75 = arith.constant 4 : i32
          %mul3A_76 = arith.muli %add3A_64, %mul3A_75 : i32
          %add3A_77 = arith.constant 1 : i32
          %add3A_78 = arith.addi %mul3A_76, %add3A_77 : i32
          %dma_start3A_79 = arith.constant 0 : i32
          %dma_start3A_80 = tpu.memref_slice %arg5[%add3A_78, %dma_start3A_79] : memref<80x128xi32, #tpu.memory_space<vmem>> -> memref<1x128xi32, #tpu.memory_space<vmem>>
          %dma_start3A_81 = tpu.memref_squeeze %dma_start3A_80 : memref<1x128xi32, #tpu.memory_space<vmem>> -> memref<128xi32, #tpu.memory_space<vmem>>
          %dma_start3A_82 = arith.constant 0 : i32
          %dma_start3A_83 = arith.constant 0 : i32
          %dma_start3A_84 = tpu.memref_slice %arg2[%dma_start3A_82, %dma_start3A_83] : memref<10000x64xf32, #tpu.memory_space<hbm>> -> memref<10000x64xf32, #tpu.memory_space<hbm>>
          tpu.enqueue_indirect_dma source(%dma_start3A_84 : memref<10000x64xf32, #tpu.memory_space<hbm>>) target(%arg7 : memref<128x64xf32, #tpu.memory_space<vmem>>) offsets(%dma_start3A_81 : memref<128xi32, #tpu.memory_space<vmem>>) semaphore(%arg15 : memref<!tpu.dma_semaphore, #tpu.memory_space<semaphore_mem>>)
          %mul3A_85 = arith.constant 4 : i32
          %mul3A_86 = arith.muli %add3A_64, %mul3A_85 : i32
          %add3A_87 = arith.constant 2 : i32
          %add3A_88 = arith.addi %mul3A_86, %add3A_87 : i32
          %dma_start3A_89 = arith.constant 0 : i32
          %dma_start3A_90 = tpu.memref_slice %arg5[%add3A_88, %dma_start3A_89] : memref<80x128xi32, #tpu.memory_space<vmem>> -> memref<1x128xi32, #tpu.memory_space<vmem>>
          %dma_start3A_91 = tpu.memref_squeeze %dma_start3A_90 : memref<1x128xi32, #tpu.memory_space<vmem>> -> memref<128xi32, #tpu.memory_space<vmem>>
          %dma_start3A_92 = arith.constant 0 : i32
          %dma_start3A_93 = arith.constant 0 : i32
          %dma_start3A_94 = tpu.memref_slice %arg2[%dma_start3A_92, %dma_start3A_93] : memref<10000x64xf32, #tpu.memory_space<hbm>> -> memref<10000x64xf32, #tpu.memory_space<hbm>>
          tpu.enqueue_indirect_dma source(%dma_start3A_94 : memref<10000x64xf32, #tpu.memory_space<hbm>>) target(%arg8 : memref<128x64xf32, #tpu.memory_space<vmem>>) offsets(%dma_start3A_91 : memref<128xi32, #tpu.memory_space<vmem>>) semaphore(%arg16 : memref<!tpu.dma_semaphore, #tpu.memory_space<semaphore_mem>>)
          %mul3A_95 = arith.constant 4 : i32
          %mul3A_96 = arith.muli %add3A_64, %mul3A_95 : i32
          %add3A_97 = arith.constant 3 : i32
          %add3A_98 = arith.addi %mul3A_96, %add3A_97 : i32
          %dma_start3A_99 = arith.constant 0 : i32
          %dma_start3A_100 = tpu.memref_slice %arg5[%add3A_98, %dma_start3A_99] : memref<80x128xi32, #tpu.memory_space<vmem>> -> memref<1x128xi32, #tpu.memory_space<vmem>>
          %dma_start3A_101 = tpu.memref_squeeze %dma_start3A_100 : memref<1x128xi32, #tpu.memory_space<vmem>> -> memref<128xi32, #tpu.memory_space<vmem>>
          %dma_start3A_102 = arith.constant 0 : i32
          %dma_start3A_103 = arith.constant 0 : i32
          %dma_start3A_104 = tpu.memref_slice %arg2[%dma_start3A_102, %dma_start3A_103] : memref<10000x64xf32, #tpu.memory_space<hbm>> -> memref<10000x64xf32, #tpu.memory_space<hbm>>
          tpu.enqueue_indirect_dma source(%dma_start3A_104 : memref<10000x64xf32, #tpu.memory_space<hbm>>) target(%arg9 : memref<128x64xf32, #tpu.memory_space<vmem>>) offsets(%dma_start3A_101 : memref<128xi32, #tpu.memory_space<vmem>>) semaphore(%arg17 : memref<!tpu.dma_semaphore, #tpu.memory_space<semaphore_mem>>)
        } else {
        }
      } else {
      }
      %eq3A = arith.constant 0 : i32
      %eq3A_43 = arith.cmpi eq, %rem3A_38, %eq3A : i32
      %convert_element_type3A_44 = arith.extui %eq3A_43 : i1 to i32
      %cond3A_45 = arith.constant 0 : i32
      %cond3A_46 = arith.cmpi ne, %convert_element_type3A_44, %cond3A_45 : i32
      scf.if %cond3A_46 {
        %mul3A_53 = arith.constant 4 : i32
        %mul3A_54 = arith.muli %scan3A_36, %mul3A_53 : i32
        %add3A_55 = arith.constant 0 : i32
        %add3A_56 = arith.addi %mul3A_54, %add3A_55 : i32
        %dma_wait3A = arith.constant 0 : i32
        %dma_wait3A_57 = tpu.memref_slice %arg5[%add3A_56, %dma_wait3A] : memref<80x128xi32, #tpu.memory_space<vmem>> -> memref<1x128xi32, #tpu.memory_space<vmem>>
        %dma_wait3A_58 = tpu.memref_squeeze %dma_wait3A_57 : memref<1x128xi32, #tpu.memory_space<vmem>> -> memref<128xi32, #tpu.memory_space<vmem>>
        %dma_wait3A_59 = arith.constant 0 : i32
        %dma_wait3A_60 = arith.constant 0 : i32
        %dma_wait3A_61 = tpu.memref_slice %arg2[%dma_wait3A_59, %dma_wait3A_60] : memref<10000x64xf32, #tpu.memory_space<hbm>> -> memref<10000x64xf32, #tpu.memory_space<hbm>>
        tpu.wait_indirect_dma semaphore(%arg14 : memref<!tpu.dma_semaphore, #tpu.memory_space<semaphore_mem>>) src(%dma_wait3A_61 : memref<10000x64xf32, #tpu.memory_space<hbm>>) dst(%arg6 : memref<128x64xf32, #tpu.memory_space<vmem>>)
        %mul3A_62 = arith.constant 4 : i32
        %mul3A_63 = arith.muli %scan3A_36, %mul3A_62 : i32
        %add3A_64 = arith.constant 0 : i32
        %add3A_65 = arith.addi %mul3A_63, %add3A_64 : i32
        %mul3A_66 = arith.constant 128 : i32
        %mul3A_67 = arith.muli %add3A_65, %mul3A_66 : i32
        %add3A_68 = arith.addi %mul3A_2, %mul3A_67 : i32
        "tpu.region"() ({
          %run_scoped3A = tpu.sem_alloc : memref<!tpu.dma_semaphore, #tpu.memory_space<semaphore_mem>>
          %dma_start3A_120 = arith.constant 0 : i32
          %dma_start3A_121 = tpu.memref_slice %arg4[%add3A_68, %dma_start3A_120] : memref<327680x64xf32, #tpu.memory_space<hbm>> -> memref<128x64xf32, #tpu.memory_space<hbm>>
          %dma_start3A_122 = arith.constant 0 : i32
          %dma_start3A_123 = tpu.memref_slice %arg4[%add3A_68, %dma_start3A_122] : memref<327680x64xf32, #tpu.memory_space<hbm>> -> memref<128x64xf32, #tpu.memory_space<hbm>>
          tpu.enqueue_dma source(%arg6 : memref<128x64xf32, #tpu.memory_space<vmem>>) target(%dma_start3A_123 : memref<128x64xf32, #tpu.memory_space<hbm>>) target_semaphore(%run_scoped3A : memref<!tpu.dma_semaphore, #tpu.memory_space<semaphore_mem>>)
          %dma_wait3A_124 = arith.constant 0 : i32
          %dma_wait3A_125 = tpu.memref_slice %arg4[%add3A_68, %dma_wait3A_124] : memref<327680x64xf32, #tpu.memory_space<hbm>> -> memref<128x64xf32, #tpu.memory_space<hbm>>
          %dma_wait3A_126 = arith.constant 0 : i32
          %dma_wait3A_127 = tpu.memref_slice %arg4[%add3A_68, %dma_wait3A_126] : memref<327680x64xf32, #tpu.memory_space<hbm>> -> memref<128x64xf32, #tpu.memory_space<hbm>>
          tpu.wait_dma2 semaphore(%run_scoped3A : memref<!tpu.dma_semaphore, #tpu.memory_space<semaphore_mem>>) src(%arg6 : memref<128x64xf32, #tpu.memory_space<vmem>>) dst(%dma_wait3A_127 : memref<128x64xf32, #tpu.memory_space<hbm>>)
          tpu.yield
        }) : () -> ()
        %mul3A_69 = arith.constant 4 : i32
        %mul3A_70 = arith.muli %scan3A_36, %mul3A_69 : i32
        %add3A_71 = arith.constant 1 : i32
        %add3A_72 = arith.addi %mul3A_70, %add3A_71 : i32
        %dma_wait3A_73 = arith.constant 0 : i32
        %dma_wait3A_74 = tpu.memref_slice %arg5[%add3A_72, %dma_wait3A_73] : memref<80x128xi32, #tpu.memory_space<vmem>> -> memref<1x128xi32, #tpu.memory_space<vmem>>
        %dma_wait3A_75 = tpu.memref_squeeze %dma_wait3A_74 : memref<1x128xi32, #tpu.memory_space<vmem>> -> memref<128xi32, #tpu.memory_space<vmem>>
        %dma_wait3A_76 = arith.constant 0 : i32
        %dma_wait3A_77 = arith.constant 0 : i32
        %dma_wait3A_78 = tpu.memref_slice %arg2[%dma_wait3A_76, %dma_wait3A_77] : memref<10000x64xf32, #tpu.memory_space<hbm>> -> memref<10000x64xf32, #tpu.memory_space<hbm>>
        tpu.wait_indirect_dma semaphore(%arg15 : memref<!tpu.dma_semaphore, #tpu.memory_space<semaphore_mem>>) src(%dma_wait3A_78 : memref<10000x64xf32, #tpu.memory_space<hbm>>) dst(%arg7 : memref<128x64xf32, #tpu.memory_space<vmem>>)
        %mul3A_79 = arith.constant 4 : i32
        %mul3A_80 = arith.muli %scan3A_36, %mul3A_79 : i32
        %add3A_81 = arith.constant 1 : i32
        %add3A_82 = arith.addi %mul3A_80, %add3A_81 : i32
        %mul3A_83 = arith.constant 128 : i32
        %mul3A_84 = arith.muli %add3A_82, %mul3A_83 : i32
        %add3A_85 = arith.addi %mul3A_2, %mul3A_84 : i32
        "tpu.region"() ({
          %run_scoped3A = tpu.sem_alloc : memref<!tpu.dma_semaphore, #tpu.memory_space<semaphore_mem>>
          %dma_start3A_120 = arith.constant 0 : i32
          %dma_start3A_121 = tpu.memref_slice %arg4[%add3A_85, %dma_start3A_120] : memref<327680x64xf32, #tpu.memory_space<hbm>> -> memref<128x64xf32, #tpu.memory_space<hbm>>
          %dma_start3A_122 = arith.constant 0 : i32
          %dma_start3A_123 = tpu.memref_slice %arg4[%add3A_85, %dma_start3A_122] : memref<327680x64xf32, #tpu.memory_space<hbm>> -> memref<128x64xf32, #tpu.memory_space<hbm>>
          tpu.enqueue_dma source(%arg7 : memref<128x64xf32, #tpu.memory_space<vmem>>) target(%dma_start3A_123 : memref<128x64xf32, #tpu.memory_space<hbm>>) target_semaphore(%run_scoped3A : memref<!tpu.dma_semaphore, #tpu.memory_space<semaphore_mem>>)
          %dma_wait3A_124 = arith.constant 0 : i32
          %dma_wait3A_125 = tpu.memref_slice %arg4[%add3A_85, %dma_wait3A_124] : memref<327680x64xf32, #tpu.memory_space<hbm>> -> memref<128x64xf32, #tpu.memory_space<hbm>>
          %dma_wait3A_126 = arith.constant 0 : i32
          %dma_wait3A_127 = tpu.memref_slice %arg4[%add3A_85, %dma_wait3A_126] : memref<327680x64xf32, #tpu.memory_space<hbm>> -> memref<128x64xf32, #tpu.memory_space<hbm>>
          tpu.wait_dma2 semaphore(%run_scoped3A : memref<!tpu.dma_semaphore, #tpu.memory_space<semaphore_mem>>) src(%arg7 : memref<128x64xf32, #tpu.memory_space<vmem>>) dst(%dma_wait3A_127 : memref<128x64xf32, #tpu.memory_space<hbm>>)
          tpu.yield
        }) : () -> ()
        %mul3A_86 = arith.constant 4 : i32
        %mul3A_87 = arith.muli %scan3A_36, %mul3A_86 : i32
        %add3A_88 = arith.constant 2 : i32
        %add3A_89 = arith.addi %mul3A_87, %add3A_88 : i32
        %dma_wait3A_90 = arith.constant 0 : i32
        %dma_wait3A_91 = tpu.memref_slice %arg5[%add3A_89, %dma_wait3A_90] : memref<80x128xi32, #tpu.memory_space<vmem>> -> memref<1x128xi32, #tpu.memory_space<vmem>>
        %dma_wait3A_92 = tpu.memref_squeeze %dma_wait3A_91 : memref<1x128xi32, #tpu.memory_space<vmem>> -> memref<128xi32, #tpu.memory_space<vmem>>
        %dma_wait3A_93 = arith.constant 0 : i32
        %dma_wait3A_94 = arith.constant 0 : i32
        %dma_wait3A_95 = tpu.memref_slice %arg2[%dma_wait3A_93, %dma_wait3A_94] : memref<10000x64xf32, #tpu.memory_space<hbm>> -> memref<10000x64xf32, #tpu.memory_space<hbm>>
        tpu.wait_indirect_dma semaphore(%arg16 : memref<!tpu.dma_semaphore, #tpu.memory_space<semaphore_mem>>) src(%dma_wait3A_95 : memref<10000x64xf32, #tpu.memory_space<hbm>>) dst(%arg8 : memref<128x64xf32, #tpu.memory_space<vmem>>)
        %mul3A_96 = arith.constant 4 : i32
        %mul3A_97 = arith.muli %scan3A_36, %mul3A_96 : i32
        %add3A_98 = arith.constant 2 : i32
        %add3A_99 = arith.addi %mul3A_97, %add3A_98 : i32
        %mul3A_100 = arith.constant 128 : i32
        %mul3A_101 = arith.muli %add3A_99, %mul3A_100 : i32
        %add3A_102 = arith.addi %mul3A_2, %mul3A_101 : i32
        "tpu.region"() ({
          %run_scoped3A = tpu.sem_alloc : memref<!tpu.dma_semaphore, #tpu.memory_space<semaphore_mem>>
          %dma_start3A_120 = arith.constant 0 : i32
          %dma_start3A_121 = tpu.memref_slice %arg4[%add3A_102, %dma_start3A_120] : memref<327680x64xf32, #tpu.memory_space<hbm>> -> memref<128x64xf32, #tpu.memory_space<hbm>>
          %dma_start3A_122 = arith.constant 0 : i32
          %dma_start3A_123 = tpu.memref_slice %arg4[%add3A_102, %dma_start3A_122] : memref<327680x64xf32, #tpu.memory_space<hbm>> -> memref<128x64xf32, #tpu.memory_space<hbm>>
          tpu.enqueue_dma source(%arg8 : memref<128x64xf32, #tpu.memory_space<vmem>>) target(%dma_start3A_123 : memref<128x64xf32, #tpu.memory_space<hbm>>) target_semaphore(%run_scoped3A : memref<!tpu.dma_semaphore, #tpu.memory_space<semaphore_mem>>)
          %dma_wait3A_124 = arith.constant 0 : i32
          %dma_wait3A_125 = tpu.memref_slice %arg4[%add3A_102, %dma_wait3A_124] : memref<327680x64xf32, #tpu.memory_space<hbm>> -> memref<128x64xf32, #tpu.memory_space<hbm>>
          %dma_wait3A_126 = arith.constant 0 : i32
          %dma_wait3A_127 = tpu.memref_slice %arg4[%add3A_102, %dma_wait3A_126] : memref<327680x64xf32, #tpu.memory_space<hbm>> -> memref<128x64xf32, #tpu.memory_space<hbm>>
          tpu.wait_dma2 semaphore(%run_scoped3A : memref<!tpu.dma_semaphore, #tpu.memory_space<semaphore_mem>>) src(%arg8 : memref<128x64xf32, #tpu.memory_space<vmem>>) dst(%dma_wait3A_127 : memref<128x64xf32, #tpu.memory_space<hbm>>)
          tpu.yield
        }) : () -> ()
        %mul3A_103 = arith.constant 4 : i32
        %mul3A_104 = arith.muli %scan3A_36, %mul3A_103 : i32
        %add3A_105 = arith.constant 3 : i32
        %add3A_106 = arith.addi %mul3A_104, %add3A_105 : i32
        %dma_wait3A_107 = arith.constant 0 : i32
        %dma_wait3A_108 = tpu.memref_slice %arg5[%add3A_106, %dma_wait3A_107] : memref<80x128xi32, #tpu.memory_space<vmem>> -> memref<1x128xi32, #tpu.memory_space<vmem>>
        %dma_wait3A_109 = tpu.memref_squeeze %dma_wait3A_108 : memref<1x128xi32, #tpu.memory_space<vmem>> -> memref<128xi32, #tpu.memory_space<vmem>>
        %dma_wait3A_110 = arith.constant 0 : i32
        %dma_wait3A_111 = arith.constant 0 : i32
        %dma_wait3A_112 = tpu.memref_slice %arg2[%dma_wait3A_110, %dma_wait3A_111] : memref<10000x64xf32, #tpu.memory_space<hbm>> -> memref<10000x64xf32, #tpu.memory_space<hbm>>
        tpu.wait_indirect_dma semaphore(%arg17 : memref<!tpu.dma_semaphore, #tpu.memory_space<semaphore_mem>>) src(%dma_wait3A_112 : memref<10000x64xf32, #tpu.memory_space<hbm>>) dst(%arg9 : memref<128x64xf32, #tpu.memory_space<vmem>>)
        %mul3A_113 = arith.constant 4 : i32
        %mul3A_114 = arith.muli %scan3A_36, %mul3A_113 : i32
        %add3A_115 = arith.constant 3 : i32
        %add3A_116 = arith.addi %mul3A_114, %add3A_115 : i32
        %mul3A_117 = arith.constant 128 : i32
        %mul3A_118 = arith.muli %add3A_116, %mul3A_117 : i32
        %add3A_119 = arith.addi %mul3A_2, %mul3A_118 : i32
        "tpu.region"() ({
          %run_scoped3A = tpu.sem_alloc : memref<!tpu.dma_semaphore, #tpu.memory_space<semaphore_mem>>
          %dma_start3A_120 = arith.constant 0 : i32
          %dma_start3A_121 = tpu.memref_slice %arg4[%add3A_119, %dma_start3A_120] : memref<327680x64xf32, #tpu.memory_space<hbm>> -> memref<128x64xf32, #tpu.memory_space<hbm>>
          %dma_start3A_122 = arith.constant 0 : i32
          %dma_start3A_123 = tpu.memref_slice %arg4[%add3A_119, %dma_start3A_122] : memref<327680x64xf32, #tpu.memory_space<hbm>> -> memref<128x64xf32, #tpu.memory_space<hbm>>
          tpu.enqueue_dma source(%arg9 : memref<128x64xf32, #tpu.memory_space<vmem>>) target(%dma_start3A_123 : memref<128x64xf32, #tpu.memory_space<hbm>>) target_semaphore(%run_scoped3A : memref<!tpu.dma_semaphore, #tpu.memory_space<semaphore_mem>>)
          %dma_wait3A_124 = arith.constant 0 : i32
          %dma_wait3A_125 = tpu.memref_slice %arg4[%add3A_119, %dma_wait3A_124] : memref<327680x64xf32, #tpu.memory_space<hbm>> -> memref<128x64xf32, #tpu.memory_space<hbm>>
          %dma_wait3A_126 = arith.constant 0 : i32
          %dma_wait3A_127 = tpu.memref_slice %arg4[%add3A_119, %dma_wait3A_126] : memref<327680x64xf32, #tpu.memory_space<hbm>> -> memref<128x64xf32, #tpu.memory_space<hbm>>
          tpu.wait_dma2 semaphore(%run_scoped3A : memref<!tpu.dma_semaphore, #tpu.memory_space<semaphore_mem>>) src(%arg9 : memref<128x64xf32, #tpu.memory_space<vmem>>) dst(%dma_wait3A_127 : memref<128x64xf32, #tpu.memory_space<hbm>>)
          tpu.yield
        }) : () -> ()
      } else {
      }
      %eq3A_47 = arith.constant 1 : i32
      %eq3A_48 = arith.cmpi eq, %rem3A_38, %eq3A_47 : i32
      %convert_element_type3A_49 = arith.extui %eq3A_48 : i1 to i32
      %cond3A_50 = arith.constant 0 : i32
      %cond3A_51 = arith.cmpi ne, %convert_element_type3A_49, %cond3A_50 : i32
      scf.if %cond3A_51 {
        %mul3A_53 = arith.constant 4 : i32
        %mul3A_54 = arith.muli %scan3A_36, %mul3A_53 : i32
        %add3A_55 = arith.constant 0 : i32
        %add3A_56 = arith.addi %mul3A_54, %add3A_55 : i32
        %dma_wait3A = arith.constant 0 : i32
        %dma_wait3A_57 = tpu.memref_slice %arg5[%add3A_56, %dma_wait3A] : memref<80x128xi32, #tpu.memory_space<vmem>> -> memref<1x128xi32, #tpu.memory_space<vmem>>
        %dma_wait3A_58 = tpu.memref_squeeze %dma_wait3A_57 : memref<1x128xi32, #tpu.memory_space<vmem>> -> memref<128xi32, #tpu.memory_space<vmem>>
        %dma_wait3A_59 = arith.constant 0 : i32
        %dma_wait3A_60 = arith.constant 0 : i32
        %dma_wait3A_61 = tpu.memref_slice %arg2[%dma_wait3A_59, %dma_wait3A_60] : memref<10000x64xf32, #tpu.memory_space<hbm>> -> memref<10000x64xf32, #tpu.memory_space<hbm>>
        tpu.wait_indirect_dma semaphore(%arg18 : memref<!tpu.dma_semaphore, #tpu.memory_space<semaphore_mem>>) src(%dma_wait3A_61 : memref<10000x64xf32, #tpu.memory_space<hbm>>) dst(%arg10 : memref<128x64xf32, #tpu.memory_space<vmem>>)
        %mul3A_62 = arith.constant 4 : i32
        %mul3A_63 = arith.muli %scan3A_36, %mul3A_62 : i32
        %add3A_64 = arith.constant 0 : i32
        %add3A_65 = arith.addi %mul3A_63, %add3A_64 : i32
        %mul3A_66 = arith.constant 128 : i32
        %mul3A_67 = arith.muli %add3A_65, %mul3A_66 : i32
        %add3A_68 = arith.addi %mul3A_2, %mul3A_67 : i32
        "tpu.region"() ({
          %run_scoped3A = tpu.sem_alloc : memref<!tpu.dma_semaphore, #tpu.memory_space<semaphore_mem>>
          %dma_start3A_120 = arith.constant 0 : i32
          %dma_start3A_121 = tpu.memref_slice %arg4[%add3A_68, %dma_start3A_120] : memref<327680x64xf32, #tpu.memory_space<hbm>> -> memref<128x64xf32, #tpu.memory_space<hbm>>
          %dma_start3A_122 = arith.constant 0 : i32
          %dma_start3A_123 = tpu.memref_slice %arg4[%add3A_68, %dma_start3A_122] : memref<327680x64xf32, #tpu.memory_space<hbm>> -> memref<128x64xf32, #tpu.memory_space<hbm>>
          tpu.enqueue_dma source(%arg10 : memref<128x64xf32, #tpu.memory_space<vmem>>) target(%dma_start3A_123 : memref<128x64xf32, #tpu.memory_space<hbm>>) target_semaphore(%run_scoped3A : memref<!tpu.dma_semaphore, #tpu.memory_space<semaphore_mem>>)
          %dma_wait3A_124 = arith.constant 0 : i32
          %dma_wait3A_125 = tpu.memref_slice %arg4[%add3A_68, %dma_wait3A_124] : memref<327680x64xf32, #tpu.memory_space<hbm>> -> memref<128x64xf32, #tpu.memory_space<hbm>>
          %dma_wait3A_126 = arith.constant 0 : i32
          %dma_wait3A_127 = tpu.memref_slice %arg4[%add3A_68, %dma_wait3A_126] : memref<327680x64xf32, #tpu.memory_space<hbm>> -> memref<128x64xf32, #tpu.memory_space<hbm>>
          tpu.wait_dma2 semaphore(%run_scoped3A : memref<!tpu.dma_semaphore, #tpu.memory_space<semaphore_mem>>) src(%arg10 : memref<128x64xf32, #tpu.memory_space<vmem>>) dst(%dma_wait3A_127 : memref<128x64xf32, #tpu.memory_space<hbm>>)
          tpu.yield
        }) : () -> ()
        %mul3A_69 = arith.constant 4 : i32
        %mul3A_70 = arith.muli %scan3A_36, %mul3A_69 : i32
        %add3A_71 = arith.constant 1 : i32
        %add3A_72 = arith.addi %mul3A_70, %add3A_71 : i32
        %dma_wait3A_73 = arith.constant 0 : i32
        %dma_wait3A_74 = tpu.memref_slice %arg5[%add3A_72, %dma_wait3A_73] : memref<80x128xi32, #tpu.memory_space<vmem>> -> memref<1x128xi32, #tpu.memory_space<vmem>>
        %dma_wait3A_75 = tpu.memref_squeeze %dma_wait3A_74 : memref<1x128xi32, #tpu.memory_space<vmem>> -> memref<128xi32, #tpu.memory_space<vmem>>
        %dma_wait3A_76 = arith.constant 0 : i32
        %dma_wait3A_77 = arith.constant 0 : i32
        %dma_wait3A_78 = tpu.memref_slice %arg2[%dma_wait3A_76, %dma_wait3A_77] : memref<10000x64xf32, #tpu.memory_space<hbm>> -> memref<10000x64xf32, #tpu.memory_space<hbm>>
        tpu.wait_indirect_dma semaphore(%arg19 : memref<!tpu.dma_semaphore, #tpu.memory_space<semaphore_mem>>) src(%dma_wait3A_78 : memref<10000x64xf32, #tpu.memory_space<hbm>>) dst(%arg11 : memref<128x64xf32, #tpu.memory_space<vmem>>)
        %mul3A_79 = arith.constant 4 : i32
        %mul3A_80 = arith.muli %scan3A_36, %mul3A_79 : i32
        %add3A_81 = arith.constant 1 : i32
        %add3A_82 = arith.addi %mul3A_80, %add3A_81 : i32
        %mul3A_83 = arith.constant 128 : i32
        %mul3A_84 = arith.muli %add3A_82, %mul3A_83 : i32
        %add3A_85 = arith.addi %mul3A_2, %mul3A_84 : i32
        "tpu.region"() ({
          %run_scoped3A = tpu.sem_alloc : memref<!tpu.dma_semaphore, #tpu.memory_space<semaphore_mem>>
          %dma_start3A_120 = arith.constant 0 : i32
          %dma_start3A_121 = tpu.memref_slice %arg4[%add3A_85, %dma_start3A_120] : memref<327680x64xf32, #tpu.memory_space<hbm>> -> memref<128x64xf32, #tpu.memory_space<hbm>>
          %dma_start3A_122 = arith.constant 0 : i32
          %dma_start3A_123 = tpu.memref_slice %arg4[%add3A_85, %dma_start3A_122] : memref<327680x64xf32, #tpu.memory_space<hbm>> -> memref<128x64xf32, #tpu.memory_space<hbm>>
          tpu.enqueue_dma source(%arg11 : memref<128x64xf32, #tpu.memory_space<vmem>>) target(%dma_start3A_123 : memref<128x64xf32, #tpu.memory_space<hbm>>) target_semaphore(%run_scoped3A : memref<!tpu.dma_semaphore, #tpu.memory_space<semaphore_mem>>)
          %dma_wait3A_124 = arith.constant 0 : i32
          %dma_wait3A_125 = tpu.memref_slice %arg4[%add3A_85, %dma_wait3A_124] : memref<327680x64xf32, #tpu.memory_space<hbm>> -> memref<128x64xf32, #tpu.memory_space<hbm>>
          %dma_wait3A_126 = arith.constant 0 : i32
          %dma_wait3A_127 = tpu.memref_slice %arg4[%add3A_85, %dma_wait3A_126] : memref<327680x64xf32, #tpu.memory_space<hbm>> -> memref<128x64xf32, #tpu.memory_space<hbm>>
          tpu.wait_dma2 semaphore(%run_scoped3A : memref<!tpu.dma_semaphore, #tpu.memory_space<semaphore_mem>>) src(%arg11 : memref<128x64xf32, #tpu.memory_space<vmem>>) dst(%dma_wait3A_127 : memref<128x64xf32, #tpu.memory_space<hbm>>)
          tpu.yield
        }) : () -> ()
        %mul3A_86 = arith.constant 4 : i32
        %mul3A_87 = arith.muli %scan3A_36, %mul3A_86 : i32
        %add3A_88 = arith.constant 2 : i32
        %add3A_89 = arith.addi %mul3A_87, %add3A_88 : i32
        %dma_wait3A_90 = arith.constant 0 : i32
        %dma_wait3A_91 = tpu.memref_slice %arg5[%add3A_89, %dma_wait3A_90] : memref<80x128xi32, #tpu.memory_space<vmem>> -> memref<1x128xi32, #tpu.memory_space<vmem>>
        %dma_wait3A_92 = tpu.memref_squeeze %dma_wait3A_91 : memref<1x128xi32, #tpu.memory_space<vmem>> -> memref<128xi32, #tpu.memory_space<vmem>>
        %dma_wait3A_93 = arith.constant 0 : i32
        %dma_wait3A_94 = arith.constant 0 : i32
        %dma_wait3A_95 = tpu.memref_slice %arg2[%dma_wait3A_93, %dma_wait3A_94] : memref<10000x64xf32, #tpu.memory_space<hbm>> -> memref<10000x64xf32, #tpu.memory_space<hbm>>
        tpu.wait_indirect_dma semaphore(%arg20 : memref<!tpu.dma_semaphore, #tpu.memory_space<semaphore_mem>>) src(%dma_wait3A_95 : memref<10000x64xf32, #tpu.memory_space<hbm>>) dst(%arg12 : memref<128x64xf32, #tpu.memory_space<vmem>>)
        %mul3A_96 = arith.constant 4 : i32
        %mul3A_97 = arith.muli %scan3A_36, %mul3A_96 : i32
        %add3A_98 = arith.constant 2 : i32
        %add3A_99 = arith.addi %mul3A_97, %add3A_98 : i32
        %mul3A_100 = arith.constant 128 : i32
        %mul3A_101 = arith.muli %add3A_99, %mul3A_100 : i32
        %add3A_102 = arith.addi %mul3A_2, %mul3A_101 : i32
        "tpu.region"() ({
          %run_scoped3A = tpu.sem_alloc : memref<!tpu.dma_semaphore, #tpu.memory_space<semaphore_mem>>
          %dma_start3A_120 = arith.constant 0 : i32
          %dma_start3A_121 = tpu.memref_slice %arg4[%add3A_102, %dma_start3A_120] : memref<327680x64xf32, #tpu.memory_space<hbm>> -> memref<128x64xf32, #tpu.memory_space<hbm>>
          %dma_start3A_122 = arith.constant 0 : i32
          %dma_start3A_123 = tpu.memref_slice %arg4[%add3A_102, %dma_start3A_122] : memref<327680x64xf32, #tpu.memory_space<hbm>> -> memref<128x64xf32, #tpu.memory_space<hbm>>
          tpu.enqueue_dma source(%arg12 : memref<128x64xf32, #tpu.memory_space<vmem>>) target(%dma_start3A_123 : memref<128x64xf32, #tpu.memory_space<hbm>>) target_semaphore(%run_scoped3A : memref<!tpu.dma_semaphore, #tpu.memory_space<semaphore_mem>>)
          %dma_wait3A_124 = arith.constant 0 : i32
          %dma_wait3A_125 = tpu.memref_slice %arg4[%add3A_102, %dma_wait3A_124] : memref<327680x64xf32, #tpu.memory_space<hbm>> -> memref<128x64xf32, #tpu.memory_space<hbm>>
          %dma_wait3A_126 = arith.constant 0 : i32
          %dma_wait3A_127 = tpu.memref_slice %arg4[%add3A_102, %dma_wait3A_126] : memref<327680x64xf32, #tpu.memory_space<hbm>> -> memref<128x64xf32, #tpu.memory_space<hbm>>
          tpu.wait_dma2 semaphore(%run_scoped3A : memref<!tpu.dma_semaphore, #tpu.memory_space<semaphore_mem>>) src(%arg12 : memref<128x64xf32, #tpu.memory_space<vmem>>) dst(%dma_wait3A_127 : memref<128x64xf32, #tpu.memory_space<hbm>>)
          tpu.yield
        }) : () -> ()
        %mul3A_103 = arith.constant 4 : i32
        %mul3A_104 = arith.muli %scan3A_36, %mul3A_103 : i32
        %add3A_105 = arith.constant 3 : i32
        %add3A_106 = arith.addi %mul3A_104, %add3A_105 : i32
        %dma_wait3A_107 = arith.constant 0 : i32
        %dma_wait3A_108 = tpu.memref_slice %arg5[%add3A_106, %dma_wait3A_107] : memref<80x128xi32, #tpu.memory_space<vmem>> -> memref<1x128xi32, #tpu.memory_space<vmem>>
        %dma_wait3A_109 = tpu.memref_squeeze %dma_wait3A_108 : memref<1x128xi32, #tpu.memory_space<vmem>> -> memref<128xi32, #tpu.memory_space<vmem>>
        %dma_wait3A_110 = arith.constant 0 : i32
        %dma_wait3A_111 = arith.constant 0 : i32
        %dma_wait3A_112 = tpu.memref_slice %arg2[%dma_wait3A_110, %dma_wait3A_111] : memref<10000x64xf32, #tpu.memory_space<hbm>> -> memref<10000x64xf32, #tpu.memory_space<hbm>>
        tpu.wait_indirect_dma semaphore(%arg21 : memref<!tpu.dma_semaphore, #tpu.memory_space<semaphore_mem>>) src(%dma_wait3A_112 : memref<10000x64xf32, #tpu.memory_space<hbm>>) dst(%arg13 : memref<128x64xf32, #tpu.memory_space<vmem>>)
        %mul3A_113 = arith.constant 4 : i32
        %mul3A_114 = arith.muli %scan3A_36, %mul3A_113 : i32
        %add3A_115 = arith.constant 3 : i32
        %add3A_116 = arith.addi %mul3A_114, %add3A_115 : i32
        %mul3A_117 = arith.constant 128 : i32
        %mul3A_118 = arith.muli %add3A_116, %mul3A_117 : i32
        %add3A_119 = arith.addi %mul3A_2, %mul3A_118 : i32
        "tpu.region"() ({
          %run_scoped3A = tpu.sem_alloc : memref<!tpu.dma_semaphore, #tpu.memory_space<semaphore_mem>>
          %dma_start3A_120 = arith.constant 0 : i32
          %dma_start3A_121 = tpu.memref_slice %arg4[%add3A_119, %dma_start3A_120] : memref<327680x64xf32, #tpu.memory_space<hbm>> -> memref<128x64xf32, #tpu.memory_space<hbm>>
          %dma_start3A_122 = arith.constant 0 : i32
          %dma_start3A_123 = tpu.memref_slice %arg4[%add3A_119, %dma_start3A_122] : memref<327680x64xf32, #tpu.memory_space<hbm>> -> memref<128x64xf32, #tpu.memory_space<hbm>>
          tpu.enqueue_dma source(%arg13 : memref<128x64xf32, #tpu.memory_space<vmem>>) target(%dma_start3A_123 : memref<128x64xf32, #tpu.memory_space<hbm>>) target_semaphore(%run_scoped3A : memref<!tpu.dma_semaphore, #tpu.memory_space<semaphore_mem>>)
          %dma_wait3A_124 = arith.constant 0 : i32
          %dma_wait3A_125 = tpu.memref_slice %arg4[%add3A_119, %dma_wait3A_124] : memref<327680x64xf32, #tpu.memory_space<hbm>> -> memref<128x64xf32, #tpu.memory_space<hbm>>
          %dma_wait3A_126 = arith.constant 0 : i32
          %dma_wait3A_127 = tpu.memref_slice %arg4[%add3A_119, %dma_wait3A_126] : memref<327680x64xf32, #tpu.memory_space<hbm>> -> memref<128x64xf32, #tpu.memory_space<hbm>>
          tpu.wait_dma2 semaphore(%run_scoped3A : memref<!tpu.dma_semaphore, #tpu.memory_space<semaphore_mem>>) src(%arg13 : memref<128x64xf32, #tpu.memory_space<vmem>>) dst(%dma_wait3A_127 : memref<128x64xf32, #tpu.memory_space<hbm>>)
          tpu.yield
        }) : () -> ()
      } else {
      }
      %scan3A_52 = arith.constant 0 : i32
      scf.yield %scan3A_52 : i32
    }
    %scan3A_35 = arith.constant 20 : i32
    return
  }
}

#map = affine_map<(d0, d1) -> (0, 0)>
#map1 = affine_map<(d0, d1) -> (0, 0, 0)>
module attributes {stable_mosaic.version = 14 : i64} {
  func.func @k(%arg0: i32, %arg1: i32, %arg2: memref<10000x64xf32, #tpu.memory_space<hbm>>, %arg3: memref<32x148x128xi32, #tpu.memory_space<hbm>>, %arg4: memref<606208x64xf32, #tpu.memory_space<hbm>>, %arg5: memref<148x128xi32, #tpu.memory_space<vmem>>, %arg6: memref<128x64xf32, #tpu.memory_space<vmem>>, %arg7: memref<128x64xf32, #tpu.memory_space<vmem>>, %arg8: memref<128x64xf32, #tpu.memory_space<vmem>>, %arg9: memref<128x64xf32, #tpu.memory_space<vmem>>, %arg10: memref<128x64xf32, #tpu.memory_space<vmem>>, %arg11: memref<128x64xf32, #tpu.memory_space<vmem>>, %arg12: memref<128x64xf32, #tpu.memory_space<vmem>>, %arg13: memref<128x64xf32, #tpu.memory_space<vmem>>, %arg14: memref<!tpu.dma_semaphore, #tpu.memory_space<semaphore_mem>>, %arg15: memref<!tpu.dma_semaphore, #tpu.memory_space<semaphore_mem>>, %arg16: memref<!tpu.dma_semaphore, #tpu.memory_space<semaphore_mem>>, %arg17: memref<!tpu.dma_semaphore, #tpu.memory_space<semaphore_mem>>, %arg18: memref<!tpu.dma_semaphore, #tpu.memory_space<semaphore_mem>>, %arg19: memref<!tpu.dma_semaphore, #tpu.memory_space<semaphore_mem>>, %arg20: memref<!tpu.dma_semaphore, #tpu.memory_space<semaphore_mem>>, %arg21: memref<!tpu.dma_semaphore, #tpu.memory_space<semaphore_mem>>) attributes {dimension_semantics = [#tpu.dimension_semantics<core_parallel>, #tpu.dimension_semantics<subcore_parallel>], iteration_bounds = array<i64: 2, 16>, scalar_prefetch = 0 : i64, scratch_operands = 17 : i64, tpu.core_type = #tpu.core_type<sc_vector_subcore>, window_params = [{transform_indices = #map}, {transform_indices = #map1}, {transform_indices = #map}]} {
    %mul3A = arith.constant 2 : i32
    %mul3A_0 = arith.muli %arg1, %mul3A : i32
    %add3A = arith.addi %mul3A_0, %arg0 : i32
    "tpu.region"() ({
      %run_scoped3A = tpu.sem_alloc : memref<!tpu.dma_semaphore, #tpu.memory_space<semaphore_mem>>
      %dma_start3A_36 = arith.constant 0 : i32
      %dma_start3A_37 = arith.constant 0 : i32
      %dma_start3A_38 = tpu.memref_slice %arg3[%add3A, %dma_start3A_36, %dma_start3A_37] : memref<32x148x128xi32, #tpu.memory_space<hbm>> -> memref<1x148x128xi32, #tpu.memory_space<hbm>>
      %dma_start3A_39 = tpu.memref_squeeze %dma_start3A_38 : memref<1x148x128xi32, #tpu.memory_space<hbm>> -> memref<148x128xi32, #tpu.memory_space<hbm>>
      %dma_start3A_40 = arith.constant 0 : i32
      %dma_start3A_41 = arith.constant 0 : i32
      %dma_start3A_42 = tpu.memref_slice %arg3[%add3A, %dma_start3A_40, %dma_start3A_41] : memref<32x148x128xi32, #tpu.memory_space<hbm>> -> memref<1x148x128xi32, #tpu.memory_space<hbm>>
      %dma_start3A_43 = tpu.memref_squeeze %dma_start3A_42 : memref<1x148x128xi32, #tpu.memory_space<hbm>> -> memref<148x128xi32, #tpu.memory_space<hbm>>
      tpu.enqueue_dma source(%dma_start3A_43 : memref<148x128xi32, #tpu.memory_space<hbm>>) target(%arg5 : memref<148x128xi32, #tpu.memory_space<vmem>>) target_semaphore(%run_scoped3A : memref<!tpu.dma_semaphore, #tpu.memory_space<semaphore_mem>>)
      %dma_wait3A = arith.constant 0 : i32
      %dma_wait3A_44 = arith.constant 0 : i32
      %dma_wait3A_45 = tpu.memref_slice %arg3[%add3A, %dma_wait3A, %dma_wait3A_44] : memref<32x148x128xi32, #tpu.memory_space<hbm>> -> memref<1x148x128xi32, #tpu.memory_space<hbm>>
      %dma_wait3A_46 = tpu.memref_squeeze %dma_wait3A_45 : memref<1x148x128xi32, #tpu.memory_space<hbm>> -> memref<148x128xi32, #tpu.memory_space<hbm>>
      %dma_wait3A_47 = arith.constant 0 : i32
      %dma_wait3A_48 = arith.constant 0 : i32
      %dma_wait3A_49 = tpu.memref_slice %arg3[%add3A, %dma_wait3A_47, %dma_wait3A_48] : memref<32x148x128xi32, #tpu.memory_space<hbm>> -> memref<1x148x128xi32, #tpu.memory_space<hbm>>
      %dma_wait3A_50 = tpu.memref_squeeze %dma_wait3A_49 : memref<1x148x128xi32, #tpu.memory_space<hbm>> -> memref<148x128xi32, #tpu.memory_space<hbm>>
      tpu.wait_dma2 semaphore(%run_scoped3A : memref<!tpu.dma_semaphore, #tpu.memory_space<semaphore_mem>>) src(%dma_wait3A_50 : memref<148x128xi32, #tpu.memory_space<hbm>>) dst(%arg5 : memref<148x128xi32, #tpu.memory_space<vmem>>)
      tpu.yield
    }) : () -> ()
    %mul3A_1 = arith.constant 18944 : i32
    %mul3A_2 = arith.muli %add3A, %mul3A_1 : i32
    %dma_start3A = arith.constant 0 : i32
    %dma_start3A_3 = arith.constant 0 : i32
    %dma_start3A_4 = tpu.memref_slice %arg5[%dma_start3A, %dma_start3A_3] : memref<148x128xi32, #tpu.memory_space<vmem>> -> memref<1x128xi32, #tpu.memory_space<vmem>>
    %dma_start3A_5 = tpu.memref_squeeze %dma_start3A_4 : memref<1x128xi32, #tpu.memory_space<vmem>> -> memref<128xi32, #tpu.memory_space<vmem>>
    %dma_start3A_6 = arith.constant 0 : i32
    %dma_start3A_7 = arith.constant 0 : i32
    %dma_start3A_8 = tpu.memref_slice %arg2[%dma_start3A_6, %dma_start3A_7] : memref<10000x64xf32, #tpu.memory_space<hbm>> -> memref<10000x64xf32, #tpu.memory_space<hbm>>
    tpu.enqueue_indirect_dma source(%dma_start3A_8 : memref<10000x64xf32, #tpu.memory_space<hbm>>) target(%arg6 : memref<128x64xf32, #tpu.memory_space<vmem>>) offsets(%dma_start3A_5 : memref<128xi32, #tpu.memory_space<vmem>>) semaphore(%arg14 : memref<!tpu.dma_semaphore, #tpu.memory_space<semaphore_mem>>)
    %dma_start3A_9 = arith.constant 1 : i32
    %dma_start3A_10 = arith.constant 0 : i32
    %dma_start3A_11 = tpu.memref_slice %arg5[%dma_start3A_9, %dma_start3A_10] : memref<148x128xi32, #tpu.memory_space<vmem>> -> memref<1x128xi32, #tpu.memory_space<vmem>>
    %dma_start3A_12 = tpu.memref_squeeze %dma_start3A_11 : memref<1x128xi32, #tpu.memory_space<vmem>> -> memref<128xi32, #tpu.memory_space<vmem>>
    %dma_start3A_13 = arith.constant 0 : i32
    %dma_start3A_14 = arith.constant 0 : i32
    %dma_start3A_15 = tpu.memref_slice %arg2[%dma_start3A_13, %dma_start3A_14] : memref<10000x64xf32, #tpu.memory_space<hbm>> -> memref<10000x64xf32, #tpu.memory_space<hbm>>
    tpu.enqueue_indirect_dma source(%dma_start3A_15 : memref<10000x64xf32, #tpu.memory_space<hbm>>) target(%arg7 : memref<128x64xf32, #tpu.memory_space<vmem>>) offsets(%dma_start3A_12 : memref<128xi32, #tpu.memory_space<vmem>>) semaphore(%arg15 : memref<!tpu.dma_semaphore, #tpu.memory_space<semaphore_mem>>)
    %dma_start3A_16 = arith.constant 2 : i32
    %dma_start3A_17 = arith.constant 0 : i32
    %dma_start3A_18 = tpu.memref_slice %arg5[%dma_start3A_16, %dma_start3A_17] : memref<148x128xi32, #tpu.memory_space<vmem>> -> memref<1x128xi32, #tpu.memory_space<vmem>>
    %dma_start3A_19 = tpu.memref_squeeze %dma_start3A_18 : memref<1x128xi32, #tpu.memory_space<vmem>> -> memref<128xi32, #tpu.memory_space<vmem>>
    %dma_start3A_20 = arith.constant 0 : i32
    %dma_start3A_21 = arith.constant 0 : i32
    %dma_start3A_22 = tpu.memref_slice %arg2[%dma_start3A_20, %dma_start3A_21] : memref<10000x64xf32, #tpu.memory_space<hbm>> -> memref<10000x64xf32, #tpu.memory_space<hbm>>
    tpu.enqueue_indirect_dma source(%dma_start3A_22 : memref<10000x64xf32, #tpu.memory_space<hbm>>) target(%arg8 : memref<128x64xf32, #tpu.memory_space<vmem>>) offsets(%dma_start3A_19 : memref<128xi32, #tpu.memory_space<vmem>>) semaphore(%arg16 : memref<!tpu.dma_semaphore, #tpu.memory_space<semaphore_mem>>)
    %dma_start3A_23 = arith.constant 3 : i32
    %dma_start3A_24 = arith.constant 0 : i32
    %dma_start3A_25 = tpu.memref_slice %arg5[%dma_start3A_23, %dma_start3A_24] : memref<148x128xi32, #tpu.memory_space<vmem>> -> memref<1x128xi32, #tpu.memory_space<vmem>>
    %dma_start3A_26 = tpu.memref_squeeze %dma_start3A_25 : memref<1x128xi32, #tpu.memory_space<vmem>> -> memref<128xi32, #tpu.memory_space<vmem>>
    %dma_start3A_27 = arith.constant 0 : i32
    %dma_start3A_28 = arith.constant 0 : i32
    %dma_start3A_29 = tpu.memref_slice %arg2[%dma_start3A_27, %dma_start3A_28] : memref<10000x64xf32, #tpu.memory_space<hbm>> -> memref<10000x64xf32, #tpu.memory_space<hbm>>
    tpu.enqueue_indirect_dma source(%dma_start3A_29 : memref<10000x64xf32, #tpu.memory_space<hbm>>) target(%arg9 : memref<128x64xf32, #tpu.memory_space<vmem>>) offsets(%dma_start3A_26 : memref<128xi32, #tpu.memory_space<vmem>>) semaphore(%arg17 : memref<!tpu.dma_semaphore, #tpu.memory_space<semaphore_mem>>)
    %scan3A = arith.constant 0 : i32
    %scan3A_30 = arith.constant 0 : i32
    %scan3A_31 = arith.constant 37 : i32
    %scan3A_32 = arith.addi %scan3A_30, %scan3A_31 : i32
    %scan3A_33 = arith.constant 1 : i32
    %scan3A_34 = scf.for %scan3A_36 = %scan3A_30 to %scan3A_32 step %scan3A_33 iter_args(%scan3A_37 = %scan3A) -> (i32)  : i32 {
      %rem3A = arith.constant 2 : i32
      %rem3A_38 = arith.remsi %scan3A_36, %rem3A : i32
      %add3A_39 = arith.constant 1 : i32
      %add3A_40 = arith.addi %scan3A_36, %add3A_39 : i32
      %lt3A = arith.constant 37 : i32
      %lt3A_41 = arith.cmpi slt, %add3A_40, %lt3A : i32
      %convert_element_type3A = arith.extui %lt3A_41 : i1 to i32
      %cond3A = arith.constant 0 : i32
      %cond3A_42 = arith.cmpi ne, %convert_element_type3A, %cond3A : i32
      scf.if %cond3A_42 {
        %eq3A_53 = arith.constant 0 : i32
        %eq3A_54 = arith.cmpi eq, %rem3A_38, %eq3A_53 : i32
        %convert_element_type3A_55 = arith.extui %eq3A_54 : i1 to i32
        %cond3A_56 = arith.constant 0 : i32
        %cond3A_57 = arith.cmpi ne, %convert_element_type3A_55, %cond3A_56 : i32
        scf.if %cond3A_57 {
          %add3A_63 = arith.constant 1 : i32
          %add3A_64 = arith.addi %scan3A_36, %add3A_63 : i32
          %mul3A_65 = arith.constant 4 : i32
          %mul3A_66 = arith.muli %add3A_64, %mul3A_65 : i32
          %add3A_67 = arith.constant 0 : i32
          %add3A_68 = arith.addi %mul3A_66, %add3A_67 : i32
          %dma_start3A_69 = arith.constant 0 : i32
          %dma_start3A_70 = tpu.memref_slice %arg5[%add3A_68, %dma_start3A_69] : memref<148x128xi32, #tpu.memory_space<vmem>> -> memref<1x128xi32, #tpu.memory_space<vmem>>
          %dma_start3A_71 = tpu.memref_squeeze %dma_start3A_70 : memref<1x128xi32, #tpu.memory_space<vmem>> -> memref<128xi32, #tpu.memory_space<vmem>>
          %dma_start3A_72 = arith.constant 0 : i32
          %dma_start3A_73 = arith.constant 0 : i32
          %dma_start3A_74 = tpu.memref_slice %arg2[%dma_start3A_72, %dma_start3A_73] : memref<10000x64xf32, #tpu.memory_space<hbm>> -> memref<10000x64xf32, #tpu.memory_space<hbm>>
          tpu.enqueue_indirect_dma source(%dma_start3A_74 : memref<10000x64xf32, #tpu.memory_space<hbm>>) target(%arg10 : memref<128x64xf32, #tpu.memory_space<vmem>>) offsets(%dma_start3A_71 : memref<128xi32, #tpu.memory_space<vmem>>) semaphore(%arg18 : memref<!tpu.dma_semaphore, #tpu.memory_space<semaphore_mem>>)
          %mul3A_75 = arith.constant 4 : i32
          %mul3A_76 = arith.muli %add3A_64, %mul3A_75 : i32
          %add3A_77 = arith.constant 1 : i32
          %add3A_78 = arith.addi %mul3A_76, %add3A_77 : i32
          %dma_start3A_79 = arith.constant 0 : i32
          %dma_start3A_80 = tpu.memref_slice %arg5[%add3A_78, %dma_start3A_79] : memref<148x128xi32, #tpu.memory_space<vmem>> -> memref<1x128xi32, #tpu.memory_space<vmem>>
          %dma_start3A_81 = tpu.memref_squeeze %dma_start3A_80 : memref<1x128xi32, #tpu.memory_space<vmem>> -> memref<128xi32, #tpu.memory_space<vmem>>
          %dma_start3A_82 = arith.constant 0 : i32
          %dma_start3A_83 = arith.constant 0 : i32
          %dma_start3A_84 = tpu.memref_slice %arg2[%dma_start3A_82, %dma_start3A_83] : memref<10000x64xf32, #tpu.memory_space<hbm>> -> memref<10000x64xf32, #tpu.memory_space<hbm>>
          tpu.enqueue_indirect_dma source(%dma_start3A_84 : memref<10000x64xf32, #tpu.memory_space<hbm>>) target(%arg11 : memref<128x64xf32, #tpu.memory_space<vmem>>) offsets(%dma_start3A_81 : memref<128xi32, #tpu.memory_space<vmem>>) semaphore(%arg19 : memref<!tpu.dma_semaphore, #tpu.memory_space<semaphore_mem>>)
          %mul3A_85 = arith.constant 4 : i32
          %mul3A_86 = arith.muli %add3A_64, %mul3A_85 : i32
          %add3A_87 = arith.constant 2 : i32
          %add3A_88 = arith.addi %mul3A_86, %add3A_87 : i32
          %dma_start3A_89 = arith.constant 0 : i32
          %dma_start3A_90 = tpu.memref_slice %arg5[%add3A_88, %dma_start3A_89] : memref<148x128xi32, #tpu.memory_space<vmem>> -> memref<1x128xi32, #tpu.memory_space<vmem>>
          %dma_start3A_91 = tpu.memref_squeeze %dma_start3A_90 : memref<1x128xi32, #tpu.memory_space<vmem>> -> memref<128xi32, #tpu.memory_space<vmem>>
          %dma_start3A_92 = arith.constant 0 : i32
          %dma_start3A_93 = arith.constant 0 : i32
          %dma_start3A_94 = tpu.memref_slice %arg2[%dma_start3A_92, %dma_start3A_93] : memref<10000x64xf32, #tpu.memory_space<hbm>> -> memref<10000x64xf32, #tpu.memory_space<hbm>>
          tpu.enqueue_indirect_dma source(%dma_start3A_94 : memref<10000x64xf32, #tpu.memory_space<hbm>>) target(%arg12 : memref<128x64xf32, #tpu.memory_space<vmem>>) offsets(%dma_start3A_91 : memref<128xi32, #tpu.memory_space<vmem>>) semaphore(%arg20 : memref<!tpu.dma_semaphore, #tpu.memory_space<semaphore_mem>>)
          %mul3A_95 = arith.constant 4 : i32
          %mul3A_96 = arith.muli %add3A_64, %mul3A_95 : i32
          %add3A_97 = arith.constant 3 : i32
          %add3A_98 = arith.addi %mul3A_96, %add3A_97 : i32
          %dma_start3A_99 = arith.constant 0 : i32
          %dma_start3A_100 = tpu.memref_slice %arg5[%add3A_98, %dma_start3A_99] : memref<148x128xi32, #tpu.memory_space<vmem>> -> memref<1x128xi32, #tpu.memory_space<vmem>>
          %dma_start3A_101 = tpu.memref_squeeze %dma_start3A_100 : memref<1x128xi32, #tpu.memory_space<vmem>> -> memref<128xi32, #tpu.memory_space<vmem>>
          %dma_start3A_102 = arith.constant 0 : i32
          %dma_start3A_103 = arith.constant 0 : i32
          %dma_start3A_104 = tpu.memref_slice %arg2[%dma_start3A_102, %dma_start3A_103] : memref<10000x64xf32, #tpu.memory_space<hbm>> -> memref<10000x64xf32, #tpu.memory_space<hbm>>
          tpu.enqueue_indirect_dma source(%dma_start3A_104 : memref<10000x64xf32, #tpu.memory_space<hbm>>) target(%arg13 : memref<128x64xf32, #tpu.memory_space<vmem>>) offsets(%dma_start3A_101 : memref<128xi32, #tpu.memory_space<vmem>>) semaphore(%arg21 : memref<!tpu.dma_semaphore, #tpu.memory_space<semaphore_mem>>)
        } else {
        }
        %eq3A_58 = arith.constant 1 : i32
        %eq3A_59 = arith.cmpi eq, %rem3A_38, %eq3A_58 : i32
        %convert_element_type3A_60 = arith.extui %eq3A_59 : i1 to i32
        %cond3A_61 = arith.constant 0 : i32
        %cond3A_62 = arith.cmpi ne, %convert_element_type3A_60, %cond3A_61 : i32
        scf.if %cond3A_62 {
          %add3A_63 = arith.constant 1 : i32
          %add3A_64 = arith.addi %scan3A_36, %add3A_63 : i32
          %mul3A_65 = arith.constant 4 : i32
          %mul3A_66 = arith.muli %add3A_64, %mul3A_65 : i32
          %add3A_67 = arith.constant 0 : i32
          %add3A_68 = arith.addi %mul3A_66, %add3A_67 : i32
          %dma_start3A_69 = arith.constant 0 : i32
          %dma_start3A_70 = tpu.memref_slice %arg5[%add3A_68, %dma_start3A_69] : memref<148x128xi32, #tpu.memory_space<vmem>> -> memref<1x128xi32, #tpu.memory_space<vmem>>
          %dma_start3A_71 = tpu.memref_squeeze %dma_start3A_70 : memref<1x128xi32, #tpu.memory_space<vmem>> -> memref<128xi32, #tpu.memory_space<vmem>>
          %dma_start3A_72 = arith.constant 0 : i32
          %dma_start3A_73 = arith.constant 0 : i32
          %dma_start3A_74 = tpu.memref_slice %arg2[%dma_start3A_72, %dma_start3A_73] : memref<10000x64xf32, #tpu.memory_space<hbm>> -> memref<10000x64xf32, #tpu.memory_space<hbm>>
          tpu.enqueue_indirect_dma source(%dma_start3A_74 : memref<10000x64xf32, #tpu.memory_space<hbm>>) target(%arg6 : memref<128x64xf32, #tpu.memory_space<vmem>>) offsets(%dma_start3A_71 : memref<128xi32, #tpu.memory_space<vmem>>) semaphore(%arg14 : memref<!tpu.dma_semaphore, #tpu.memory_space<semaphore_mem>>)
          %mul3A_75 = arith.constant 4 : i32
          %mul3A_76 = arith.muli %add3A_64, %mul3A_75 : i32
          %add3A_77 = arith.constant 1 : i32
          %add3A_78 = arith.addi %mul3A_76, %add3A_77 : i32
          %dma_start3A_79 = arith.constant 0 : i32
          %dma_start3A_80 = tpu.memref_slice %arg5[%add3A_78, %dma_start3A_79] : memref<148x128xi32, #tpu.memory_space<vmem>> -> memref<1x128xi32, #tpu.memory_space<vmem>>
          %dma_start3A_81 = tpu.memref_squeeze %dma_start3A_80 : memref<1x128xi32, #tpu.memory_space<vmem>> -> memref<128xi32, #tpu.memory_space<vmem>>
          %dma_start3A_82 = arith.constant 0 : i32
          %dma_start3A_83 = arith.constant 0 : i32
          %dma_start3A_84 = tpu.memref_slice %arg2[%dma_start3A_82, %dma_start3A_83] : memref<10000x64xf32, #tpu.memory_space<hbm>> -> memref<10000x64xf32, #tpu.memory_space<hbm>>
          tpu.enqueue_indirect_dma source(%dma_start3A_84 : memref<10000x64xf32, #tpu.memory_space<hbm>>) target(%arg7 : memref<128x64xf32, #tpu.memory_space<vmem>>) offsets(%dma_start3A_81 : memref<128xi32, #tpu.memory_space<vmem>>) semaphore(%arg15 : memref<!tpu.dma_semaphore, #tpu.memory_space<semaphore_mem>>)
          %mul3A_85 = arith.constant 4 : i32
          %mul3A_86 = arith.muli %add3A_64, %mul3A_85 : i32
          %add3A_87 = arith.constant 2 : i32
          %add3A_88 = arith.addi %mul3A_86, %add3A_87 : i32
          %dma_start3A_89 = arith.constant 0 : i32
          %dma_start3A_90 = tpu.memref_slice %arg5[%add3A_88, %dma_start3A_89] : memref<148x128xi32, #tpu.memory_space<vmem>> -> memref<1x128xi32, #tpu.memory_space<vmem>>
          %dma_start3A_91 = tpu.memref_squeeze %dma_start3A_90 : memref<1x128xi32, #tpu.memory_space<vmem>> -> memref<128xi32, #tpu.memory_space<vmem>>
          %dma_start3A_92 = arith.constant 0 : i32
          %dma_start3A_93 = arith.constant 0 : i32
          %dma_start3A_94 = tpu.memref_slice %arg2[%dma_start3A_92, %dma_start3A_93] : memref<10000x64xf32, #tpu.memory_space<hbm>> -> memref<10000x64xf32, #tpu.memory_space<hbm>>
          tpu.enqueue_indirect_dma source(%dma_start3A_94 : memref<10000x64xf32, #tpu.memory_space<hbm>>) target(%arg8 : memref<128x64xf32, #tpu.memory_space<vmem>>) offsets(%dma_start3A_91 : memref<128xi32, #tpu.memory_space<vmem>>) semaphore(%arg16 : memref<!tpu.dma_semaphore, #tpu.memory_space<semaphore_mem>>)
          %mul3A_95 = arith.constant 4 : i32
          %mul3A_96 = arith.muli %add3A_64, %mul3A_95 : i32
          %add3A_97 = arith.constant 3 : i32
          %add3A_98 = arith.addi %mul3A_96, %add3A_97 : i32
          %dma_start3A_99 = arith.constant 0 : i32
          %dma_start3A_100 = tpu.memref_slice %arg5[%add3A_98, %dma_start3A_99] : memref<148x128xi32, #tpu.memory_space<vmem>> -> memref<1x128xi32, #tpu.memory_space<vmem>>
          %dma_start3A_101 = tpu.memref_squeeze %dma_start3A_100 : memref<1x128xi32, #tpu.memory_space<vmem>> -> memref<128xi32, #tpu.memory_space<vmem>>
          %dma_start3A_102 = arith.constant 0 : i32
          %dma_start3A_103 = arith.constant 0 : i32
          %dma_start3A_104 = tpu.memref_slice %arg2[%dma_start3A_102, %dma_start3A_103] : memref<10000x64xf32, #tpu.memory_space<hbm>> -> memref<10000x64xf32, #tpu.memory_space<hbm>>
          tpu.enqueue_indirect_dma source(%dma_start3A_104 : memref<10000x64xf32, #tpu.memory_space<hbm>>) target(%arg9 : memref<128x64xf32, #tpu.memory_space<vmem>>) offsets(%dma_start3A_101 : memref<128xi32, #tpu.memory_space<vmem>>) semaphore(%arg17 : memref<!tpu.dma_semaphore, #tpu.memory_space<semaphore_mem>>)
        } else {
        }
      } else {
      }
      %eq3A = arith.constant 0 : i32
      %eq3A_43 = arith.cmpi eq, %rem3A_38, %eq3A : i32
      %convert_element_type3A_44 = arith.extui %eq3A_43 : i1 to i32
      %cond3A_45 = arith.constant 0 : i32
      %cond3A_46 = arith.cmpi ne, %convert_element_type3A_44, %cond3A_45 : i32
      scf.if %cond3A_46 {
        %mul3A_53 = arith.constant 4 : i32
        %mul3A_54 = arith.muli %scan3A_36, %mul3A_53 : i32
        %add3A_55 = arith.constant 0 : i32
        %add3A_56 = arith.addi %mul3A_54, %add3A_55 : i32
        %dma_wait3A = arith.constant 0 : i32
        %dma_wait3A_57 = tpu.memref_slice %arg5[%add3A_56, %dma_wait3A] : memref<148x128xi32, #tpu.memory_space<vmem>> -> memref<1x128xi32, #tpu.memory_space<vmem>>
        %dma_wait3A_58 = tpu.memref_squeeze %dma_wait3A_57 : memref<1x128xi32, #tpu.memory_space<vmem>> -> memref<128xi32, #tpu.memory_space<vmem>>
        %dma_wait3A_59 = arith.constant 0 : i32
        %dma_wait3A_60 = arith.constant 0 : i32
        %dma_wait3A_61 = tpu.memref_slice %arg2[%dma_wait3A_59, %dma_wait3A_60] : memref<10000x64xf32, #tpu.memory_space<hbm>> -> memref<10000x64xf32, #tpu.memory_space<hbm>>
        tpu.wait_indirect_dma semaphore(%arg14 : memref<!tpu.dma_semaphore, #tpu.memory_space<semaphore_mem>>) src(%dma_wait3A_61 : memref<10000x64xf32, #tpu.memory_space<hbm>>) dst(%arg6 : memref<128x64xf32, #tpu.memory_space<vmem>>)
        %mul3A_62 = arith.constant 4 : i32
        %mul3A_63 = arith.muli %scan3A_36, %mul3A_62 : i32
        %add3A_64 = arith.constant 0 : i32
        %add3A_65 = arith.addi %mul3A_63, %add3A_64 : i32
        %mul3A_66 = arith.constant 128 : i32
        %mul3A_67 = arith.muli %add3A_65, %mul3A_66 : i32
        %add3A_68 = arith.addi %mul3A_2, %mul3A_67 : i32
        "tpu.region"() ({
          %run_scoped3A = tpu.sem_alloc : memref<!tpu.dma_semaphore, #tpu.memory_space<semaphore_mem>>
          %dma_start3A_120 = arith.constant 0 : i32
          %dma_start3A_121 = tpu.memref_slice %arg4[%add3A_68, %dma_start3A_120] : memref<606208x64xf32, #tpu.memory_space<hbm>> -> memref<128x64xf32, #tpu.memory_space<hbm>>
          %dma_start3A_122 = arith.constant 0 : i32
          %dma_start3A_123 = tpu.memref_slice %arg4[%add3A_68, %dma_start3A_122] : memref<606208x64xf32, #tpu.memory_space<hbm>> -> memref<128x64xf32, #tpu.memory_space<hbm>>
          tpu.enqueue_dma source(%arg6 : memref<128x64xf32, #tpu.memory_space<vmem>>) target(%dma_start3A_123 : memref<128x64xf32, #tpu.memory_space<hbm>>) target_semaphore(%run_scoped3A : memref<!tpu.dma_semaphore, #tpu.memory_space<semaphore_mem>>)
          %dma_wait3A_124 = arith.constant 0 : i32
          %dma_wait3A_125 = tpu.memref_slice %arg4[%add3A_68, %dma_wait3A_124] : memref<606208x64xf32, #tpu.memory_space<hbm>> -> memref<128x64xf32, #tpu.memory_space<hbm>>
          %dma_wait3A_126 = arith.constant 0 : i32
          %dma_wait3A_127 = tpu.memref_slice %arg4[%add3A_68, %dma_wait3A_126] : memref<606208x64xf32, #tpu.memory_space<hbm>> -> memref<128x64xf32, #tpu.memory_space<hbm>>
          tpu.wait_dma2 semaphore(%run_scoped3A : memref<!tpu.dma_semaphore, #tpu.memory_space<semaphore_mem>>) src(%arg6 : memref<128x64xf32, #tpu.memory_space<vmem>>) dst(%dma_wait3A_127 : memref<128x64xf32, #tpu.memory_space<hbm>>)
          tpu.yield
        }) : () -> ()
        %mul3A_69 = arith.constant 4 : i32
        %mul3A_70 = arith.muli %scan3A_36, %mul3A_69 : i32
        %add3A_71 = arith.constant 1 : i32
        %add3A_72 = arith.addi %mul3A_70, %add3A_71 : i32
        %dma_wait3A_73 = arith.constant 0 : i32
        %dma_wait3A_74 = tpu.memref_slice %arg5[%add3A_72, %dma_wait3A_73] : memref<148x128xi32, #tpu.memory_space<vmem>> -> memref<1x128xi32, #tpu.memory_space<vmem>>
        %dma_wait3A_75 = tpu.memref_squeeze %dma_wait3A_74 : memref<1x128xi32, #tpu.memory_space<vmem>> -> memref<128xi32, #tpu.memory_space<vmem>>
        %dma_wait3A_76 = arith.constant 0 : i32
        %dma_wait3A_77 = arith.constant 0 : i32
        %dma_wait3A_78 = tpu.memref_slice %arg2[%dma_wait3A_76, %dma_wait3A_77] : memref<10000x64xf32, #tpu.memory_space<hbm>> -> memref<10000x64xf32, #tpu.memory_space<hbm>>
        tpu.wait_indirect_dma semaphore(%arg15 : memref<!tpu.dma_semaphore, #tpu.memory_space<semaphore_mem>>) src(%dma_wait3A_78 : memref<10000x64xf32, #tpu.memory_space<hbm>>) dst(%arg7 : memref<128x64xf32, #tpu.memory_space<vmem>>)
        %mul3A_79 = arith.constant 4 : i32
        %mul3A_80 = arith.muli %scan3A_36, %mul3A_79 : i32
        %add3A_81 = arith.constant 1 : i32
        %add3A_82 = arith.addi %mul3A_80, %add3A_81 : i32
        %mul3A_83 = arith.constant 128 : i32
        %mul3A_84 = arith.muli %add3A_82, %mul3A_83 : i32
        %add3A_85 = arith.addi %mul3A_2, %mul3A_84 : i32
        "tpu.region"() ({
          %run_scoped3A = tpu.sem_alloc : memref<!tpu.dma_semaphore, #tpu.memory_space<semaphore_mem>>
          %dma_start3A_120 = arith.constant 0 : i32
          %dma_start3A_121 = tpu.memref_slice %arg4[%add3A_85, %dma_start3A_120] : memref<606208x64xf32, #tpu.memory_space<hbm>> -> memref<128x64xf32, #tpu.memory_space<hbm>>
          %dma_start3A_122 = arith.constant 0 : i32
          %dma_start3A_123 = tpu.memref_slice %arg4[%add3A_85, %dma_start3A_122] : memref<606208x64xf32, #tpu.memory_space<hbm>> -> memref<128x64xf32, #tpu.memory_space<hbm>>
          tpu.enqueue_dma source(%arg7 : memref<128x64xf32, #tpu.memory_space<vmem>>) target(%dma_start3A_123 : memref<128x64xf32, #tpu.memory_space<hbm>>) target_semaphore(%run_scoped3A : memref<!tpu.dma_semaphore, #tpu.memory_space<semaphore_mem>>)
          %dma_wait3A_124 = arith.constant 0 : i32
          %dma_wait3A_125 = tpu.memref_slice %arg4[%add3A_85, %dma_wait3A_124] : memref<606208x64xf32, #tpu.memory_space<hbm>> -> memref<128x64xf32, #tpu.memory_space<hbm>>
          %dma_wait3A_126 = arith.constant 0 : i32
          %dma_wait3A_127 = tpu.memref_slice %arg4[%add3A_85, %dma_wait3A_126] : memref<606208x64xf32, #tpu.memory_space<hbm>> -> memref<128x64xf32, #tpu.memory_space<hbm>>
          tpu.wait_dma2 semaphore(%run_scoped3A : memref<!tpu.dma_semaphore, #tpu.memory_space<semaphore_mem>>) src(%arg7 : memref<128x64xf32, #tpu.memory_space<vmem>>) dst(%dma_wait3A_127 : memref<128x64xf32, #tpu.memory_space<hbm>>)
          tpu.yield
        }) : () -> ()
        %mul3A_86 = arith.constant 4 : i32
        %mul3A_87 = arith.muli %scan3A_36, %mul3A_86 : i32
        %add3A_88 = arith.constant 2 : i32
        %add3A_89 = arith.addi %mul3A_87, %add3A_88 : i32
        %dma_wait3A_90 = arith.constant 0 : i32
        %dma_wait3A_91 = tpu.memref_slice %arg5[%add3A_89, %dma_wait3A_90] : memref<148x128xi32, #tpu.memory_space<vmem>> -> memref<1x128xi32, #tpu.memory_space<vmem>>
        %dma_wait3A_92 = tpu.memref_squeeze %dma_wait3A_91 : memref<1x128xi32, #tpu.memory_space<vmem>> -> memref<128xi32, #tpu.memory_space<vmem>>
        %dma_wait3A_93 = arith.constant 0 : i32
        %dma_wait3A_94 = arith.constant 0 : i32
        %dma_wait3A_95 = tpu.memref_slice %arg2[%dma_wait3A_93, %dma_wait3A_94] : memref<10000x64xf32, #tpu.memory_space<hbm>> -> memref<10000x64xf32, #tpu.memory_space<hbm>>
        tpu.wait_indirect_dma semaphore(%arg16 : memref<!tpu.dma_semaphore, #tpu.memory_space<semaphore_mem>>) src(%dma_wait3A_95 : memref<10000x64xf32, #tpu.memory_space<hbm>>) dst(%arg8 : memref<128x64xf32, #tpu.memory_space<vmem>>)
        %mul3A_96 = arith.constant 4 : i32
        %mul3A_97 = arith.muli %scan3A_36, %mul3A_96 : i32
        %add3A_98 = arith.constant 2 : i32
        %add3A_99 = arith.addi %mul3A_97, %add3A_98 : i32
        %mul3A_100 = arith.constant 128 : i32
        %mul3A_101 = arith.muli %add3A_99, %mul3A_100 : i32
        %add3A_102 = arith.addi %mul3A_2, %mul3A_101 : i32
        "tpu.region"() ({
          %run_scoped3A = tpu.sem_alloc : memref<!tpu.dma_semaphore, #tpu.memory_space<semaphore_mem>>
          %dma_start3A_120 = arith.constant 0 : i32
          %dma_start3A_121 = tpu.memref_slice %arg4[%add3A_102, %dma_start3A_120] : memref<606208x64xf32, #tpu.memory_space<hbm>> -> memref<128x64xf32, #tpu.memory_space<hbm>>
          %dma_start3A_122 = arith.constant 0 : i32
          %dma_start3A_123 = tpu.memref_slice %arg4[%add3A_102, %dma_start3A_122] : memref<606208x64xf32, #tpu.memory_space<hbm>> -> memref<128x64xf32, #tpu.memory_space<hbm>>
          tpu.enqueue_dma source(%arg8 : memref<128x64xf32, #tpu.memory_space<vmem>>) target(%dma_start3A_123 : memref<128x64xf32, #tpu.memory_space<hbm>>) target_semaphore(%run_scoped3A : memref<!tpu.dma_semaphore, #tpu.memory_space<semaphore_mem>>)
          %dma_wait3A_124 = arith.constant 0 : i32
          %dma_wait3A_125 = tpu.memref_slice %arg4[%add3A_102, %dma_wait3A_124] : memref<606208x64xf32, #tpu.memory_space<hbm>> -> memref<128x64xf32, #tpu.memory_space<hbm>>
          %dma_wait3A_126 = arith.constant 0 : i32
          %dma_wait3A_127 = tpu.memref_slice %arg4[%add3A_102, %dma_wait3A_126] : memref<606208x64xf32, #tpu.memory_space<hbm>> -> memref<128x64xf32, #tpu.memory_space<hbm>>
          tpu.wait_dma2 semaphore(%run_scoped3A : memref<!tpu.dma_semaphore, #tpu.memory_space<semaphore_mem>>) src(%arg8 : memref<128x64xf32, #tpu.memory_space<vmem>>) dst(%dma_wait3A_127 : memref<128x64xf32, #tpu.memory_space<hbm>>)
          tpu.yield
        }) : () -> ()
        %mul3A_103 = arith.constant 4 : i32
        %mul3A_104 = arith.muli %scan3A_36, %mul3A_103 : i32
        %add3A_105 = arith.constant 3 : i32
        %add3A_106 = arith.addi %mul3A_104, %add3A_105 : i32
        %dma_wait3A_107 = arith.constant 0 : i32
        %dma_wait3A_108 = tpu.memref_slice %arg5[%add3A_106, %dma_wait3A_107] : memref<148x128xi32, #tpu.memory_space<vmem>> -> memref<1x128xi32, #tpu.memory_space<vmem>>
        %dma_wait3A_109 = tpu.memref_squeeze %dma_wait3A_108 : memref<1x128xi32, #tpu.memory_space<vmem>> -> memref<128xi32, #tpu.memory_space<vmem>>
        %dma_wait3A_110 = arith.constant 0 : i32
        %dma_wait3A_111 = arith.constant 0 : i32
        %dma_wait3A_112 = tpu.memref_slice %arg2[%dma_wait3A_110, %dma_wait3A_111] : memref<10000x64xf32, #tpu.memory_space<hbm>> -> memref<10000x64xf32, #tpu.memory_space<hbm>>
        tpu.wait_indirect_dma semaphore(%arg17 : memref<!tpu.dma_semaphore, #tpu.memory_space<semaphore_mem>>) src(%dma_wait3A_112 : memref<10000x64xf32, #tpu.memory_space<hbm>>) dst(%arg9 : memref<128x64xf32, #tpu.memory_space<vmem>>)
        %mul3A_113 = arith.constant 4 : i32
        %mul3A_114 = arith.muli %scan3A_36, %mul3A_113 : i32
        %add3A_115 = arith.constant 3 : i32
        %add3A_116 = arith.addi %mul3A_114, %add3A_115 : i32
        %mul3A_117 = arith.constant 128 : i32
        %mul3A_118 = arith.muli %add3A_116, %mul3A_117 : i32
        %add3A_119 = arith.addi %mul3A_2, %mul3A_118 : i32
        "tpu.region"() ({
          %run_scoped3A = tpu.sem_alloc : memref<!tpu.dma_semaphore, #tpu.memory_space<semaphore_mem>>
          %dma_start3A_120 = arith.constant 0 : i32
          %dma_start3A_121 = tpu.memref_slice %arg4[%add3A_119, %dma_start3A_120] : memref<606208x64xf32, #tpu.memory_space<hbm>> -> memref<128x64xf32, #tpu.memory_space<hbm>>
          %dma_start3A_122 = arith.constant 0 : i32
          %dma_start3A_123 = tpu.memref_slice %arg4[%add3A_119, %dma_start3A_122] : memref<606208x64xf32, #tpu.memory_space<hbm>> -> memref<128x64xf32, #tpu.memory_space<hbm>>
          tpu.enqueue_dma source(%arg9 : memref<128x64xf32, #tpu.memory_space<vmem>>) target(%dma_start3A_123 : memref<128x64xf32, #tpu.memory_space<hbm>>) target_semaphore(%run_scoped3A : memref<!tpu.dma_semaphore, #tpu.memory_space<semaphore_mem>>)
          %dma_wait3A_124 = arith.constant 0 : i32
          %dma_wait3A_125 = tpu.memref_slice %arg4[%add3A_119, %dma_wait3A_124] : memref<606208x64xf32, #tpu.memory_space<hbm>> -> memref<128x64xf32, #tpu.memory_space<hbm>>
          %dma_wait3A_126 = arith.constant 0 : i32
          %dma_wait3A_127 = tpu.memref_slice %arg4[%add3A_119, %dma_wait3A_126] : memref<606208x64xf32, #tpu.memory_space<hbm>> -> memref<128x64xf32, #tpu.memory_space<hbm>>
          tpu.wait_dma2 semaphore(%run_scoped3A : memref<!tpu.dma_semaphore, #tpu.memory_space<semaphore_mem>>) src(%arg9 : memref<128x64xf32, #tpu.memory_space<vmem>>) dst(%dma_wait3A_127 : memref<128x64xf32, #tpu.memory_space<hbm>>)
          tpu.yield
        }) : () -> ()
      } else {
      }
      %eq3A_47 = arith.constant 1 : i32
      %eq3A_48 = arith.cmpi eq, %rem3A_38, %eq3A_47 : i32
      %convert_element_type3A_49 = arith.extui %eq3A_48 : i1 to i32
      %cond3A_50 = arith.constant 0 : i32
      %cond3A_51 = arith.cmpi ne, %convert_element_type3A_49, %cond3A_50 : i32
      scf.if %cond3A_51 {
        %mul3A_53 = arith.constant 4 : i32
        %mul3A_54 = arith.muli %scan3A_36, %mul3A_53 : i32
        %add3A_55 = arith.constant 0 : i32
        %add3A_56 = arith.addi %mul3A_54, %add3A_55 : i32
        %dma_wait3A = arith.constant 0 : i32
        %dma_wait3A_57 = tpu.memref_slice %arg5[%add3A_56, %dma_wait3A] : memref<148x128xi32, #tpu.memory_space<vmem>> -> memref<1x128xi32, #tpu.memory_space<vmem>>
        %dma_wait3A_58 = tpu.memref_squeeze %dma_wait3A_57 : memref<1x128xi32, #tpu.memory_space<vmem>> -> memref<128xi32, #tpu.memory_space<vmem>>
        %dma_wait3A_59 = arith.constant 0 : i32
        %dma_wait3A_60 = arith.constant 0 : i32
        %dma_wait3A_61 = tpu.memref_slice %arg2[%dma_wait3A_59, %dma_wait3A_60] : memref<10000x64xf32, #tpu.memory_space<hbm>> -> memref<10000x64xf32, #tpu.memory_space<hbm>>
        tpu.wait_indirect_dma semaphore(%arg18 : memref<!tpu.dma_semaphore, #tpu.memory_space<semaphore_mem>>) src(%dma_wait3A_61 : memref<10000x64xf32, #tpu.memory_space<hbm>>) dst(%arg10 : memref<128x64xf32, #tpu.memory_space<vmem>>)
        %mul3A_62 = arith.constant 4 : i32
        %mul3A_63 = arith.muli %scan3A_36, %mul3A_62 : i32
        %add3A_64 = arith.constant 0 : i32
        %add3A_65 = arith.addi %mul3A_63, %add3A_64 : i32
        %mul3A_66 = arith.constant 128 : i32
        %mul3A_67 = arith.muli %add3A_65, %mul3A_66 : i32
        %add3A_68 = arith.addi %mul3A_2, %mul3A_67 : i32
        "tpu.region"() ({
          %run_scoped3A = tpu.sem_alloc : memref<!tpu.dma_semaphore, #tpu.memory_space<semaphore_mem>>
          %dma_start3A_120 = arith.constant 0 : i32
          %dma_start3A_121 = tpu.memref_slice %arg4[%add3A_68, %dma_start3A_120] : memref<606208x64xf32, #tpu.memory_space<hbm>> -> memref<128x64xf32, #tpu.memory_space<hbm>>
          %dma_start3A_122 = arith.constant 0 : i32
          %dma_start3A_123 = tpu.memref_slice %arg4[%add3A_68, %dma_start3A_122] : memref<606208x64xf32, #tpu.memory_space<hbm>> -> memref<128x64xf32, #tpu.memory_space<hbm>>
          tpu.enqueue_dma source(%arg10 : memref<128x64xf32, #tpu.memory_space<vmem>>) target(%dma_start3A_123 : memref<128x64xf32, #tpu.memory_space<hbm>>) target_semaphore(%run_scoped3A : memref<!tpu.dma_semaphore, #tpu.memory_space<semaphore_mem>>)
          %dma_wait3A_124 = arith.constant 0 : i32
          %dma_wait3A_125 = tpu.memref_slice %arg4[%add3A_68, %dma_wait3A_124] : memref<606208x64xf32, #tpu.memory_space<hbm>> -> memref<128x64xf32, #tpu.memory_space<hbm>>
          %dma_wait3A_126 = arith.constant 0 : i32
          %dma_wait3A_127 = tpu.memref_slice %arg4[%add3A_68, %dma_wait3A_126] : memref<606208x64xf32, #tpu.memory_space<hbm>> -> memref<128x64xf32, #tpu.memory_space<hbm>>
          tpu.wait_dma2 semaphore(%run_scoped3A : memref<!tpu.dma_semaphore, #tpu.memory_space<semaphore_mem>>) src(%arg10 : memref<128x64xf32, #tpu.memory_space<vmem>>) dst(%dma_wait3A_127 : memref<128x64xf32, #tpu.memory_space<hbm>>)
          tpu.yield
        }) : () -> ()
        %mul3A_69 = arith.constant 4 : i32
        %mul3A_70 = arith.muli %scan3A_36, %mul3A_69 : i32
        %add3A_71 = arith.constant 1 : i32
        %add3A_72 = arith.addi %mul3A_70, %add3A_71 : i32
        %dma_wait3A_73 = arith.constant 0 : i32
        %dma_wait3A_74 = tpu.memref_slice %arg5[%add3A_72, %dma_wait3A_73] : memref<148x128xi32, #tpu.memory_space<vmem>> -> memref<1x128xi32, #tpu.memory_space<vmem>>
        %dma_wait3A_75 = tpu.memref_squeeze %dma_wait3A_74 : memref<1x128xi32, #tpu.memory_space<vmem>> -> memref<128xi32, #tpu.memory_space<vmem>>
        %dma_wait3A_76 = arith.constant 0 : i32
        %dma_wait3A_77 = arith.constant 0 : i32
        %dma_wait3A_78 = tpu.memref_slice %arg2[%dma_wait3A_76, %dma_wait3A_77] : memref<10000x64xf32, #tpu.memory_space<hbm>> -> memref<10000x64xf32, #tpu.memory_space<hbm>>
        tpu.wait_indirect_dma semaphore(%arg19 : memref<!tpu.dma_semaphore, #tpu.memory_space<semaphore_mem>>) src(%dma_wait3A_78 : memref<10000x64xf32, #tpu.memory_space<hbm>>) dst(%arg11 : memref<128x64xf32, #tpu.memory_space<vmem>>)
        %mul3A_79 = arith.constant 4 : i32
        %mul3A_80 = arith.muli %scan3A_36, %mul3A_79 : i32
        %add3A_81 = arith.constant 1 : i32
        %add3A_82 = arith.addi %mul3A_80, %add3A_81 : i32
        %mul3A_83 = arith.constant 128 : i32
        %mul3A_84 = arith.muli %add3A_82, %mul3A_83 : i32
        %add3A_85 = arith.addi %mul3A_2, %mul3A_84 : i32
        "tpu.region"() ({
          %run_scoped3A = tpu.sem_alloc : memref<!tpu.dma_semaphore, #tpu.memory_space<semaphore_mem>>
          %dma_start3A_120 = arith.constant 0 : i32
          %dma_start3A_121 = tpu.memref_slice %arg4[%add3A_85, %dma_start3A_120] : memref<606208x64xf32, #tpu.memory_space<hbm>> -> memref<128x64xf32, #tpu.memory_space<hbm>>
          %dma_start3A_122 = arith.constant 0 : i32
          %dma_start3A_123 = tpu.memref_slice %arg4[%add3A_85, %dma_start3A_122] : memref<606208x64xf32, #tpu.memory_space<hbm>> -> memref<128x64xf32, #tpu.memory_space<hbm>>
          tpu.enqueue_dma source(%arg11 : memref<128x64xf32, #tpu.memory_space<vmem>>) target(%dma_start3A_123 : memref<128x64xf32, #tpu.memory_space<hbm>>) target_semaphore(%run_scoped3A : memref<!tpu.dma_semaphore, #tpu.memory_space<semaphore_mem>>)
          %dma_wait3A_124 = arith.constant 0 : i32
          %dma_wait3A_125 = tpu.memref_slice %arg4[%add3A_85, %dma_wait3A_124] : memref<606208x64xf32, #tpu.memory_space<hbm>> -> memref<128x64xf32, #tpu.memory_space<hbm>>
          %dma_wait3A_126 = arith.constant 0 : i32
          %dma_wait3A_127 = tpu.memref_slice %arg4[%add3A_85, %dma_wait3A_126] : memref<606208x64xf32, #tpu.memory_space<hbm>> -> memref<128x64xf32, #tpu.memory_space<hbm>>
          tpu.wait_dma2 semaphore(%run_scoped3A : memref<!tpu.dma_semaphore, #tpu.memory_space<semaphore_mem>>) src(%arg11 : memref<128x64xf32, #tpu.memory_space<vmem>>) dst(%dma_wait3A_127 : memref<128x64xf32, #tpu.memory_space<hbm>>)
          tpu.yield
        }) : () -> ()
        %mul3A_86 = arith.constant 4 : i32
        %mul3A_87 = arith.muli %scan3A_36, %mul3A_86 : i32
        %add3A_88 = arith.constant 2 : i32
        %add3A_89 = arith.addi %mul3A_87, %add3A_88 : i32
        %dma_wait3A_90 = arith.constant 0 : i32
        %dma_wait3A_91 = tpu.memref_slice %arg5[%add3A_89, %dma_wait3A_90] : memref<148x128xi32, #tpu.memory_space<vmem>> -> memref<1x128xi32, #tpu.memory_space<vmem>>
        %dma_wait3A_92 = tpu.memref_squeeze %dma_wait3A_91 : memref<1x128xi32, #tpu.memory_space<vmem>> -> memref<128xi32, #tpu.memory_space<vmem>>
        %dma_wait3A_93 = arith.constant 0 : i32
        %dma_wait3A_94 = arith.constant 0 : i32
        %dma_wait3A_95 = tpu.memref_slice %arg2[%dma_wait3A_93, %dma_wait3A_94] : memref<10000x64xf32, #tpu.memory_space<hbm>> -> memref<10000x64xf32, #tpu.memory_space<hbm>>
        tpu.wait_indirect_dma semaphore(%arg20 : memref<!tpu.dma_semaphore, #tpu.memory_space<semaphore_mem>>) src(%dma_wait3A_95 : memref<10000x64xf32, #tpu.memory_space<hbm>>) dst(%arg12 : memref<128x64xf32, #tpu.memory_space<vmem>>)
        %mul3A_96 = arith.constant 4 : i32
        %mul3A_97 = arith.muli %scan3A_36, %mul3A_96 : i32
        %add3A_98 = arith.constant 2 : i32
        %add3A_99 = arith.addi %mul3A_97, %add3A_98 : i32
        %mul3A_100 = arith.constant 128 : i32
        %mul3A_101 = arith.muli %add3A_99, %mul3A_100 : i32
        %add3A_102 = arith.addi %mul3A_2, %mul3A_101 : i32
        "tpu.region"() ({
          %run_scoped3A = tpu.sem_alloc : memref<!tpu.dma_semaphore, #tpu.memory_space<semaphore_mem>>
          %dma_start3A_120 = arith.constant 0 : i32
          %dma_start3A_121 = tpu.memref_slice %arg4[%add3A_102, %dma_start3A_120] : memref<606208x64xf32, #tpu.memory_space<hbm>> -> memref<128x64xf32, #tpu.memory_space<hbm>>
          %dma_start3A_122 = arith.constant 0 : i32
          %dma_start3A_123 = tpu.memref_slice %arg4[%add3A_102, %dma_start3A_122] : memref<606208x64xf32, #tpu.memory_space<hbm>> -> memref<128x64xf32, #tpu.memory_space<hbm>>
          tpu.enqueue_dma source(%arg12 : memref<128x64xf32, #tpu.memory_space<vmem>>) target(%dma_start3A_123 : memref<128x64xf32, #tpu.memory_space<hbm>>) target_semaphore(%run_scoped3A : memref<!tpu.dma_semaphore, #tpu.memory_space<semaphore_mem>>)
          %dma_wait3A_124 = arith.constant 0 : i32
          %dma_wait3A_125 = tpu.memref_slice %arg4[%add3A_102, %dma_wait3A_124] : memref<606208x64xf32, #tpu.memory_space<hbm>> -> memref<128x64xf32, #tpu.memory_space<hbm>>
          %dma_wait3A_126 = arith.constant 0 : i32
          %dma_wait3A_127 = tpu.memref_slice %arg4[%add3A_102, %dma_wait3A_126] : memref<606208x64xf32, #tpu.memory_space<hbm>> -> memref<128x64xf32, #tpu.memory_space<hbm>>
          tpu.wait_dma2 semaphore(%run_scoped3A : memref<!tpu.dma_semaphore, #tpu.memory_space<semaphore_mem>>) src(%arg12 : memref<128x64xf32, #tpu.memory_space<vmem>>) dst(%dma_wait3A_127 : memref<128x64xf32, #tpu.memory_space<hbm>>)
          tpu.yield
        }) : () -> ()
        %mul3A_103 = arith.constant 4 : i32
        %mul3A_104 = arith.muli %scan3A_36, %mul3A_103 : i32
        %add3A_105 = arith.constant 3 : i32
        %add3A_106 = arith.addi %mul3A_104, %add3A_105 : i32
        %dma_wait3A_107 = arith.constant 0 : i32
        %dma_wait3A_108 = tpu.memref_slice %arg5[%add3A_106, %dma_wait3A_107] : memref<148x128xi32, #tpu.memory_space<vmem>> -> memref<1x128xi32, #tpu.memory_space<vmem>>
        %dma_wait3A_109 = tpu.memref_squeeze %dma_wait3A_108 : memref<1x128xi32, #tpu.memory_space<vmem>> -> memref<128xi32, #tpu.memory_space<vmem>>
        %dma_wait3A_110 = arith.constant 0 : i32
        %dma_wait3A_111 = arith.constant 0 : i32
        %dma_wait3A_112 = tpu.memref_slice %arg2[%dma_wait3A_110, %dma_wait3A_111] : memref<10000x64xf32, #tpu.memory_space<hbm>> -> memref<10000x64xf32, #tpu.memory_space<hbm>>
        tpu.wait_indirect_dma semaphore(%arg21 : memref<!tpu.dma_semaphore, #tpu.memory_space<semaphore_mem>>) src(%dma_wait3A_112 : memref<10000x64xf32, #tpu.memory_space<hbm>>) dst(%arg13 : memref<128x64xf32, #tpu.memory_space<vmem>>)
        %mul3A_113 = arith.constant 4 : i32
        %mul3A_114 = arith.muli %scan3A_36, %mul3A_113 : i32
        %add3A_115 = arith.constant 3 : i32
        %add3A_116 = arith.addi %mul3A_114, %add3A_115 : i32
        %mul3A_117 = arith.constant 128 : i32
        %mul3A_118 = arith.muli %add3A_116, %mul3A_117 : i32
        %add3A_119 = arith.addi %mul3A_2, %mul3A_118 : i32
        "tpu.region"() ({
          %run_scoped3A = tpu.sem_alloc : memref<!tpu.dma_semaphore, #tpu.memory_space<semaphore_mem>>
          %dma_start3A_120 = arith.constant 0 : i32
          %dma_start3A_121 = tpu.memref_slice %arg4[%add3A_119, %dma_start3A_120] : memref<606208x64xf32, #tpu.memory_space<hbm>> -> memref<128x64xf32, #tpu.memory_space<hbm>>
          %dma_start3A_122 = arith.constant 0 : i32
          %dma_start3A_123 = tpu.memref_slice %arg4[%add3A_119, %dma_start3A_122] : memref<606208x64xf32, #tpu.memory_space<hbm>> -> memref<128x64xf32, #tpu.memory_space<hbm>>
          tpu.enqueue_dma source(%arg13 : memref<128x64xf32, #tpu.memory_space<vmem>>) target(%dma_start3A_123 : memref<128x64xf32, #tpu.memory_space<hbm>>) target_semaphore(%run_scoped3A : memref<!tpu.dma_semaphore, #tpu.memory_space<semaphore_mem>>)
          %dma_wait3A_124 = arith.constant 0 : i32
          %dma_wait3A_125 = tpu.memref_slice %arg4[%add3A_119, %dma_wait3A_124] : memref<606208x64xf32, #tpu.memory_space<hbm>> -> memref<128x64xf32, #tpu.memory_space<hbm>>
          %dma_wait3A_126 = arith.constant 0 : i32
          %dma_wait3A_127 = tpu.memref_slice %arg4[%add3A_119, %dma_wait3A_126] : memref<606208x64xf32, #tpu.memory_space<hbm>> -> memref<128x64xf32, #tpu.memory_space<hbm>>
          tpu.wait_dma2 semaphore(%run_scoped3A : memref<!tpu.dma_semaphore, #tpu.memory_space<semaphore_mem>>) src(%arg13 : memref<128x64xf32, #tpu.memory_space<vmem>>) dst(%dma_wait3A_127 : memref<128x64xf32, #tpu.memory_space<hbm>>)
          tpu.yield
        }) : () -> ()
      } else {
      }
      %scan3A_52 = arith.constant 0 : i32
      scf.yield %scan3A_52 : i32
    }
    %scan3A_35 = arith.constant 37 : i32
    return
  }
}

module attributes {stable_mosaic.version = 14 : i64} {
  func.func @_matmul_body(%arg0: memref<10000x128xf32, #tpu.memory_space<vmem>>, %arg1: memref<128x64xf32, #tpu.memory_space<vmem>>, %arg2: memref<10000x64xf32, #tpu.memory_space<vmem>>) attributes {dimension_semantics = [], scalar_prefetch = 0 : i64, scratch_operands = 0 : i64, tpu.core_type = #tpu.core_type<tc>} {
    %get3A = arith.constant 0 : index
    %get3A_0 = arith.constant 0 : index
    %get3A_1 = vector.load %arg0[%get3A, %get3A_0] : memref<10000x128xf32, #tpu.memory_space<vmem>>, vector<10000x128xf32>
    %get3A_2 = arith.constant 0 : index
    %get3A_3 = arith.constant 0 : index
    %get3A_4 = vector.load %arg1[%get3A_2, %get3A_3] : memref<128x64xf32, #tpu.memory_space<vmem>>, vector<128x64xf32>
    %dot_general3A = arith.constant dense<0.000000e+00> : vector<10000x64xf32>
    %dot_general3A_5 = tpu.matmul %get3A_1, %get3A_4, %dot_general3A {dimension_numbers = #tpu.dot_dimension_numbers<[1], [0], [0], [1], [0, 0, 1, 1], [], []>, transpose_lhs_hint = false} : vector<10000x128xf32>, vector<128x64xf32>, vector<10000x64xf32> -> vector<10000x64xf32>
    %swap3A = arith.constant 0 : index
    %swap3A_6 = arith.constant 0 : index
    %swap3A_7 = vector.load %arg2[%swap3A, %swap3A_6] : memref<10000x64xf32, #tpu.memory_space<vmem>>, vector<10000x64xf32>
    tpu.vector_store %arg2[%swap3A, %swap3A_6], %dot_general3A_5 {strides = array<i32>} : memref<10000x64xf32, #tpu.memory_space<vmem>>, vector<10000x64xf32>,
    return
  }
}

module attributes {stable_mosaic.version = 14 : i64} {
  func.func @_ec1msg_body(%arg0: i32, %arg1: memref<4000x64xf32, #tpu.memory_space<vmem>>, %arg2: memref<4000x64xf32, #tpu.memory_space<vmem>>, %arg3: memref<1x64xf32, #tpu.memory_space<vmem>>, %arg4: memref<64x64xf32, #tpu.memory_space<vmem>>, %arg5: memref<1x64xf32, #tpu.memory_space<vmem>>, %arg6: memref<4000x64xf32, #tpu.memory_space<vmem>>) attributes {dimension_semantics = [#tpu.dimension_semantics<arbitrary>], iteration_bounds = array<i64: 80>, scalar_prefetch = 0 : i64, scratch_operands = 0 : i64, tpu.core_type = #tpu.core_type<tc>, window_params = [{transform_indices = @transform_0, window_bounds = array<i64: 4000, 64>}, {transform_indices = @transform_1, window_bounds = array<i64: 4000, 64>}, {pipeline_mode = #tpu.pipeline_mode<synchronous>, transform_indices = @transform_2, window_bounds = array<i64: 1, 64>}, {pipeline_mode = #tpu.pipeline_mode<synchronous>, transform_indices = @transform_3, window_bounds = array<i64: 64, 64>}, {pipeline_mode = #tpu.pipeline_mode<synchronous>, transform_indices = @transform_4, window_bounds = array<i64: 1, 64>}, {transform_indices = @transform_5, window_bounds = array<i64: 4000, 64>}]} {
    %get3A = arith.constant 0 : index
    %get3A_0 = arith.constant 0 : index
    %get3A_1 = vector.load %arg1[%get3A, %get3A_0] : memref<4000x64xf32, #tpu.memory_space<vmem>>, vector<4000x64xf32>
    %get3A_2 = arith.constant 0 : index
    %get3A_3 = arith.constant 0 : index
    %get3A_4 = vector.load %arg2[%get3A_2, %get3A_3] : memref<4000x64xf32, #tpu.memory_space<vmem>>, vector<4000x64xf32>
    %sub3A = arith.subf %get3A_1, %get3A_4 : vector<4000x64xf32>
    %get3A_5 = arith.constant 0 : index
    %get3A_6 = arith.constant 0 : index
    %get3A_7 = vector.load %arg3[%get3A_5, %get3A_6] : memref<1x64xf32, #tpu.memory_space<vmem>>, vector<1x64xf32>
    %add3A = vector.broadcast %get3A_7 : vector<1x64xf32> to vector<4000x64xf32>
    %add3A_8 = arith.addf %sub3A, %add3A : vector<4000x64xf32>
    %max3A = arith.constant 0.000000e+00 : f32
    %max3A_9 = vector.broadcast %max3A : f32 to vector<4000x64xf32>
    %max3A_10 = arith.maximumf %add3A_8, %max3A_9 : vector<4000x64xf32>
    %get3A_11 = arith.constant 0 : index
    %get3A_12 = arith.constant 0 : index
    %get3A_13 = vector.load %arg4[%get3A_11, %get3A_12] : memref<64x64xf32, #tpu.memory_space<vmem>>, vector<64x64xf32>
    %dot_general3A = arith.constant dense<0.000000e+00> : vector<4000x64xf32>
    %dot_general3A_14 = tpu.matmul %max3A_10, %get3A_13, %dot_general3A {dimension_numbers = #tpu.dot_dimension_numbers<[1], [0], [0], [1], [0, 0, 1, 1], [], []>, transpose_lhs_hint = false} : vector<4000x64xf32>, vector<64x64xf32>, vector<4000x64xf32> -> vector<4000x64xf32>
    %get3A_15 = arith.constant 0 : index
    %get3A_16 = arith.constant 0 : index
    %get3A_17 = vector.load %arg5[%get3A_15, %get3A_16] : memref<1x64xf32, #tpu.memory_space<vmem>>, vector<1x64xf32>
    %add3A_18 = vector.broadcast %get3A_17 : vector<1x64xf32> to vector<4000x64xf32>
    %add3A_19 = arith.addf %dot_general3A_14, %add3A_18 : vector<4000x64xf32>
    %max3A_20 = arith.constant 0.000000e+00 : f32
    %max3A_21 = vector.broadcast %max3A_20 : f32 to vector<4000x64xf32>
    %max3A_22 = arith.maximumf %add3A_19, %max3A_21 : vector<4000x64xf32>
    %swap3A = arith.constant 0 : index
    %swap3A_23 = arith.constant 0 : index
    %swap3A_24 = vector.load %arg6[%swap3A, %swap3A_23] : memref<4000x64xf32, #tpu.memory_space<vmem>>, vector<4000x64xf32>
    tpu.vector_store %arg6[%swap3A, %swap3A_23], %max3A_22 {strides = array<i32>} : memref<4000x64xf32, #tpu.memory_space<vmem>>, vector<4000x64xf32>,
    return
  }
  func.func @transform_0(%arg0: i32) -> (i32, i32) {
    %c0_i32 = arith.constant 0 : i32
    %c0_i32_0 = arith.constant 0 : i32
    return %arg0, %c0_i32 : i32, i32
  }
  func.func @transform_1(%arg0: i32) -> (i32, i32) {
    %c0_i32 = arith.constant 0 : i32
    %c0_i32_0 = arith.constant 0 : i32
    return %arg0, %c0_i32 : i32, i32
  }
  func.func @transform_2(%arg0: i32) -> (i32, i32) {
    %c0_i32 = arith.constant 0 : i32
    %c0_i32_0 = arith.constant 0 : i32
    %c0_i32_1 = arith.constant 0 : i32
    return %c0_i32, %c0_i32_0 : i32, i32
  }
  func.func @transform_3(%arg0: i32) -> (i32, i32) {
    %c0_i32 = arith.constant 0 : i32
    %c0_i32_0 = arith.constant 0 : i32
    %c0_i32_1 = arith.constant 0 : i32
    return %c0_i32, %c0_i32_0 : i32, i32
  }
  func.func @transform_4(%arg0: i32) -> (i32, i32) {
    %c0_i32 = arith.constant 0 : i32
    %c0_i32_0 = arith.constant 0 : i32
    %c0_i32_1 = arith.constant 0 : i32
    return %c0_i32, %c0_i32_0 : i32, i32
  }
  func.func @transform_5(%arg0: i32) -> (i32, i32) {
    %c0_i32 = arith.constant 0 : i32
    %c0_i32_0 = arith.constant 0 : i32
    return %arg0, %c0_i32 : i32, i32
  }
}

module attributes {stable_mosaic.version = 14 : i64} {
  func.func @_knn_body(%arg0: i32, %arg1: memref<200x64xf32, #tpu.memory_space<vmem>>, %arg2: memref<64x10240xf32, #tpu.memory_space<vmem>>, %arg3: memref<1x10240xf32, #tpu.memory_space<vmem>>, %arg4: memref<200x64xi32, #tpu.memory_space<vmem>>, %arg5: memref<200x10240xi32, #tpu.memory_space<vmem>>, %arg6: memref<200x1280xi32, #tpu.memory_space<vmem>>, %arg7: memref<200x64xi32, #tpu.memory_space<vmem>>) attributes {dimension_semantics = [#tpu.dimension_semantics<arbitrary>], iteration_bounds = array<i64: 50>, scalar_prefetch = 0 : i64, scratch_operands = 3 : i64, tpu.core_type = #tpu.core_type<tc>, window_params = [{transform_indices = @transform_0, window_bounds = array<i64: 200, 64>}, {pipeline_mode = #tpu.pipeline_mode<synchronous>, transform_indices = @transform_1, window_bounds = array<i64: 64, 10240>}, {pipeline_mode = #tpu.pipeline_mode<synchronous>, transform_indices = @transform_2, window_bounds = array<i64: 1, 10240>}, {transform_indices = @transform_3, window_bounds = array<i64: 200, 64>}]} {
    %get3A = arith.constant 0 : index
    %get3A_0 = arith.constant 0 : index
    %get3A_1 = vector.load %arg1[%get3A, %get3A_0] : memref<200x64xf32, #tpu.memory_space<vmem>>, vector<200x64xf32>
    %get3A_2 = arith.constant 0 : index
    %get3A_3 = arith.constant 0 : index
    %get3A_4 = vector.load %arg3[%get3A_2, %get3A_3] : memref<1x10240xf32, #tpu.memory_space<vmem>>, vector<1x10240xf32>
    %get3A_5 = arith.constant 0 : index
    %get3A_6 = arith.constant 0 : index
    %get3A_7 = vector.load %arg2[%get3A_5, %get3A_6] : memref<64x10240xf32, #tpu.memory_space<vmem>>, vector<64x10240xf32>
    %dot_general3A = arith.constant dense<0.000000e+00> : vector<200x10240xf32>
    %dot_general3A_8 = tpu.matmul %get3A_1, %get3A_7, %dot_general3A {dimension_numbers = #tpu.dot_dimension_numbers<[1], [0], [0], [1], [0, 0, 1, 1], [], []>, transpose_lhs_hint = false} : vector<200x64xf32>, vector<64x10240xf32>, vector<200x10240xf32> -> vector<200x10240xf32>
    %mul3A = arith.constant 2.000000e+00 : f32
    %mul3A_9 = vector.broadcast %mul3A : f32 to vector<200x10240xf32>
    %mul3A_10 = arith.mulf %mul3A_9, %dot_general3A_8 : vector<200x10240xf32>
    %sub3A = vector.broadcast %get3A_4 : vector<1x10240xf32> to vector<200x10240xf32>
    %sub3A_11 = arith.subf %sub3A, %mul3A_10 : vector<200x10240xf32>
    %mul3A_12 = arith.mulf %get3A_1, %get3A_1 : vector<200x64xf32>
    %reduce_sum3A = arith.constant dense<0.000000e+00> : vector<200xf32>
    %reduce_sum3A_13 = vector.multi_reduction <add>, %mul3A_12, %reduce_sum3A [1] : vector<200x64xf32> to vector<200xf32>
    %broadcast_in_dim3A = vector.shape_cast %reduce_sum3A_13 : vector<200xf32> to vector<200x1xf32>
    %add3A = vector.broadcast %broadcast_in_dim3A : vector<200x1xf32> to vector<200x10240xf32>
    %add3A_14 = arith.addf %sub3A_11, %add3A : vector<200x10240xf32>
    %bitcast_convert_type3A = tpu.bitcast %add3A_14 : vector<200x10240xf32> -> vector<200x10240xi32>
    %shift_right_arithmetic3A = arith.constant 31 : i32
    %shift_right_arithmetic3A_15 = vector.broadcast %shift_right_arithmetic3A : i32 to vector<200x10240xi32>
    %shift_right_arithmetic3A_16 = arith.shrsi %bitcast_convert_type3A, %shift_right_arithmetic3A_15 : vector<200x10240xi32>
    %and3A = arith.constant 2147483647 : i32
    %and3A_17 = vector.broadcast %and3A : i32 to vector<200x10240xi32>
    %and3A_18 = arith.andi %shift_right_arithmetic3A_16, %and3A_17 : vector<200x10240xi32>
    %xor3A = arith.xori %bitcast_convert_type3A, %and3A_18 : vector<200x10240xi32>
    %iota3A = tpu.iota {dimensions = array<i32: 1>} : vector<200x10240xi32>
    %iota3A_19 = tpu.iota {dimensions = array<i32: 0>} : vector<200x10240xi32>
    %mul3A_20 = arith.constant 200 : i32
    %mul3A_21 = arith.muli %arg0, %mul3A_20 : i32
    %add3A_22 = vector.broadcast %mul3A_21 : i32 to vector<200x10240xi32>
    %add3A_23 = arith.addi %iota3A_19, %add3A_22 : vector<200x10240xi32>
    %and3A_24 = arith.constant -16384 : i32
    %and3A_25 = vector.broadcast %and3A_24 : i32 to vector<200x10240xi32>
    %and3A_26 = arith.andi %xor3A, %and3A_25 : vector<200x10240xi32>
    %or3A = arith.ori %and3A_26, %iota3A : vector<200x10240xi32>
    %eq3A = arith.cmpi eq, %iota3A, %add3A_23 : vector<200x10240xi32>
    %ge3A = arith.constant 10000 : i32
    %ge3A_27 = vector.broadcast %ge3A : i32 to vector<200x10240xi32>
    %ge3A_28 = arith.cmpi sge, %iota3A, %ge3A_27 : vector<200x10240xi32>
    %or3A_29 = arith.ori %eq3A, %ge3A_28 : vector<200x10240xi1>
    %jit3A = arith.constant 2147483647 : i32
    %broadcast_in_dim3A_30 = vector.broadcast %jit3A : i32 to vector<200x10240xi32>
    %select_n3A = arith.select %or3A_29, %broadcast_in_dim3A_30, %or3A : vector<200x10240xi1>, vector<200x10240xi32>
    %swap3A = arith.constant 0 : index
    %swap3A_31 = arith.constant 0 : index
    %swap3A_32 = vector.load %arg5[%swap3A, %swap3A_31] : memref<200x10240xi32, #tpu.memory_space<vmem>>, vector<200x10240xi32>
    tpu.vector_store %arg5[%swap3A, %swap3A_31], %select_n3A {strides = array<i32>} : memref<200x10240xi32, #tpu.memory_space<vmem>>, vector<200x10240xi32>,
    %broadcast_in_dim3A_33 = arith.constant 2147483647 : i32
    %broadcast_in_dim3A_34 = vector.broadcast %broadcast_in_dim3A_33 : i32 to vector<200x128xi32>
    %broadcast_in_dim3A_35 = arith.constant 2147483647 : i32
    %broadcast_in_dim3A_36 = vector.broadcast %broadcast_in_dim3A_35 : i32 to vector<200x128xi32>
    %broadcast_in_dim3A_37 = arith.constant 2147483647 : i32
    %broadcast_in_dim3A_38 = vector.broadcast %broadcast_in_dim3A_37 : i32 to vector<200x128xi32>
    %broadcast_in_dim3A_39 = arith.constant 2147483647 : i32
    %broadcast_in_dim3A_40 = vector.broadcast %broadcast_in_dim3A_39 : i32 to vector<200x128xi32>
    %broadcast_in_dim3A_41 = arith.constant 2147483647 : i32
    %broadcast_in_dim3A_42 = vector.broadcast %broadcast_in_dim3A_41 : i32 to vector<200x128xi32>
    %broadcast_in_dim3A_43 = arith.constant 2147483647 : i32
    %broadcast_in_dim3A_44 = vector.broadcast %broadcast_in_dim3A_43 : i32 to vector<200x128xi32>
    %broadcast_in_dim3A_45 = arith.constant 2147483647 : i32
    %broadcast_in_dim3A_46 = vector.broadcast %broadcast_in_dim3A_45 : i32 to vector<200x128xi32>
    %broadcast_in_dim3A_47 = arith.constant 2147483647 : i32
    %broadcast_in_dim3A_48 = vector.broadcast %broadcast_in_dim3A_47 : i32 to vector<200x128xi32>
    %broadcast_in_dim3A_49 = arith.constant 2147483647 : i32
    %broadcast_in_dim3A_50 = vector.broadcast %broadcast_in_dim3A_49 : i32 to vector<200x128xi32>
    %broadcast_in_dim3A_51 = arith.constant 2147483647 : i32
    %broadcast_in_dim3A_52 = vector.broadcast %broadcast_in_dim3A_51 : i32 to vector<200x128xi32>
    %get3A_53 = arith.constant 0 : index
    %get3A_54 = arith.constant 0 : index
    %get3A_55 = vector.load %arg5[%get3A_53, %get3A_54] : memref<200x10240xi32, #tpu.memory_space<vmem>>, vector<200x128xi32>
    %min3A = arith.minsi %broadcast_in_dim3A_34, %get3A_55 : vector<200x128xi32>
    %max3A = arith.maxsi %broadcast_in_dim3A_34, %get3A_55 : vector<200x128xi32>
    %min3A_56 = arith.minsi %broadcast_in_dim3A_36, %max3A : vector<200x128xi32>
    %max3A_57 = arith.maxsi %broadcast_in_dim3A_36, %max3A : vector<200x128xi32>
    %min3A_58 = arith.minsi %broadcast_in_dim3A_38, %max3A_57 : vector<200x128xi32>
    %max3A_59 = arith.maxsi %broadcast_in_dim3A_38, %max3A_57 : vector<200x128xi32>
    %min3A_60 = arith.minsi %broadcast_in_dim3A_40, %max3A_59 : vector<200x128xi32>
    %max3A_61 = arith.maxsi %broadcast_in_dim3A_40, %max3A_59 : vector<200x128xi32>
    %min3A_62 = arith.minsi %broadcast_in_dim3A_42, %max3A_61 : vector<200x128xi32>
    %get3A_63 = arith.constant 0 : index
    %get3A_64 = arith.constant 128 : index
    %get3A_65 = vector.load %arg5[%get3A_63, %get3A_64] : memref<200x10240xi32, #tpu.memory_space<vmem>>, vector<200x128xi32>
    %min3A_66 = arith.minsi %broadcast_in_dim3A_44, %get3A_65 : vector<200x128xi32>
    %max3A_67 = arith.maxsi %broadcast_in_dim3A_44, %get3A_65 : vector<200x128xi32>
    %min3A_68 = arith.minsi %broadcast_in_dim3A_46, %max3A_67 : vector<200x128xi32>
    %max3A_69 = arith.maxsi %broadcast_in_dim3A_46, %max3A_67 : vector<200x128xi32>
    %min3A_70 = arith.minsi %broadcast_in_dim3A_48, %max3A_69 : vector<200x128xi32>
    %max3A_71 = arith.maxsi %broadcast_in_dim3A_48, %max3A_69 : vector<200x128xi32>
    %min3A_72 = arith.minsi %broadcast_in_dim3A_50, %max3A_71 : vector<200x128xi32>
    %max3A_73 = arith.maxsi %broadcast_in_dim3A_50, %max3A_71 : vector<200x128xi32>
    %min3A_74 = arith.minsi %broadcast_in_dim3A_52, %max3A_73 : vector<200x128xi32>
    %get3A_75 = arith.constant 0 : index
    %get3A_76 = arith.constant 256 : index
    %get3A_77 = vector.load %arg5[%get3A_75, %get3A_76] : memref<200x10240xi32, #tpu.memory_space<vmem>>, vector<200x128xi32>
    %min3A_78 = arith.minsi %min3A, %get3A_77 : vector<200x128xi32>
    %max3A_79 = arith.maxsi %min3A, %get3A_77 : vector<200x128xi32>
    %min3A_80 = arith.minsi %min3A_56, %max3A_79 : vector<200x128xi32>
    %max3A_81 = arith.maxsi %min3A_56, %max3A_79 : vector<200x128xi32>
    %min3A_82 = arith.minsi %min3A_58, %max3A_81 : vector<200x128xi32>
    %max3A_83 = arith.maxsi %min3A_58, %max3A_81 : vector<200x128xi32>
    %min3A_84 = arith.minsi %min3A_60, %max3A_83 : vector<200x128xi32>
    %max3A_85 = arith.maxsi %min3A_60, %max3A_83 : vector<200x128xi32>
    %min3A_86 = arith.minsi %min3A_62, %max3A_85 : vector<200x128xi32>
    %get3A_87 = arith.constant 0 : index
    %get3A_88 = arith.constant 384 : index
    %get3A_89 = vector.load %arg5[%get3A_87, %get3A_88] : memref<200x10240xi32, #tpu.memory_space<vmem>>, vector<200x128xi32>
    %min3A_90 = arith.minsi %min3A_66, %get3A_89 : vector<200x128xi32>
    %max3A_91 = arith.maxsi %min3A_66, %get3A_89 : vector<200x128xi32>
    %min3A_92 = arith.minsi %min3A_68, %max3A_91 : vector<200x128xi32>
    %max3A_93 = arith.maxsi %min3A_68, %max3A_91 : vector<200x128xi32>
    %min3A_94 = arith.minsi %min3A_70, %max3A_93 : vector<200x128xi32>
    %max3A_95 = arith.maxsi %min3A_70, %max3A_93 : vector<200x128xi32>
    %min3A_96 = arith.minsi %min3A_72, %max3A_95 : vector<200x128xi32>
    %max3A_97 = arith.maxsi %min3A_72, %max3A_95 : vector<200x128xi32>
    %min3A_98 = arith.minsi %min3A_74, %max3A_97 : vector<200x128xi32>
    %get3A_99 = arith.constant 0 : index
    %get3A_100 = arith.constant 512 : index
    %get3A_101 = vector.load %arg5[%get3A_99, %get3A_100] : memref<200x10240xi32, #tpu.memory_space<vmem>>, vector<200x128xi32>
    %min3A_102 = arith.minsi %min3A_78, %get3A_101 : vector<200x128xi32>
    %max3A_103 = arith.maxsi %min3A_78, %get3A_101 : vector<200x128xi32>
    %min3A_104 = arith.minsi %min3A_80, %max3A_103 : vector<200x128xi32>
    %max3A_105 = arith.maxsi %min3A_80, %max3A_103 : vector<200x128xi32>
    %min3A_106 = arith.minsi %min3A_82, %max3A_105 : vector<200x128xi32>
    %max3A_107 = arith.maxsi %min3A_82, %max3A_105 : vector<200x128xi32>
    %min3A_108 = arith.minsi %min3A_84, %max3A_107 : vector<200x128xi32>
    %max3A_109 = arith.maxsi %min3A_84, %max3A_107 : vector<200x128xi32>
    %min3A_110 = arith.minsi %min3A_86, %max3A_109 : vector<200x128xi32>
    %get3A_111 = arith.constant 0 : index
    %get3A_112 = arith.constant 640 : index
    %get3A_113 = vector.load %arg5[%get3A_111, %get3A_112] : memref<200x10240xi32, #tpu.memory_space<vmem>>, vector<200x128xi32>
    %min3A_114 = arith.minsi %min3A_90, %get3A_113 : vector<200x128xi32>
    %max3A_115 = arith.maxsi %min3A_90, %get3A_113 : vector<200x128xi32>
    %min3A_116 = arith.minsi %min3A_92, %max3A_115 : vector<200x128xi32>
    %max3A_117 = arith.maxsi %min3A_92, %max3A_115 : vector<200x128xi32>
    %min3A_118 = arith.minsi %min3A_94, %max3A_117 : vector<200x128xi32>
    %max3A_119 = arith.maxsi %min3A_94, %max3A_117 : vector<200x128xi32>
    %min3A_120 = arith.minsi %min3A_96, %max3A_119 : vector<200x128xi32>
    %max3A_121 = arith.maxsi %min3A_96, %max3A_119 : vector<200x128xi32>
    %min3A_122 = arith.minsi %min3A_98, %max3A_121 : vector<200x128xi32>
    %get3A_123 = arith.constant 0 : index
    %get3A_124 = arith.constant 768 : index
    %get3A_125 = vector.load %arg5[%get3A_123, %get3A_124] : memref<200x10240xi32, #tpu.memory_space<vmem>>, vector<200x128xi32>
    %min3A_126 = arith.minsi %min3A_102, %get3A_125 : vector<200x128xi32>
    %max3A_127 = arith.maxsi %min3A_102, %get3A_125 : vector<200x128xi32>
    %min3A_128 = arith.minsi %min3A_104, %max3A_127 : vector<200x128xi32>
    %max3A_129 = arith.maxsi %min3A_104, %max3A_127 : vector<200x128xi32>
    %min3A_130 = arith.minsi %min3A_106, %max3A_129 : vector<200x128xi32>
    %max3A_131 = arith.maxsi %min3A_106, %max3A_129 : vector<200x128xi32>
    %min3A_132 = arith.minsi %min3A_108, %max3A_131 : vector<200x128xi32>
    %max3A_133 = arith.maxsi %min3A_108, %max3A_131 : vector<200x128xi32>
    %min3A_134 = arith.minsi %min3A_110, %max3A_133 : vector<200x128xi32>
    %get3A_135 = arith.constant 0 : index
    %get3A_136 = arith.constant 896 : index
    %get3A_137 = vector.load %arg5[%get3A_135, %get3A_136] : memref<200x10240xi32, #tpu.memory_space<vmem>>, vector<200x128xi32>
    %min3A_138 = arith.minsi %min3A_114, %get3A_137 : vector<200x128xi32>
    %max3A_139 = arith.maxsi %min3A_114, %get3A_137 : vector<200x128xi32>
    %min3A_140 = arith.minsi %min3A_116, %max3A_139 : vector<200x128xi32>
    %max3A_141 = arith.maxsi %min3A_116, %max3A_139 : vector<200x128xi32>
    %min3A_142 = arith.minsi %min3A_118, %max3A_141 : vector<200x128xi32>
    %max3A_143 = arith.maxsi %min3A_118, %max3A_141 : vector<200x128xi32>
    %min3A_144 = arith.minsi %min3A_120, %max3A_143 : vector<200x128xi32>
    %max3A_145 = arith.maxsi %min3A_120, %max3A_143 : vector<200x128xi32>
    %min3A_146 = arith.minsi %min3A_122, %max3A_145 : vector<200x128xi32>
    %get3A_147 = arith.constant 0 : index
    %get3A_148 = arith.constant 1024 : index
    %get3A_149 = vector.load %arg5[%get3A_147, %get3A_148] : memref<200x10240xi32, #tpu.memory_space<vmem>>, vector<200x128xi32>
    %min3A_150 = arith.minsi %min3A_126, %get3A_149 : vector<200x128xi32>
    %max3A_151 = arith.maxsi %min3A_126, %get3A_149 : vector<200x128xi32>
    %min3A_152 = arith.minsi %min3A_128, %max3A_151 : vector<200x128xi32>
    %max3A_153 = arith.maxsi %min3A_128, %max3A_151 : vector<200x128xi32>
    %min3A_154 = arith.minsi %min3A_130, %max3A_153 : vector<200x128xi32>
    %max3A_155 = arith.maxsi %min3A_130, %max3A_153 : vector<200x128xi32>
    %min3A_156 = arith.minsi %min3A_132, %max3A_155 : vector<200x128xi32>
    %max3A_157 = arith.maxsi %min3A_132, %max3A_155 : vector<200x128xi32>
    %min3A_158 = arith.minsi %min3A_134, %max3A_157 : vector<200x128xi32>
    %get3A_159 = arith.constant 0 : index
    %get3A_160 = arith.constant 1152 : index
    %get3A_161 = vector.load %arg5[%get3A_159, %get3A_160] : memref<200x10240xi32, #tpu.memory_space<vmem>>, vector<200x128xi32>
    %min3A_162 = arith.minsi %min3A_138, %get3A_161 : vector<200x128xi32>
    %max3A_163 = arith.maxsi %min3A_138, %get3A_161 : vector<200x128xi32>
    %min3A_164 = arith.minsi %min3A_140, %max3A_163 : vector<200x128xi32>
    %max3A_165 = arith.maxsi %min3A_140, %max3A_163 : vector<200x128xi32>
    %min3A_166 = arith.minsi %min3A_142, %max3A_165 : vector<200x128xi32>
    %max3A_167 = arith.maxsi %min3A_142, %max3A_165 : vector<200x128xi32>
    %min3A_168 = arith.minsi %min3A_144, %max3A_167 : vector<200x128xi32>
    %max3A_169 = arith.maxsi %min3A_144, %max3A_167 : vector<200x128xi32>
    %min3A_170 = arith.minsi %min3A_146, %max3A_169 : vector<200x128xi32>
    %get3A_171 = arith.constant 0 : index
    %get3A_172 = arith.constant 1280 : index
    %get3A_173 = vector.load %arg5[%get3A_171, %get3A_172] : memref<200x10240xi32, #tpu.memory_space<vmem>>, vector<200x128xi32>
    %min3A_174 = arith.minsi %min3A_150, %get3A_173 : vector<200x128xi32>
    %max3A_175 = arith.maxsi %min3A_150, %get3A_173 : vector<200x128xi32>
    %min3A_176 = arith.minsi %min3A_152, %max3A_175 : vector<200x128xi32>
    %max3A_177 = arith.maxsi %min3A_152, %max3A_175 : vector<200x128xi32>
    %min3A_178 = arith.minsi %min3A_154, %max3A_177 : vector<200x128xi32>
    %max3A_179 = arith.maxsi %min3A_154, %max3A_177 : vector<200x128xi32>
    %min3A_180 = arith.minsi %min3A_156, %max3A_179 : vector<200x128xi32>
    %max3A_181 = arith.maxsi %min3A_156, %max3A_179 : vector<200x128xi32>
    %min3A_182 = arith.minsi %min3A_158, %max3A_181 : vector<200x128xi32>
    %get3A_183 = arith.constant 0 : index
    %get3A_184 = arith.constant 1408 : index
    %get3A_185 = vector.load %arg5[%get3A_183, %get3A_184] : memref<200x10240xi32, #tpu.memory_space<vmem>>, vector<200x128xi32>
    %min3A_186 = arith.minsi %min3A_162, %get3A_185 : vector<200x128xi32>
    %max3A_187 = arith.maxsi %min3A_162, %get3A_185 : vector<200x128xi32>
    %min3A_188 = arith.minsi %min3A_164, %max3A_187 : vector<200x128xi32>
    %max3A_189 = arith.maxsi %min3A_164, %max3A_187 : vector<200x128xi32>
    %min3A_190 = arith.minsi %min3A_166, %max3A_189 : vector<200x128xi32>
    %max3A_191 = arith.maxsi %min3A_166, %max3A_189 : vector<200x128xi32>
    %min3A_192 = arith.minsi %min3A_168, %max3A_191 : vector<200x128xi32>
    %max3A_193 = arith.maxsi %min3A_168, %max3A_191 : vector<200x128xi32>
    %min3A_194 = arith.minsi %min3A_170, %max3A_193 : vector<200x128xi32>
    %get3A_195 = arith.constant 0 : index
    %get3A_196 = arith.constant 1536 : index
    %get3A_197 = vector.load %arg5[%get3A_195, %get3A_196] : memref<200x10240xi32, #tpu.memory_space<vmem>>, vector<200x128xi32>
    %min3A_198 = arith.minsi %min3A_174, %get3A_197 : vector<200x128xi32>
    %max3A_199 = arith.maxsi %min3A_174, %get3A_197 : vector<200x128xi32>
    %min3A_200 = arith.minsi %min3A_176, %max3A_199 : vector<200x128xi32>
    %max3A_201 = arith.maxsi %min3A_176, %max3A_199 : vector<200x128xi32>
    %min3A_202 = arith.minsi %min3A_178, %max3A_201 : vector<200x128xi32>
    %max3A_203 = arith.maxsi %min3A_178, %max3A_201 : vector<200x128xi32>
    %min3A_204 = arith.minsi %min3A_180, %max3A_203 : vector<200x128xi32>
    %max3A_205 = arith.maxsi %min3A_180, %max3A_203 : vector<200x128xi32>
    %min3A_206 = arith.minsi %min3A_182, %max3A_205 : vector<200x128xi32>
    %get3A_207 = arith.constant 0 : index
    %get3A_208 = arith.constant 1664 : index
    %get3A_209 = vector.load %arg5[%get3A_207, %get3A_208] : memref<200x10240xi32, #tpu.memory_space<vmem>>, vector<200x128xi32>
    %min3A_210 = arith.minsi %min3A_186, %get3A_209 : vector<200x128xi32>
    %max3A_211 = arith.maxsi %min3A_186, %get3A_209 : vector<200x128xi32>
    %min3A_212 = arith.minsi %min3A_188, %max3A_211 : vector<200x128xi32>
    %max3A_213 = arith.maxsi %min3A_188, %max3A_211 : vector<200x128xi32>
    %min3A_214 = arith.minsi %min3A_190, %max3A_213 : vector<200x128xi32>
    %max3A_215 = arith.maxsi %min3A_190, %max3A_213 : vector<200x128xi32>
    %min3A_216 = arith.minsi %min3A_192, %max3A_215 : vector<200x128xi32>
    %max3A_217 = arith.maxsi %min3A_192, %max3A_215 : vector<200x128xi32>
    %min3A_218 = arith.minsi %min3A_194, %max3A_217 : vector<200x128xi32>
    %get3A_219 = arith.constant 0 : index
    %get3A_220 = arith.constant 1792 : index
    %get3A_221 = vector.load %arg5[%get3A_219, %get3A_220] : memref<200x10240xi32, #tpu.memory_space<vmem>>, vector<200x128xi32>
    %min3A_222 = arith.minsi %min3A_198, %get3A_221 : vector<200x128xi32>
    %max3A_223 = arith.maxsi %min3A_198, %get3A_221 : vector<200x128xi32>
    %min3A_224 = arith.minsi %min3A_200, %max3A_223 : vector<200x128xi32>
    %max3A_225 = arith.maxsi %min3A_200, %max3A_223 : vector<200x128xi32>
    %min3A_226 = arith.minsi %min3A_202, %max3A_225 : vector<200x128xi32>
    %max3A_227 = arith.maxsi %min3A_202, %max3A_225 : vector<200x128xi32>
    %min3A_228 = arith.minsi %min3A_204, %max3A_227 : vector<200x128xi32>
    %max3A_229 = arith.maxsi %min3A_204, %max3A_227 : vector<200x128xi32>
    %min3A_230 = arith.minsi %min3A_206, %max3A_229 : vector<200x128xi32>
    %get3A_231 = arith.constant 0 : index
    %get3A_232 = arith.constant 1920 : index
    %get3A_233 = vector.load %arg5[%get3A_231, %get3A_232] : memref<200x10240xi32, #tpu.memory_space<vmem>>, vector<200x128xi32>
    %min3A_234 = arith.minsi %min3A_210, %get3A_233 : vector<200x128xi32>
    %max3A_235 = arith.maxsi %min3A_210, %get3A_233 : vector<200x128xi32>
    %min3A_236 = arith.minsi %min3A_212, %max3A_235 : vector<200x128xi32>
    %max3A_237 = arith.maxsi %min3A_212, %max3A_235 : vector<200x128xi32>
    %min3A_238 = arith.minsi %min3A_214, %max3A_237 : vector<200x128xi32>
    %max3A_239 = arith.maxsi %min3A_214, %max3A_237 : vector<200x128xi32>
    %min3A_240 = arith.minsi %min3A_216, %max3A_239 : vector<200x128xi32>
    %max3A_241 = arith.maxsi %min3A_216, %max3A_239 : vector<200x128xi32>
    %min3A_242 = arith.minsi %min3A_218, %max3A_241 : vector<200x128xi32>
    %get3A_243 = arith.constant 0 : index
    %get3A_244 = arith.constant 2048 : index
    %get3A_245 = vector.load %arg5[%get3A_243, %get3A_244] : memref<200x10240xi32, #tpu.memory_space<vmem>>, vector<200x128xi32>
    %min3A_246 = arith.minsi %min3A_222, %get3A_245 : vector<200x128xi32>
    %max3A_247 = arith.maxsi %min3A_222, %get3A_245 : vector<200x128xi32>
    %min3A_248 = arith.minsi %min3A_224, %max3A_247 : vector<200x128xi32>
    %max3A_249 = arith.maxsi %min3A_224, %max3A_247 : vector<200x128xi32>
    %min3A_250 = arith.minsi %min3A_226, %max3A_249 : vector<200x128xi32>
    %max3A_251 = arith.maxsi %min3A_226, %max3A_249 : vector<200x128xi32>
    %min3A_252 = arith.minsi %min3A_228, %max3A_251 : vector<200x128xi32>
    %max3A_253 = arith.maxsi %min3A_228, %max3A_251 : vector<200x128xi32>
    %min3A_254 = arith.minsi %min3A_230, %max3A_253 : vector<200x128xi32>
    %get3A_255 = arith.constant 0 : index
    %get3A_256 = arith.constant 2176 : index
    %get3A_257 = vector.load %arg5[%get3A_255, %get3A_256] : memref<200x10240xi32, #tpu.memory_space<vmem>>, vector<200x128xi32>
    %min3A_258 = arith.minsi %min3A_234, %get3A_257 : vector<200x128xi32>
    %max3A_259 = arith.maxsi %min3A_234, %get3A_257 : vector<200x128xi32>
    %min3A_260 = arith.minsi %min3A_236, %max3A_259 : vector<200x128xi32>
    %max3A_261 = arith.maxsi %min3A_236, %max3A_259 : vector<200x128xi32>
    %min3A_262 = arith.minsi %min3A_238, %max3A_261 : vector<200x128xi32>
    %max3A_263 = arith.maxsi %min3A_238, %max3A_261 : vector<200x128xi32>
    %min3A_264 = arith.minsi %min3A_240, %max3A_263 : vector<200x128xi32>
    %max3A_265 = arith.maxsi %min3A_240, %max3A_263 : vector<200x128xi32>
    %min3A_266 = arith.minsi %min3A_242, %max3A_265 : vector<200x128xi32>
    %get3A_267 = arith.constant 0 : index
    %get3A_268 = arith.constant 2304 : index
    %get3A_269 = vector.load %arg5[%get3A_267, %get3A_268] : memref<200x10240xi32, #tpu.memory_space<vmem>>, vector<200x128xi32>
    %min3A_270 = arith.minsi %min3A_246, %get3A_269 : vector<200x128xi32>
    %max3A_271 = arith.maxsi %min3A_246, %get3A_269 : vector<200x128xi32>
    %min3A_272 = arith.minsi %min3A_248, %max3A_271 : vector<200x128xi32>
    %max3A_273 = arith.maxsi %min3A_248, %max3A_271 : vector<200x128xi32>
    %min3A_274 = arith.minsi %min3A_250, %max3A_273 : vector<200x128xi32>
    %max3A_275 = arith.maxsi %min3A_250, %max3A_273 : vector<200x128xi32>
    %min3A_276 = arith.minsi %min3A_252, %max3A_275 : vector<200x128xi32>
    %max3A_277 = arith.maxsi %min3A_252, %max3A_275 : vector<200x128xi32>
    %min3A_278 = arith.minsi %min3A_254, %max3A_277 : vector<200x128xi32>
    %get3A_279 = arith.constant 0 : index
    %get3A_280 = arith.constant 2432 : index
    %get3A_281 = vector.load %arg5[%get3A_279, %get3A_280] : memref<200x10240xi32, #tpu.memory_space<vmem>>, vector<200x128xi32>
    %min3A_282 = arith.minsi %min3A_258, %get3A_281 : vector<200x128xi32>
    %max3A_283 = arith.maxsi %min3A_258, %get3A_281 : vector<200x128xi32>
    %min3A_284 = arith.minsi %min3A_260, %max3A_283 : vector<200x128xi32>
    %max3A_285 = arith.maxsi %min3A_260, %max3A_283 : vector<200x128xi32>
    %min3A_286 = arith.minsi %min3A_262, %max3A_285 : vector<200x128xi32>
    %max3A_287 = arith.maxsi %min3A_262, %max3A_285 : vector<200x128xi32>
    %min3A_288 = arith.minsi %min3A_264, %max3A_287 : vector<200x128xi32>
    %max3A_289 = arith.maxsi %min3A_264, %max3A_287 : vector<200x128xi32>
    %min3A_290 = arith.minsi %min3A_266, %max3A_289 : vector<200x128xi32>
    %get3A_291 = arith.constant 0 : index
    %get3A_292 = arith.constant 2560 : index
    %get3A_293 = vector.load %arg5[%get3A_291, %get3A_292] : memref<200x10240xi32, #tpu.memory_space<vmem>>, vector<200x128xi32>
    %min3A_294 = arith.minsi %min3A_270, %get3A_293 : vector<200x128xi32>
    %max3A_295 = arith.maxsi %min3A_270, %get3A_293 : vector<200x128xi32>
    %min3A_296 = arith.minsi %min3A_272, %max3A_295 : vector<200x128xi32>
    %max3A_297 = arith.maxsi %min3A_272, %max3A_295 : vector<200x128xi32>
    %min3A_298 = arith.minsi %min3A_274, %max3A_297 : vector<200x128xi32>
    %max3A_299 = arith.maxsi %min3A_274, %max3A_297 : vector<200x128xi32>
    %min3A_300 = arith.minsi %min3A_276, %max3A_299 : vector<200x128xi32>
    %max3A_301 = arith.maxsi %min3A_276, %max3A_299 : vector<200x128xi32>
    %min3A_302 = arith.minsi %min3A_278, %max3A_301 : vector<200x128xi32>
    %get3A_303 = arith.constant 0 : index
    %get3A_304 = arith.constant 2688 : index
    %get3A_305 = vector.load %arg5[%get3A_303, %get3A_304] : memref<200x10240xi32, #tpu.memory_space<vmem>>, vector<200x128xi32>
    %min3A_306 = arith.minsi %min3A_282, %get3A_305 : vector<200x128xi32>
    %max3A_307 = arith.maxsi %min3A_282, %get3A_305 : vector<200x128xi32>
    %min3A_308 = arith.minsi %min3A_284, %max3A_307 : vector<200x128xi32>
    %max3A_309 = arith.maxsi %min3A_284, %max3A_307 : vector<200x128xi32>
    %min3A_310 = arith.minsi %min3A_286, %max3A_309 : vector<200x128xi32>
    %max3A_311 = arith.maxsi %min3A_286, %max3A_309 : vector<200x128xi32>
    %min3A_312 = arith.minsi %min3A_288, %max3A_311 : vector<200x128xi32>
    %max3A_313 = arith.maxsi %min3A_288, %max3A_311 : vector<200x128xi32>
    %min3A_314 = arith.minsi %min3A_290, %max3A_313 : vector<200x128xi32>
    %get3A_315 = arith.constant 0 : index
    %get3A_316 = arith.constant 2816 : index
    %get3A_317 = vector.load %arg5[%get3A_315, %get3A_316] : memref<200x10240xi32, #tpu.memory_space<vmem>>, vector<200x128xi32>
    %min3A_318 = arith.minsi %min3A_294, %get3A_317 : vector<200x128xi32>
    %max3A_319 = arith.maxsi %min3A_294, %get3A_317 : vector<200x128xi32>
    %min3A_320 = arith.minsi %min3A_296, %max3A_319 : vector<200x128xi32>
    %max3A_321 = arith.maxsi %min3A_296, %max3A_319 : vector<200x128xi32>
    %min3A_322 = arith.minsi %min3A_298, %max3A_321 : vector<200x128xi32>
    %max3A_323 = arith.maxsi %min3A_298, %max3A_321 : vector<200x128xi32>
    %min3A_324 = arith.minsi %min3A_300, %max3A_323 : vector<200x128xi32>
    %max3A_325 = arith.maxsi %min3A_300, %max3A_323 : vector<200x128xi32>
    %min3A_326 = arith.minsi %min3A_302, %max3A_325 : vector<200x128xi32>
    %get3A_327 = arith.constant 0 : index
    %get3A_328 = arith.constant 2944 : index
    %get3A_329 = vector.load %arg5[%get3A_327, %get3A_328] : memref<200x10240xi32, #tpu.memory_space<vmem>>, vector<200x128xi32>
    %min3A_330 = arith.minsi %min3A_306, %get3A_329 : vector<200x128xi32>
    %max3A_331 = arith.maxsi %min3A_306, %get3A_329 : vector<200x128xi32>
    %min3A_332 = arith.minsi %min3A_308, %max3A_331 : vector<200x128xi32>
    %max3A_333 = arith.maxsi %min3A_308, %max3A_331 : vector<200x128xi32>
    %min3A_334 = arith.minsi %min3A_310, %max3A_333 : vector<200x128xi32>
    %max3A_335 = arith.maxsi %min3A_310, %max3A_333 : vector<200x128xi32>
    %min3A_336 = arith.minsi %min3A_312, %max3A_335 : vector<200x128xi32>
    %max3A_337 = arith.maxsi %min3A_312, %max3A_335 : vector<200x128xi32>
    %min3A_338 = arith.minsi %min3A_314, %max3A_337 : vector<200x128xi32>
    %get3A_339 = arith.constant 0 : index
    %get3A_340 = arith.constant 3072 : index
    %get3A_341 = vector.load %arg5[%get3A_339, %get3A_340] : memref<200x10240xi32, #tpu.memory_space<vmem>>, vector<200x128xi32>
    %min3A_342 = arith.minsi %min3A_318, %get3A_341 : vector<200x128xi32>
    %max3A_343 = arith.maxsi %min3A_318, %get3A_341 : vector<200x128xi32>
    %min3A_344 = arith.minsi %min3A_320, %max3A_343 : vector<200x128xi32>
    %max3A_345 = arith.maxsi %min3A_320, %max3A_343 : vector<200x128xi32>
    %min3A_346 = arith.minsi %min3A_322, %max3A_345 : vector<200x128xi32>
    %max3A_347 = arith.maxsi %min3A_322, %max3A_345 : vector<200x128xi32>
    %min3A_348 = arith.minsi %min3A_324, %max3A_347 : vector<200x128xi32>
    %max3A_349 = arith.maxsi %min3A_324, %max3A_347 : vector<200x128xi32>
    %min3A_350 = arith.minsi %min3A_326, %max3A_349 : vector<200x128xi32>
    %get3A_351 = arith.constant 0 : index
    %get3A_352 = arith.constant 3200 : index
    %get3A_353 = vector.load %arg5[%get3A_351, %get3A_352] : memref<200x10240xi32, #tpu.memory_space<vmem>>, vector<200x128xi32>
    %min3A_354 = arith.minsi %min3A_330, %get3A_353 : vector<200x128xi32>
    %max3A_355 = arith.maxsi %min3A_330, %get3A_353 : vector<200x128xi32>
    %min3A_356 = arith.minsi %min3A_332, %max3A_355 : vector<200x128xi32>
    %max3A_357 = arith.maxsi %min3A_332, %max3A_355 : vector<200x128xi32>
    %min3A_358 = arith.minsi %min3A_334, %max3A_357 : vector<200x128xi32>
    %max3A_359 = arith.maxsi %min3A_334, %max3A_357 : vector<200x128xi32>
    %min3A_360 = arith.minsi %min3A_336, %max3A_359 : vector<200x128xi32>
    %max3A_361 = arith.maxsi %min3A_336, %max3A_359 : vector<200x128xi32>
    %min3A_362 = arith.minsi %min3A_338, %max3A_361 : vector<200x128xi32>
    %get3A_363 = arith.constant 0 : index
    %get3A_364 = arith.constant 3328 : index
    %get3A_365 = vector.load %arg5[%get3A_363, %get3A_364] : memref<200x10240xi32, #tpu.memory_space<vmem>>, vector<200x128xi32>
    %min3A_366 = arith.minsi %min3A_342, %get3A_365 : vector<200x128xi32>
    %max3A_367 = arith.maxsi %min3A_342, %get3A_365 : vector<200x128xi32>
    %min3A_368 = arith.minsi %min3A_344, %max3A_367 : vector<200x128xi32>
    %max3A_369 = arith.maxsi %min3A_344, %max3A_367 : vector<200x128xi32>
    %min3A_370 = arith.minsi %min3A_346, %max3A_369 : vector<200x128xi32>
    %max3A_371 = arith.maxsi %min3A_346, %max3A_369 : vector<200x128xi32>
    %min3A_372 = arith.minsi %min3A_348, %max3A_371 : vector<200x128xi32>
    %max3A_373 = arith.maxsi %min3A_348, %max3A_371 : vector<200x128xi32>
    %min3A_374 = arith.minsi %min3A_350, %max3A_373 : vector<200x128xi32>
    %get3A_375 = arith.constant 0 : index
    %get3A_376 = arith.constant 3456 : index
    %get3A_377 = vector.load %arg5[%get3A_375, %get3A_376] : memref<200x10240xi32, #tpu.memory_space<vmem>>, vector<200x128xi32>
    %min3A_378 = arith.minsi %min3A_354, %get3A_377 : vector<200x128xi32>
    %max3A_379 = arith.maxsi %min3A_354, %get3A_377 : vector<200x128xi32>
    %min3A_380 = arith.minsi %min3A_356, %max3A_379 : vector<200x128xi32>
    %max3A_381 = arith.maxsi %min3A_356, %max3A_379 : vector<200x128xi32>
    %min3A_382 = arith.minsi %min3A_358, %max3A_381 : vector<200x128xi32>
    %max3A_383 = arith.maxsi %min3A_358, %max3A_381 : vector<200x128xi32>
    %min3A_384 = arith.minsi %min3A_360, %max3A_383 : vector<200x128xi32>
    %max3A_385 = arith.maxsi %min3A_360, %max3A_383 : vector<200x128xi32>
    %min3A_386 = arith.minsi %min3A_362, %max3A_385 : vector<200x128xi32>
    %get3A_387 = arith.constant 0 : index
    %get3A_388 = arith.constant 3584 : index
    %get3A_389 = vector.load %arg5[%get3A_387, %get3A_388] : memref<200x10240xi32, #tpu.memory_space<vmem>>, vector<200x128xi32>
    %min3A_390 = arith.minsi %min3A_366, %get3A_389 : vector<200x128xi32>
    %max3A_391 = arith.maxsi %min3A_366, %get3A_389 : vector<200x128xi32>
    %min3A_392 = arith.minsi %min3A_368, %max3A_391 : vector<200x128xi32>
    %max3A_393 = arith.maxsi %min3A_368, %max3A_391 : vector<200x128xi32>
    %min3A_394 = arith.minsi %min3A_370, %max3A_393 : vector<200x128xi32>
    %max3A_395 = arith.maxsi %min3A_370, %max3A_393 : vector<200x128xi32>
    %min3A_396 = arith.minsi %min3A_372, %max3A_395 : vector<200x128xi32>
    %max3A_397 = arith.maxsi %min3A_372, %max3A_395 : vector<200x128xi32>
    %min3A_398 = arith.minsi %min3A_374, %max3A_397 : vector<200x128xi32>
    %get3A_399 = arith.constant 0 : index
    %get3A_400 = arith.constant 3712 : index
    %get3A_401 = vector.load %arg5[%get3A_399, %get3A_400] : memref<200x10240xi32, #tpu.memory_space<vmem>>, vector<200x128xi32>
    %min3A_402 = arith.minsi %min3A_378, %get3A_401 : vector<200x128xi32>
    %max3A_403 = arith.maxsi %min3A_378, %get3A_401 : vector<200x128xi32>
    %min3A_404 = arith.minsi %min3A_380, %max3A_403 : vector<200x128xi32>
    %max3A_405 = arith.maxsi %min3A_380, %max3A_403 : vector<200x128xi32>
    %min3A_406 = arith.minsi %min3A_382, %max3A_405 : vector<200x128xi32>
    %max3A_407 = arith.maxsi %min3A_382, %max3A_405 : vector<200x128xi32>
    %min3A_408 = arith.minsi %min3A_384, %max3A_407 : vector<200x128xi32>
    %max3A_409 = arith.maxsi %min3A_384, %max3A_407 : vector<200x128xi32>
    %min3A_410 = arith.minsi %min3A_386, %max3A_409 : vector<200x128xi32>
    %get3A_411 = arith.constant 0 : index
    %get3A_412 = arith.constant 3840 : index
    %get3A_413 = vector.load %arg5[%get3A_411, %get3A_412] : memref<200x10240xi32, #tpu.memory_space<vmem>>, vector<200x128xi32>
    %min3A_414 = arith.minsi %min3A_390, %get3A_413 : vector<200x128xi32>
    %max3A_415 = arith.maxsi %min3A_390, %get3A_413 : vector<200x128xi32>
    %min3A_416 = arith.minsi %min3A_392, %max3A_415 : vector<200x128xi32>
    %max3A_417 = arith.maxsi %min3A_392, %max3A_415 : vector<200x128xi32>
    %min3A_418 = arith.minsi %min3A_394, %max3A_417 : vector<200x128xi32>
    %max3A_419 = arith.maxsi %min3A_394, %max3A_417 : vector<200x128xi32>
    %min3A_420 = arith.minsi %min3A_396, %max3A_419 : vector<200x128xi32>
    %max3A_421 = arith.maxsi %min3A_396, %max3A_419 : vector<200x128xi32>
    %min3A_422 = arith.minsi %min3A_398, %max3A_421 : vector<200x128xi32>
    %get3A_423 = arith.constant 0 : index
    %get3A_424 = arith.constant 3968 : index
    %get3A_425 = vector.load %arg5[%get3A_423, %get3A_424] : memref<200x10240xi32, #tpu.memory_space<vmem>>, vector<200x128xi32>
    %min3A_426 = arith.minsi %min3A_402, %get3A_425 : vector<200x128xi32>
    %max3A_427 = arith.maxsi %min3A_402, %get3A_425 : vector<200x128xi32>
    %min3A_428 = arith.minsi %min3A_404, %max3A_427 : vector<200x128xi32>
    %max3A_429 = arith.maxsi %min3A_404, %max3A_427 : vector<200x128xi32>
    %min3A_430 = arith.minsi %min3A_406, %max3A_429 : vector<200x128xi32>
    %max3A_431 = arith.maxsi %min3A_406, %max3A_429 : vector<200x128xi32>
    %min3A_432 = arith.minsi %min3A_408, %max3A_431 : vector<200x128xi32>
    %max3A_433 = arith.maxsi %min3A_408, %max3A_431 : vector<200x128xi32>
    %min3A_434 = arith.minsi %min3A_410, %max3A_433 : vector<200x128xi32>
    %get3A_435 = arith.constant 0 : index
    %get3A_436 = arith.constant 4096 : index
    %get3A_437 = vector.load %arg5[%get3A_435, %get3A_436] : memref<200x10240xi32, #tpu.memory_space<vmem>>, vector<200x128xi32>
    %min3A_438 = arith.minsi %min3A_414, %get3A_437 : vector<200x128xi32>
    %max3A_439 = arith.maxsi %min3A_414, %get3A_437 : vector<200x128xi32>
    %min3A_440 = arith.minsi %min3A_416, %max3A_439 : vector<200x128xi32>
    %max3A_441 = arith.maxsi %min3A_416, %max3A_439 : vector<200x128xi32>
    %min3A_442 = arith.minsi %min3A_418, %max3A_441 : vector<200x128xi32>
    %max3A_443 = arith.maxsi %min3A_418, %max3A_441 : vector<200x128xi32>
    %min3A_444 = arith.minsi %min3A_420, %max3A_443 : vector<200x128xi32>
    %max3A_445 = arith.maxsi %min3A_420, %max3A_443 : vector<200x128xi32>
    %min3A_446 = arith.minsi %min3A_422, %max3A_445 : vector<200x128xi32>
    %get3A_447 = arith.constant 0 : index
    %get3A_448 = arith.constant 4224 : index
    %get3A_449 = vector.load %arg5[%get3A_447, %get3A_448] : memref<200x10240xi32, #tpu.memory_space<vmem>>, vector<200x128xi32>
    %min3A_450 = arith.minsi %min3A_426, %get3A_449 : vector<200x128xi32>
    %max3A_451 = arith.maxsi %min3A_426, %get3A_449 : vector<200x128xi32>
    %min3A_452 = arith.minsi %min3A_428, %max3A_451 : vector<200x128xi32>
    %max3A_453 = arith.maxsi %min3A_428, %max3A_451 : vector<200x128xi32>
    %min3A_454 = arith.minsi %min3A_430, %max3A_453 : vector<200x128xi32>
    %max3A_455 = arith.maxsi %min3A_430, %max3A_453 : vector<200x128xi32>
    %min3A_456 = arith.minsi %min3A_432, %max3A_455 : vector<200x128xi32>
    %max3A_457 = arith.maxsi %min3A_432, %max3A_455 : vector<200x128xi32>
    %min3A_458 = arith.minsi %min3A_434, %max3A_457 : vector<200x128xi32>
    %get3A_459 = arith.constant 0 : index
    %get3A_460 = arith.constant 4352 : index
    %get3A_461 = vector.load %arg5[%get3A_459, %get3A_460] : memref<200x10240xi32, #tpu.memory_space<vmem>>, vector<200x128xi32>
    %min3A_462 = arith.minsi %min3A_438, %get3A_461 : vector<200x128xi32>
    %max3A_463 = arith.maxsi %min3A_438, %get3A_461 : vector<200x128xi32>
    %min3A_464 = arith.minsi %min3A_440, %max3A_463 : vector<200x128xi32>
    %max3A_465 = arith.maxsi %min3A_440, %max3A_463 : vector<200x128xi32>
    %min3A_466 = arith.minsi %min3A_442, %max3A_465 : vector<200x128xi32>
    %max3A_467 = arith.maxsi %min3A_442, %max3A_465 : vector<200x128xi32>
    %min3A_468 = arith.minsi %min3A_444, %max3A_467 : vector<200x128xi32>
    %max3A_469 = arith.maxsi %min3A_444, %max3A_467 : vector<200x128xi32>
    %min3A_470 = arith.minsi %min3A_446, %max3A_469 : vector<200x128xi32>
    %get3A_471 = arith.constant 0 : index
    %get3A_472 = arith.constant 4480 : index
    %get3A_473 = vector.load %arg5[%get3A_471, %get3A_472] : memref<200x10240xi32, #tpu.memory_space<vmem>>, vector<200x128xi32>
    %min3A_474 = arith.minsi %min3A_450, %get3A_473 : vector<200x128xi32>
    %max3A_475 = arith.maxsi %min3A_450, %get3A_473 : vector<200x128xi32>
    %min3A_476 = arith.minsi %min3A_452, %max3A_475 : vector<200x128xi32>
    %max3A_477 = arith.maxsi %min3A_452, %max3A_475 : vector<200x128xi32>
    %min3A_478 = arith.minsi %min3A_454, %max3A_477 : vector<200x128xi32>
    %max3A_479 = arith.maxsi %min3A_454, %max3A_477 : vector<200x128xi32>
    %min3A_480 = arith.minsi %min3A_456, %max3A_479 : vector<200x128xi32>
    %max3A_481 = arith.maxsi %min3A_456, %max3A_479 : vector<200x128xi32>
    %min3A_482 = arith.minsi %min3A_458, %max3A_481 : vector<200x128xi32>
    %get3A_483 = arith.constant 0 : index
    %get3A_484 = arith.constant 4608 : index
    %get3A_485 = vector.load %arg5[%get3A_483, %get3A_484] : memref<200x10240xi32, #tpu.memory_space<vmem>>, vector<200x128xi32>
    %min3A_486 = arith.minsi %min3A_462, %get3A_485 : vector<200x128xi32>
    %max3A_487 = arith.maxsi %min3A_462, %get3A_485 : vector<200x128xi32>
    %min3A_488 = arith.minsi %min3A_464, %max3A_487 : vector<200x128xi32>
    %max3A_489 = arith.maxsi %min3A_464, %max3A_487 : vector<200x128xi32>
    %min3A_490 = arith.minsi %min3A_466, %max3A_489 : vector<200x128xi32>
    %max3A_491 = arith.maxsi %min3A_466, %max3A_489 : vector<200x128xi32>
    %min3A_492 = arith.minsi %min3A_468, %max3A_491 : vector<200x128xi32>
    %max3A_493 = arith.maxsi %min3A_468, %max3A_491 : vector<200x128xi32>
    %min3A_494 = arith.minsi %min3A_470, %max3A_493 : vector<200x128xi32>
    %get3A_495 = arith.constant 0 : index
    %get3A_496 = arith.constant 4736 : index
    %get3A_497 = vector.load %arg5[%get3A_495, %get3A_496] : memref<200x10240xi32, #tpu.memory_space<vmem>>, vector<200x128xi32>
    %min3A_498 = arith.minsi %min3A_474, %get3A_497 : vector<200x128xi32>
    %max3A_499 = arith.maxsi %min3A_474, %get3A_497 : vector<200x128xi32>
    %min3A_500 = arith.minsi %min3A_476, %max3A_499 : vector<200x128xi32>
    %max3A_501 = arith.maxsi %min3A_476, %max3A_499 : vector<200x128xi32>
    %min3A_502 = arith.minsi %min3A_478, %max3A_501 : vector<200x128xi32>
    %max3A_503 = arith.maxsi %min3A_478, %max3A_501 : vector<200x128xi32>
    %min3A_504 = arith.minsi %min3A_480, %max3A_503 : vector<200x128xi32>
    %max3A_505 = arith.maxsi %min3A_480, %max3A_503 : vector<200x128xi32>
    %min3A_506 = arith.minsi %min3A_482, %max3A_505 : vector<200x128xi32>
    %get3A_507 = arith.constant 0 : index
    %get3A_508 = arith.constant 4864 : index
    %get3A_509 = vector.load %arg5[%get3A_507, %get3A_508] : memref<200x10240xi32, #tpu.memory_space<vmem>>, vector<200x128xi32>
    %min3A_510 = arith.minsi %min3A_486, %get3A_509 : vector<200x128xi32>
    %max3A_511 = arith.maxsi %min3A_486, %get3A_509 : vector<200x128xi32>
    %min3A_512 = arith.minsi %min3A_488, %max3A_511 : vector<200x128xi32>
    %max3A_513 = arith.maxsi %min3A_488, %max3A_511 : vector<200x128xi32>
    %min3A_514 = arith.minsi %min3A_490, %max3A_513 : vector<200x128xi32>
    %max3A_515 = arith.maxsi %min3A_490, %max3A_513 : vector<200x128xi32>
    %min3A_516 = arith.minsi %min3A_492, %max3A_515 : vector<200x128xi32>
    %max3A_517 = arith.maxsi %min3A_492, %max3A_515 : vector<200x128xi32>
    %min3A_518 = arith.minsi %min3A_494, %max3A_517 : vector<200x128xi32>
    %get3A_519 = arith.constant 0 : index
    %get3A_520 = arith.constant 4992 : index
    %get3A_521 = vector.load %arg5[%get3A_519, %get3A_520] : memref<200x10240xi32, #tpu.memory_space<vmem>>, vector<200x128xi32>
    %min3A_522 = arith.minsi %min3A_498, %get3A_521 : vector<200x128xi32>
    %max3A_523 = arith.maxsi %min3A_498, %get3A_521 : vector<200x128xi32>
    %min3A_524 = arith.minsi %min3A_500, %max3A_523 : vector<200x128xi32>
    %max3A_525 = arith.maxsi %min3A_500, %max3A_523 : vector<200x128xi32>
    %min3A_526 = arith.minsi %min3A_502, %max3A_525 : vector<200x128xi32>
    %max3A_527 = arith.maxsi %min3A_502, %max3A_525 : vector<200x128xi32>
    %min3A_528 = arith.minsi %min3A_504, %max3A_527 : vector<200x128xi32>
    %max3A_529 = arith.maxsi %min3A_504, %max3A_527 : vector<200x128xi32>
    %min3A_530 = arith.minsi %min3A_506, %max3A_529 : vector<200x128xi32>
    %get3A_531 = arith.constant 0 : index
    %get3A_532 = arith.constant 5120 : index
    %get3A_533 = vector.load %arg5[%get3A_531, %get3A_532] : memref<200x10240xi32, #tpu.memory_space<vmem>>, vector<200x128xi32>
    %min3A_534 = arith.minsi %min3A_510, %get3A_533 : vector<200x128xi32>
    %max3A_535 = arith.maxsi %min3A_510, %get3A_533 : vector<200x128xi32>
    %min3A_536 = arith.minsi %min3A_512, %max3A_535 : vector<200x128xi32>
    %max3A_537 = arith.maxsi %min3A_512, %max3A_535 : vector<200x128xi32>
    %min3A_538 = arith.minsi %min3A_514, %max3A_537 : vector<200x128xi32>
    %max3A_539 = arith.maxsi %min3A_514, %max3A_537 : vector<200x128xi32>
    %min3A_540 = arith.minsi %min3A_516, %max3A_539 : vector<200x128xi32>
    %max3A_541 = arith.maxsi %min3A_516, %max3A_539 : vector<200x128xi32>
    %min3A_542 = arith.minsi %min3A_518, %max3A_541 : vector<200x128xi32>
    %get3A_543 = arith.constant 0 : index
    %get3A_544 = arith.constant 5248 : index
    %get3A_545 = vector.load %arg5[%get3A_543, %get3A_544] : memref<200x10240xi32, #tpu.memory_space<vmem>>, vector<200x128xi32>
    %min3A_546 = arith.minsi %min3A_522, %get3A_545 : vector<200x128xi32>
    %max3A_547 = arith.maxsi %min3A_522, %get3A_545 : vector<200x128xi32>
    %min3A_548 = arith.minsi %min3A_524, %max3A_547 : vector<200x128xi32>
    %max3A_549 = arith.maxsi %min3A_524, %max3A_547 : vector<200x128xi32>
    %min3A_550 = arith.minsi %min3A_526, %max3A_549 : vector<200x128xi32>
    %max3A_551 = arith.maxsi %min3A_526, %max3A_549 : vector<200x128xi32>
    %min3A_552 = arith.minsi %min3A_528, %max3A_551 : vector<200x128xi32>
    %max3A_553 = arith.maxsi %min3A_528, %max3A_551 : vector<200x128xi32>
    %min3A_554 = arith.minsi %min3A_530, %max3A_553 : vector<200x128xi32>
    %get3A_555 = arith.constant 0 : index
    %get3A_556 = arith.constant 5376 : index
    %get3A_557 = vector.load %arg5[%get3A_555, %get3A_556] : memref<200x10240xi32, #tpu.memory_space<vmem>>, vector<200x128xi32>
    %min3A_558 = arith.minsi %min3A_534, %get3A_557 : vector<200x128xi32>
    %max3A_559 = arith.maxsi %min3A_534, %get3A_557 : vector<200x128xi32>
    %min3A_560 = arith.minsi %min3A_536, %max3A_559 : vector<200x128xi32>
    %max3A_561 = arith.maxsi %min3A_536, %max3A_559 : vector<200x128xi32>
    %min3A_562 = arith.minsi %min3A_538, %max3A_561 : vector<200x128xi32>
    %max3A_563 = arith.maxsi %min3A_538, %max3A_561 : vector<200x128xi32>
    %min3A_564 = arith.minsi %min3A_540, %max3A_563 : vector<200x128xi32>
    %max3A_565 = arith.maxsi %min3A_540, %max3A_563 : vector<200x128xi32>
    %min3A_566 = arith.minsi %min3A_542, %max3A_565 : vector<200x128xi32>
    %get3A_567 = arith.constant 0 : index
    %get3A_568 = arith.constant 5504 : index
    %get3A_569 = vector.load %arg5[%get3A_567, %get3A_568] : memref<200x10240xi32, #tpu.memory_space<vmem>>, vector<200x128xi32>
    %min3A_570 = arith.minsi %min3A_546, %get3A_569 : vector<200x128xi32>
    %max3A_571 = arith.maxsi %min3A_546, %get3A_569 : vector<200x128xi32>
    %min3A_572 = arith.minsi %min3A_548, %max3A_571 : vector<200x128xi32>
    %max3A_573 = arith.maxsi %min3A_548, %max3A_571 : vector<200x128xi32>
    %min3A_574 = arith.minsi %min3A_550, %max3A_573 : vector<200x128xi32>
    %max3A_575 = arith.maxsi %min3A_550, %max3A_573 : vector<200x128xi32>
    %min3A_576 = arith.minsi %min3A_552, %max3A_575 : vector<200x128xi32>
    %max3A_577 = arith.maxsi %min3A_552, %max3A_575 : vector<200x128xi32>
    %min3A_578 = arith.minsi %min3A_554, %max3A_577 : vector<200x128xi32>
    %get3A_579 = arith.constant 0 : index
    %get3A_580 = arith.constant 5632 : index
    %get3A_581 = vector.load %arg5[%get3A_579, %get3A_580] : memref<200x10240xi32, #tpu.memory_space<vmem>>, vector<200x128xi32>
    %min3A_582 = arith.minsi %min3A_558, %get3A_581 : vector<200x128xi32>
    %max3A_583 = arith.maxsi %min3A_558, %get3A_581 : vector<200x128xi32>
    %min3A_584 = arith.minsi %min3A_560, %max3A_583 : vector<200x128xi32>
    %max3A_585 = arith.maxsi %min3A_560, %max3A_583 : vector<200x128xi32>
    %min3A_586 = arith.minsi %min3A_562, %max3A_585 : vector<200x128xi32>
    %max3A_587 = arith.maxsi %min3A_562, %max3A_585 : vector<200x128xi32>
    %min3A_588 = arith.minsi %min3A_564, %max3A_587 : vector<200x128xi32>
    %max3A_589 = arith.maxsi %min3A_564, %max3A_587 : vector<200x128xi32>
    %min3A_590 = arith.minsi %min3A_566, %max3A_589 : vector<200x128xi32>
    %get3A_591 = arith.constant 0 : index
    %get3A_592 = arith.constant 5760 : index
    %get3A_593 = vector.load %arg5[%get3A_591, %get3A_592] : memref<200x10240xi32, #tpu.memory_space<vmem>>, vector<200x128xi32>
    %min3A_594 = arith.minsi %min3A_570, %get3A_593 : vector<200x128xi32>
    %max3A_595 = arith.maxsi %min3A_570, %get3A_593 : vector<200x128xi32>
    %min3A_596 = arith.minsi %min3A_572, %max3A_595 : vector<200x128xi32>
    %max3A_597 = arith.maxsi %min3A_572, %max3A_595 : vector<200x128xi32>
    %min3A_598 = arith.minsi %min3A_574, %max3A_597 : vector<200x128xi32>
    %max3A_599 = arith.maxsi %min3A_574, %max3A_597 : vector<200x128xi32>
    %min3A_600 = arith.minsi %min3A_576, %max3A_599 : vector<200x128xi32>
    %max3A_601 = arith.maxsi %min3A_576, %max3A_599 : vector<200x128xi32>
    %min3A_602 = arith.minsi %min3A_578, %max3A_601 : vector<200x128xi32>
    %get3A_603 = arith.constant 0 : index
    %get3A_604 = arith.constant 5888 : index
    %get3A_605 = vector.load %arg5[%get3A_603, %get3A_604] : memref<200x10240xi32, #tpu.memory_space<vmem>>, vector<200x128xi32>
    %min3A_606 = arith.minsi %min3A_582, %get3A_605 : vector<200x128xi32>
    %max3A_607 = arith.maxsi %min3A_582, %get3A_605 : vector<200x128xi32>
    %min3A_608 = arith.minsi %min3A_584, %max3A_607 : vector<200x128xi32>
    %max3A_609 = arith.maxsi %min3A_584, %max3A_607 : vector<200x128xi32>
    %min3A_610 = arith.minsi %min3A_586, %max3A_609 : vector<200x128xi32>
    %max3A_611 = arith.maxsi %min3A_586, %max3A_609 : vector<200x128xi32>
    %min3A_612 = arith.minsi %min3A_588, %max3A_611 : vector<200x128xi32>
    %max3A_613 = arith.maxsi %min3A_588, %max3A_611 : vector<200x128xi32>
    %min3A_614 = arith.minsi %min3A_590, %max3A_613 : vector<200x128xi32>
    %get3A_615 = arith.constant 0 : index
    %get3A_616 = arith.constant 6016 : index
    %get3A_617 = vector.load %arg5[%get3A_615, %get3A_616] : memref<200x10240xi32, #tpu.memory_space<vmem>>, vector<200x128xi32>
    %min3A_618 = arith.minsi %min3A_594, %get3A_617 : vector<200x128xi32>
    %max3A_619 = arith.maxsi %min3A_594, %get3A_617 : vector<200x128xi32>
    %min3A_620 = arith.minsi %min3A_596, %max3A_619 : vector<200x128xi32>
    %max3A_621 = arith.maxsi %min3A_596, %max3A_619 : vector<200x128xi32>
    %min3A_622 = arith.minsi %min3A_598, %max3A_621 : vector<200x128xi32>
    %max3A_623 = arith.maxsi %min3A_598, %max3A_621 : vector<200x128xi32>
    %min3A_624 = arith.minsi %min3A_600, %max3A_623 : vector<200x128xi32>
    %max3A_625 = arith.maxsi %min3A_600, %max3A_623 : vector<200x128xi32>
    %min3A_626 = arith.minsi %min3A_602, %max3A_625 : vector<200x128xi32>
    %get3A_627 = arith.constant 0 : index
    %get3A_628 = arith.constant 6144 : index
    %get3A_629 = vector.load %arg5[%get3A_627, %get3A_628] : memref<200x10240xi32, #tpu.memory_space<vmem>>, vector<200x128xi32>
    %min3A_630 = arith.minsi %min3A_606, %get3A_629 : vector<200x128xi32>
    %max3A_631 = arith.maxsi %min3A_606, %get3A_629 : vector<200x128xi32>
    %min3A_632 = arith.minsi %min3A_608, %max3A_631 : vector<200x128xi32>
    %max3A_633 = arith.maxsi %min3A_608, %max3A_631 : vector<200x128xi32>
    %min3A_634 = arith.minsi %min3A_610, %max3A_633 : vector<200x128xi32>
    %max3A_635 = arith.maxsi %min3A_610, %max3A_633 : vector<200x128xi32>
    %min3A_636 = arith.minsi %min3A_612, %max3A_635 : vector<200x128xi32>
    %max3A_637 = arith.maxsi %min3A_612, %max3A_635 : vector<200x128xi32>
    %min3A_638 = arith.minsi %min3A_614, %max3A_637 : vector<200x128xi32>
    %get3A_639 = arith.constant 0 : index
    %get3A_640 = arith.constant 6272 : index
    %get3A_641 = vector.load %arg5[%get3A_639, %get3A_640] : memref<200x10240xi32, #tpu.memory_space<vmem>>, vector<200x128xi32>
    %min3A_642 = arith.minsi %min3A_618, %get3A_641 : vector<200x128xi32>
    %max3A_643 = arith.maxsi %min3A_618, %get3A_641 : vector<200x128xi32>
    %min3A_644 = arith.minsi %min3A_620, %max3A_643 : vector<200x128xi32>
    %max3A_645 = arith.maxsi %min3A_620, %max3A_643 : vector<200x128xi32>
    %min3A_646 = arith.minsi %min3A_622, %max3A_645 : vector<200x128xi32>
    %max3A_647 = arith.maxsi %min3A_622, %max3A_645 : vector<200x128xi32>
    %min3A_648 = arith.minsi %min3A_624, %max3A_647 : vector<200x128xi32>
    %max3A_649 = arith.maxsi %min3A_624, %max3A_647 : vector<200x128xi32>
    %min3A_650 = arith.minsi %min3A_626, %max3A_649 : vector<200x128xi32>
    %get3A_651 = arith.constant 0 : index
    %get3A_652 = arith.constant 6400 : index
    %get3A_653 = vector.load %arg5[%get3A_651, %get3A_652] : memref<200x10240xi32, #tpu.memory_space<vmem>>, vector<200x128xi32>
    %min3A_654 = arith.minsi %min3A_630, %get3A_653 : vector<200x128xi32>
    %max3A_655 = arith.maxsi %min3A_630, %get3A_653 : vector<200x128xi32>
    %min3A_656 = arith.minsi %min3A_632, %max3A_655 : vector<200x128xi32>
    %max3A_657 = arith.maxsi %min3A_632, %max3A_655 : vector<200x128xi32>
    %min3A_658 = arith.minsi %min3A_634, %max3A_657 : vector<200x128xi32>
    %max3A_659 = arith.maxsi %min3A_634, %max3A_657 : vector<200x128xi32>
    %min3A_660 = arith.minsi %min3A_636, %max3A_659 : vector<200x128xi32>
    %max3A_661 = arith.maxsi %min3A_636, %max3A_659 : vector<200x128xi32>
    %min3A_662 = arith.minsi %min3A_638, %max3A_661 : vector<200x128xi32>
    %get3A_663 = arith.constant 0 : index
    %get3A_664 = arith.constant 6528 : index
    %get3A_665 = vector.load %arg5[%get3A_663, %get3A_664] : memref<200x10240xi32, #tpu.memory_space<vmem>>, vector<200x128xi32>
    %min3A_666 = arith.minsi %min3A_642, %get3A_665 : vector<200x128xi32>
    %max3A_667 = arith.maxsi %min3A_642, %get3A_665 : vector<200x128xi32>
    %min3A_668 = arith.minsi %min3A_644, %max3A_667 : vector<200x128xi32>
    %max3A_669 = arith.maxsi %min3A_644, %max3A_667 : vector<200x128xi32>
    %min3A_670 = arith.minsi %min3A_646, %max3A_669 : vector<200x128xi32>
    %max3A_671 = arith.maxsi %min3A_646, %max3A_669 : vector<200x128xi32>
    %min3A_672 = arith.minsi %min3A_648, %max3A_671 : vector<200x128xi32>
    %max3A_673 = arith.maxsi %min3A_648, %max3A_671 : vector<200x128xi32>
    %min3A_674 = arith.minsi %min3A_650, %max3A_673 : vector<200x128xi32>
    %get3A_675 = arith.constant 0 : index
    %get3A_676 = arith.constant 6656 : index
    %get3A_677 = vector.load %arg5[%get3A_675, %get3A_676] : memref<200x10240xi32, #tpu.memory_space<vmem>>, vector<200x128xi32>
    %min3A_678 = arith.minsi %min3A_654, %get3A_677 : vector<200x128xi32>
    %max3A_679 = arith.maxsi %min3A_654, %get3A_677 : vector<200x128xi32>
    %min3A_680 = arith.minsi %min3A_656, %max3A_679 : vector<200x128xi32>
    %max3A_681 = arith.maxsi %min3A_656, %max3A_679 : vector<200x128xi32>
    %min3A_682 = arith.minsi %min3A_658, %max3A_681 : vector<200x128xi32>
    %max3A_683 = arith.maxsi %min3A_658, %max3A_681 : vector<200x128xi32>
    %min3A_684 = arith.minsi %min3A_660, %max3A_683 : vector<200x128xi32>
    %max3A_685 = arith.maxsi %min3A_660, %max3A_683 : vector<200x128xi32>
    %min3A_686 = arith.minsi %min3A_662, %max3A_685 : vector<200x128xi32>
    %get3A_687 = arith.constant 0 : index
    %get3A_688 = arith.constant 6784 : index
    %get3A_689 = vector.load %arg5[%get3A_687, %get3A_688] : memref<200x10240xi32, #tpu.memory_space<vmem>>, vector<200x128xi32>
    %min3A_690 = arith.minsi %min3A_666, %get3A_689 : vector<200x128xi32>
    %max3A_691 = arith.maxsi %min3A_666, %get3A_689 : vector<200x128xi32>
    %min3A_692 = arith.minsi %min3A_668, %max3A_691 : vector<200x128xi32>
    %max3A_693 = arith.maxsi %min3A_668, %max3A_691 : vector<200x128xi32>
    %min3A_694 = arith.minsi %min3A_670, %max3A_693 : vector<200x128xi32>
    %max3A_695 = arith.maxsi %min3A_670, %max3A_693 : vector<200x128xi32>
    %min3A_696 = arith.minsi %min3A_672, %max3A_695 : vector<200x128xi32>
    %max3A_697 = arith.maxsi %min3A_672, %max3A_695 : vector<200x128xi32>
    %min3A_698 = arith.minsi %min3A_674, %max3A_697 : vector<200x128xi32>
    %get3A_699 = arith.constant 0 : index
    %get3A_700 = arith.constant 6912 : index
    %get3A_701 = vector.load %arg5[%get3A_699, %get3A_700] : memref<200x10240xi32, #tpu.memory_space<vmem>>, vector<200x128xi32>
    %min3A_702 = arith.minsi %min3A_678, %get3A_701 : vector<200x128xi32>
    %max3A_703 = arith.maxsi %min3A_678, %get3A_701 : vector<200x128xi32>
    %min3A_704 = arith.minsi %min3A_680, %max3A_703 : vector<200x128xi32>
    %max3A_705 = arith.maxsi %min3A_680, %max3A_703 : vector<200x128xi32>
    %min3A_706 = arith.minsi %min3A_682, %max3A_705 : vector<200x128xi32>
    %max3A_707 = arith.maxsi %min3A_682, %max3A_705 : vector<200x128xi32>
    %min3A_708 = arith.minsi %min3A_684, %max3A_707 : vector<200x128xi32>
    %max3A_709 = arith.maxsi %min3A_684, %max3A_707 : vector<200x128xi32>
    %min3A_710 = arith.minsi %min3A_686, %max3A_709 : vector<200x128xi32>
    %get3A_711 = arith.constant 0 : index
    %get3A_712 = arith.constant 7040 : index
    %get3A_713 = vector.load %arg5[%get3A_711, %get3A_712] : memref<200x10240xi32, #tpu.memory_space<vmem>>, vector<200x128xi32>
    %min3A_714 = arith.minsi %min3A_690, %get3A_713 : vector<200x128xi32>
    %max3A_715 = arith.maxsi %min3A_690, %get3A_713 : vector<200x128xi32>
    %min3A_716 = arith.minsi %min3A_692, %max3A_715 : vector<200x128xi32>
    %max3A_717 = arith.maxsi %min3A_692, %max3A_715 : vector<200x128xi32>
    %min3A_718 = arith.minsi %min3A_694, %max3A_717 : vector<200x128xi32>
    %max3A_719 = arith.maxsi %min3A_694, %max3A_717 : vector<200x128xi32>
    %min3A_720 = arith.minsi %min3A_696, %max3A_719 : vector<200x128xi32>
    %max3A_721 = arith.maxsi %min3A_696, %max3A_719 : vector<200x128xi32>
    %min3A_722 = arith.minsi %min3A_698, %max3A_721 : vector<200x128xi32>
    %get3A_723 = arith.constant 0 : index
    %get3A_724 = arith.constant 7168 : index
    %get3A_725 = vector.load %arg5[%get3A_723, %get3A_724] : memref<200x10240xi32, #tpu.memory_space<vmem>>, vector<200x128xi32>
    %min3A_726 = arith.minsi %min3A_702, %get3A_725 : vector<200x128xi32>
    %max3A_727 = arith.maxsi %min3A_702, %get3A_725 : vector<200x128xi32>
    %min3A_728 = arith.minsi %min3A_704, %max3A_727 : vector<200x128xi32>
    %max3A_729 = arith.maxsi %min3A_704, %max3A_727 : vector<200x128xi32>
    %min3A_730 = arith.minsi %min3A_706, %max3A_729 : vector<200x128xi32>
    %max3A_731 = arith.maxsi %min3A_706, %max3A_729 : vector<200x128xi32>
    %min3A_732 = arith.minsi %min3A_708, %max3A_731 : vector<200x128xi32>
    %max3A_733 = arith.maxsi %min3A_708, %max3A_731 : vector<200x128xi32>
    %min3A_734 = arith.minsi %min3A_710, %max3A_733 : vector<200x128xi32>
    %get3A_735 = arith.constant 0 : index
    %get3A_736 = arith.constant 7296 : index
    %get3A_737 = vector.load %arg5[%get3A_735, %get3A_736] : memref<200x10240xi32, #tpu.memory_space<vmem>>, vector<200x128xi32>
    %min3A_738 = arith.minsi %min3A_714, %get3A_737 : vector<200x128xi32>
    %max3A_739 = arith.maxsi %min3A_714, %get3A_737 : vector<200x128xi32>
    %min3A_740 = arith.minsi %min3A_716, %max3A_739 : vector<200x128xi32>
    %max3A_741 = arith.maxsi %min3A_716, %max3A_739 : vector<200x128xi32>
    %min3A_742 = arith.minsi %min3A_718, %max3A_741 : vector<200x128xi32>
    %max3A_743 = arith.maxsi %min3A_718, %max3A_741 : vector<200x128xi32>
    %min3A_744 = arith.minsi %min3A_720, %max3A_743 : vector<200x128xi32>
    %max3A_745 = arith.maxsi %min3A_720, %max3A_743 : vector<200x128xi32>
    %min3A_746 = arith.minsi %min3A_722, %max3A_745 : vector<200x128xi32>
    %get3A_747 = arith.constant 0 : index
    %get3A_748 = arith.constant 7424 : index
    %get3A_749 = vector.load %arg5[%get3A_747, %get3A_748] : memref<200x10240xi32, #tpu.memory_space<vmem>>, vector<200x128xi32>
    %min3A_750 = arith.minsi %min3A_726, %get3A_749 : vector<200x128xi32>
    %max3A_751 = arith.maxsi %min3A_726, %get3A_749 : vector<200x128xi32>
    %min3A_752 = arith.minsi %min3A_728, %max3A_751 : vector<200x128xi32>
    %max3A_753 = arith.maxsi %min3A_728, %max3A_751 : vector<200x128xi32>
    %min3A_754 = arith.minsi %min3A_730, %max3A_753 : vector<200x128xi32>
    %max3A_755 = arith.maxsi %min3A_730, %max3A_753 : vector<200x128xi32>
    %min3A_756 = arith.minsi %min3A_732, %max3A_755 : vector<200x128xi32>
    %max3A_757 = arith.maxsi %min3A_732, %max3A_755 : vector<200x128xi32>
    %min3A_758 = arith.minsi %min3A_734, %max3A_757 : vector<200x128xi32>
    %get3A_759 = arith.constant 0 : index
    %get3A_760 = arith.constant 7552 : index
    %get3A_761 = vector.load %arg5[%get3A_759, %get3A_760] : memref<200x10240xi32, #tpu.memory_space<vmem>>, vector<200x128xi32>
    %min3A_762 = arith.minsi %min3A_738, %get3A_761 : vector<200x128xi32>
    %max3A_763 = arith.maxsi %min3A_738, %get3A_761 : vector<200x128xi32>
    %min3A_764 = arith.minsi %min3A_740, %max3A_763 : vector<200x128xi32>
    %max3A_765 = arith.maxsi %min3A_740, %max3A_763 : vector<200x128xi32>
    %min3A_766 = arith.minsi %min3A_742, %max3A_765 : vector<200x128xi32>
    %max3A_767 = arith.maxsi %min3A_742, %max3A_765 : vector<200x128xi32>
    %min3A_768 = arith.minsi %min3A_744, %max3A_767 : vector<200x128xi32>
    %max3A_769 = arith.maxsi %min3A_744, %max3A_767 : vector<200x128xi32>
    %min3A_770 = arith.minsi %min3A_746, %max3A_769 : vector<200x128xi32>
    %get3A_771 = arith.constant 0 : index
    %get3A_772 = arith.constant 7680 : index
    %get3A_773 = vector.load %arg5[%get3A_771, %get3A_772] : memref<200x10240xi32, #tpu.memory_space<vmem>>, vector<200x128xi32>
    %min3A_774 = arith.minsi %min3A_750, %get3A_773 : vector<200x128xi32>
    %max3A_775 = arith.maxsi %min3A_750, %get3A_773 : vector<200x128xi32>
    %min3A_776 = arith.minsi %min3A_752, %max3A_775 : vector<200x128xi32>
    %max3A_777 = arith.maxsi %min3A_752, %max3A_775 : vector<200x128xi32>
    %min3A_778 = arith.minsi %min3A_754, %max3A_777 : vector<200x128xi32>
    %max3A_779 = arith.maxsi %min3A_754, %max3A_777 : vector<200x128xi32>
    %min3A_780 = arith.minsi %min3A_756, %max3A_779 : vector<200x128xi32>
    %max3A_781 = arith.maxsi %min3A_756, %max3A_779 : vector<200x128xi32>
    %min3A_782 = arith.minsi %min3A_758, %max3A_781 : vector<200x128xi32>
    %get3A_783 = arith.constant 0 : index
    %get3A_784 = arith.constant 7808 : index
    %get3A_785 = vector.load %arg5[%get3A_783, %get3A_784] : memref<200x10240xi32, #tpu.memory_space<vmem>>, vector<200x128xi32>
    %min3A_786 = arith.minsi %min3A_762, %get3A_785 : vector<200x128xi32>
    %max3A_787 = arith.maxsi %min3A_762, %get3A_785 : vector<200x128xi32>
    %min3A_788 = arith.minsi %min3A_764, %max3A_787 : vector<200x128xi32>
    %max3A_789 = arith.maxsi %min3A_764, %max3A_787 : vector<200x128xi32>
    %min3A_790 = arith.minsi %min3A_766, %max3A_789 : vector<200x128xi32>
    %max3A_791 = arith.maxsi %min3A_766, %max3A_789 : vector<200x128xi32>
    %min3A_792 = arith.minsi %min3A_768, %max3A_791 : vector<200x128xi32>
    %max3A_793 = arith.maxsi %min3A_768, %max3A_791 : vector<200x128xi32>
    %min3A_794 = arith.minsi %min3A_770, %max3A_793 : vector<200x128xi32>
    %get3A_795 = arith.constant 0 : index
    %get3A_796 = arith.constant 7936 : index
    %get3A_797 = vector.load %arg5[%get3A_795, %get3A_796] : memref<200x10240xi32, #tpu.memory_space<vmem>>, vector<200x128xi32>
    %min3A_798 = arith.minsi %min3A_774, %get3A_797 : vector<200x128xi32>
    %max3A_799 = arith.maxsi %min3A_774, %get3A_797 : vector<200x128xi32>
    %min3A_800 = arith.minsi %min3A_776, %max3A_799 : vector<200x128xi32>
    %max3A_801 = arith.maxsi %min3A_776, %max3A_799 : vector<200x128xi32>
    %min3A_802 = arith.minsi %min3A_778, %max3A_801 : vector<200x128xi32>
    %max3A_803 = arith.maxsi %min3A_778, %max3A_801 : vector<200x128xi32>
    %min3A_804 = arith.minsi %min3A_780, %max3A_803 : vector<200x128xi32>
    %max3A_805 = arith.maxsi %min3A_780, %max3A_803 : vector<200x128xi32>
    %min3A_806 = arith.minsi %min3A_782, %max3A_805 : vector<200x128xi32>
    %get3A_807 = arith.constant 0 : index
    %get3A_808 = arith.constant 8064 : index
    %get3A_809 = vector.load %arg5[%get3A_807, %get3A_808] : memref<200x10240xi32, #tpu.memory_space<vmem>>, vector<200x128xi32>
    %min3A_810 = arith.minsi %min3A_786, %get3A_809 : vector<200x128xi32>
    %max3A_811 = arith.maxsi %min3A_786, %get3A_809 : vector<200x128xi32>
    %min3A_812 = arith.minsi %min3A_788, %max3A_811 : vector<200x128xi32>
    %max3A_813 = arith.maxsi %min3A_788, %max3A_811 : vector<200x128xi32>
    %min3A_814 = arith.minsi %min3A_790, %max3A_813 : vector<200x128xi32>
    %max3A_815 = arith.maxsi %min3A_790, %max3A_813 : vector<200x128xi32>
    %min3A_816 = arith.minsi %min3A_792, %max3A_815 : vector<200x128xi32>
    %max3A_817 = arith.maxsi %min3A_792, %max3A_815 : vector<200x128xi32>
    %min3A_818 = arith.minsi %min3A_794, %max3A_817 : vector<200x128xi32>
    %get3A_819 = arith.constant 0 : index
    %get3A_820 = arith.constant 8192 : index
    %get3A_821 = vector.load %arg5[%get3A_819, %get3A_820] : memref<200x10240xi32, #tpu.memory_space<vmem>>, vector<200x128xi32>
    %min3A_822 = arith.minsi %min3A_798, %get3A_821 : vector<200x128xi32>
    %max3A_823 = arith.maxsi %min3A_798, %get3A_821 : vector<200x128xi32>
    %min3A_824 = arith.minsi %min3A_800, %max3A_823 : vector<200x128xi32>
    %max3A_825 = arith.maxsi %min3A_800, %max3A_823 : vector<200x128xi32>
    %min3A_826 = arith.minsi %min3A_802, %max3A_825 : vector<200x128xi32>
    %max3A_827 = arith.maxsi %min3A_802, %max3A_825 : vector<200x128xi32>
    %min3A_828 = arith.minsi %min3A_804, %max3A_827 : vector<200x128xi32>
    %max3A_829 = arith.maxsi %min3A_804, %max3A_827 : vector<200x128xi32>
    %min3A_830 = arith.minsi %min3A_806, %max3A_829 : vector<200x128xi32>
    %get3A_831 = arith.constant 0 : index
    %get3A_832 = arith.constant 8320 : index
    %get3A_833 = vector.load %arg5[%get3A_831, %get3A_832] : memref<200x10240xi32, #tpu.memory_space<vmem>>, vector<200x128xi32>
    %min3A_834 = arith.minsi %min3A_810, %get3A_833 : vector<200x128xi32>
    %max3A_835 = arith.maxsi %min3A_810, %get3A_833 : vector<200x128xi32>
    %min3A_836 = arith.minsi %min3A_812, %max3A_835 : vector<200x128xi32>
    %max3A_837 = arith.maxsi %min3A_812, %max3A_835 : vector<200x128xi32>
    %min3A_838 = arith.minsi %min3A_814, %max3A_837 : vector<200x128xi32>
    %max3A_839 = arith.maxsi %min3A_814, %max3A_837 : vector<200x128xi32>
    %min3A_840 = arith.minsi %min3A_816, %max3A_839 : vector<200x128xi32>
    %max3A_841 = arith.maxsi %min3A_816, %max3A_839 : vector<200x128xi32>
    %min3A_842 = arith.minsi %min3A_818, %max3A_841 : vector<200x128xi32>
    %get3A_843 = arith.constant 0 : index
    %get3A_844 = arith.constant 8448 : index
    %get3A_845 = vector.load %arg5[%get3A_843, %get3A_844] : memref<200x10240xi32, #tpu.memory_space<vmem>>, vector<200x128xi32>
    %min3A_846 = arith.minsi %min3A_822, %get3A_845 : vector<200x128xi32>
    %max3A_847 = arith.maxsi %min3A_822, %get3A_845 : vector<200x128xi32>
    %min3A_848 = arith.minsi %min3A_824, %max3A_847 : vector<200x128xi32>
    %max3A_849 = arith.maxsi %min3A_824, %max3A_847 : vector<200x128xi32>
    %min3A_850 = arith.minsi %min3A_826, %max3A_849 : vector<200x128xi32>
    %max3A_851 = arith.maxsi %min3A_826, %max3A_849 : vector<200x128xi32>
    %min3A_852 = arith.minsi %min3A_828, %max3A_851 : vector<200x128xi32>
    %max3A_853 = arith.maxsi %min3A_828, %max3A_851 : vector<200x128xi32>
    %min3A_854 = arith.minsi %min3A_830, %max3A_853 : vector<200x128xi32>
    %get3A_855 = arith.constant 0 : index
    %get3A_856 = arith.constant 8576 : index
    %get3A_857 = vector.load %arg5[%get3A_855, %get3A_856] : memref<200x10240xi32, #tpu.memory_space<vmem>>, vector<200x128xi32>
    %min3A_858 = arith.minsi %min3A_834, %get3A_857 : vector<200x128xi32>
    %max3A_859 = arith.maxsi %min3A_834, %get3A_857 : vector<200x128xi32>
    %min3A_860 = arith.minsi %min3A_836, %max3A_859 : vector<200x128xi32>
    %max3A_861 = arith.maxsi %min3A_836, %max3A_859 : vector<200x128xi32>
    %min3A_862 = arith.minsi %min3A_838, %max3A_861 : vector<200x128xi32>
    %max3A_863 = arith.maxsi %min3A_838, %max3A_861 : vector<200x128xi32>
    %min3A_864 = arith.minsi %min3A_840, %max3A_863 : vector<200x128xi32>
    %max3A_865 = arith.maxsi %min3A_840, %max3A_863 : vector<200x128xi32>
    %min3A_866 = arith.minsi %min3A_842, %max3A_865 : vector<200x128xi32>
    %get3A_867 = arith.constant 0 : index
    %get3A_868 = arith.constant 8704 : index
    %get3A_869 = vector.load %arg5[%get3A_867, %get3A_868] : memref<200x10240xi32, #tpu.memory_space<vmem>>, vector<200x128xi32>
    %min3A_870 = arith.minsi %min3A_846, %get3A_869 : vector<200x128xi32>
    %max3A_871 = arith.maxsi %min3A_846, %get3A_869 : vector<200x128xi32>
    %min3A_872 = arith.minsi %min3A_848, %max3A_871 : vector<200x128xi32>
    %max3A_873 = arith.maxsi %min3A_848, %max3A_871 : vector<200x128xi32>
    %min3A_874 = arith.minsi %min3A_850, %max3A_873 : vector<200x128xi32>
    %max3A_875 = arith.maxsi %min3A_850, %max3A_873 : vector<200x128xi32>
    %min3A_876 = arith.minsi %min3A_852, %max3A_875 : vector<200x128xi32>
    %max3A_877 = arith.maxsi %min3A_852, %max3A_875 : vector<200x128xi32>
    %min3A_878 = arith.minsi %min3A_854, %max3A_877 : vector<200x128xi32>
    %get3A_879 = arith.constant 0 : index
    %get3A_880 = arith.constant 8832 : index
    %get3A_881 = vector.load %arg5[%get3A_879, %get3A_880] : memref<200x10240xi32, #tpu.memory_space<vmem>>, vector<200x128xi32>
    %min3A_882 = arith.minsi %min3A_858, %get3A_881 : vector<200x128xi32>
    %max3A_883 = arith.maxsi %min3A_858, %get3A_881 : vector<200x128xi32>
    %min3A_884 = arith.minsi %min3A_860, %max3A_883 : vector<200x128xi32>
    %max3A_885 = arith.maxsi %min3A_860, %max3A_883 : vector<200x128xi32>
    %min3A_886 = arith.minsi %min3A_862, %max3A_885 : vector<200x128xi32>
    %max3A_887 = arith.maxsi %min3A_862, %max3A_885 : vector<200x128xi32>
    %min3A_888 = arith.minsi %min3A_864, %max3A_887 : vector<200x128xi32>
    %max3A_889 = arith.maxsi %min3A_864, %max3A_887 : vector<200x128xi32>
    %min3A_890 = arith.minsi %min3A_866, %max3A_889 : vector<200x128xi32>
    %get3A_891 = arith.constant 0 : index
    %get3A_892 = arith.constant 8960 : index
    %get3A_893 = vector.load %arg5[%get3A_891, %get3A_892] : memref<200x10240xi32, #tpu.memory_space<vmem>>, vector<200x128xi32>
    %min3A_894 = arith.minsi %min3A_870, %get3A_893 : vector<200x128xi32>
    %max3A_895 = arith.maxsi %min3A_870, %get3A_893 : vector<200x128xi32>
    %min3A_896 = arith.minsi %min3A_872, %max3A_895 : vector<200x128xi32>
    %max3A_897 = arith.maxsi %min3A_872, %max3A_895 : vector<200x128xi32>
    %min3A_898 = arith.minsi %min3A_874, %max3A_897 : vector<200x128xi32>
    %max3A_899 = arith.maxsi %min3A_874, %max3A_897 : vector<200x128xi32>
    %min3A_900 = arith.minsi %min3A_876, %max3A_899 : vector<200x128xi32>
    %max3A_901 = arith.maxsi %min3A_876, %max3A_899 : vector<200x128xi32>
    %min3A_902 = arith.minsi %min3A_878, %max3A_901 : vector<200x128xi32>
    %get3A_903 = arith.constant 0 : index
    %get3A_904 = arith.constant 9088 : index
    %get3A_905 = vector.load %arg5[%get3A_903, %get3A_904] : memref<200x10240xi32, #tpu.memory_space<vmem>>, vector<200x128xi32>
    %min3A_906 = arith.minsi %min3A_882, %get3A_905 : vector<200x128xi32>
    %max3A_907 = arith.maxsi %min3A_882, %get3A_905 : vector<200x128xi32>
    %min3A_908 = arith.minsi %min3A_884, %max3A_907 : vector<200x128xi32>
    %max3A_909 = arith.maxsi %min3A_884, %max3A_907 : vector<200x128xi32>
    %min3A_910 = arith.minsi %min3A_886, %max3A_909 : vector<200x128xi32>
    %max3A_911 = arith.maxsi %min3A_886, %max3A_909 : vector<200x128xi32>
    %min3A_912 = arith.minsi %min3A_888, %max3A_911 : vector<200x128xi32>
    %max3A_913 = arith.maxsi %min3A_888, %max3A_911 : vector<200x128xi32>
    %min3A_914 = arith.minsi %min3A_890, %max3A_913 : vector<200x128xi32>
    %get3A_915 = arith.constant 0 : index
    %get3A_916 = arith.constant 9216 : index
    %get3A_917 = vector.load %arg5[%get3A_915, %get3A_916] : memref<200x10240xi32, #tpu.memory_space<vmem>>, vector<200x128xi32>
    %min3A_918 = arith.minsi %min3A_894, %get3A_917 : vector<200x128xi32>
    %max3A_919 = arith.maxsi %min3A_894, %get3A_917 : vector<200x128xi32>
    %min3A_920 = arith.minsi %min3A_896, %max3A_919 : vector<200x128xi32>
    %max3A_921 = arith.maxsi %min3A_896, %max3A_919 : vector<200x128xi32>
    %min3A_922 = arith.minsi %min3A_898, %max3A_921 : vector<200x128xi32>
    %max3A_923 = arith.maxsi %min3A_898, %max3A_921 : vector<200x128xi32>
    %min3A_924 = arith.minsi %min3A_900, %max3A_923 : vector<200x128xi32>
    %max3A_925 = arith.maxsi %min3A_900, %max3A_923 : vector<200x128xi32>
    %min3A_926 = arith.minsi %min3A_902, %max3A_925 : vector<200x128xi32>
    %get3A_927 = arith.constant 0 : index
    %get3A_928 = arith.constant 9344 : index
    %get3A_929 = vector.load %arg5[%get3A_927, %get3A_928] : memref<200x10240xi32, #tpu.memory_space<vmem>>, vector<200x128xi32>
    %min3A_930 = arith.minsi %min3A_906, %get3A_929 : vector<200x128xi32>
    %max3A_931 = arith.maxsi %min3A_906, %get3A_929 : vector<200x128xi32>
    %min3A_932 = arith.minsi %min3A_908, %max3A_931 : vector<200x128xi32>
    %max3A_933 = arith.maxsi %min3A_908, %max3A_931 : vector<200x128xi32>
    %min3A_934 = arith.minsi %min3A_910, %max3A_933 : vector<200x128xi32>
    %max3A_935 = arith.maxsi %min3A_910, %max3A_933 : vector<200x128xi32>
    %min3A_936 = arith.minsi %min3A_912, %max3A_935 : vector<200x128xi32>
    %max3A_937 = arith.maxsi %min3A_912, %max3A_935 : vector<200x128xi32>
    %min3A_938 = arith.minsi %min3A_914, %max3A_937 : vector<200x128xi32>
    %get3A_939 = arith.constant 0 : index
    %get3A_940 = arith.constant 9472 : index
    %get3A_941 = vector.load %arg5[%get3A_939, %get3A_940] : memref<200x10240xi32, #tpu.memory_space<vmem>>, vector<200x128xi32>
    %min3A_942 = arith.minsi %min3A_918, %get3A_941 : vector<200x128xi32>
    %max3A_943 = arith.maxsi %min3A_918, %get3A_941 : vector<200x128xi32>
    %min3A_944 = arith.minsi %min3A_920, %max3A_943 : vector<200x128xi32>
    %max3A_945 = arith.maxsi %min3A_920, %max3A_943 : vector<200x128xi32>
    %min3A_946 = arith.minsi %min3A_922, %max3A_945 : vector<200x128xi32>
    %max3A_947 = arith.maxsi %min3A_922, %max3A_945 : vector<200x128xi32>
    %min3A_948 = arith.minsi %min3A_924, %max3A_947 : vector<200x128xi32>
    %max3A_949 = arith.maxsi %min3A_924, %max3A_947 : vector<200x128xi32>
    %min3A_950 = arith.minsi %min3A_926, %max3A_949 : vector<200x128xi32>
    %get3A_951 = arith.constant 0 : index
    %get3A_952 = arith.constant 9600 : index
    %get3A_953 = vector.load %arg5[%get3A_951, %get3A_952] : memref<200x10240xi32, #tpu.memory_space<vmem>>, vector<200x128xi32>
    %min3A_954 = arith.minsi %min3A_930, %get3A_953 : vector<200x128xi32>
    %max3A_955 = arith.maxsi %min3A_930, %get3A_953 : vector<200x128xi32>
    %min3A_956 = arith.minsi %min3A_932, %max3A_955 : vector<200x128xi32>
    %max3A_957 = arith.maxsi %min3A_932, %max3A_955 : vector<200x128xi32>
    %min3A_958 = arith.minsi %min3A_934, %max3A_957 : vector<200x128xi32>
    %max3A_959 = arith.maxsi %min3A_934, %max3A_957 : vector<200x128xi32>
    %min3A_960 = arith.minsi %min3A_936, %max3A_959 : vector<200x128xi32>
    %max3A_961 = arith.maxsi %min3A_936, %max3A_959 : vector<200x128xi32>
    %min3A_962 = arith.minsi %min3A_938, %max3A_961 : vector<200x128xi32>
    %get3A_963 = arith.constant 0 : index
    %get3A_964 = arith.constant 9728 : index
    %get3A_965 = vector.load %arg5[%get3A_963, %get3A_964] : memref<200x10240xi32, #tpu.memory_space<vmem>>, vector<200x128xi32>
    %min3A_966 = arith.minsi %min3A_942, %get3A_965 : vector<200x128xi32>
    %max3A_967 = arith.maxsi %min3A_942, %get3A_965 : vector<200x128xi32>
    %min3A_968 = arith.minsi %min3A_944, %max3A_967 : vector<200x128xi32>
    %max3A_969 = arith.maxsi %min3A_944, %max3A_967 : vector<200x128xi32>
    %min3A_970 = arith.minsi %min3A_946, %max3A_969 : vector<200x128xi32>
    %max3A_971 = arith.maxsi %min3A_946, %max3A_969 : vector<200x128xi32>
    %min3A_972 = arith.minsi %min3A_948, %max3A_971 : vector<200x128xi32>
    %max3A_973 = arith.maxsi %min3A_948, %max3A_971 : vector<200x128xi32>
    %min3A_974 = arith.minsi %min3A_950, %max3A_973 : vector<200x128xi32>
    %get3A_975 = arith.constant 0 : index
    %get3A_976 = arith.constant 9856 : index
    %get3A_977 = vector.load %arg5[%get3A_975, %get3A_976] : memref<200x10240xi32, #tpu.memory_space<vmem>>, vector<200x128xi32>
    %min3A_978 = arith.minsi %min3A_954, %get3A_977 : vector<200x128xi32>
    %max3A_979 = arith.maxsi %min3A_954, %get3A_977 : vector<200x128xi32>
    %min3A_980 = arith.minsi %min3A_956, %max3A_979 : vector<200x128xi32>
    %max3A_981 = arith.maxsi %min3A_956, %max3A_979 : vector<200x128xi32>
    %min3A_982 = arith.minsi %min3A_958, %max3A_981 : vector<200x128xi32>
    %max3A_983 = arith.maxsi %min3A_958, %max3A_981 : vector<200x128xi32>
    %min3A_984 = arith.minsi %min3A_960, %max3A_983 : vector<200x128xi32>
    %max3A_985 = arith.maxsi %min3A_960, %max3A_983 : vector<200x128xi32>
    %min3A_986 = arith.minsi %min3A_962, %max3A_985 : vector<200x128xi32>
    %get3A_987 = arith.constant 0 : index
    %get3A_988 = arith.constant 9984 : index
    %get3A_989 = vector.load %arg5[%get3A_987, %get3A_988] : memref<200x10240xi32, #tpu.memory_space<vmem>>, vector<200x128xi32>
    %min3A_990 = arith.minsi %min3A_966, %get3A_989 : vector<200x128xi32>
    %max3A_991 = arith.maxsi %min3A_966, %get3A_989 : vector<200x128xi32>
    %min3A_992 = arith.minsi %min3A_968, %max3A_991 : vector<200x128xi32>
    %max3A_993 = arith.maxsi %min3A_968, %max3A_991 : vector<200x128xi32>
    %min3A_994 = arith.minsi %min3A_970, %max3A_993 : vector<200x128xi32>
    %max3A_995 = arith.maxsi %min3A_970, %max3A_993 : vector<200x128xi32>
    %min3A_996 = arith.minsi %min3A_972, %max3A_995 : vector<200x128xi32>
    %max3A_997 = arith.maxsi %min3A_972, %max3A_995 : vector<200x128xi32>
    %min3A_998 = arith.minsi %min3A_974, %max3A_997 : vector<200x128xi32>
    %get3A_999 = arith.constant 0 : index
    %get3A_1000 = arith.constant 10112 : index
    %get3A_1001 = vector.load %arg5[%get3A_999, %get3A_1000] : memref<200x10240xi32, #tpu.memory_space<vmem>>, vector<200x128xi32>
    %min3A_1002 = arith.minsi %min3A_978, %get3A_1001 : vector<200x128xi32>
    %max3A_1003 = arith.maxsi %min3A_978, %get3A_1001 : vector<200x128xi32>
    %min3A_1004 = arith.minsi %min3A_980, %max3A_1003 : vector<200x128xi32>
    %max3A_1005 = arith.maxsi %min3A_980, %max3A_1003 : vector<200x128xi32>
    %min3A_1006 = arith.minsi %min3A_982, %max3A_1005 : vector<200x128xi32>
    %max3A_1007 = arith.maxsi %min3A_982, %max3A_1005 : vector<200x128xi32>
    %min3A_1008 = arith.minsi %min3A_984, %max3A_1007 : vector<200x128xi32>
    %max3A_1009 = arith.maxsi %min3A_984, %max3A_1007 : vector<200x128xi32>
    %min3A_1010 = arith.minsi %min3A_986, %max3A_1009 : vector<200x128xi32>
    %concatenate3A = tpu.concatenate %min3A_990, %min3A_992, %min3A_994, %min3A_996, %min3A_998, %min3A_1002, %min3A_1004, %min3A_1006, %min3A_1008, %min3A_1010 in 1 : vector<200x128xi32>, vector<200x128xi32>, vector<200x128xi32>, vector<200x128xi32>, vector<200x128xi32>, vector<200x128xi32>, vector<200x128xi32>, vector<200x128xi32>, vector<200x128xi32>, vector<200x128xi32> -> vector<200x1280xi32>
    %swap3A_1011 = arith.constant 0 : index
    %swap3A_1012 = arith.constant 0 : index
    %swap3A_1013 = vector.load %arg6[%swap3A_1011, %swap3A_1012] : memref<200x1280xi32, #tpu.memory_space<vmem>>, vector<200x1280xi32>
    tpu.vector_store %arg6[%swap3A_1011, %swap3A_1012], %concatenate3A {strides = array<i32>} : memref<200x1280xi32, #tpu.memory_space<vmem>>, vector<200x1280xi32>,
    %iota3A_1014 = tpu.iota {dimensions = array<i32: 1>} : vector<200x64xi32>
    %scan3A = arith.constant 0 : i32
    %scan3A_1015 = arith.constant 60 : i32
    %scan3A_1016 = arith.addi %scan3A, %scan3A_1015 : i32
    %scan3A_1017 = arith.constant 1 : i32
    scf.for %scan3A_1025 = %scan3A to %scan3A_1016 step %scan3A_1017  : i32 {
      %get3A_1026 = arith.constant 0 : index
      %get3A_1027 = arith.constant 0 : index
      %get3A_1028 = vector.load %arg6[%get3A_1026, %get3A_1027] : memref<200x1280xi32, #tpu.memory_space<vmem>>, vector<200x1280xi32>
      %reduce_min3A = arith.constant dense<2147483647> : vector<200xi32>
      %reduce_min3A_1029 = vector.multi_reduction <minsi>, %get3A_1028, %reduce_min3A [1] : vector<200x1280xi32> to vector<200xi32>
      %broadcast_in_dim3A_1030 = vector.shape_cast %reduce_min3A_1029 : vector<200xi32> to vector<200x1xi32>
      %eq3A_1031 = vector.broadcast %scan3A_1025 : i32 to vector<200x64xi32>
      %eq3A_1032 = arith.cmpi eq, %iota3A_1014, %eq3A_1031 : vector<200x64xi32>
      %and3A_1033 = arith.constant 16383 : i32
      %and3A_1034 = vector.broadcast %and3A_1033 : i32 to vector<200x1xi32>
      %and3A_1035 = arith.andi %broadcast_in_dim3A_1030, %and3A_1034 : vector<200x1xi32>
      %get3A_1036 = arith.constant 0 : index
      %get3A_1037 = arith.constant 0 : index
      %get3A_1038 = vector.load %arg7[%get3A_1036, %get3A_1037] : memref<200x64xi32, #tpu.memory_space<vmem>>, vector<200x64xi32>
      %broadcast_in_dim3A_1039 = vector.shape_cast %and3A_1035 : vector<200x1xi32> to vector<200x1xi32>
      %broadcast_in_dim3A_1040 = vector.broadcast %broadcast_in_dim3A_1039 : vector<200x1xi32> to vector<200x64xi32>
      %select_n3A_1041 = arith.select %eq3A_1032, %broadcast_in_dim3A_1040, %get3A_1038 : vector<200x64xi1>, vector<200x64xi32>
      %swap3A_1042 = arith.constant 0 : index
      %swap3A_1043 = arith.constant 0 : index
      %swap3A_1044 = vector.load %arg7[%swap3A_1042, %swap3A_1043] : memref<200x64xi32, #tpu.memory_space<vmem>>, vector<200x64xi32>
      tpu.vector_store %arg7[%swap3A_1042, %swap3A_1043], %select_n3A_1041 {strides = array<i32>} : memref<200x64xi32, #tpu.memory_space<vmem>>, vector<200x64xi32>,
      %eq3A_1045 = vector.broadcast %broadcast_in_dim3A_1030 : vector<200x1xi32> to vector<200x1280xi32>
      %eq3A_1046 = arith.cmpi eq, %get3A_1028, %eq3A_1045 : vector<200x1280xi32>
      %jit3A_1047 = arith.constant 2147483647 : i32
      %broadcast_in_dim3A_1048 = vector.broadcast %jit3A_1047 : i32 to vector<200x1280xi32>
      %select_n3A_1049 = arith.select %eq3A_1046, %broadcast_in_dim3A_1048, %get3A_1028 : vector<200x1280xi1>, vector<200x1280xi32>
      %swap3A_1050 = arith.constant 0 : index
      %swap3A_1051 = arith.constant 0 : index
      %swap3A_1052 = vector.load %arg6[%swap3A_1050, %swap3A_1051] : memref<200x1280xi32, #tpu.memory_space<vmem>>, vector<200x1280xi32>
      tpu.vector_store %arg6[%swap3A_1050, %swap3A_1051], %select_n3A_1049 {strides = array<i32>} : memref<200x1280xi32, #tpu.memory_space<vmem>>, vector<200x1280xi32>,
    }
    %scan3A_1018 = arith.constant 60 : i32
    %get3A_1019 = arith.constant 0 : index
    %get3A_1020 = arith.constant 0 : index
    %get3A_1021 = vector.load %arg7[%get3A_1019, %get3A_1020] : memref<200x64xi32, #tpu.memory_space<vmem>>, vector<200x64xi32>
    %swap3A_1022 = arith.constant 0 : index
    %swap3A_1023 = arith.constant 0 : index
    %swap3A_1024 = vector.load %arg4[%swap3A_1022, %swap3A_1023] : memref<200x64xi32, #tpu.memory_space<vmem>>, vector<200x64xi32>
    tpu.vector_store %arg4[%swap3A_1022, %swap3A_1023], %get3A_1021 {strides = array<i32>} : memref<200x64xi32, #tpu.memory_space<vmem>>, vector<200x64xi32>,
    return
  }
  func.func @transform_0(%arg0: i32) -> (i32, i32) {
    %c0_i32 = arith.constant 0 : i32
    %c0_i32_0 = arith.constant 0 : i32
    return %arg0, %c0_i32 : i32, i32
  }
  func.func @transform_1(%arg0: i32) -> (i32, i32) {
    %c0_i32 = arith.constant 0 : i32
    %c0_i32_0 = arith.constant 0 : i32
    %c0_i32_1 = arith.constant 0 : i32
    return %c0_i32, %c0_i32_0 : i32, i32
  }
  func.func @transform_2(%arg0: i32) -> (i32, i32) {
    %c0_i32 = arith.constant 0 : i32
    %c0_i32_0 = arith.constant 0 : i32
    %c0_i32_1 = arith.constant 0 : i32
    return %c0_i32, %c0_i32_0 : i32, i32
  }
  func.func @transform_3(%arg0: i32) -> (i32, i32) {
    %c0_i32 = arith.constant 0 : i32
    %c0_i32_0 = arith.constant 0 : i32
    return %arg0, %c0_i32 : i32, i32
  }
}

module attributes {stable_mosaic.version = 14 : i64} {
  func.func @_matmul_body(%arg0: memref<10000x64xf32, #tpu.memory_space<vmem>>, %arg1: memref<64x64xf32, #tpu.memory_space<vmem>>, %arg2: memref<10000x64xf32, #tpu.memory_space<vmem>>) attributes {dimension_semantics = [], scalar_prefetch = 0 : i64, scratch_operands = 0 : i64, tpu.core_type = #tpu.core_type<tc>} {
    %get3A = arith.constant 0 : index
    %get3A_0 = arith.constant 0 : index
    %get3A_1 = vector.load %arg0[%get3A, %get3A_0] : memref<10000x64xf32, #tpu.memory_space<vmem>>, vector<10000x64xf32>
    %get3A_2 = arith.constant 0 : index
    %get3A_3 = arith.constant 0 : index
    %get3A_4 = vector.load %arg1[%get3A_2, %get3A_3] : memref<64x64xf32, #tpu.memory_space<vmem>>, vector<64x64xf32>
    %dot_general3A = arith.constant dense<0.000000e+00> : vector<10000x64xf32>
    %dot_general3A_5 = tpu.matmul %get3A_1, %get3A_4, %dot_general3A {dimension_numbers = #tpu.dot_dimension_numbers<[1], [0], [0], [1], [0, 0, 1, 1], [], []>, transpose_lhs_hint = false} : vector<10000x64xf32>, vector<64x64xf32>, vector<10000x64xf32> -> vector<10000x64xf32>
    %swap3A = arith.constant 0 : index
    %swap3A_6 = arith.constant 0 : index
    %swap3A_7 = vector.load %arg2[%swap3A, %swap3A_6] : memref<10000x64xf32, #tpu.memory_space<vmem>>, vector<10000x64xf32>
    tpu.vector_store %arg2[%swap3A, %swap3A_6], %dot_general3A_5 {strides = array<i32>} : memref<10000x64xf32, #tpu.memory_space<vmem>>, vector<10000x64xf32>,
    return
  }
}

module attributes {stable_mosaic.version = 14 : i64} {
  func.func @_ec2_body(%arg0: i32, %arg1: memref<24000x64xf32, #tpu.memory_space<vmem>>, %arg2: memref<400x64xf32, #tpu.memory_space<vmem>>, %arg3: memref<1x64xf32, #tpu.memory_space<vmem>>, %arg4: memref<64x64xf32, #tpu.memory_space<vmem>>, %arg5: memref<1x64xf32, #tpu.memory_space<vmem>>, %arg6: memref<400x64xf32, #tpu.memory_space<vmem>>) attributes {dimension_semantics = [#tpu.dimension_semantics<arbitrary>], iteration_bounds = array<i64: 25>, scalar_prefetch = 0 : i64, scratch_operands = 0 : i64, tpu.core_type = #tpu.core_type<tc>, window_params = [{transform_indices = @transform_0, window_bounds = array<i64: 24000, 64>}, {transform_indices = @transform_1, window_bounds = array<i64: 400, 64>}, {pipeline_mode = #tpu.pipeline_mode<synchronous>, transform_indices = @transform_2, window_bounds = array<i64: 1, 64>}, {pipeline_mode = #tpu.pipeline_mode<synchronous>, transform_indices = @transform_3, window_bounds = array<i64: 64, 64>}, {pipeline_mode = #tpu.pipeline_mode<synchronous>, transform_indices = @transform_4, window_bounds = array<i64: 1, 64>}, {transform_indices = @transform_5, window_bounds = array<i64: 400, 64>}]} {
    %get3A = arith.constant 0 : index
    %get3A_0 = arith.constant 0 : index
    %get3A_1 = vector.load %arg2[%get3A, %get3A_0] : memref<400x64xf32, #tpu.memory_space<vmem>>, vector<400x64xf32>
    %broadcast_in_dim3A = vector.shape_cast %get3A_1 : vector<400x64xf32> to vector<400x1x64xf32>
    %broadcast_in_dim3A_2 = vector.shape_cast %broadcast_in_dim3A : vector<400x1x64xf32> to vector<400x1x64xf32>
    %broadcast_in_dim3A_3 = vector.broadcast %broadcast_in_dim3A_2 : vector<400x1x64xf32> to vector<400x60x64xf32>
    %get3A_4 = arith.constant 0 : index
    %get3A_5 = arith.constant 0 : index
    %get3A_6 = vector.load %arg1[%get3A_4, %get3A_5] : memref<24000x64xf32, #tpu.memory_space<vmem>>, vector<24000x64xf32>
    %reshape3A = vector.shape_cast %get3A_6 : vector<24000x64xf32> to vector<400x60x64xf32>
    %sub3A = arith.subf %reshape3A, %broadcast_in_dim3A_3 : vector<400x60x64xf32>
    %get3A_7 = arith.constant 0 : index
    %get3A_8 = arith.constant 0 : index
    %get3A_9 = vector.load %arg3[%get3A_7, %get3A_8] : memref<1x64xf32, #tpu.memory_space<vmem>>, vector<1x64xf32>
    %reshape3A_10 = vector.shape_cast %get3A_9 : vector<1x64xf32> to vector<1x1x64xf32>
    %add3A = vector.broadcast %reshape3A_10 : vector<1x1x64xf32> to vector<400x60x64xf32>
    %add3A_11 = arith.addf %sub3A, %add3A : vector<400x60x64xf32>
    %max3A = arith.constant 0.000000e+00 : f32
    %max3A_12 = vector.broadcast %max3A : f32 to vector<400x60x64xf32>
    %max3A_13 = arith.maximumf %add3A_11, %max3A_12 : vector<400x60x64xf32>
    %reshape3A_14 = vector.shape_cast %max3A_13 : vector<400x60x64xf32> to vector<24000x64xf32>
    %get3A_15 = arith.constant 0 : index
    %get3A_16 = arith.constant 0 : index
    %get3A_17 = vector.load %arg4[%get3A_15, %get3A_16] : memref<64x64xf32, #tpu.memory_space<vmem>>, vector<64x64xf32>
    %dot_general3A = arith.constant dense<0.000000e+00> : vector<24000x64xf32>
    %dot_general3A_18 = tpu.matmul %reshape3A_14, %get3A_17, %dot_general3A {dimension_numbers = #tpu.dot_dimension_numbers<[1], [0], [0], [1], [0, 0, 1, 1], [], []>, transpose_lhs_hint = false} : vector<24000x64xf32>, vector<64x64xf32>, vector<24000x64xf32> -> vector<24000x64xf32>
    %get3A_19 = arith.constant 0 : index
    %get3A_20 = arith.constant 0 : index
    %get3A_21 = vector.load %arg5[%get3A_19, %get3A_20] : memref<1x64xf32, #tpu.memory_space<vmem>>, vector<1x64xf32>
    %add3A_22 = vector.broadcast %get3A_21 : vector<1x64xf32> to vector<24000x64xf32>
    %add3A_23 = arith.addf %dot_general3A_18, %add3A_22 : vector<24000x64xf32>
    %max3A_24 = arith.constant 0.000000e+00 : f32
    %max3A_25 = vector.broadcast %max3A_24 : f32 to vector<24000x64xf32>
    %max3A_26 = arith.maximumf %add3A_23, %max3A_25 : vector<24000x64xf32>
    %reshape3A_27 = vector.shape_cast %max3A_26 : vector<24000x64xf32> to vector<400x60x64xf32>
    %reduce_max3A = arith.constant dense<0xFF800000> : vector<400x64xf32>
    %reduce_max3A_28 = vector.multi_reduction <maximumf>, %reshape3A_27, %reduce_max3A [1] : vector<400x60x64xf32> to vector<400x64xf32>
    %swap3A = arith.constant 0 : index
    %swap3A_29 = arith.constant 0 : index
    %swap3A_30 = vector.load %arg6[%swap3A, %swap3A_29] : memref<400x64xf32, #tpu.memory_space<vmem>>, vector<400x64xf32>
    tpu.vector_store %arg6[%swap3A, %swap3A_29], %reduce_max3A_28 {strides = array<i32>} : memref<400x64xf32, #tpu.memory_space<vmem>>, vector<400x64xf32>,
    return
  }
  func.func @transform_0(%arg0: i32) -> (i32, i32) {
    %c0_i32 = arith.constant 0 : i32
    %c0_i32_0 = arith.constant 0 : i32
    return %arg0, %c0_i32 : i32, i32
  }
  func.func @transform_1(%arg0: i32) -> (i32, i32) {
    %c0_i32 = arith.constant 0 : i32
    %c0_i32_0 = arith.constant 0 : i32
    return %arg0, %c0_i32 : i32, i32
  }
  func.func @transform_2(%arg0: i32) -> (i32, i32) {
    %c0_i32 = arith.constant 0 : i32
    %c0_i32_0 = arith.constant 0 : i32
    %c0_i32_1 = arith.constant 0 : i32
    return %c0_i32, %c0_i32_0 : i32, i32
  }
  func.func @transform_3(%arg0: i32) -> (i32, i32) {
    %c0_i32 = arith.constant 0 : i32
    %c0_i32_0 = arith.constant 0 : i32
    %c0_i32_1 = arith.constant 0 : i32
    return %c0_i32, %c0_i32_0 : i32, i32
  }
  func.func @transform_4(%arg0: i32) -> (i32, i32) {
    %c0_i32 = arith.constant 0 : i32
    %c0_i32_0 = arith.constant 0 : i32
    %c0_i32_1 = arith.constant 0 : i32
    return %c0_i32, %c0_i32_0 : i32, i32
  }
  func.func @transform_5(%arg0: i32) -> (i32, i32) {
    %c0_i32 = arith.constant 0 : i32
    %c0_i32_0 = arith.constant 0 : i32
    return %arg0, %c0_i32 : i32, i32
  }
}

module attributes {stable_mosaic.version = 14 : i64} {
  func.func @_ec1l_body(%arg0: i32, %arg1: memref<24000x64xf32, #tpu.memory_space<vmem>>, %arg2: memref<400x64xf32, #tpu.memory_space<vmem>>, %arg3: memref<1x64xf32, #tpu.memory_space<vmem>>, %arg4: memref<400x64xf32, #tpu.memory_space<vmem>>) attributes {dimension_semantics = [#tpu.dimension_semantics<arbitrary>], iteration_bounds = array<i64: 25>, scalar_prefetch = 0 : i64, scratch_operands = 0 : i64, tpu.core_type = #tpu.core_type<tc>, window_params = [{transform_indices = @transform_0, window_bounds = array<i64: 24000, 64>}, {transform_indices = @transform_1, window_bounds = array<i64: 400, 64>}, {pipeline_mode = #tpu.pipeline_mode<synchronous>, transform_indices = @transform_2, window_bounds = array<i64: 1, 64>}, {transform_indices = @transform_3, window_bounds = array<i64: 400, 64>}]} {
    %get3A = arith.constant 0 : index
    %get3A_0 = arith.constant 0 : index
    %get3A_1 = vector.load %arg2[%get3A, %get3A_0] : memref<400x64xf32, #tpu.memory_space<vmem>>, vector<400x64xf32>
    %broadcast_in_dim3A = vector.shape_cast %get3A_1 : vector<400x64xf32> to vector<400x1x64xf32>
    %broadcast_in_dim3A_2 = vector.shape_cast %broadcast_in_dim3A : vector<400x1x64xf32> to vector<400x1x64xf32>
    %broadcast_in_dim3A_3 = vector.broadcast %broadcast_in_dim3A_2 : vector<400x1x64xf32> to vector<400x60x64xf32>
    %get3A_4 = arith.constant 0 : index
    %get3A_5 = arith.constant 0 : index
    %get3A_6 = vector.load %arg1[%get3A_4, %get3A_5] : memref<24000x64xf32, #tpu.memory_space<vmem>>, vector<24000x64xf32>
    %reshape3A = vector.shape_cast %get3A_6 : vector<24000x64xf32> to vector<400x60x64xf32>
    %sub3A = arith.subf %reshape3A, %broadcast_in_dim3A_3 : vector<400x60x64xf32>
    %get3A_7 = arith.constant 0 : index
    %get3A_8 = arith.constant 0 : index
    %get3A_9 = vector.load %arg3[%get3A_7, %get3A_8] : memref<1x64xf32, #tpu.memory_space<vmem>>, vector<1x64xf32>
    %reshape3A_10 = vector.shape_cast %get3A_9 : vector<1x64xf32> to vector<1x1x64xf32>
    %add3A = vector.broadcast %reshape3A_10 : vector<1x1x64xf32> to vector<400x60x64xf32>
    %add3A_11 = arith.addf %sub3A, %add3A : vector<400x60x64xf32>
    %max3A = arith.constant 0.000000e+00 : f32
    %max3A_12 = vector.broadcast %max3A : f32 to vector<400x60x64xf32>
    %max3A_13 = arith.maximumf %add3A_11, %max3A_12 : vector<400x60x64xf32>
    %reduce_max3A = arith.constant dense<0xFF800000> : vector<400x64xf32>
    %reduce_max3A_14 = vector.multi_reduction <maximumf>, %max3A_13, %reduce_max3A [1] : vector<400x60x64xf32> to vector<400x64xf32>
    %swap3A = arith.constant 0 : index
    %swap3A_15 = arith.constant 0 : index
    %swap3A_16 = vector.load %arg4[%swap3A, %swap3A_15] : memref<400x64xf32, #tpu.memory_space<vmem>>, vector<400x64xf32>
    tpu.vector_store %arg4[%swap3A, %swap3A_15], %reduce_max3A_14 {strides = array<i32>} : memref<400x64xf32, #tpu.memory_space<vmem>>, vector<400x64xf32>,
    return
  }
  func.func @transform_0(%arg0: i32) -> (i32, i32) {
    %c0_i32 = arith.constant 0 : i32
    %c0_i32_0 = arith.constant 0 : i32
    return %arg0, %c0_i32 : i32, i32
  }
  func.func @transform_1(%arg0: i32) -> (i32, i32) {
    %c0_i32 = arith.constant 0 : i32
    %c0_i32_0 = arith.constant 0 : i32
    return %arg0, %c0_i32 : i32, i32
  }
  func.func @transform_2(%arg0: i32) -> (i32, i32) {
    %c0_i32 = arith.constant 0 : i32
    %c0_i32_0 = arith.constant 0 : i32
    %c0_i32_1 = arith.constant 0 : i32
    return %c0_i32, %c0_i32_0 : i32, i32
  }
  func.func @transform_3(%arg0: i32) -> (i32, i32) {
    %c0_i32 = arith.constant 0 : i32
    %c0_i32_0 = arith.constant 0 : i32
    return %arg0, %c0_i32 : i32, i32
  }
}

module attributes {stable_mosaic.version = 14 : i64} {
  func.func @_fc_head_body(%arg0: i32, %arg1: memref<400x192xf32, #tpu.memory_space<vmem>>, %arg2: memref<1x1x400xf32, #tpu.memory_space<vmem>>, %arg3: memref<192x1024xf32, #tpu.memory_space<vmem>>, %arg4: memref<1x1024xf32, #tpu.memory_space<vmem>>, %arg5: memref<1216x256xf32, #tpu.memory_space<vmem>>, %arg6: memref<1x256xf32, #tpu.memory_space<vmem>>, %arg7: memref<256x256xf32, #tpu.memory_space<vmem>>, %arg8: memref<1x256xf32, #tpu.memory_space<vmem>>, %arg9: memref<256x128xf32, #tpu.memory_space<vmem>>, %arg10: memref<1x128xf32, #tpu.memory_space<vmem>>, %arg11: memref<128x1xf32, #tpu.memory_space<vmem>>, %arg12: memref<1x1xf32, #tpu.memory_space<vmem>>, %arg13: memref<400x1xf32, #tpu.memory_space<vmem>>, %arg14: memref<1x1xf32, #tpu.memory_space<vmem>>) attributes {dimension_semantics = [#tpu.dimension_semantics<arbitrary>], iteration_bounds = array<i64: 25>, scalar_prefetch = 0 : i64, scratch_operands = 0 : i64, tpu.core_type = #tpu.core_type<tc>, window_params = [{transform_indices = @transform_0, window_bounds = array<i64: 400, 192>}, {transform_indices = @transform_1, window_bounds = array<i64: 1, 1, 400>}, {pipeline_mode = #tpu.pipeline_mode<synchronous>, transform_indices = @transform_2, window_bounds = array<i64: 192, 1024>}, {pipeline_mode = #tpu.pipeline_mode<synchronous>, transform_indices = @transform_3, window_bounds = array<i64: 1, 1024>}, {pipeline_mode = #tpu.pipeline_mode<synchronous>, transform_indices = @transform_4, window_bounds = array<i64: 1216, 256>}, {pipeline_mode = #tpu.pipeline_mode<synchronous>, transform_indices = @transform_5, window_bounds = array<i64: 1, 256>}, {pipeline_mode = #tpu.pipeline_mode<synchronous>, transform_indices = @transform_6, window_bounds = array<i64: 256, 256>}, {pipeline_mode = #tpu.pipeline_mode<synchronous>, transform_indices = @transform_7, window_bounds = array<i64: 1, 256>}, {pipeline_mode = #tpu.pipeline_mode<synchronous>, transform_indices = @transform_8, window_bounds = array<i64: 256, 128>}, {pipeline_mode = #tpu.pipeline_mode<synchronous>, transform_indices = @transform_9, window_bounds = array<i64: 1, 128>}, {pipeline_mode = #tpu.pipeline_mode<synchronous>, transform_indices = @transform_10, window_bounds = array<i64: 128, 1>}, {pipeline_mode = #tpu.pipeline_mode<synchronous>, transform_indices = @transform_11, window_bounds = array<i64: 1, 1>}, {transform_indices = @transform_12, window_bounds = array<i64: 400, 1>}, {pipeline_mode = #tpu.pipeline_mode<synchronous>, transform_indices = @transform_13, window_bounds = array<i64: 1, 1>}]} {
    %get3A = arith.constant 0 : index
    %get3A_0 = arith.constant 0 : index
    %get3A_1 = vector.load %arg1[%get3A, %get3A_0] : memref<400x192xf32, #tpu.memory_space<vmem>>, vector<400x192xf32>
    %get3A_2 = arith.constant 0 : index
    %get3A_3 = arith.constant 0 : index
    %get3A_4 = vector.load %arg3[%get3A_2, %get3A_3] : memref<192x1024xf32, #tpu.memory_space<vmem>>, vector<192x1024xf32>
    %dot_general3A = arith.constant dense<0.000000e+00> : vector<400x1024xf32>
    %dot_general3A_5 = tpu.matmul %get3A_1, %get3A_4, %dot_general3A {dimension_numbers = #tpu.dot_dimension_numbers<[1], [0], [0], [1], [0, 0, 1, 1], [], []>, transpose_lhs_hint = false} : vector<400x192xf32>, vector<192x1024xf32>, vector<400x1024xf32> -> vector<400x1024xf32>
    %get3A_6 = arith.constant 0 : index
    %get3A_7 = arith.constant 0 : index
    %get3A_8 = vector.load %arg4[%get3A_6, %get3A_7] : memref<1x1024xf32, #tpu.memory_space<vmem>>, vector<1x1024xf32>
    %add3A = vector.broadcast %get3A_8 : vector<1x1024xf32> to vector<400x1024xf32>
    %add3A_9 = arith.addf %dot_general3A_5, %add3A : vector<400x1024xf32>
    %max3A = arith.constant 0.000000e+00 : f32
    %max3A_10 = vector.broadcast %max3A : f32 to vector<400x1024xf32>
    %max3A_11 = arith.maximumf %add3A_9, %max3A_10 : vector<400x1024xf32>
    %get3A_12 = arith.constant 0 : index
    %get3A_13 = arith.constant 0 : index
    %get3A_14 = vector.load %arg5[%get3A_12, %get3A_13] : memref<1216x256xf32, #tpu.memory_space<vmem>>, vector<192x256xf32>
    %get3A_15 = arith.constant 192 : index
    %get3A_16 = arith.constant 0 : index
    %get3A_17 = vector.load %arg5[%get3A_15, %get3A_16] : memref<1216x256xf32, #tpu.memory_space<vmem>>, vector<1024x256xf32>
    %dot_general3A_18 = arith.constant dense<0.000000e+00> : vector<400x256xf32>
    %dot_general3A_19 = tpu.matmul %get3A_1, %get3A_14, %dot_general3A_18 {dimension_numbers = #tpu.dot_dimension_numbers<[1], [0], [0], [1], [0, 0, 1, 1], [], []>, transpose_lhs_hint = false} : vector<400x192xf32>, vector<192x256xf32>, vector<400x256xf32> -> vector<400x256xf32>
    %dot_general3A_20 = arith.constant dense<0.000000e+00> : vector<400x256xf32>
    %dot_general3A_21 = tpu.matmul %max3A_11, %get3A_17, %dot_general3A_20 {dimension_numbers = #tpu.dot_dimension_numbers<[1], [0], [0], [1], [0, 0, 1, 1], [], []>, transpose_lhs_hint = false} : vector<400x1024xf32>, vector<1024x256xf32>, vector<400x256xf32> -> vector<400x256xf32>
    %add3A_22 = arith.addf %dot_general3A_19, %dot_general3A_21 : vector<400x256xf32>
    %get3A_23 = arith.constant 0 : index
    %get3A_24 = arith.constant 0 : index
    %get3A_25 = vector.load %arg6[%get3A_23, %get3A_24] : memref<1x256xf32, #tpu.memory_space<vmem>>, vector<1x256xf32>
    %add3A_26 = vector.broadcast %get3A_25 : vector<1x256xf32> to vector<400x256xf32>
    %add3A_27 = arith.addf %add3A_22, %add3A_26 : vector<400x256xf32>
    %max3A_28 = arith.constant 0.000000e+00 : f32
    %max3A_29 = vector.broadcast %max3A_28 : f32 to vector<400x256xf32>
    %max3A_30 = arith.maximumf %add3A_27, %max3A_29 : vector<400x256xf32>
    %get3A_31 = arith.constant 0 : index
    %get3A_32 = arith.constant 0 : index
    %get3A_33 = vector.load %arg7[%get3A_31, %get3A_32] : memref<256x256xf32, #tpu.memory_space<vmem>>, vector<256x256xf32>
    %dot_general3A_34 = arith.constant dense<0.000000e+00> : vector<400x256xf32>
    %dot_general3A_35 = tpu.matmul %max3A_30, %get3A_33, %dot_general3A_34 {dimension_numbers = #tpu.dot_dimension_numbers<[1], [0], [0], [1], [0, 0, 1, 1], [], []>, transpose_lhs_hint = false} : vector<400x256xf32>, vector<256x256xf32>, vector<400x256xf32> -> vector<400x256xf32>
    %get3A_36 = arith.constant 0 : index
    %get3A_37 = arith.constant 0 : index
    %get3A_38 = vector.load %arg8[%get3A_36, %get3A_37] : memref<1x256xf32, #tpu.memory_space<vmem>>, vector<1x256xf32>
    %add3A_39 = vector.broadcast %get3A_38 : vector<1x256xf32> to vector<400x256xf32>
    %add3A_40 = arith.addf %dot_general3A_35, %add3A_39 : vector<400x256xf32>
    %max3A_41 = arith.constant 0.000000e+00 : f32
    %max3A_42 = vector.broadcast %max3A_41 : f32 to vector<400x256xf32>
    %max3A_43 = arith.maximumf %add3A_40, %max3A_42 : vector<400x256xf32>
    %get3A_44 = arith.constant 0 : index
    %get3A_45 = arith.constant 0 : index
    %get3A_46 = vector.load %arg9[%get3A_44, %get3A_45] : memref<256x128xf32, #tpu.memory_space<vmem>>, vector<256x128xf32>
    %dot_general3A_47 = arith.constant dense<0.000000e+00> : vector<400x128xf32>
    %dot_general3A_48 = tpu.matmul %max3A_43, %get3A_46, %dot_general3A_47 {dimension_numbers = #tpu.dot_dimension_numbers<[1], [0], [0], [1], [0, 0, 1, 1], [], []>, transpose_lhs_hint = false} : vector<400x256xf32>, vector<256x128xf32>, vector<400x128xf32> -> vector<400x128xf32>
    %get3A_49 = arith.constant 0 : index
    %get3A_50 = arith.constant 0 : index
    %get3A_51 = vector.load %arg10[%get3A_49, %get3A_50] : memref<1x128xf32, #tpu.memory_space<vmem>>, vector<1x128xf32>
    %add3A_52 = vector.broadcast %get3A_51 : vector<1x128xf32> to vector<400x128xf32>
    %add3A_53 = arith.addf %dot_general3A_48, %add3A_52 : vector<400x128xf32>
    %max3A_54 = arith.constant 0.000000e+00 : f32
    %max3A_55 = vector.broadcast %max3A_54 : f32 to vector<400x128xf32>
    %max3A_56 = arith.maximumf %add3A_53, %max3A_55 : vector<400x128xf32>
    %get3A_57 = arith.constant 0 : index
    %get3A_58 = arith.constant 0 : index
    %get3A_59 = vector.load %arg11[%get3A_57, %get3A_58] : memref<128x1xf32, #tpu.memory_space<vmem>>, vector<128x1xf32>
    %dot_general3A_60 = arith.constant dense<0.000000e+00> : vector<400x1xf32>
    %dot_general3A_61 = tpu.matmul %max3A_56, %get3A_59, %dot_general3A_60 {dimension_numbers = #tpu.dot_dimension_numbers<[1], [0], [0], [1], [0, 0, 1, 1], [], []>, transpose_lhs_hint = false} : vector<400x128xf32>, vector<128x1xf32>, vector<400x1xf32> -> vector<400x1xf32>
    %get3A_62 = arith.constant 0 : index
    %get3A_63 = arith.constant 0 : index
    %get3A_64 = vector.load %arg12[%get3A_62, %get3A_63] : memref<1x1xf32, #tpu.memory_space<vmem>>, vector<1x1xf32>
    %add3A_65 = vector.broadcast %get3A_64 : vector<1x1xf32> to vector<400x1xf32>
    %add3A_66 = arith.addf %dot_general3A_61, %add3A_65 : vector<400x1xf32>
    %logistic3A = arith.negf %add3A_66 : vector<400x1xf32>
    %logistic3A_67 = math.exp %logistic3A : vector<400x1xf32>
    %logistic3A_68 = arith.constant 1.000000e+00 : f32
    %logistic3A_69 = vector.broadcast %logistic3A_68 : f32 to vector<400x1xf32>
    %logistic3A_70 = arith.addf %logistic3A_69, %logistic3A_67 : vector<400x1xf32>
    %logistic3A_71 = arith.divf %logistic3A_69, %logistic3A_70 : vector<400x1xf32>
    %swap3A = arith.constant 0 : index
    %swap3A_72 = arith.constant 0 : index
    %swap3A_73 = vector.load %arg13[%swap3A, %swap3A_72] : memref<400x1xf32, #tpu.memory_space<vmem>>, vector<400x1xf32>
    tpu.vector_store %arg13[%swap3A, %swap3A_72], %logistic3A_71 {strides = array<i32>} : memref<400x1xf32, #tpu.memory_space<vmem>>, vector<400x1xf32>,
    %squeeze3A = vector.shape_cast %logistic3A_71 : vector<400x1xf32> to vector<400xf32>
    %jit3A = arith.constant 1.000000e-07 : f32
    %jit3A_74 = arith.constant 0.99999988 : f32
    %max3A_75 = vector.broadcast %jit3A : f32 to vector<400xf32>
    %max3A_76 = arith.maximumf %max3A_75, %squeeze3A : vector<400xf32>
    %min3A = vector.broadcast %jit3A_74 : f32 to vector<400xf32>
    %min3A_77 = arith.minimumf %min3A, %max3A_76 : vector<400xf32>
    %get3A_78 = arith.constant 0 : index
    %get3A_79 = arith.constant 0 : index
    %get3A_80 = arith.constant 0 : index
    %get3A_81 = vector.load %arg2[%get3A_78, %get3A_79, %get3A_80] : memref<1x1x400xf32, #tpu.memory_space<vmem>>, vector<1x1x400xf32>
    %get3A_82 = vector.shape_cast %get3A_81 : vector<1x1x400xf32> to vector<400xf32>
    %log3A = math.log %min3A_77 : vector<400xf32>
    %mul3A = arith.mulf %get3A_82, %log3A : vector<400xf32>
    %sub3A = arith.constant 1.000000e+00 : f32
    %sub3A_83 = vector.broadcast %sub3A : f32 to vector<400xf32>
    %sub3A_84 = arith.subf %sub3A_83, %get3A_82 : vector<400xf32>
    %sub3A_85 = arith.constant 1.000000e+00 : f32
    %sub3A_86 = vector.broadcast %sub3A_85 : f32 to vector<400xf32>
    %sub3A_87 = arith.subf %sub3A_86, %min3A_77 : vector<400xf32>
    %log3A_88 = math.log %sub3A_87 : vector<400xf32>
    %mul3A_89 = arith.mulf %sub3A_84, %log3A_88 : vector<400xf32>
    %add3A_90 = arith.addf %mul3A, %mul3A_89 : vector<400xf32>
    %reduce_sum3A = vector.shape_cast %add3A_90 : vector<400xf32> to vector<1x400xf32>
    %reduce_sum3A_91 = arith.constant dense<0.000000e+00> : vector<1xf32>
    %reduce_sum3A_92 = vector.multi_reduction <add>, %reduce_sum3A, %reduce_sum3A_91 [1] : vector<1x400xf32> to vector<1xf32>
    %reduce_sum3A_93 = vector.shape_cast %reduce_sum3A_92 : vector<1xf32> to vector<1x1xf32>
    %reduce_sum3A_94 = vector.extract %reduce_sum3A_93[0, 0] : f32 from vector<1x1xf32>
    %eq3A = arith.constant 0 : i32
    %eq3A_95 = arith.cmpi eq, %arg0, %eq3A : i32
    %convert_element_type3A = arith.extui %eq3A_95 : i1 to i32
    %cond3A = arith.constant 0 : i32
    %cond3A_96 = arith.cmpi ne, %convert_element_type3A, %cond3A : i32
    scf.if %cond3A_96 {
      %broadcast_in_dim3A = arith.constant 0.000000e+00 : f32
      %broadcast_in_dim3A_104 = vector.broadcast %broadcast_in_dim3A : f32 to vector<1x1xf32>
      %swap3A_105 = arith.constant 0 : index
      %swap3A_106 = arith.constant 0 : index
      %swap3A_107 = vector.load %arg14[%swap3A_105, %swap3A_106] : memref<1x1xf32, #tpu.memory_space<vmem>>, vector<1x1xf32>
      tpu.vector_store %arg14[%swap3A_105, %swap3A_106], %broadcast_in_dim3A_104 {strides = array<i32>} : memref<1x1xf32, #tpu.memory_space<vmem>>, vector<1x1xf32>,
    } else {
    }
    %get3A_97 = arith.constant 0 : index
    %get3A_98 = arith.constant 0 : index
    %get3A_99 = vector.load %arg14[%get3A_97, %get3A_98] : memref<1x1xf32, #tpu.memory_space<vmem>>, vector<1x1xf32>
    %reshape3A = vector.broadcast %reduce_sum3A_94 : f32 to vector<1x1xf32>
    %add3A_100 = arith.addf %get3A_99, %reshape3A : vector<1x1xf32>
    %swap3A_101 = arith.constant 0 : index
    %swap3A_102 = arith.constant 0 : index
    %swap3A_103 = vector.load %arg14[%swap3A_101, %swap3A_102] : memref<1x1xf32, #tpu.memory_space<vmem>>, vector<1x1xf32>
    tpu.vector_store %arg14[%swap3A_101, %swap3A_102], %add3A_100 {strides = array<i32>} : memref<1x1xf32, #tpu.memory_space<vmem>>, vector<1x1xf32>,
    return
  }
  func.func @transform_0(%arg0: i32) -> (i32, i32) {
    %c0_i32 = arith.constant 0 : i32
    %c0_i32_0 = arith.constant 0 : i32
    return %arg0, %c0_i32 : i32, i32
  }
  func.func @transform_1(%arg0: i32) -> (i32, i32, i32) {
    %c0_i32 = arith.constant 0 : i32
    %c0_i32_0 = arith.constant 0 : i32
    %c0_i32_1 = arith.constant 0 : i32
    return %arg0, %c0_i32, %c0_i32_0 : i32, i32, i32
  }
  func.func @transform_2(%arg0: i32) -> (i32, i32) {
    %c0_i32 = arith.constant 0 : i32
    %c0_i32_0 = arith.constant 0 : i32
    %c0_i32_1 = arith.constant 0 : i32
    return %c0_i32, %c0_i32_0 : i32, i32
  }
  func.func @transform_3(%arg0: i32) -> (i32, i32) {
    %c0_i32 = arith.constant 0 : i32
    %c0_i32_0 = arith.constant 0 : i32
    %c0_i32_1 = arith.constant 0 : i32
    return %c0_i32, %c0_i32_0 : i32, i32
  }
  func.func @transform_4(%arg0: i32) -> (i32, i32) {
    %c0_i32 = arith.constant 0 : i32
    %c0_i32_0 = arith.constant 0 : i32
    %c0_i32_1 = arith.constant 0 : i32
    return %c0_i32, %c0_i32_0 : i32, i32
  }
  func.func @transform_5(%arg0: i32) -> (i32, i32) {
    %c0_i32 = arith.constant 0 : i32
    %c0_i32_0 = arith.constant 0 : i32
    %c0_i32_1 = arith.constant 0 : i32
    return %c0_i32, %c0_i32_0 : i32, i32
  }
  func.func @transform_6(%arg0: i32) -> (i32, i32) {
    %c0_i32 = arith.constant 0 : i32
    %c0_i32_0 = arith.constant 0 : i32
    %c0_i32_1 = arith.constant 0 : i32
    return %c0_i32, %c0_i32_0 : i32, i32
  }
  func.func @transform_7(%arg0: i32) -> (i32, i32) {
    %c0_i32 = arith.constant 0 : i32
    %c0_i32_0 = arith.constant 0 : i32
    %c0_i32_1 = arith.constant 0 : i32
    return %c0_i32, %c0_i32_0 : i32, i32
  }
  func.func @transform_8(%arg0: i32) -> (i32, i32) {
    %c0_i32 = arith.constant 0 : i32
    %c0_i32_0 = arith.constant 0 : i32
    %c0_i32_1 = arith.constant 0 : i32
    return %c0_i32, %c0_i32_0 : i32, i32
  }
  func.func @transform_9(%arg0: i32) -> (i32, i32) {
    %c0_i32 = arith.constant 0 : i32
    %c0_i32_0 = arith.constant 0 : i32
    %c0_i32_1 = arith.constant 0 : i32
    return %c0_i32, %c0_i32_0 : i32, i32
  }
  func.func @transform_10(%arg0: i32) -> (i32, i32) {
    %c0_i32 = arith.constant 0 : i32
    %c0_i32_0 = arith.constant 0 : i32
    %c0_i32_1 = arith.constant 0 : i32
    return %c0_i32, %c0_i32_0 : i32, i32
  }
  func.func @transform_11(%arg0: i32) -> (i32, i32) {
    %c0_i32 = arith.constant 0 : i32
    %c0_i32_0 = arith.constant 0 : i32
    %c0_i32_1 = arith.constant 0 : i32
    return %c0_i32, %c0_i32_0 : i32, i32
  }
  func.func @transform_12(%arg0: i32) -> (i32, i32) {
    %c0_i32 = arith.constant 0 : i32
    %c0_i32_0 = arith.constant 0 : i32
    return %arg0, %c0_i32 : i32, i32
  }
  func.func @transform_13(%arg0: i32) -> (i32, i32) {
    %c0_i32 = arith.constant 0 : i32
    %c0_i32_0 = arith.constant 0 : i32
    %c0_i32_1 = arith.constant 0 : i32
    return %c0_i32, %c0_i32_0 : i32, i32
  }
}

</mosaic_0001>

<sc_bundles>
// kernel: kernel.15.cloned.1.call-start
scs
__scs_entry_jumppad:
0x0: {  	(pc) =	sbr.rel $0x88, $3  }
0x1: {  	(tag) =	ssettag $0x0;
	lr =	simm.s32 $0x1  }
0x2: {  	[smem:$0x3F8A] =	sst lr;
	_ =	strace $0xD0000000  }
0x3: {  	_ = 	snop  }
0x4: {  	_ = 	snop  }
0x5: {  	_ = 	snop  }
0x6: {  	_ = 	snop  }
0x7: {  	_ = 	snop  }
__scs_overlays_trampoline_lowered:
0x8: {  	[smem:$0x3F99] =	sst s0  }
0x9: {  	[smem:$0x3F9A] =	sst s1  }
0xa: {  	[smem:$0x3F9B] =	sst s2  }
0xb: {  	[smem:$0x3F9C] =	sst s3  }
0xc: {  	[smem:$0x3F9D] =	sst s4  }
0xd: {  	[smem:$0x3F9E] =	sst s5  }
0xe: {  	[smem:$0x3F9F] =	sst s6  }
0xf: {  	[smem:$0x3FA0] =	sst s7  }
0x10: {  	[smem:$0x3FA1] =	sst s8  }
0x11: {  	[smem:$0x3FA2] =	sst s9;
	s0 =	simm.s32 @!p0 $0x0  }
0x12: {  	s1 =	sld [smem:$0x3F88];
	s0 =	simm.s32 @p0 $0x1  }
0x13: {  	[smem:$0x3FA3] =	sst s0;
	s0 =	simm.s32 @!p1 $0x0  }
0x14: {  	s2 =	sld [smem:$0x3F87];
	s0 =	simm.s32 @p1 $0x1  }
0x15: {  	[smem:$0x3FA4] =	sst s0;
	s0 =	simm.s32 @!p2 $0x0  }
0x16: {  	s3 =	sld [smem:$0x3FDB];
	s0 =	simm.s32 @p2 $0x1  }
0x17: {  	s4 =	simm.s32 $0x1BF5;
	[smem:$0x3FA6] =	sst s0  }
0x18: {  	s0 =	sld [smem:$0x3F89];
	_ =	swait.ge [sflag:s4], $0x0  }
0x19: {  	s7 =	sld [smem:$0x3F8A]  }
0x1a: {  	s8 =	sadd.s32 $0xFFFFE003, lr  }
0x1b: {  	s9 =	sadd.s32 $0xFFFFFEF7, lr;
	s5 =	simm.s32 $0xFFFFFFFF;
	p2 =	slt.u32 s8, $0xFFFFF086  }
0x1c: {  	p1 =	slt.u32 s9, $0xF7A;
	s5 =	simm.s32 @!p2 $0x0  }
0x1d: {  	s5 =	simm.s32 @p1 $0x1;
	p0 =	seq.s32 s7, s2  }
0x1e: {  	s7 =	smul.u32 @!p0 $0xF7A, s2;
	p2 =	seq.s32 @!p0 s5, $0x0  }
0x1f: {  	s9 =	smul.u32 $0xF7A, s1;
	s8 =	simm.s32 @!p0 $0x1BF5;
	p2 =	por !p2, p0  }
0x20: {  	[sflag:s8] =	ssyncset.s32 @!p0 $0xFFFFF086;
	s6 =	sadd.s32 @!p0 s3, s7;
	s7 =	simm.s32 @!p0 $0x108  }
0x21: {  	s3 =	sadd.s32 s3, s9;
	s6 =	sadd.s32 @!p0 $0x88, s6;
	s7 =	simm.s32 @p2 $0x1082  }
0x22: {  	[simem:s7], [sflag:s8] =	dma.local @!p0 [hbm:s6], $0xF7A  }
0x23: {  	s9 =	sor.u32 $0xD0000000, s2;
	s6 =	simm.s32 $0x108;
	_ =	swait.ge @!p0 [sflag:s8], $0x0  }
0x24: {  	s3 =	sadd.s32 $0x88, s3;
	s6 =	simm.s32 @!p1 $0x1082;
	[sflag:s4] =	ssyncset.s32 $0xFFFFF086  }
0x25: {  	[simem:s6], [sflag:s4] =	dma.local [hbm:s3], $0xF7A  }
0x26: {  	[smem:$0x3F8A] =	sst s1;
	(tag) =	ssettag s2;
	_ =	strace s9  }
0x27: {  	s1 =	sld [smem:$0x3F9A]  }
0x28: {  	s2 =	sld [smem:$0x3F9B]  }
0x29: {  	s4 =	sld [smem:$0x3F9D]  }
0x2a: {  	p0 =	seq.s32 s5, $0x0;
	s5 =	sld [smem:$0x3F9E]  }
0x2b: {  	s6 =	sld [smem:$0x3F9F]  }
0x2c: {  	s7 =	sld [smem:$0x3FA0]  }
0x2d: {  	s3 =	simm.s32 $0x108;
	s8 =	sld [smem:$0x3FA1]  }
0x2e: {  	s3 =	simm.s32 @!p0 $0x1082;
	s9 =	sld [smem:$0x3FA2]  }
0x2f: {  	lr =	sadd.s32 s0, s3;
	s0 =	sld [smem:$0x3F99]  }
0x30: {  	s3 =	sld [smem:$0x3F9C]  }
0x31: {  	[smem:$0x3FA5] =	sst s10  }
0x32: {  	s10 =	sld [smem:$0x3FA3];
	_ =	sdelay $0x3  }
0x33: {  	p0 =	seq.s32 s10, $0x1;
	s10 =	sld [smem:$0x3FA5];
	_ =	sdelay $0x3  }
0x34: {  	[smem:$0x3FA5] =	sst s10  }
0x35: {  	s10 =	sld [smem:$0x3FA4];
	_ =	sdelay $0x3  }
0x36: {  	p1 =	seq.s32 s10, $0x1;
	s10 =	sld [smem:$0x3FA5];
	_ =	sdelay $0x3  }
0x37: {  	[smem:$0x3FA5] =	sst s10  }
0x38: {  	s10 =	sld [smem:$0x3FA6]  }
0x39: {  	_ = 	snop;
	(pc) =	sbr.ind lr, $3  }
0x3a: {  	_ = 	snop  }
0x3b: {  	_ = 	snop  }
0x3c: {  	p2 =	seq.s32 s10, $0x1;
	s10 =	sld [smem:$0x3FA5]  }
0x3d: {  	_ =	shalt  }
0x3e: {  	_ =	shalt  }
0x3f: {  	_ =	shalt  }
0x40: {  	_ =	shalt  }
0x41: {  	_ =	shalt  }
0x42: {  	_ =	shalt  }
0x43: {  	_ =	shalt  }
0x44: {  	_ =	shalt  }
0x45: {  	_ =	shalt  }
0x46: {  	_ =	shalt  }
0x47: {  	_ =	shalt  }
0x48: {  	_ =	shalt  }
0x49: {  	_ =	shalt  }
0x4a: {  	_ =	shalt  }
0x4b: {  	_ =	shalt  }
0x4c: {  	_ =	shalt  }
0x4d: {  	_ =	shalt  }
0x4e: {  	_ =	shalt  }
0x4f: {  	_ =	shalt  }
0x50: {  	_ =	shalt  }
0x51: {  	_ =	shalt  }
0x52: {  	_ =	shalt  }
0x53: {  	_ =	shalt  }
0x54: {  	_ =	shalt  }
0x55: {  	_ =	shalt  }
0x56: {  	_ =	shalt  }
0x57: {  	_ =	shalt  }
0x58: {  	_ =	shalt  }
0x59: {  	_ =	shalt  }
0x5a: {  	_ =	shalt  }
0x5b: {  	_ =	shalt  }
0x5c: {  	_ =	shalt  }
0x5d: {  	_ =	shalt  }
0x5e: {  	_ =	shalt  }
0x5f: {  	_ =	shalt  }
0x60: {  	_ =	shalt  }
0x61: {  	_ =	shalt  }
0x62: {  	_ =	shalt  }
0x63: {  	_ =	shalt  }
0x64: {  	_ =	shalt  }
0x65: {  	_ =	shalt  }
0x66: {  	_ =	shalt  }
0x67: {  	_ =	shalt  }
0x68: {  	_ =	shalt  }
0x69: {  	_ =	shalt  }
0x6a: {  	_ =	shalt  }
0x6b: {  	_ =	shalt  }
0x6c: {  	_ =	shalt  }
0x6d: {  	_ =	shalt  }
0x6e: {  	_ =	shalt  }
0x6f: {  	_ =	shalt  }
0x70: {  	_ =	shalt  }
0x71: {  	_ =	shalt  }
0x72: {  	_ =	shalt  }
0x73: {  	_ =	shalt  }
0x74: {  	_ =	shalt  }
0x75: {  	_ =	shalt  }
0x76: {  	_ =	shalt  }
0x77: {  	_ =	shalt  }
0x78: {  	_ =	shalt  }
0x79: {  	_ =	shalt  }
0x7a: {  	_ =	shalt  }
0x7b: {  	_ =	shalt  }
0x7c: {  	_ =	shalt  }
0x7d: {  	_ =	shalt  }
0x7e: {  	_ =	shalt  }
0x7f: {  	_ =	shalt  }
0x80: {  	_ =	shalt  }
0x81: {  	_ =	shalt  }
0x82: {  	_ =	shalt  }
0x83: {  	_ =	shalt  }
0x84: {  	_ =	shalt  }
0x85: {  	_ =	shalt  }
0x86: {  	_ =	shalt  }
0x87: {  	_ =	shalt  }
.Lfunc_end0:
.L_simem_size_0:
called_computation.1_lowered:
.L_overlay_start_0:
0x88: {  	s2 =	sld [smem:$0x3FD9]  }
0x89: {  	s3 =	sld [smem:$0x3FFE];
	_ =	sdelay $0x1  }
0x8a: {  	s1 =	srdreg.scid  }
0x8b: {  	s0 =	sand.u32 $0x1, s1  }
0x8c: {  	s17 =	sshll.u32 s0, $0xA;
	s2 =	sadd.s32 s3, s2  }
0x8d: {  	s2 =	sadd.s32 s2, s17  }
0x8e: {  	[smem:$0x3FB1] =	sst s2  }
0x8f: {  	_ = 	snop  }
0x90: {  	(tm) =	ssettm $0x1  }
0x91: {  	s18 =	sld [smem:$0x3FFB];
	_ =	sdelay $0x3  }
0x92: {  	_ =	strace s18  }
0x93: {  	s2 =	sld [smem:$0x3FFC];
	_ =	sdelay $0x3  }
0x94: {  	_ =	strace s2  }
0x95: {  	s2 =	sld [smem:$0x3FFD];
	_ =	sdelay $0x3  }
0x96: {  	_ =	strace s2  }
0x97: {  	_ =	strace $0x8FFFFFFF  }
0x98: {  	s19 =	sld [smem:$0x3FDB];
	_ =	sdelay $0x1  }
0x99: {  	s20 =	simm.s32 $_scs_section_size  }
0x9a: {  	s4 =	simm.s32 $_size__tile_overlayer_lowered;
	s5 =	simm.s32 $_tile_overlayer_lowered  }
0x9b: {  	s6 =	simm.s32 $0x1BFF;
	s21 =	sshll.u32 s5, $0x1;
	s3 =	sadd.s32 s20, s19  }
0x9c: {  	s22 =	simm.s32 $0x0;
	s4 =	sshll.u32 s4, $0x1;
	s5 =	sadd.s32 s21, s3  }
0x9d: {  	[timem:s22], [sflag:s6] =	dma.local [hbm:s5], s4  }
0x9e: {  	_ =	swait.ge [sflag:s6], s4  }
0x9f: {  	s4 =	ssub.s32 $0x0, s4;
	[sflag:s6] =	ssyncset.done $0x0  }
0xa0: {  	[sflag:s6] =	ssyncadd.s32 s4;
	_ =	sdelay $0x1  }
0xa1: {  	s23 =	simm.s32 $0x1B8B  }
0xa2: {  	_ =	swait.ge [sflag:s23], $0x1  }
0xa3: {  	[sflag:s23] =	ssyncset.done $0x0  }
0xa4: {  	[sflag:s23] =	ssyncadd.s32 $0xFFFFFFFF  }
0xa5: {  	s4 =	sld [smem:$0x0]  }
0xa6: {  	s5 =	sand.u32 $0xFFFFFFFE, s1  }
0xa7: {  	p0 =	sne.s32 s1, s5  }
0xa8: {  	s5 =	sshll.u32 @p0 s5, $0xE  }
0xa9: {  	s5 =	sadd.s32 @p0 $0x11B8D, s5;
	s6 =	sshll.u32 @p0 s4, $0x11  }
0xaa: {  	s5 =	sor.u32 @p0 s6, s5  }
0xab: {  	[sflag:s5] =	ssyncadd.remote.s32 @p0 $0x1;
	_ =	sdelay $0x1  }
0xac: {  	s5 =	simm.s32 @p0 $0x1B8D  }
0xad: {  	_ =	swait.eq @p0 [sflag:s5], $0x1  }
0xae: {  	[sflag:s5] =	ssyncadd.s32 @p0 $0xFFFFFFFF  }
0xaf: {  	s6 =	sshll.u32 @!p0 s1, $0xE  }
0xb0: {  	s6 =	sor.u32 @!p0 $0x4000, s6;
	s5 =	simm.s32 @!p0 $0x1B8D  }
0xb1: {  	s4 =	sshll.u32 @!p0 s4, $0x11;
	s6 =	sadd.s32 @!p0 $0x11B8D, s6;
	_ =	swait.eq @!p0 [sflag:s5], $0x1  }
0xb2: {  	s4 =	sor.u32 @!p0 s4, s6;
	[sflag:s5] =	ssyncadd.s32 @!p0 $0xFFFFFFFF  }
0xb3: {  	s25 =	simm.s32 $0x1B8E;
	s24 =	sld [smem:$0x3FFE];
	[sflag:s4] =	ssyncadd.remote.s32 @!p0 $0x1  }
0xb4: {  	s26 =	simm.s32 $execute0_lowered;
	[smem:$0x3FD2] =	sst s25  }
0xb5: {  	s5 =	sshll.u32 s26, $0x1;
	_ =	strace $0x80000049;
	[dreg:$0x1] =	wrdreg $0xFFFFFFFF  }
0xb6: {  	s28 =	simm.s32 $_size_execute0_lowered;
	s3 =	sadd.s32 s3, s5;
	[dreg:$0x0] =	wrdreg $0x0  }
0xb7: {  	s5 =	sshll.u32 s28, $0x1;
	[dreg:$0x2] =	wrdreg s3  }
0xb8: {  	[dreg:$0x3] =	wrdreg s5  }
0xb9: {  	[dreg:$0x4] =	wrdreg $0xC0  }
0xba: {  	_ =	task [dreg:s22], $0x5FFFF  }
0xbb: {  	[dreg:$0x1] =	wrdreg $0xFFFFFFFF  }
0xbc: {  	[dreg:$0x0] =	wrdreg $0x60  }
0xbd: {  	[dreg:$0x2] =	wrdreg s24  }
0xbe: {  	[dreg:$0x3] =	wrdreg $0x9  }
0xbf: {  	_ =	task.clear_ibuf [dreg:s22], $0x4FFFF;
	_ =	strace $0x90000049  }
0xc0: {  	s29 =	simm.s32 $0x9;
	_ =	strace $0x8000004B  }
0xc1: {  	_ =	swait.ge [sflag:s29], $0x1  }
0xc2: {  	[sflag:s29] =	ssyncadd.s32 $0xFFFFFFFF  }
0xc3: {  	_ =	strace $0x9000004B  }
0xc4: {  	_ =	sfence  }
0xc5: {  	s30 =	sld [smem:$0x0];
	_ =	sdelay $0x2  }
0xc6: {  	s31 =	sshll.u32 s1, $0xD;
	s1 =	sshrl.u32 s1, $0x2  }
0xc7: {  	s4 =	sand.u32 $0x4000, s31;
	s1 =	sadd.s32 s1, s30  }
0xc8: {  	s0 =	sor.u32 s4, s0;
	s1 =	sshll.u32 s1, $0x11  }
0xc9: {  	s0 =	sor.u32 s1, s0  }
0xca: {  	s0 =	sadd.s32 $0x8F2B, s0  }
0xcb: {  	[sflag:s0] =	ssyncadd.remote.s32 $0x1  }
0xcc: {  	_ =	sfence.sel $0xFFFF  }
0xcd: {  	[dreg:$0x0] =	wrdreg $0xFFFFFFFF;
	(pc) =	sbr.abs _section_cstart, $3  }
0xce: {  	[dreg:$0x1] =	wrdreg $0xFFFFFFFF  }
0xcf: {  	_ =	task.clear_ibuf [dreg:s22], $0x2FFFF;
	_ =	strace $0x9FFFFFFF  }
0xd0: {  	(tm) =	ssettm $0x7FFFFFFF  }
0xd1: {  	_ =	shalt  }
tec
execute0_lowered:
.L_overlay_start_1:
0x0: {  	(tag) =	ssettag $0x1  }
0x1: {  	s0 =	srdreg.scid  }
0x2: {  	s11 =	stileid.u32;
	s1 =	rddreg [dreg:$0x0]  }
0x3: {  	s2 =	simm.s32 $0x0;
	s12 =	simm.s32 $0x9;
	s13 =	simm.s32 $0x80  }
0x4: {  	s17 =	simm.s32 $0x6800;
	s19 =	simm.s32 $0x8800;
	s5 =	smul.u32 $0x140000, s11  }
0x5: {  	s20 =	simm.s32 $0x5;
	s28 =	simm.s32 $0x8;
	s7 =	smul.u32 $0x5000, s11  }
0x6: {  	s29 =	simm.s32 $0x10800;
	s0 =	sand.u32 $0x1, s0;
	s23 =	smul.u32 $0x28000, s11  }
0x7: {  	s30 =	simm.s32 $0x1;
	s31 =	simm.s32 $0x2;
	s10 =	smul.u32 $0x2800, s0  }
0x8: {  	s3 =	sshll.u32 s11, $0x1;
	[smem:$0x7FF] =	sst s2;
	s22 =	smul.u32 $0xA0000, s0  }
0x9: {  	s3 =	sor.u32 s0, s3;
	s6 =	ssub.s32 $0x2, s0;
	s0 =	smul.u32 $0x14000, s0  }
0xa: {  	_ =	strace $0x8000004A;
	s4 =	smul.u32 $0x2800, s3;
	s9 =	sshrl.u32 s6, $0x1  }
0xb: {  	s3 =	sadd.s32 $0xD000, s1;
	s21 =	ssub.s32 s6, s9;
	s7 =	sadd.s32 s10, s7  }
0xc: {  	s5 =	sadd.s32 s22, s5;
	s0 =	sadd.s32 s0, s23;
	s22 =	simm.s32 $0xA  }
0xd: {  	s23 =	simm.s32 $0x6;
	s6 =	simm.s32 $0x0;
	s4 =	sshrl.u32 s4, $0x3  }
0xe: {  	s24 =	sshll.u32 s7, $0x3;
	s25 =	sshrl.u32 s5, $0x3;
	[dreg:$0x4] =	wrdreg s0  }
0xf: {  	s0 =	simm.s32 $0x4;
	s8 =	sadd.s32 s4, s1;
	s4 =	sadd.s32 $0x2B4A00, s1  }
.Ltmp0:
0x10: {  	s1 =	smax.u32 s21, $0x1;
	s21 =	simm.s32 $0xA800;
	(pc) =	sbr.rel .LBB2_1-.Ltmp0, $4  }
0x11: {  	s8 =	sadd.s32 $0x2AAA00, s8;
	[dreg:$0x3] =	wrdreg s1;
	s26 =	sadd.s32 s24, s4  }
0x12: {  	s7 =	sadd.s32 s25, s4;
	s24 =	simm.s32 $0xC800;
	s25 =	simm.s32 $0x7  }
0x13: {  	s1 =	simm.s32 $0x3;
	[dreg:$0x2] =	wrdreg s8;
	s9 =	sadd.s32 $0xC00, s26  }
0x14: {  	s10 =	sadd.s32 $0x800, s26;
	s11 =	sadd.s32 $0x400, s26;
	s26 =	simm.s32 $0xE800  }
.LBB2_8:
0x15: {  	s6 =	rddreg [dreg:$0x5]  }
0x16: {  	s5 =	rddreg [dreg:$0x3];
	s6 =	sadd.s32 $0x1, s6  }
0x17: {  	p0 =	sne.s32 s6, s5  }
.Ltmp1:
0x18: {  	_ = 	snop;
	(pc) =	sbr.rel @!p0 .LBB2_9-.Ltmp1, $1  }
0x19: {  	_ =	sdelay $0x3  }
.LBB2_1:
0x1a: {  	[dreg:$0x5] =	wrdreg s6  }
0x1b: {  	s5 =	rddreg [dreg:$0x2]  }
0x1c: {  	[tilespmem:s2], [sflag:$0x9] =	stream.linear.gather [hbm4b:s5+s2], $0x2800, $0x38;
	[tilespmem:$0x12800] =	vst v63  }
0x1d: {  	_ =	swait.ge [sflag:s12], $0x2800  }
0x1e: {  	[sflag:s12] =	ssyncset.done $0x0  }
0x1f: {  	s14 =	simm.s32 $0x2800;
	[sflag:s12] =	ssyncadd.s32 $0xFFFFD800  }
0x20: {  	[tilespmem:s14], [sflag:$0x1] =	stream.indirect.gather [hbm4b:s3+s13], $0x40, s2, s13, $0xb8;
	[tilespmem:$0x12800] =	vst v63  }
0x21: {  	s15 =	simm.s32 $0x4800  }
0x22: {  	[tilespmem:s15], [sflag:$0x2] =	stream.indirect.gather [hbm4b:s3+s13], $0x40, s13, s13, $0xb8;
	[tilespmem:$0x12800] =	vst v63  }
.Ltmp2:
0x23: {  	s16 =	simm.s32 $0x100;
	(pc) =	sbr.rel .LBB2_2-.Ltmp2, $4  }
0x24: {  	[tilespmem:s17], [sflag:$0x3] =	stream.indirect.gather [hbm4b:s3+s13], $0x40, s16, s13, $0xb8;
	[tilespmem:$0x12800] =	vst v63  }
0x25: {  	s18 =	simm.s32 $0x180  }
0x26: {  	[tilespmem:s19], [sflag:$0x4] =	stream.indirect.gather [hbm4b:s3+s13], $0x40, s18, s13, $0xb8;
	[tilespmem:$0x12800] =	vst v63  }
0x27: {  	s6 =	simm.s32 $0x0;
	s5 =	simm.s32 $0x0;
	s18 =	simm.s32 $0x200  }
.LBB2_5:
0x28: {  	s8 =	simm.s32 $0x2800  }
0x29: {  	[tilespmem:s8], [sflag:$0x1] =	stream.indirect.gather [hbm4b:s3+s13], $0x40, s18, s13, $0xb8;
	[tilespmem:$0x12800] =	vst v63  }
0x2a: {  	s8 =	simm.s32 $0x4800  }
0x2b: {  	[tilespmem:s8], [sflag:$0x2] =	stream.indirect.gather [hbm4b:s3+s13], $0x40, s15, s13, $0xb8;
	[tilespmem:$0x12800] =	vst v63  }
0x2c: {  	_ = 	snop  }
0x2d: {  	[tilespmem:s17], [sflag:$0x3] =	stream.indirect.gather [hbm4b:s3+s13], $0x40, s14, s13, $0xb8;
	[tilespmem:$0x12800] =	vst v63  }
0x2e: {  	_ = 	snop  }
0x2f: {  	[tilespmem:s19], [sflag:$0x4] =	stream.indirect.gather [hbm4b:s3+s13], $0x40, s16, s13, $0xb8;
	[tilespmem:$0x12800] =	vst v63  }
.LBB2_6:
0x30: {  	_ =	swait.ge [sflag:s20], $0x2000  }
0x31: {  	[sflag:s20] =	ssyncset.done $0x0  }
0x32: {  	s8 =	sadd.s32 s5, s7;
	[sflag:s20] =	ssyncadd.s32 $0xFFFFE000  }
0x33: {  	[hbm4b:s8+s2] =	stream.linear.scatter [tilespmem:s21], [sflag:$0xA], $0x2000, $0x38;
	[tilespmem:$0x12800] =	vst v63  }
0x34: {  	_ =	swait.ge [sflag:s22], $0x2000  }
0x35: {  	[sflag:s22] =	ssyncset.done $0x0  }
0x36: {  	[sflag:s22] =	ssyncadd.s32 $0xFFFFE000  }
0x37: {  	_ =	swait.ge [sflag:s23], $0x2000  }
0x38: {  	[sflag:s23] =	ssyncset.done $0x0  }
0x39: {  	s14 =	sadd.s32 s5, s11;
	[sflag:s23] =	ssyncadd.s32 $0xFFFFE000  }
0x3a: {  	[hbm4b:s14+s2] =	stream.linear.scatter [tilespmem:s24], [sflag:$0xA], $0x2000, $0x38;
	[tilespmem:$0x12800] =	vst v63  }
0x3b: {  	_ =	swait.ge [sflag:s22], $0x2000  }
0x3c: {  	[sflag:s22] =	ssyncset.done $0x0  }
0x3d: {  	[sflag:s22] =	ssyncadd.s32 $0xFFFFE000  }
0x3e: {  	_ =	swait.ge [sflag:s25], $0x2000  }
0x3f: {  	[sflag:s25] =	ssyncset.done $0x0  }
0x40: {  	s15 =	sadd.s32 s5, s10;
	[sflag:s25] =	ssyncadd.s32 $0xFFFFE000  }
0x41: {  	[hbm4b:s15+s2] =	stream.linear.scatter [tilespmem:s26], [sflag:$0xA], $0x2000, $0x38;
	[tilespmem:$0x12800] =	vst v63  }
0x42: {  	_ =	swait.ge [sflag:s22], $0x2000  }
0x43: {  	[sflag:s22] =	ssyncset.done $0x0  }
0x44: {  	[sflag:s22] =	ssyncadd.s32 $0xFFFFE000  }
0x45: {  	_ =	swait.ge [sflag:s28], $0x2000  }
0x46: {  	[sflag:s28] =	ssyncset.done $0x0  }
0x47: {  	s16 =	sadd.s32 s5, s9;
	[sflag:s28] =	ssyncadd.s32 $0xFFFFE000  }
0x48: {  	[hbm4b:s16+s2] =	stream.linear.scatter [tilespmem:s29], [sflag:$0x9], $0x2000, $0x38;
	[tilespmem:$0x12800] =	vst v63  }
0x49: {  	_ =	swait.ge [sflag:s12], $0x2000  }
0x4a: {  	[sflag:s12] =	ssyncset.done $0x0  }
0x4b: {  	[sflag:s12] =	ssyncadd.s32 $0xFFFFE000  }
.LBB2_7:
0x4c: {  	s5 =	sadd.s32 $0x1000, s5  }
0x4d: {  	p0 =	sne.s32 s5, $0x14000  }
.Ltmp3:
0x4e: {  	_ = 	snop;
	(pc) =	sbr.rel @!p0 .LBB2_8-.Ltmp3, $2  }
0x4f: {  	_ =	sdelay $0x2  }
0x50: {  	s18 =	sadd.s32 $0x200, s18;
	s6 =	sadd.s32 $0x1, s6  }
.LBB2_2:
0x51: {  	p0 =	seq.s32 s5, $0x13000  }
.Ltmp4:
0x52: {  	_ = 	snop;
	(pc) =	sbr.rel @p0 .LBB2_6-.Ltmp4, $1  }
0x53: {  	_ =	sdelay $0x3  }
0x54: {  	s8 =	sand.u32 $0x1, s6  }
0x55: {  	p0 =	seq.s32 s8, $0x1  }
.Ltmp5:
0x56: {  	_ = 	snop;
	(pc) =	sbr.rel @p0 .LBB2_5-.Ltmp5, $2  }
0x57: {  	_ =	sdelay $0x2  }
0x58: {  	s15 =	sadd.s32 $0x80, s18;
	s14 =	sadd.s32 $0x100, s18;
	s16 =	sadd.s32 $0x180, s18  }
0x59: {  	[tilespmem:s21], [sflag:$0x5] =	stream.indirect.gather [hbm4b:s3+s13], $0x40, s18, s13, $0xb8;
	[tilespmem:$0x12800] =	vst v63  }
0x5a: {  	_ = 	snop  }
0x5b: {  	[tilespmem:s24], [sflag:$0x6] =	stream.indirect.gather [hbm4b:s3+s13], $0x40, s15, s13, $0xb8;
	[tilespmem:$0x12800] =	vst v63  }
0x5c: {  	_ = 	snop  }
0x5d: {  	[tilespmem:s26], [sflag:$0x7] =	stream.indirect.gather [hbm4b:s3+s13], $0x40, s14, s13, $0xb8;
	[tilespmem:$0x12800] =	vst v63  }
0x5e: {  	_ = 	snop  }
0x5f: {  	[tilespmem:s29], [sflag:$0x8] =	stream.indirect.gather [hbm4b:s3+s13], $0x40, s16, s13, $0xb8;
	[tilespmem:$0x12800] =	vst v63  }
0x60: {  	_ =	swait.ge [sflag:s30], $0x2000  }
0x61: {  	[sflag:s30] =	ssyncset.done $0x0  }
0x62: {  	s15 =	sadd.s32 s5, s7;
	s16 =	simm.s32 $0x2800;
	[sflag:s30] =	ssyncadd.s32 $0xFFFFE000  }
0x63: {  	[hbm4b:s15+s2] =	stream.linear.scatter [tilespmem:s16], [sflag:$0xA], $0x2000, $0x38;
	[tilespmem:$0x12800] =	vst v63  }
0x64: {  	_ =	swait.ge [sflag:s22], $0x2000  }
0x65: {  	[sflag:s22] =	ssyncset.done $0x0;
	s15 =	rddreg [dreg:$0x4]  }
0x66: {  	[sflag:s22] =	ssyncadd.s32 $0xFFFFE000;
	s14 =	sadd.s32 s5, s15  }
0x67: {  	_ =	swait.ge [sflag:s31], $0x2000;
	s16 =	sadd.s32 $0x400, s14  }
0x68: {  	[sflag:s31] =	ssyncset.done $0x0;
	s15 =	sand.u32 $0x1FFFE400, s16  }
0x69: {  	s16 =	simm.s32 $0x4800;
	[sflag:s31] =	ssyncadd.s32 $0xFFFFE000;
	s15 =	sadd.s32 s4, s15  }
0x6a: {  	[hbm4b:s15+s2] =	stream.linear.scatter [tilespmem:s16], [sflag:$0xA], $0x2000, $0x38;
	[tilespmem:$0x12800] =	vst v63  }
0x6b: {  	_ =	swait.ge [sflag:s22], $0x2000  }
0x6c: {  	[sflag:s22] =	ssyncset.done $0x0  }
0x6d: {  	[sflag:s22] =	ssyncadd.s32 $0xFFFFE000  }
0x6e: {  	s16 =	sadd.s32 $0x800, s14;
	_ =	swait.ge [sflag:s1], $0x2000  }
0x6f: {  	s15 =	sand.u32 $0x1FFFE800, s16;
	[sflag:s1] =	ssyncset.done $0x0  }
0x70: {  	s15 =	sadd.s32 s4, s15;
	[sflag:s1] =	ssyncadd.s32 $0xFFFFE000  }
0x71: {  	[hbm4b:s15+s2] =	stream.linear.scatter [tilespmem:s17], [sflag:$0xA], $0x2000, $0x38;
	[tilespmem:$0x12800] =	vst v63  }
0x72: {  	_ =	swait.ge [sflag:s22], $0x2000  }
0x73: {  	[sflag:s22] =	ssyncset.done $0x0  }
0x74: {  	[sflag:s22] =	ssyncadd.s32 $0xFFFFE000  }
0x75: {  	s14 =	sadd.s32 $0xC00, s14;
	_ =	swait.ge [sflag:s0], $0x2000  }
0x76: {  	s14 =	sand.u32 $0x1FFFEC00, s14;
	[sflag:s0] =	ssyncset.done $0x0  }
0x77: {  	p0 =	seq.s32 s8, $0x0;
	s14 =	sadd.s32 s4, s14;
	[sflag:s0] =	ssyncadd.s32 $0xFFFFE000  }
0x78: {  	[hbm4b:s14+s2] =	stream.linear.scatter [tilespmem:s19], [sflag:$0xA], $0x2000, $0x38;
	[tilespmem:$0x12800] =	vst v63  }
.Ltmp6:
0x79: {  	_ = 	snop;
	(pc) =	sbr.rel @p0 .LBB2_7-.Ltmp6, $4  }
.Ltmp7:
0x7a: {  	_ = 	snop;
	(pc) =	sbr.rel @!p0 .LBB2_6-.Ltmp7, $4  }
0x7b: {  	_ =	swait.ge [sflag:s22], $0x2000  }
0x7c: {  	[sflag:s22] =	ssyncset.done $0x0  }
0x7d: {  	[sflag:s22] =	ssyncadd.s32 $0xFFFFE000  }
0x7e: {  	_ = 	snop  }
.LBB2_9:
0x7f: {  	_ =	sfence.sel $0x180000  }
0x80: {  	[bflag:$0x0] =	sbarrier.arrive $0xFFFF  }
0x81: {  	_ =	strace $0x9000004A  }
0x82: {  	s0 =	stileid.u32;
	[bflag:$0x2] =	sbarrier.arrive $0xFFFF  }
0x83: {  	p0 =	sne.s32 s0, $0x0;
	s0 =	rddreg [dreg:$0x1]  }
0x84: {  	s0 =	sadd.s32 @!p0 $0x100000, s0  }
0x85: {  	[sflag:s0] =	ssyncadd.tile.s32 @!p0 $0x1;
	_ =	shalt  }
.Lfunc_end2:
_tile_overlayer_lowered:
.L_overlay_start_2:
0x86: {  	(tag) =	ssettag $0x2  }
0x87: {  	s0 =	rddreg [dreg:$0x0];
	s2 =	stileid.u32  }
0x88: {  	s1 =	rddreg [dreg:$0x1];
	p0 =	sne.s32 s2, $0x0  }
0x89: {  	s3 =	rddreg [dreg:$0x2];
	[bflag:$0x3] =	sbarrier.arrive $0xFFFF;
	s2 =	simm.s32 @!p0 $0x1C09  }
0x8a: {  	[timem:s3], [sflag:s2] =	dma.local @!p0 [hbm:s0], s1  }
0x8b: {  	s0 =	simm.s32 @!p0 $0x9  }
0x8c: {  	_ =	swait.ge @!p0 [sflag:s0], s1  }
0x8d: {  	s1 =	ssub.s32 @!p0 $0x0, s1;
	[sflag:s0] =	ssyncset.done @!p0 $0x0  }
0x8e: {  	[sflag:s0] =	ssyncadd.s32 @!p0 s1  }
0x8f: {  	[bflag:$0x3] =	sbarrier.arrive $0xFFFF  }
0x90: {  	_ =	shalt  }

// kernel: kernel.18.cloned.1.call-start
scs
__scs_entry_jumppad:
0x0: {  	(pc) =	sbr.rel $0x88, $3  }
0x1: {  	(tag) =	ssettag $0x0;
	lr =	simm.s32 $0x1  }
0x2: {  	[smem:$0x3F8A] =	sst lr;
	_ =	strace $0xD0000000  }
0x3: {  	_ = 	snop  }
0x4: {  	_ = 	snop  }
0x5: {  	_ = 	snop  }
0x6: {  	_ = 	snop  }
0x7: {  	_ = 	snop  }
__scs_overlays_trampoline_lowered:
0x8: {  	[smem:$0x3F99] =	sst s0  }
0x9: {  	[smem:$0x3F9A] =	sst s1  }
0xa: {  	[smem:$0x3F9B] =	sst s2  }
0xb: {  	[smem:$0x3F9C] =	sst s3  }
0xc: {  	[smem:$0x3F9D] =	sst s4  }
0xd: {  	[smem:$0x3F9E] =	sst s5  }
0xe: {  	[smem:$0x3F9F] =	sst s6  }
0xf: {  	[smem:$0x3FA0] =	sst s7  }
0x10: {  	[smem:$0x3FA1] =	sst s8  }
0x11: {  	[smem:$0x3FA2] =	sst s9;
	s0 =	simm.s32 @!p0 $0x0  }
0x12: {  	s1 =	sld [smem:$0x3F88];
	s0 =	simm.s32 @p0 $0x1  }
0x13: {  	[smem:$0x3FA3] =	sst s0;
	s0 =	simm.s32 @!p1 $0x0  }
0x14: {  	s2 =	sld [smem:$0x3F87];
	s0 =	simm.s32 @p1 $0x1  }
0x15: {  	[smem:$0x3FA4] =	sst s0;
	s0 =	simm.s32 @!p2 $0x0  }
0x16: {  	s3 =	sld [smem:$0x3FDB];
	s0 =	simm.s32 @p2 $0x1  }
0x17: {  	s4 =	simm.s32 $0x1BF5;
	[smem:$0x3FA6] =	sst s0  }
0x18: {  	s0 =	sld [smem:$0x3F89];
	_ =	swait.ge [sflag:s4], $0x0  }
0x19: {  	s7 =	sld [smem:$0x3F8A]  }
0x1a: {  	s8 =	sadd.s32 $0xFFFFE003, lr  }
0x1b: {  	s9 =	sadd.s32 $0xFFFFFEF7, lr;
	s5 =	simm.s32 $0xFFFFFFFF;
	p2 =	slt.u32 s8, $0xFFFFF086  }
0x1c: {  	p1 =	slt.u32 s9, $0xF7A;
	s5 =	simm.s32 @!p2 $0x0  }
0x1d: {  	s5 =	simm.s32 @p1 $0x1;
	p0 =	seq.s32 s7, s2  }
0x1e: {  	s7 =	smul.u32 @!p0 $0xF7A, s2;
	p2 =	seq.s32 @!p0 s5, $0x0  }
0x1f: {  	s9 =	smul.u32 $0xF7A, s1;
	s8 =	simm.s32 @!p0 $0x1BF5;
	p2 =	por !p2, p0  }
0x20: {  	[sflag:s8] =	ssyncset.s32 @!p0 $0xFFFFF086;
	s6 =	sadd.s32 @!p0 s3, s7;
	s7 =	simm.s32 @!p0 $0x108  }
0x21: {  	s3 =	sadd.s32 s3, s9;
	s6 =	sadd.s32 @!p0 $0x88, s6;
	s7 =	simm.s32 @p2 $0x1082  }
0x22: {  	[simem:s7], [sflag:s8] =	dma.local @!p0 [hbm:s6], $0xF7A  }
0x23: {  	s9 =	sor.u32 $0xD0000000, s2;
	s6 =	simm.s32 $0x108;
	_ =	swait.ge @!p0 [sflag:s8], $0x0  }
0x24: {  	s3 =	sadd.s32 $0x88, s3;
	s6 =	simm.s32 @!p1 $0x1082;
	[sflag:s4] =	ssyncset.s32 $0xFFFFF086  }
0x25: {  	[simem:s6], [sflag:s4] =	dma.local [hbm:s3], $0xF7A  }
0x26: {  	[smem:$0x3F8A] =	sst s1;
	(tag) =	ssettag s2;
	_ =	strace s9  }
0x27: {  	s1 =	sld [smem:$0x3F9A]  }
0x28: {  	s2 =	sld [smem:$0x3F9B]  }
0x29: {  	s4 =	sld [smem:$0x3F9D]  }
0x2a: {  	p0 =	seq.s32 s5, $0x0;
	s5 =	sld [smem:$0x3F9E]  }
0x2b: {  	s6 =	sld [smem:$0x3F9F]  }
0x2c: {  	s7 =	sld [smem:$0x3FA0]  }
0x2d: {  	s3 =	simm.s32 $0x108;
	s8 =	sld [smem:$0x3FA1]  }
0x2e: {  	s3 =	simm.s32 @!p0 $0x1082;
	s9 =	sld [smem:$0x3FA2]  }
0x2f: {  	lr =	sadd.s32 s0, s3;
	s0 =	sld [smem:$0x3F99]  }
0x30: {  	s3 =	sld [smem:$0x3F9C]  }
0x31: {  	[smem:$0x3FA5] =	sst s10  }
0x32: {  	s10 =	sld [smem:$0x3FA3];
	_ =	sdelay $0x3  }
0x33: {  	p0 =	seq.s32 s10, $0x1;
	s10 =	sld [smem:$0x3FA5];
	_ =	sdelay $0x3  }
0x34: {  	[smem:$0x3FA5] =	sst s10  }
0x35: {  	s10 =	sld [smem:$0x3FA4];
	_ =	sdelay $0x3  }
0x36: {  	p1 =	seq.s32 s10, $0x1;
	s10 =	sld [smem:$0x3FA5];
	_ =	sdelay $0x3  }
0x37: {  	[smem:$0x3FA5] =	sst s10  }
0x38: {  	s10 =	sld [smem:$0x3FA6]  }
0x39: {  	_ = 	snop;
	(pc) =	sbr.ind lr, $3  }
0x3a: {  	_ = 	snop  }
0x3b: {  	_ = 	snop  }
0x3c: {  	p2 =	seq.s32 s10, $0x1;
	s10 =	sld [smem:$0x3FA5]  }
0x3d: {  	_ =	shalt  }
0x3e: {  	_ =	shalt  }
0x3f: {  	_ =	shalt  }
0x40: {  	_ =	shalt  }
0x41: {  	_ =	shalt  }
0x42: {  	_ =	shalt  }
0x43: {  	_ =	shalt  }
0x44: {  	_ =	shalt  }
0x45: {  	_ =	shalt  }
0x46: {  	_ =	shalt  }
0x47: {  	_ =	shalt  }
0x48: {  	_ =	shalt  }
0x49: {  	_ =	shalt  }
0x4a: {  	_ =	shalt  }
0x4b: {  	_ =	shalt  }
0x4c: {  	_ =	shalt  }
0x4d: {  	_ =	shalt  }
0x4e: {  	_ =	shalt  }
0x4f: {  	_ =	shalt  }
0x50: {  	_ =	shalt  }
0x51: {  	_ =	shalt  }
0x52: {  	_ =	shalt  }
0x53: {  	_ =	shalt  }
0x54: {  	_ =	shalt  }
0x55: {  	_ =	shalt  }
0x56: {  	_ =	shalt  }
0x57: {  	_ =	shalt  }
0x58: {  	_ =	shalt  }
0x59: {  	_ =	shalt  }
0x5a: {  	_ =	shalt  }
0x5b: {  	_ =	shalt  }
0x5c: {  	_ =	shalt  }
0x5d: {  	_ =	shalt  }
0x5e: {  	_ =	shalt  }
0x5f: {  	_ =	shalt  }
0x60: {  	_ =	shalt  }
0x61: {  	_ =	shalt  }
0x62: {  	_ =	shalt  }
0x63: {  	_ =	shalt  }
0x64: {  	_ =	shalt  }
0x65: {  	_ =	shalt  }
0x66: {  	_ =	shalt  }
0x67: {  	_ =	shalt  }
0x68: {  	_ =	shalt  }
0x69: {  	_ =	shalt  }
0x6a: {  	_ =	shalt  }
0x6b: {  	_ =	shalt  }
0x6c: {  	_ =	shalt  }
0x6d: {  	_ =	shalt  }
0x6e: {  	_ =	shalt  }
0x6f: {  	_ =	shalt  }
0x70: {  	_ =	shalt  }
0x71: {  	_ =	shalt  }
0x72: {  	_ =	shalt  }
0x73: {  	_ =	shalt  }
0x74: {  	_ =	shalt  }
0x75: {  	_ =	shalt  }
0x76: {  	_ =	shalt  }
0x77: {  	_ =	shalt  }
0x78: {  	_ =	shalt  }
0x79: {  	_ =	shalt  }
0x7a: {  	_ =	shalt  }
0x7b: {  	_ =	shalt  }
0x7c: {  	_ =	shalt  }
0x7d: {  	_ =	shalt  }
0x7e: {  	_ =	shalt  }
0x7f: {  	_ =	shalt  }
0x80: {  	_ =	shalt  }
0x81: {  	_ =	shalt  }
0x82: {  	_ =	shalt  }
0x83: {  	_ =	shalt  }
0x84: {  	_ =	shalt  }
0x85: {  	_ =	shalt  }
0x86: {  	_ =	shalt  }
0x87: {  	_ =	shalt  }
.Lfunc_end0:
.L_simem_size_0:
called_computation.2_lowered:
.L_overlay_start_0:
0x88: {  	s2 =	sld [smem:$0x3FD9]  }
0x89: {  	s3 =	sld [smem:$0x3FFE];
	_ =	sdelay $0x1  }
0x8a: {  	s1 =	srdreg.scid  }
0x8b: {  	s0 =	sand.u32 $0x1, s1  }
0x8c: {  	s16 =	sshll.u32 s0, $0xA;
	s2 =	sadd.s32 s3, s2  }
0x8d: {  	s2 =	sadd.s32 s2, s16  }
0x8e: {  	[smem:$0x3FB1] =	sst s2  }
0x8f: {  	_ = 	snop  }
0x90: {  	(tm) =	ssettm $0x1  }
0x91: {  	s17 =	sld [smem:$0x3FFB];
	_ =	sdelay $0x3  }
0x92: {  	_ =	strace s17  }
0x93: {  	s2 =	sld [smem:$0x3FFC];
	_ =	sdelay $0x3  }
0x94: {  	_ =	strace s2  }
0x95: {  	s2 =	sld [smem:$0x3FFD];
	_ =	sdelay $0x3  }
0x96: {  	_ =	strace s2  }
0x97: {  	_ =	strace $0x8FFFFFFF  }
0x98: {  	s18 =	sld [smem:$0x3FDB];
	_ =	sdelay $0x1  }
0x99: {  	s19 =	simm.s32 $_scs_section_size  }
0x9a: {  	s4 =	simm.s32 $_size__tile_overlayer_lowered;
	s5 =	simm.s32 $_tile_overlayer_lowered  }
0x9b: {  	s22 =	simm.s32 $0x1BFF;
	s21 =	sshll.u32 s5, $0x1;
	s2 =	sadd.s32 s19, s18  }
0x9c: {  	s6 =	simm.s32 $0x0;
	s20 =	sshll.u32 s4, $0x1;
	s4 =	sadd.s32 s21, s2  }
0x9d: {  	[timem:s6], [sflag:s22] =	dma.local [hbm:s4], s20  }
0x9e: {  	_ =	swait.ge [sflag:s22], s20  }
0x9f: {  	s3 =	ssub.s32 $0x0, s20;
	[sflag:s22] =	ssyncset.done $0x0  }
0xa0: {  	[sflag:s22] =	ssyncadd.s32 s3;
	_ =	sdelay $0x1  }
0xa1: {  	s23 =	simm.s32 $0x1B8B  }
0xa2: {  	_ =	swait.ge [sflag:s23], $0x1  }
0xa3: {  	[sflag:s23] =	ssyncset.done $0x0  }
0xa4: {  	s25 =	simm.s32 $0x1B8E;
	s24 =	sld [smem:$0x3FFE];
	[sflag:s23] =	ssyncadd.s32 $0xFFFFFFFF  }
0xa5: {  	s26 =	simm.s32 $execute0_lowered;
	[smem:$0x3FD2] =	sst s25  }
0xa6: {  	s4 =	sshll.u32 s26, $0x1;
	_ =	strace $0x80000046;
	[dreg:$0x1] =	wrdreg $0xFFFFFFFF  }
0xa7: {  	s28 =	simm.s32 $_size_execute0_lowered;
	s2 =	sadd.s32 s2, s4;
	[dreg:$0x0] =	wrdreg $0x0  }
0xa8: {  	s4 =	sshll.u32 s28, $0x1;
	[dreg:$0x2] =	wrdreg s2  }
0xa9: {  	[dreg:$0x3] =	wrdreg s4  }
0xaa: {  	[dreg:$0x4] =	wrdreg $0xC0  }
0xab: {  	_ =	task [dreg:s6], $0x5FFFF  }
0xac: {  	[dreg:$0x1] =	wrdreg $0xFFFFFFFF  }
0xad: {  	[dreg:$0x0] =	wrdreg $0x60  }
0xae: {  	[dreg:$0x2] =	wrdreg s24  }
0xaf: {  	[dreg:$0x3] =	wrdreg $0xA  }
0xb0: {  	_ =	task.clear_ibuf [dreg:s6], $0x4FFFF;
	_ =	strace $0x90000046  }
0xb1: {  	s29 =	simm.s32 $0xA;
	_ =	strace $0x80000048  }
0xb2: {  	_ =	swait.ge [sflag:s29], $0x1  }
0xb3: {  	[sflag:s29] =	ssyncadd.s32 $0xFFFFFFFF  }
0xb4: {  	_ =	strace $0x90000048  }
0xb5: {  	_ =	sfence  }
0xb6: {  	s30 =	sld [smem:$0x0];
	_ =	sdelay $0x2  }
0xb7: {  	s31 =	sshll.u32 s1, $0xD;
	s1 =	sshrl.u32 s1, $0x2  }
0xb8: {  	s3 =	sand.u32 $0x4000, s31;
	s1 =	sadd.s32 s1, s30  }
0xb9: {  	s0 =	sor.u32 s3, s0;
	s1 =	sshll.u32 s1, $0x11  }
0xba: {  	s0 =	sor.u32 s1, s0  }
0xbb: {  	s0 =	sadd.s32 $0x8F2B, s0  }
0xbc: {  	[sflag:s0] =	ssyncadd.remote.s32 $0x1  }
0xbd: {  	_ =	sfence.sel $0xFFFF  }
0xbe: {  	[dreg:$0x0] =	wrdreg $0xFFFFFFFF;
	(pc) =	sbr.abs _section_cstart, $3  }
0xbf: {  	[dreg:$0x1] =	wrdreg $0xFFFFFFFF  }
0xc0: {  	_ =	task.clear_ibuf [dreg:s6], $0x2FFFF;
	_ =	strace $0x9FFFFFFF  }
0xc1: {  	(tm) =	ssettm $0x7FFFFFFF  }
tec
execute0_lowered:
.L_overlay_start_1:
0x0: {  	(tag) =	ssettag $0x1  }
0x1: {  	s0 =	srdreg.scid  }
0x2: {  	s11 =	stileid.u32;
	s1 =	rddreg [dreg:$0x0]  }
0x3: {  	s2 =	simm.s32 $0x0;
	s12 =	simm.s32 $0x9;
	s13 =	simm.s32 $0x80  }
0x4: {  	s17 =	simm.s32 $0x6800;
	s19 =	simm.s32 $0x8800;
	s5 =	smul.u32 $0x140000, s11  }
0x5: {  	s20 =	simm.s32 $0x5;
	s28 =	simm.s32 $0x8;
	s7 =	smul.u32 $0x5000, s11  }
0x6: {  	s29 =	simm.s32 $0x10800;
	s0 =	sand.u32 $0x1, s0;
	s23 =	smul.u32 $0x28000, s11  }
0x7: {  	s30 =	simm.s32 $0x1;
	s31 =	simm.s32 $0x2;
	s10 =	smul.u32 $0x2800, s0  }
0x8: {  	s3 =	sshll.u32 s11, $0x1;
	[smem:$0x7FF] =	sst s2;
	s22 =	smul.u32 $0xA0000, s0  }
0x9: {  	s3 =	sor.u32 s0, s3;
	s6 =	ssub.s32 $0x2, s0;
	s0 =	smul.u32 $0x14000, s0  }
0xa: {  	_ =	strace $0x80000047;
	s4 =	smul.u32 $0x2800, s3;
	s9 =	sshrl.u32 s6, $0x1  }
0xb: {  	s3 =	sadd.s32 $0xD000, s1;
	s21 =	ssub.s32 s6, s9;
	s7 =	sadd.s32 s10, s7  }
0xc: {  	s5 =	sadd.s32 s22, s5;
	s0 =	sadd.s32 s0, s23;
	s22 =	simm.s32 $0xA  }
0xd: {  	s23 =	simm.s32 $0x6;
	s6 =	simm.s32 $0x0;
	s4 =	sshrl.u32 s4, $0x3  }
0xe: {  	s24 =	sshll.u32 s7, $0x3;
	s25 =	sshrl.u32 s5, $0x3;
	[dreg:$0x4] =	wrdreg s0  }
0xf: {  	s0 =	simm.s32 $0x4;
	s8 =	sadd.s32 s4, s1;
	s4 =	sadd.s32 $0x2AA00, s1  }
.Ltmp0:
0x10: {  	s1 =	smax.u32 s21, $0x1;
	s21 =	simm.s32 $0xA800;
	(pc) =	sbr.rel .LBB2_1-.Ltmp0, $4  }
0x11: {  	s8 =	sadd.s32 $0x20A00, s8;
	[dreg:$0x3] =	wrdreg s1;
	s26 =	sadd.s32 s24, s4  }
0x12: {  	s7 =	sadd.s32 s25, s4;
	s24 =	simm.s32 $0xC800;
	s25 =	simm.s32 $0x7  }
0x13: {  	s1 =	simm.s32 $0x3;
	[dreg:$0x2] =	wrdreg s8;
	s9 =	sadd.s32 $0xC00, s26  }
0x14: {  	s10 =	sadd.s32 $0x800, s26;
	s11 =	sadd.s32 $0x400, s26;
	s26 =	simm.s32 $0xE800  }
.LBB2_8:
0x15: {  	s6 =	rddreg [dreg:$0x5]  }
0x16: {  	s5 =	rddreg [dreg:$0x3];
	s6 =	sadd.s32 $0x1, s6  }
0x17: {  	p0 =	sne.s32 s6, s5  }
.Ltmp1:
0x18: {  	_ = 	snop;
	(pc) =	sbr.rel @!p0 .LBB2_9-.Ltmp1, $1  }
0x19: {  	_ =	sdelay $0x3  }
.LBB2_1:
0x1a: {  	[dreg:$0x5] =	wrdreg s6  }
0x1b: {  	s5 =	rddreg [dreg:$0x2]  }
0x1c: {  	[tilespmem:s2], [sflag:$0x9] =	stream.linear.gather [hbm4b:s5+s2], $0x2800, $0x38;
	[tilespmem:$0x12800] =	vst v63  }
0x1d: {  	_ =	swait.ge [sflag:s12], $0x2800  }
0x1e: {  	[sflag:s12] =	ssyncset.done $0x0  }
0x1f: {  	s14 =	simm.s32 $0x2800;
	[sflag:s12] =	ssyncadd.s32 $0xFFFFD800  }
0x20: {  	[tilespmem:s14], [sflag:$0x1] =	stream.indirect.gather [hbm4b:s3+s13], $0x40, s2, s13, $0xb8;
	[tilespmem:$0x12800] =	vst v63  }
0x21: {  	s15 =	simm.s32 $0x4800  }
0x22: {  	[tilespmem:s15], [sflag:$0x2] =	stream.indirect.gather [hbm4b:s3+s13], $0x40, s13, s13, $0xb8;
	[tilespmem:$0x12800] =	vst v63  }
.Ltmp2:
0x23: {  	s16 =	simm.s32 $0x100;
	(pc) =	sbr.rel .LBB2_2-.Ltmp2, $4  }
0x24: {  	[tilespmem:s17], [sflag:$0x3] =	stream.indirect.gather [hbm4b:s3+s13], $0x40, s16, s13, $0xb8;
	[tilespmem:$0x12800] =	vst v63  }
0x25: {  	s18 =	simm.s32 $0x180  }
0x26: {  	[tilespmem:s19], [sflag:$0x4] =	stream.indirect.gather [hbm4b:s3+s13], $0x40, s18, s13, $0xb8;
	[tilespmem:$0x12800] =	vst v63  }
0x27: {  	s6 =	simm.s32 $0x0;
	s5 =	simm.s32 $0x0;
	s18 =	simm.s32 $0x200  }
.LBB2_5:
0x28: {  	s8 =	simm.s32 $0x2800  }
0x29: {  	[tilespmem:s8], [sflag:$0x1] =	stream.indirect.gather [hbm4b:s3+s13], $0x40, s18, s13, $0xb8;
	[tilespmem:$0x12800] =	vst v63  }
0x2a: {  	s8 =	simm.s32 $0x4800  }
0x2b: {  	[tilespmem:s8], [sflag:$0x2] =	stream.indirect.gather [hbm4b:s3+s13], $0x40, s15, s13, $0xb8;
	[tilespmem:$0x12800] =	vst v63  }
0x2c: {  	_ = 	snop  }
0x2d: {  	[tilespmem:s17], [sflag:$0x3] =	stream.indirect.gather [hbm4b:s3+s13], $0x40, s14, s13, $0xb8;
	[tilespmem:$0x12800] =	vst v63  }
0x2e: {  	_ = 	snop  }
0x2f: {  	[tilespmem:s19], [sflag:$0x4] =	stream.indirect.gather [hbm4b:s3+s13], $0x40, s16, s13, $0xb8;
	[tilespmem:$0x12800] =	vst v63  }
.LBB2_6:
0x30: {  	_ =	swait.ge [sflag:s20], $0x2000  }
0x31: {  	[sflag:s20] =	ssyncset.done $0x0  }
0x32: {  	s8 =	sadd.s32 s5, s7;
	[sflag:s20] =	ssyncadd.s32 $0xFFFFE000  }
0x33: {  	[hbm4b:s8+s2] =	stream.linear.scatter [tilespmem:s21], [sflag:$0xA], $0x2000, $0x38;
	[tilespmem:$0x12800] =	vst v63  }
0x34: {  	_ =	swait.ge [sflag:s22], $0x2000  }
0x35: {  	[sflag:s22] =	ssyncset.done $0x0  }
0x36: {  	[sflag:s22] =	ssyncadd.s32 $0xFFFFE000  }
0x37: {  	_ =	swait.ge [sflag:s23], $0x2000  }
0x38: {  	[sflag:s23] =	ssyncset.done $0x0  }
0x39: {  	s14 =	sadd.s32 s5, s11;
	[sflag:s23] =	ssyncadd.s32 $0xFFFFE000  }
0x3a: {  	[hbm4b:s14+s2] =	stream.linear.scatter [tilespmem:s24], [sflag:$0xA], $0x2000, $0x38;
	[tilespmem:$0x12800] =	vst v63  }
0x3b: {  	_ =	swait.ge [sflag:s22], $0x2000  }
0x3c: {  	[sflag:s22] =	ssyncset.done $0x0  }
0x3d: {  	[sflag:s22] =	ssyncadd.s32 $0xFFFFE000  }
0x3e: {  	_ =	swait.ge [sflag:s25], $0x2000  }
0x3f: {  	[sflag:s25] =	ssyncset.done $0x0  }
0x40: {  	s15 =	sadd.s32 s5, s10;
	[sflag:s25] =	ssyncadd.s32 $0xFFFFE000  }
0x41: {  	[hbm4b:s15+s2] =	stream.linear.scatter [tilespmem:s26], [sflag:$0xA], $0x2000, $0x38;
	[tilespmem:$0x12800] =	vst v63  }
0x42: {  	_ =	swait.ge [sflag:s22], $0x2000  }
0x43: {  	[sflag:s22] =	ssyncset.done $0x0  }
0x44: {  	[sflag:s22] =	ssyncadd.s32 $0xFFFFE000  }
0x45: {  	_ =	swait.ge [sflag:s28], $0x2000  }
0x46: {  	[sflag:s28] =	ssyncset.done $0x0  }
0x47: {  	s16 =	sadd.s32 s5, s9;
	[sflag:s28] =	ssyncadd.s32 $0xFFFFE000  }
0x48: {  	[hbm4b:s16+s2] =	stream.linear.scatter [tilespmem:s29], [sflag:$0x9], $0x2000, $0x38;
	[tilespmem:$0x12800] =	vst v63  }
0x49: {  	_ =	swait.ge [sflag:s12], $0x2000  }
0x4a: {  	[sflag:s12] =	ssyncset.done $0x0  }
0x4b: {  	[sflag:s12] =	ssyncadd.s32 $0xFFFFE000  }
.LBB2_7:
0x4c: {  	s5 =	sadd.s32 $0x1000, s5  }
0x4d: {  	p0 =	sne.s32 s5, $0x14000  }
.Ltmp3:
0x4e: {  	_ = 	snop;
	(pc) =	sbr.rel @!p0 .LBB2_8-.Ltmp3, $2  }
0x4f: {  	_ =	sdelay $0x2  }
0x50: {  	s18 =	sadd.s32 $0x200, s18;
	s6 =	sadd.s32 $0x1, s6  }
.LBB2_2:
0x51: {  	p0 =	seq.s32 s5, $0x13000  }
.Ltmp4:
0x52: {  	_ = 	snop;
	(pc) =	sbr.rel @p0 .LBB2_6-.Ltmp4, $1  }
0x53: {  	_ =	sdelay $0x3  }
0x54: {  	s8 =	sand.u32 $0x1, s6  }
0x55: {  	p0 =	seq.s32 s8, $0x1  }
.Ltmp5:
0x56: {  	_ = 	snop;
	(pc) =	sbr.rel @p0 .LBB2_5-.Ltmp5, $2  }
0x57: {  	_ =	sdelay $0x2  }
0x58: {  	s15 =	sadd.s32 $0x80, s18;
	s14 =	sadd.s32 $0x100, s18;
	s16 =	sadd.s32 $0x180, s18  }
0x59: {  	[tilespmem:s21], [sflag:$0x5] =	stream.indirect.gather [hbm4b:s3+s13], $0x40, s18, s13, $0xb8;
	[tilespmem:$0x12800] =	vst v63  }
0x5a: {  	_ = 	snop  }
0x5b: {  	[tilespmem:s24], [sflag:$0x6] =	stream.indirect.gather [hbm4b:s3+s13], $0x40, s15, s13, $0xb8;
	[tilespmem:$0x12800] =	vst v63  }
0x5c: {  	_ = 	snop  }
0x5d: {  	[tilespmem:s26], [sflag:$0x7] =	stream.indirect.gather [hbm4b:s3+s13], $0x40, s14, s13, $0xb8;
	[tilespmem:$0x12800] =	vst v63  }
0x5e: {  	_ = 	snop  }
0x5f: {  	[tilespmem:s29], [sflag:$0x8] =	stream.indirect.gather [hbm4b:s3+s13], $0x40, s16, s13, $0xb8;
	[tilespmem:$0x12800] =	vst v63  }
0x60: {  	_ =	swait.ge [sflag:s30], $0x2000  }
0x61: {  	[sflag:s30] =	ssyncset.done $0x0  }
0x62: {  	s15 =	sadd.s32 s5, s7;
	s16 =	simm.s32 $0x2800;
	[sflag:s30] =	ssyncadd.s32 $0xFFFFE000  }
0x63: {  	[hbm4b:s15+s2] =	stream.linear.scatter [tilespmem:s16], [sflag:$0xA], $0x2000, $0x38;
	[tilespmem:$0x12800] =	vst v63  }
0x64: {  	_ =	swait.ge [sflag:s22], $0x2000  }
0x65: {  	[sflag:s22] =	ssyncset.done $0x0;
	s15 =	rddreg [dreg:$0x4]  }
0x66: {  	[sflag:s22] =	ssyncadd.s32 $0xFFFFE000;
	s14 =	sadd.s32 s5, s15  }
0x67: {  	_ =	swait.ge [sflag:s31], $0x2000;
	s16 =	sadd.s32 $0x400, s14  }
0x68: {  	[sflag:s31] =	ssyncset.done $0x0;
	s15 =	sand.u32 $0x1FFFE400, s16  }
0x69: {  	s16 =	simm.s32 $0x4800;
	[sflag:s31] =	ssyncadd.s32 $0xFFFFE000;
	s15 =	sadd.s32 s4, s15  }
0x6a: {  	[hbm4b:s15+s2] =	stream.linear.scatter [tilespmem:s16], [sflag:$0xA], $0x2000, $0x38;
	[tilespmem:$0x12800] =	vst v63  }
0x6b: {  	_ =	swait.ge [sflag:s22], $0x2000  }
0x6c: {  	[sflag:s22] =	ssyncset.done $0x0  }
0x6d: {  	[sflag:s22] =	ssyncadd.s32 $0xFFFFE000  }
0x6e: {  	s16 =	sadd.s32 $0x800, s14;
	_ =	swait.ge [sflag:s1], $0x2000  }
0x6f: {  	s15 =	sand.u32 $0x1FFFE800, s16;
	[sflag:s1] =	ssyncset.done $0x0  }
0x70: {  	s15 =	sadd.s32 s4, s15;
	[sflag:s1] =	ssyncadd.s32 $0xFFFFE000  }
0x71: {  	[hbm4b:s15+s2] =	stream.linear.scatter [tilespmem:s17], [sflag:$0xA], $0x2000, $0x38;
	[tilespmem:$0x12800] =	vst v63  }
0x72: {  	_ =	swait.ge [sflag:s22], $0x2000  }
0x73: {  	[sflag:s22] =	ssyncset.done $0x0  }
0x74: {  	[sflag:s22] =	ssyncadd.s32 $0xFFFFE000  }
0x75: {  	s14 =	sadd.s32 $0xC00, s14;
	_ =	swait.ge [sflag:s0], $0x2000  }
0x76: {  	s14 =	sand.u32 $0x1FFFEC00, s14;
	[sflag:s0] =	ssyncset.done $0x0  }
0x77: {  	p0 =	seq.s32 s8, $0x0;
	s14 =	sadd.s32 s4, s14;
	[sflag:s0] =	ssyncadd.s32 $0xFFFFE000  }
0x78: {  	[hbm4b:s14+s2] =	stream.linear.scatter [tilespmem:s19], [sflag:$0xA], $0x2000, $0x38;
	[tilespmem:$0x12800] =	vst v63  }
.Ltmp6:
0x79: {  	_ = 	snop;
	(pc) =	sbr.rel @p0 .LBB2_7-.Ltmp6, $4  }
.Ltmp7:
0x7a: {  	_ = 	snop;
	(pc) =	sbr.rel @!p0 .LBB2_6-.Ltmp7, $4  }
0x7b: {  	_ =	swait.ge [sflag:s22], $0x2000  }
0x7c: {  	[sflag:s22] =	ssyncset.done $0x0  }
0x7d: {  	[sflag:s22] =	ssyncadd.s32 $0xFFFFE000  }
0x7e: {  	_ = 	snop  }
.LBB2_9:
0x7f: {  	_ =	sfence.sel $0x180000  }
0x80: {  	[bflag:$0x0] =	sbarrier.arrive $0xFFFF  }
0x81: {  	_ =	strace $0x90000047  }
0x82: {  	s0 =	stileid.u32;
	[bflag:$0x2] =	sbarrier.arrive $0xFFFF  }
0x83: {  	p0 =	sne.s32 s0, $0x0;
	s0 =	rddreg [dreg:$0x1]  }
0x84: {  	s0 =	sadd.s32 @!p0 $0x100000, s0  }
0x85: {  	[sflag:s0] =	ssyncadd.tile.s32 @!p0 $0x1;
	_ =	shalt  }
.Lfunc_end2:
_tile_overlayer_lowered:
.L_overlay_start_2:
0x86: {  	(tag) =	ssettag $0x2  }
0x87: {  	s0 =	rddreg [dreg:$0x0];
	s2 =	stileid.u32  }
0x88: {  	s1 =	rddreg [dreg:$0x1];
	p0 =	sne.s32 s2, $0x0  }
0x89: {  	s3 =	rddreg [dreg:$0x2];
	[bflag:$0x3] =	sbarrier.arrive $0xFFFF;
	s2 =	simm.s32 @!p0 $0x1C09  }
0x8a: {  	[timem:s3], [sflag:s2] =	dma.local @!p0 [hbm:s0], s1  }
0x8b: {  	s0 =	simm.s32 @!p0 $0x9  }
0x8c: {  	_ =	swait.ge @!p0 [sflag:s0], s1  }
0x8d: {  	s1 =	ssub.s32 @!p0 $0x0, s1;
	[sflag:s0] =	ssyncset.done @!p0 $0x0  }
0x8e: {  	[sflag:s0] =	ssyncadd.s32 @!p0 s1  }
0x8f: {  	[bflag:$0x3] =	sbarrier.arrive $0xFFFF  }
0x90: {  	_ =	shalt  }

// kernel: kernel.21.cloned.1.call-start
scs
__scs_entry_jumppad:
0x0: {  	(pc) =	sbr.rel $0x88, $3  }
0x1: {  	(tag) =	ssettag $0x0;
	lr =	simm.s32 $0x1  }
0x2: {  	[smem:$0x3F8A] =	sst lr;
	_ =	strace $0xD0000000  }
0x3: {  	_ = 	snop  }
0x4: {  	_ = 	snop  }
0x5: {  	_ = 	snop  }
0x6: {  	_ = 	snop  }
0x7: {  	_ = 	snop  }
__scs_overlays_trampoline_lowered:
0x8: {  	[smem:$0x3F99] =	sst s0  }
0x9: {  	[smem:$0x3F9A] =	sst s1  }
0xa: {  	[smem:$0x3F9B] =	sst s2  }
0xb: {  	[smem:$0x3F9C] =	sst s3  }
0xc: {  	[smem:$0x3F9D] =	sst s4  }
0xd: {  	[smem:$0x3F9E] =	sst s5  }
0xe: {  	[smem:$0x3F9F] =	sst s6  }
0xf: {  	[smem:$0x3FA0] =	sst s7  }
0x10: {  	[smem:$0x3FA1] =	sst s8  }
0x11: {  	[smem:$0x3FA2] =	sst s9;
	s0 =	simm.s32 @!p0 $0x0  }
0x12: {  	s1 =	sld [smem:$0x3F88];
	s0 =	simm.s32 @p0 $0x1  }
0x13: {  	[smem:$0x3FA3] =	sst s0;
	s0 =	simm.s32 @!p1 $0x0  }
0x14: {  	s2 =	sld [smem:$0x3F87];
	s0 =	simm.s32 @p1 $0x1  }
0x15: {  	[smem:$0x3FA4] =	sst s0;
	s0 =	simm.s32 @!p2 $0x0  }
0x16: {  	s3 =	sld [smem:$0x3FDB];
	s0 =	simm.s32 @p2 $0x1  }
0x17: {  	s4 =	simm.s32 $0x1BF5;
	[smem:$0x3FA6] =	sst s0  }
0x18: {  	s0 =	sld [smem:$0x3F89];
	_ =	swait.ge [sflag:s4], $0x0  }
0x19: {  	s7 =	sld [smem:$0x3F8A]  }
0x1a: {  	s8 =	sadd.s32 $0xFFFFE003, lr  }
0x1b: {  	s9 =	sadd.s32 $0xFFFFFEF7, lr;
	s5 =	simm.s32 $0xFFFFFFFF;
	p2 =	slt.u32 s8, $0xFFFFF086  }
0x1c: {  	p1 =	slt.u32 s9, $0xF7A;
	s5 =	simm.s32 @!p2 $0x0  }
0x1d: {  	s5 =	simm.s32 @p1 $0x1;
	p0 =	seq.s32 s7, s2  }
0x1e: {  	s7 =	smul.u32 @!p0 $0xF7A, s2;
	p2 =	seq.s32 @!p0 s5, $0x0  }
0x1f: {  	s9 =	smul.u32 $0xF7A, s1;
	s8 =	simm.s32 @!p0 $0x1BF5;
	p2 =	por !p2, p0  }
0x20: {  	[sflag:s8] =	ssyncset.s32 @!p0 $0xFFFFF086;
	s6 =	sadd.s32 @!p0 s3, s7;
	s7 =	simm.s32 @!p0 $0x108  }
0x21: {  	s3 =	sadd.s32 s3, s9;
	s6 =	sadd.s32 @!p0 $0x88, s6;
	s7 =	simm.s32 @p2 $0x1082  }
0x22: {  	[simem:s7], [sflag:s8] =	dma.local @!p0 [hbm:s6], $0xF7A  }
0x23: {  	s9 =	sor.u32 $0xD0000000, s2;
	s6 =	simm.s32 $0x108;
	_ =	swait.ge @!p0 [sflag:s8], $0x0  }
0x24: {  	s3 =	sadd.s32 $0x88, s3;
	s6 =	simm.s32 @!p1 $0x1082;
	[sflag:s4] =	ssyncset.s32 $0xFFFFF086  }
0x25: {  	[simem:s6], [sflag:s4] =	dma.local [hbm:s3], $0xF7A  }
0x26: {  	[smem:$0x3F8A] =	sst s1;
	(tag) =	ssettag s2;
	_ =	strace s9  }
0x27: {  	s1 =	sld [smem:$0x3F9A]  }
0x28: {  	s2 =	sld [smem:$0x3F9B]  }
0x29: {  	s4 =	sld [smem:$0x3F9D]  }
0x2a: {  	p0 =	seq.s32 s5, $0x0;
	s5 =	sld [smem:$0x3F9E]  }
0x2b: {  	s6 =	sld [smem:$0x3F9F]  }
0x2c: {  	s7 =	sld [smem:$0x3FA0]  }
0x2d: {  	s3 =	simm.s32 $0x108;
	s8 =	sld [smem:$0x3FA1]  }
0x2e: {  	s3 =	simm.s32 @!p0 $0x1082;
	s9 =	sld [smem:$0x3FA2]  }
0x2f: {  	lr =	sadd.s32 s0, s3;
	s0 =	sld [smem:$0x3F99]  }
0x30: {  	s3 =	sld [smem:$0x3F9C]  }
0x31: {  	[smem:$0x3FA5] =	sst s10  }
0x32: {  	s10 =	sld [smem:$0x3FA3];
	_ =	sdelay $0x3  }
0x33: {  	p0 =	seq.s32 s10, $0x1;
	s10 =	sld [smem:$0x3FA5];
	_ =	sdelay $0x3  }
0x34: {  	[smem:$0x3FA5] =	sst s10  }
0x35: {  	s10 =	sld [smem:$0x3FA4];
	_ =	sdelay $0x3  }
0x36: {  	p1 =	seq.s32 s10, $0x1;
	s10 =	sld [smem:$0x3FA5];
	_ =	sdelay $0x3  }
0x37: {  	[smem:$0x3FA5] =	sst s10  }
0x38: {  	s10 =	sld [smem:$0x3FA6]  }
0x39: {  	_ = 	snop;
	(pc) =	sbr.ind lr, $3  }
0x3a: {  	_ = 	snop  }
0x3b: {  	_ = 	snop  }
0x3c: {  	p2 =	seq.s32 s10, $0x1;
	s10 =	sld [smem:$0x3FA5]  }
0x3d: {  	_ =	shalt  }
0x3e: {  	_ =	shalt  }
0x3f: {  	_ =	shalt  }
0x40: {  	_ =	shalt  }
0x41: {  	_ =	shalt  }
0x42: {  	_ =	shalt  }
0x43: {  	_ =	shalt  }
0x44: {  	_ =	shalt  }
0x45: {  	_ =	shalt  }
0x46: {  	_ =	shalt  }
0x47: {  	_ =	shalt  }
0x48: {  	_ =	shalt  }
0x49: {  	_ =	shalt  }
0x4a: {  	_ =	shalt  }
0x4b: {  	_ =	shalt  }
0x4c: {  	_ =	shalt  }
0x4d: {  	_ =	shalt  }
0x4e: {  	_ =	shalt  }
0x4f: {  	_ =	shalt  }
0x50: {  	_ =	shalt  }
0x51: {  	_ =	shalt  }
0x52: {  	_ =	shalt  }
0x53: {  	_ =	shalt  }
0x54: {  	_ =	shalt  }
0x55: {  	_ =	shalt  }
0x56: {  	_ =	shalt  }
0x57: {  	_ =	shalt  }
0x58: {  	_ =	shalt  }
0x59: {  	_ =	shalt  }
0x5a: {  	_ =	shalt  }
0x5b: {  	_ =	shalt  }
0x5c: {  	_ =	shalt  }
0x5d: {  	_ =	shalt  }
0x5e: {  	_ =	shalt  }
0x5f: {  	_ =	shalt  }
0x60: {  	_ =	shalt  }
0x61: {  	_ =	shalt  }
0x62: {  	_ =	shalt  }
0x63: {  	_ =	shalt  }
0x64: {  	_ =	shalt  }
0x65: {  	_ =	shalt  }
0x66: {  	_ =	shalt  }
0x67: {  	_ =	shalt  }
0x68: {  	_ =	shalt  }
0x69: {  	_ =	shalt  }
0x6a: {  	_ =	shalt  }
0x6b: {  	_ =	shalt  }
0x6c: {  	_ =	shalt  }
0x6d: {  	_ =	shalt  }
0x6e: {  	_ =	shalt  }
0x6f: {  	_ =	shalt  }
0x70: {  	_ =	shalt  }
0x71: {  	_ =	shalt  }
0x72: {  	_ =	shalt  }
0x73: {  	_ =	shalt  }
0x74: {  	_ =	shalt  }
0x75: {  	_ =	shalt  }
0x76: {  	_ =	shalt  }
0x77: {  	_ =	shalt  }
0x78: {  	_ =	shalt  }
0x79: {  	_ =	shalt  }
0x7a: {  	_ =	shalt  }
0x7b: {  	_ =	shalt  }
0x7c: {  	_ =	shalt  }
0x7d: {  	_ =	shalt  }
0x7e: {  	_ =	shalt  }
0x7f: {  	_ =	shalt  }
0x80: {  	_ =	shalt  }
0x81: {  	_ =	shalt  }
0x82: {  	_ =	shalt  }
0x83: {  	_ =	shalt  }
0x84: {  	_ =	shalt  }
0x85: {  	_ =	shalt  }
0x86: {  	_ =	shalt  }
0x87: {  	_ =	shalt  }
.Lfunc_end0:
.L_simem_size_0:
called_computation.3_lowered:
.L_overlay_start_0:
0x88: {  	s2 =	sld [smem:$0x3FD9]  }
0x89: {  	s3 =	sld [smem:$0x3FFE];
	_ =	sdelay $0x1  }
0x8a: {  	s1 =	srdreg.scid  }
0x8b: {  	s0 =	sand.u32 $0x1, s1  }
0x8c: {  	s16 =	sshll.u32 s0, $0xA;
	s2 =	sadd.s32 s3, s2  }
0x8d: {  	s2 =	sadd.s32 s2, s16  }
0x8e: {  	[smem:$0x3FB1] =	sst s2  }
0x8f: {  	_ = 	snop  }
0x90: {  	(tm) =	ssettm $0x1  }
0x91: {  	s17 =	sld [smem:$0x3FFB];
	_ =	sdelay $0x3  }
0x92: {  	_ =	strace s17  }
0x93: {  	s2 =	sld [smem:$0x3FFC];
	_ =	sdelay $0x3  }
0x94: {  	_ =	strace s2  }
0x95: {  	s2 =	sld [smem:$0x3FFD];
	_ =	sdelay $0x3  }
0x96: {  	_ =	strace s2  }
0x97: {  	_ =	strace $0x8FFFFFFF  }
0x98: {  	s18 =	sld [smem:$0x3FDB];
	_ =	sdelay $0x1  }
0x99: {  	s19 =	simm.s32 $_scs_section_size  }
0x9a: {  	s4 =	simm.s32 $_size__tile_overlayer_lowered;
	s5 =	simm.s32 $_tile_overlayer_lowered  }
0x9b: {  	s22 =	simm.s32 $0x1BFF;
	s21 =	sshll.u32 s5, $0x1;
	s2 =	sadd.s32 s19, s18  }
0x9c: {  	s6 =	simm.s32 $0x0;
	s20 =	sshll.u32 s4, $0x1;
	s4 =	sadd.s32 s21, s2  }
0x9d: {  	[timem:s6], [sflag:s22] =	dma.local [hbm:s4], s20  }
0x9e: {  	_ =	swait.ge [sflag:s22], s20  }
0x9f: {  	s3 =	ssub.s32 $0x0, s20;
	[sflag:s22] =	ssyncset.done $0x0  }
0xa0: {  	[sflag:s22] =	ssyncadd.s32 s3;
	_ =	sdelay $0x1  }
0xa1: {  	s23 =	simm.s32 $0x1B8B  }
0xa2: {  	_ =	swait.ge [sflag:s23], $0x1  }
0xa3: {  	[sflag:s23] =	ssyncset.done $0x0  }
0xa4: {  	s25 =	simm.s32 $0x1B8E;
	s24 =	sld [smem:$0x3FFE];
	[sflag:s23] =	ssyncadd.s32 $0xFFFFFFFF  }
0xa5: {  	s26 =	simm.s32 $execute0_lowered;
	[smem:$0x3FD2] =	sst s25  }
0xa6: {  	s4 =	sshll.u32 s26, $0x1;
	_ =	strace $0x8000004F;
	[dreg:$0x1] =	wrdreg $0xFFFFFFFF  }
0xa7: {  	s28 =	simm.s32 $_size_execute0_lowered;
	s2 =	sadd.s32 s2, s4;
	[dreg:$0x0] =	wrdreg $0x0  }
0xa8: {  	s4 =	sshll.u32 s28, $0x1;
	[dreg:$0x2] =	wrdreg s2  }
0xa9: {  	[dreg:$0x3] =	wrdreg s4  }
0xaa: {  	[dreg:$0x4] =	wrdreg $0xC0  }
0xab: {  	_ =	task [dreg:s6], $0x5FFFF  }
0xac: {  	[dreg:$0x1] =	wrdreg $0xFFFFFFFF  }
0xad: {  	[dreg:$0x0] =	wrdreg $0x60  }
0xae: {  	[dreg:$0x2] =	wrdreg s24  }
0xaf: {  	[dreg:$0x3] =	wrdreg $0x9  }
0xb0: {  	_ =	task.clear_ibuf [dreg:s6], $0x4FFFF;
	_ =	strace $0x9000004F  }
0xb1: {  	s29 =	simm.s32 $0x9;
	_ =	strace $0x80000051  }
0xb2: {  	_ =	swait.ge [sflag:s29], $0x1  }
0xb3: {  	[sflag:s29] =	ssyncadd.s32 $0xFFFFFFFF  }
0xb4: {  	_ =	strace $0x90000051  }
0xb5: {  	_ =	sfence  }
0xb6: {  	s30 =	sld [smem:$0x0];
	_ =	sdelay $0x2  }
0xb7: {  	s31 =	sshll.u32 s1, $0xD;
	s1 =	sshrl.u32 s1, $0x2  }
0xb8: {  	s3 =	sand.u32 $0x4000, s31;
	s1 =	sadd.s32 s1, s30  }
0xb9: {  	s0 =	sor.u32 s3, s0;
	s1 =	sshll.u32 s1, $0x11  }
0xba: {  	s0 =	sor.u32 s1, s0  }
0xbb: {  	s0 =	sadd.s32 $0x8F2B, s0  }
0xbc: {  	[sflag:s0] =	ssyncadd.remote.s32 $0x1  }
0xbd: {  	_ =	sfence.sel $0xFFFF  }
0xbe: {  	[dreg:$0x0] =	wrdreg $0xFFFFFFFF;
	(pc) =	sbr.abs _section_cstart, $3  }
0xbf: {  	[dreg:$0x1] =	wrdreg $0xFFFFFFFF  }
0xc0: {  	_ =	task.clear_ibuf [dreg:s6], $0x2FFFF;
	_ =	strace $0x9FFFFFFF  }
0xc1: {  	(tm) =	ssettm $0x7FFFFFFF  }
tec
execute0_lowered:
.L_overlay_start_1:
0x0: {  	(tag) =	ssettag $0x1  }
0x1: {  	s0 =	srdreg.scid  }
0x2: {  	s10 =	stileid.u32;
	s1 =	rddreg [dreg:$0x0];
	s2 =	simm.s32 $0x0  }
0x3: {  	s15 =	simm.s32 $0x9;
	s16 =	simm.s32 $0x80;
	s17 =	simm.s32 $0x4A00  }
0x4: {  	s18 =	simm.s32 $0x6A00;
	s20 =	simm.s32 $0x8A00;
	s22 =	simm.s32 $0xAA00  }
0x5: {  	s23 =	simm.s32 $0x1;
	s28 =	simm.s32 $0x4;
	s7 =	smul.u32 $0x250000, s10  }
0x6: {  	s0 =	sand.u32 $0x1, s0;
	s3 =	sshll.u32 s10, $0x1;
	s10 =	smul.u32 $0x9400, s10  }
0x7: {  	s29 =	simm.s32 $0x5;
	s19 =	simm.s32 $0xCA00;
	s11 =	smul.u32 $0x4A00, s0  }
0x8: {  	s5 =	sor.u32 s0, s3;
	s9 =	ssub.s32 $0x2, s0;
	s0 =	smul.u32 $0x128000, s0  }
0x9: {  	s31 =	simm.s32 $0x6;
	[smem:$0x7FF] =	sst s2;
	s6 =	smul.u32 $0x4A00, s5  }
0xa: {  	s21 =	simm.s32 $0x8;
	_ =	strace $0x80000050;
	s5 =	smul.u32 $0x128000, s5  }
0xb: {  	s3 =	sadd.s32 $0x63E00, s1;
	s24 =	sshrl.u32 s9, $0x1;
	s26 =	sadd.s32 s11, s10  }
0xc: {  	s0 =	sadd.s32 s0, s7;
	s4 =	sshrl.u32 s6, $0x3;
	[dreg:$0x3] =	wrdreg s5  }
0xd: {  	s25 =	sor.u32 $0x80, s6;
	s30 =	sor.u32 $0x100, s6;
	s5 =	sshll.u32 s26, $0x3  }
0xe: {  	s6 =	sor.u32 $0x180, s6;
	s0 =	sshrl.u32 s0, $0x3;
	[dreg:$0x4] =	wrdreg s25  }
0xf: {  	s26 =	simm.s32 $0x3;
	s8 =	sadd.s32 s4, s1;
	[dreg:$0x5] =	wrdreg s30  }
0x10: {  	s4 =	sadd.s32 $0x77800, s1;
	s1 =	ssub.s32 s9, s24;
	[dreg:$0x6] =	wrdreg s6  }
.Ltmp0:
0x11: {  	s24 =	simm.s32 $0xA;
	s25 =	simm.s32 $0x2;
	(pc) =	sbr.rel .LBB2_1-.Ltmp0, $4  }
0x12: {  	s6 =	simm.s32 $0x0;
	s8 =	sadd.s32 $0x2A400, s8;
	s5 =	sadd.s32 s5, s4  }
0x13: {  	s1 =	smax.u32 s1, $0x1;
	s11 =	sadd.s32 s0, s4;
	[dreg:$0x2] =	wrdreg s8  }
0x14: {  	s0 =	simm.s32 $0x7;
	[dreg:$0x7] =	wrdreg s1;
	s12 =	sadd.s32 $0xC00, s5  }
0x15: {  	s13 =	sadd.s32 $0x800, s5;
	s14 =	sadd.s32 $0x400, s5;
	s5 =	simm.s32 $0x10A00  }
.LBB2_9:
0x16: {  	s6 =	rddreg [dreg:$0x8]  }
0x17: {  	s1 =	rddreg [dreg:$0x7];
	s6 =	sadd.s32 $0x1, s6  }
0x18: {  	p0 =	sne.s32 s6, s1  }
.Ltmp1:
0x19: {  	_ = 	snop;
	(pc) =	sbr.rel @!p0 .LBB2_10-.Ltmp1, $1  }
0x1a: {  	_ =	sdelay $0x3  }
.LBB2_1:
0x1b: {  	[dreg:$0x8] =	wrdreg s6  }
0x1c: {  	s1 =	rddreg [dreg:$0x2]  }
0x1d: {  	[tilespmem:s2], [sflag:$0x9] =	stream.linear.gather [hbm4b:s1+s2], $0x4A00, $0x38;
	[tilespmem:$0x14A00] =	vst v63  }
0x1e: {  	_ =	swait.ge [sflag:s15], $0x4A00  }
0x1f: {  	[sflag:s15] =	ssyncset.done $0x0  }
0x20: {  	[sflag:s15] =	ssyncadd.s32 $0xFFFFB600  }
0x21: {  	[tilespmem:s17], [sflag:$0x1] =	stream.indirect.gather [hbm4b:s3+s16], $0x40, s2, s16, $0xb8;
	[tilespmem:$0x14A00] =	vst v63  }
0x22: {  	_ = 	snop  }
0x23: {  	[tilespmem:s18], [sflag:$0x2] =	stream.indirect.gather [hbm4b:s3+s16], $0x40, s16, s16, $0xb8;
	[tilespmem:$0x14A00] =	vst v63  }
.Ltmp2:
0x24: {  	_ = 	snop;
	(pc) =	sbr.rel .LBB2_2-.Ltmp2, $4  }
0x25: {  	s10 =	simm.s32 $0x100;
	s30 =	simm.s32 $0x180  }
0x26: {  	[tilespmem:s20], [sflag:$0x3] =	stream.indirect.gather [hbm4b:s3+s16], $0x40, s10, s16, $0xb8;
	[tilespmem:$0x14A00] =	vst v63  }
0x27: {  	s6 =	simm.s32 $0x0;
	s7 =	simm.s32 $0x0;
	s10 =	simm.s32 $0x200  }
0x28: {  	[tilespmem:s22], [sflag:$0x4] =	stream.indirect.gather [hbm4b:s3+s16], $0x40, s30, s16, $0xb8;
	[tilespmem:$0x14A00] =	vst v63  }
.LBB2_11:
0x29: {  	[tilespmem:s17], [sflag:$0x1] =	stream.indirect.gather [hbm4b:s3+s16], $0x40, s10, s16, $0xb8;
	[tilespmem:$0x14A00] =	vst v63  }
0x2a: {  	_ = 	snop  }
0x2b: {  	[tilespmem:s18], [sflag:$0x2] =	stream.indirect.gather [hbm4b:s3+s16], $0x40, s30, s16, $0xb8;
	[tilespmem:$0x14A00] =	vst v63  }
0x2c: {  	_ = 	snop  }
0x2d: {  	[tilespmem:s20], [sflag:$0x3] =	stream.indirect.gather [hbm4b:s3+s16], $0x40, s9, s16, $0xb8;
	[tilespmem:$0x14A00] =	vst v63  }
0x2e: {  	s8 =	sadd.s32 s6, s12  }
0x2f: {  	[tilespmem:s22], [sflag:$0x4] =	stream.indirect.gather [hbm4b:s3+s16], $0x40, s1, s16, $0xb8;
	[tilespmem:$0x14A00] =	vst v63  }
0x30: {  	s30 =	sadd.s32 s6, s14;
	s9 =	sadd.s32 s6, s13;
	s1 =	sadd.s32 s6, s11  }
.LBB2_7:
0x31: {  	_ =	swait.ge [sflag:s29], $0x2000  }
0x32: {  	[sflag:s29] =	ssyncset.done $0x0  }
0x33: {  	[sflag:s29] =	ssyncadd.s32 $0xFFFFE000  }
0x34: {  	[hbm4b:s1+s2] =	stream.linear.scatter [tilespmem:s19], [sflag:$0xA], $0x2000, $0x38;
	[tilespmem:$0x14A00] =	vst v63  }
0x35: {  	_ =	swait.ge [sflag:s24], $0x2000  }
0x36: {  	[sflag:s24] =	ssyncset.done $0x0  }
0x37: {  	[sflag:s24] =	ssyncadd.s32 $0xFFFFE000  }
0x38: {  	_ =	swait.ge [sflag:s31], $0x2000  }
0x39: {  	[sflag:s31] =	ssyncset.done $0x0  }
0x3a: {  	s1 =	simm.s32 $0xEA00;
	[sflag:s31] =	ssyncadd.s32 $0xFFFFE000  }
0x3b: {  	[hbm4b:s30+s2] =	stream.linear.scatter [tilespmem:s1], [sflag:$0xA], $0x2000, $0x38;
	[tilespmem:$0x14A00] =	vst v63  }
0x3c: {  	_ =	swait.ge [sflag:s24], $0x2000  }
0x3d: {  	[sflag:s24] =	ssyncset.done $0x0  }
0x3e: {  	[sflag:s24] =	ssyncadd.s32 $0xFFFFE000  }
0x3f: {  	_ =	swait.ge [sflag:s0], $0x2000  }
0x40: {  	[sflag:s0] =	ssyncset.done $0x0  }
0x41: {  	[sflag:s0] =	ssyncadd.s32 $0xFFFFE000  }
0x42: {  	[hbm4b:s9+s2] =	stream.linear.scatter [tilespmem:s5], [sflag:$0xA], $0x2000, $0x38;
	[tilespmem:$0x14A00] =	vst v63  }
0x43: {  	_ =	swait.ge [sflag:s24], $0x2000  }
0x44: {  	[sflag:s24] =	ssyncset.done $0x0  }
0x45: {  	[sflag:s24] =	ssyncadd.s32 $0xFFFFE000  }
0x46: {  	_ =	swait.ge [sflag:s21], $0x2000  }
0x47: {  	[sflag:s21] =	ssyncset.done $0x0  }
0x48: {  	s30 =	simm.s32 $0x12A00;
	[sflag:s21] =	ssyncadd.s32 $0xFFFFE000  }
0x49: {  	[hbm4b:s8+s2] =	stream.linear.scatter [tilespmem:s30], [sflag:$0x9], $0x2000, $0x38;
	[tilespmem:$0x14A00] =	vst v63  }
0x4a: {  	_ =	swait.ge [sflag:s15], $0x2000  }
0x4b: {  	[sflag:s15] =	ssyncset.done $0x0  }
0x4c: {  	[sflag:s15] =	ssyncadd.s32 $0xFFFFE000  }
.LBB2_8:
0x4d: {  	s6 =	sadd.s32 $0x1000, s6  }
0x4e: {  	p0 =	sne.s32 s6, $0x25000  }
.Ltmp3:
0x4f: {  	_ = 	snop;
	(pc) =	sbr.rel @!p0 .LBB2_9-.Ltmp3, $2  }
0x50: {  	_ =	sdelay $0x2  }
0x51: {  	s10 =	sadd.s32 $0x200, s10;
	s7 =	sadd.s32 $0x1, s7  }
.LBB2_2:
0x52: {  	p0 =	seq.s32 s6, $0x24000  }
.Ltmp4:
0x53: {  	_ = 	snop;
	(pc) =	sbr.rel @p0 .LBB2_5-.Ltmp4, $2  }
0x54: {  	_ =	sdelay $0x2  }
0x55: {  	s8 =	sand.u32 $0x1, s7  }
0x56: {  	p0 =	seq.s32 s8, $0x1  }
.Ltmp5:
0x57: {  	_ = 	snop;
	(pc) =	sbr.rel @p0 .LBB2_11-.Ltmp5, $2  }
0x58: {  	_ =	sdelay $0x2  }
0x59: {  	s30 =	sadd.s32 $0x80, s10;
	s9 =	sadd.s32 $0x100, s10;
	s1 =	sadd.s32 $0x180, s10  }
0x5a: {  	[tilespmem:s19], [sflag:$0x5] =	stream.indirect.gather [hbm4b:s3+s16], $0x40, s10, s16, $0xb8;
	[tilespmem:$0x14A00] =	vst v63  }
0x5b: {  	s5 =	simm.s32 $0xEA00  }
0x5c: {  	[tilespmem:s5], [sflag:$0x6] =	stream.indirect.gather [hbm4b:s3+s16], $0x40, s30, s16, $0xb8;
	[tilespmem:$0x14A00] =	vst v63  }
0x5d: {  	s5 =	simm.s32 $0x10A00  }
0x5e: {  	[tilespmem:s5], [sflag:$0x7] =	stream.indirect.gather [hbm4b:s3+s16], $0x40, s9, s16, $0xb8;
	[tilespmem:$0x14A00] =	vst v63  }
0x5f: {  	s30 =	simm.s32 $0x12A00  }
0x60: {  	[tilespmem:s30], [sflag:$0x8] =	stream.indirect.gather [hbm4b:s3+s16], $0x40, s1, s16, $0xb8;
	[tilespmem:$0x14A00] =	vst v63  }
.LBB2_5:
0x61: {  	_ =	swait.ge [sflag:s23], $0x2000  }
0x62: {  	[sflag:s23] =	ssyncset.done $0x0  }
0x63: {  	s1 =	sadd.s32 s6, s11;
	[sflag:s23] =	ssyncadd.s32 $0xFFFFE000  }
0x64: {  	[hbm4b:s1+s2] =	stream.linear.scatter [tilespmem:s17], [sflag:$0xA], $0x2000, $0x38;
	[tilespmem:$0x14A00] =	vst v63  }
0x65: {  	_ =	swait.ge [sflag:s24], $0x2000  }
0x66: {  	[sflag:s24] =	ssyncset.done $0x0  }
0x67: {  	[sflag:s24] =	ssyncadd.s32 $0xFFFFE000  }
0x68: {  	_ =	swait.ge [sflag:s25], $0x2000  }
0x69: {  	[sflag:s25] =	ssyncset.done $0x0  }
0x6a: {  	s30 =	sadd.s32 s6, s14;
	[sflag:s25] =	ssyncadd.s32 $0xFFFFE000  }
0x6b: {  	[hbm4b:s30+s2] =	stream.linear.scatter [tilespmem:s18], [sflag:$0xA], $0x2000, $0x38;
	[tilespmem:$0x14A00] =	vst v63  }
0x6c: {  	_ =	swait.ge [sflag:s24], $0x2000  }
0x6d: {  	[sflag:s24] =	ssyncset.done $0x0  }
0x6e: {  	[sflag:s24] =	ssyncadd.s32 $0xFFFFE000  }
0x6f: {  	_ =	swait.ge [sflag:s26], $0x2000  }
0x70: {  	[sflag:s26] =	ssyncset.done $0x0  }
0x71: {  	s9 =	sadd.s32 s6, s13;
	[sflag:s26] =	ssyncadd.s32 $0xFFFFE000  }
0x72: {  	[hbm4b:s9+s2] =	stream.linear.scatter [tilespmem:s20], [sflag:$0xA], $0x2000, $0x38;
	[tilespmem:$0x14A00] =	vst v63  }
0x73: {  	_ =	swait.ge [sflag:s24], $0x2000  }
0x74: {  	[sflag:s24] =	ssyncset.done $0x0  }
0x75: {  	[sflag:s24] =	ssyncadd.s32 $0xFFFFE000  }
0x76: {  	_ =	swait.ge [sflag:s28], $0x2000  }
0x77: {  	p0 =	seq.s32 s8, $0x0;
	[sflag:s28] =	ssyncset.done $0x0  }
.Ltmp6:
0x78: {  	s30 =	sadd.s32 s6, s12;
	[sflag:s28] =	ssyncadd.s32 $0xFFFFE000;
	(pc) =	sbr.rel @p0 .LBB2_8-.Ltmp6, $4  }
0x79: {  	[hbm4b:s30+s2] =	stream.linear.scatter [tilespmem:s22], [sflag:$0xA], $0x2000, $0x38;
	[tilespmem:$0x14A00] =	vst v63  }
0x7a: {  	_ =	swait.ge [sflag:s24], $0x2000  }
0x7b: {  	[sflag:s24] =	ssyncset.done $0x0  }
0x7c: {  	[sflag:s24] =	ssyncadd.s32 $0xFFFFE000  }
0x7d: {  	s1 =	sshll.u32 s7, $0xF;
	s8 =	rddreg [dreg:$0x3]  }
0x7e: {  	s9 =	rddreg [dreg:$0x4];
	s1 =	sadd.s32 s8, s1;
	s8 =	sshll.u32 s7, $0x9  }
0x7f: {  	s19 =	rddreg [dreg:$0x5];
	s1 =	sshrl.u32 s1, $0x3;
	s9 =	sadd.s32 s8, s9  }
.Ltmp7:
0x80: {  	s30 =	sadd.s32 s8, s19;
	s19 =	rddreg [dreg:$0x6];
	(pc) =	sbr.rel .LBB2_7-.Ltmp7, $4  }
0x81: {  	s9 =	sshll.u32 s9, $0x3;
	s8 =	sadd.s32 s8, s19;
	s30 =	sshll.u32 s30, $0x3  }
0x82: {  	s1 =	sadd.s32 s4, s1;
	s9 =	sand.u32 $0x1FFFF400, s9;
	s8 =	sshll.u32 s8, $0x3  }
0x83: {  	s19 =	sand.u32 $0x1FFFF800, s30;
	s8 =	sand.u32 $0x1FFFFC00, s8;
	s30 =	sadd.s32 s4, s9  }
0x84: {  	s9 =	sadd.s32 s4, s19;
	s19 =	simm.s32 $0xCA00;
	s8 =	sadd.s32 s4, s8  }
.LBB2_10:
0x85: {  	_ =	sfence.sel $0x180000  }
0x86: {  	[bflag:$0x0] =	sbarrier.arrive $0xFFFF  }
0x87: {  	_ =	strace $0x90000050  }
0x88: {  	s0 =	stileid.u32;
	[bflag:$0x2] =	sbarrier.arrive $0xFFFF  }
0x89: {  	p0 =	sne.s32 s0, $0x0;
	s0 =	rddreg [dreg:$0x1]  }
0x8a: {  	s0 =	sadd.s32 @!p0 $0x100000, s0  }
0x8b: {  	[sflag:s0] =	ssyncadd.tile.s32 @!p0 $0x1;
	_ =	shalt  }
.Lfunc_end2:
_tile_overlayer_lowered:
.L_overlay_start_2:
0x8c: {  	(tag) =	ssettag $0x2  }
0x8d: {  	s0 =	rddreg [dreg:$0x0];
	s2 =	stileid.u32  }
0x8e: {  	s1 =	rddreg [dreg:$0x1];
	p0 =	sne.s32 s2, $0x0  }
0x8f: {  	s3 =	rddreg [dreg:$0x2];
	[bflag:$0x3] =	sbarrier.arrive $0xFFFF;
	s2 =	simm.s32 @!p0 $0x1C09  }
0x90: {  	[timem:s3], [sflag:s2] =	dma.local @!p0 [hbm:s0], s1  }
0x91: {  	s0 =	simm.s32 @!p0 $0x9  }
0x92: {  	_ =	swait.ge @!p0 [sflag:s0], s1  }
0x93: {  	s1 =	ssub.s32 @!p0 $0x0, s1;
	[sflag:s0] =	ssyncset.done @!p0 $0x0  }
0x94: {  	[sflag:s0] =	ssyncadd.s32 @!p0 s1  }
0x95: {  	[bflag:$0x3] =	sbarrier.arrive $0xFFFF  }
0x96: {  	_ =	shalt  }

// kernel: kernel.24.cloned.1.call-start
scs
__scs_entry_jumppad:
0x0: {  	(pc) =	sbr.rel $0x88, $3  }
0x1: {  	(tag) =	ssettag $0x0;
	lr =	simm.s32 $0x1  }
0x2: {  	[smem:$0x3F8A] =	sst lr;
	_ =	strace $0xD0000000  }
0x3: {  	_ = 	snop  }
0x4: {  	_ = 	snop  }
0x5: {  	_ = 	snop  }
0x6: {  	_ = 	snop  }
0x7: {  	_ = 	snop  }
__scs_overlays_trampoline_lowered:
0x8: {  	[smem:$0x3F99] =	sst s0  }
0x9: {  	[smem:$0x3F9A] =	sst s1  }
0xa: {  	[smem:$0x3F9B] =	sst s2  }
0xb: {  	[smem:$0x3F9C] =	sst s3  }
0xc: {  	[smem:$0x3F9D] =	sst s4  }
0xd: {  	[smem:$0x3F9E] =	sst s5  }
0xe: {  	[smem:$0x3F9F] =	sst s6  }
0xf: {  	[smem:$0x3FA0] =	sst s7  }
0x10: {  	[smem:$0x3FA1] =	sst s8  }
0x11: {  	[smem:$0x3FA2] =	sst s9;
	s0 =	simm.s32 @!p0 $0x0  }
0x12: {  	s1 =	sld [smem:$0x3F88];
	s0 =	simm.s32 @p0 $0x1  }
0x13: {  	[smem:$0x3FA3] =	sst s0;
	s0 =	simm.s32 @!p1 $0x0  }
0x14: {  	s2 =	sld [smem:$0x3F87];
	s0 =	simm.s32 @p1 $0x1  }
0x15: {  	[smem:$0x3FA4] =	sst s0;
	s0 =	simm.s32 @!p2 $0x0  }
0x16: {  	s3 =	sld [smem:$0x3FDB];
	s0 =	simm.s32 @p2 $0x1  }
0x17: {  	s4 =	simm.s32 $0x1BF5;
	[smem:$0x3FA6] =	sst s0  }
0x18: {  	s0 =	sld [smem:$0x3F89];
	_ =	swait.ge [sflag:s4], $0x0  }
0x19: {  	s7 =	sld [smem:$0x3F8A]  }
0x1a: {  	s8 =	sadd.s32 $0xFFFFE003, lr  }
0x1b: {  	s9 =	sadd.s32 $0xFFFFFEF7, lr;
	s5 =	simm.s32 $0xFFFFFFFF;
	p2 =	slt.u32 s8, $0xFFFFF086  }
0x1c: {  	p1 =	slt.u32 s9, $0xF7A;
	s5 =	simm.s32 @!p2 $0x0  }
0x1d: {  	s5 =	simm.s32 @p1 $0x1;
	p0 =	seq.s32 s7, s2  }
0x1e: {  	s7 =	smul.u32 @!p0 $0xF7A, s2;
	p2 =	seq.s32 @!p0 s5, $0x0  }
0x1f: {  	s9 =	smul.u32 $0xF7A, s1;
	s8 =	simm.s32 @!p0 $0x1BF5;
	p2 =	por !p2, p0  }
0x20: {  	[sflag:s8] =	ssyncset.s32 @!p0 $0xFFFFF086;
	s6 =	sadd.s32 @!p0 s3, s7;
	s7 =	simm.s32 @!p0 $0x108  }
0x21: {  	s3 =	sadd.s32 s3, s9;
	s6 =	sadd.s32 @!p0 $0x88, s6;
	s7 =	simm.s32 @p2 $0x1082  }
0x22: {  	[simem:s7], [sflag:s8] =	dma.local @!p0 [hbm:s6], $0xF7A  }
0x23: {  	s9 =	sor.u32 $0xD0000000, s2;
	s6 =	simm.s32 $0x108;
	_ =	swait.ge @!p0 [sflag:s8], $0x0  }
0x24: {  	s3 =	sadd.s32 $0x88, s3;
	s6 =	simm.s32 @!p1 $0x1082;
	[sflag:s4] =	ssyncset.s32 $0xFFFFF086  }
0x25: {  	[simem:s6], [sflag:s4] =	dma.local [hbm:s3], $0xF7A  }
0x26: {  	[smem:$0x3F8A] =	sst s1;
	(tag) =	ssettag s2;
	_ =	strace s9  }
0x27: {  	s1 =	sld [smem:$0x3F9A]  }
0x28: {  	s2 =	sld [smem:$0x3F9B]  }
0x29: {  	s4 =	sld [smem:$0x3F9D]  }
0x2a: {  	p0 =	seq.s32 s5, $0x0;
	s5 =	sld [smem:$0x3F9E]  }
0x2b: {  	s6 =	sld [smem:$0x3F9F]  }
0x2c: {  	s7 =	sld [smem:$0x3FA0]  }
0x2d: {  	s3 =	simm.s32 $0x108;
	s8 =	sld [smem:$0x3FA1]  }
0x2e: {  	s3 =	simm.s32 @!p0 $0x1082;
	s9 =	sld [smem:$0x3FA2]  }
0x2f: {  	lr =	sadd.s32 s0, s3;
	s0 =	sld [smem:$0x3F99]  }
0x30: {  	s3 =	sld [smem:$0x3F9C]  }
0x31: {  	[smem:$0x3FA5] =	sst s10  }
0x32: {  	s10 =	sld [smem:$0x3FA3];
	_ =	sdelay $0x3  }
0x33: {  	p0 =	seq.s32 s10, $0x1;
	s10 =	sld [smem:$0x3FA5];
	_ =	sdelay $0x3  }
0x34: {  	[smem:$0x3FA5] =	sst s10  }
0x35: {  	s10 =	sld [smem:$0x3FA4];
	_ =	sdelay $0x3  }
0x36: {  	p1 =	seq.s32 s10, $0x1;
	s10 =	sld [smem:$0x3FA5];
	_ =	sdelay $0x3  }
0x37: {  	[smem:$0x3FA5] =	sst s10  }
0x38: {  	s10 =	sld [smem:$0x3FA6]  }
0x39: {  	_ = 	snop;
	(pc) =	sbr.ind lr, $3  }
0x3a: {  	_ = 	snop  }
0x3b: {  	_ = 	snop  }
0x3c: {  	p2 =	seq.s32 s10, $0x1;
	s10 =	sld [smem:$0x3FA5]  }
0x3d: {  	_ =	shalt  }
0x3e: {  	_ =	shalt  }
0x3f: {  	_ =	shalt  }
0x40: {  	_ =	shalt  }
0x41: {  	_ =	shalt  }
0x42: {  	_ =	shalt  }
0x43: {  	_ =	shalt  }
0x44: {  	_ =	shalt  }
0x45: {  	_ =	shalt  }
0x46: {  	_ =	shalt  }
0x47: {  	_ =	shalt  }
0x48: {  	_ =	shalt  }
0x49: {  	_ =	shalt  }
0x4a: {  	_ =	shalt  }
0x4b: {  	_ =	shalt  }
0x4c: {  	_ =	shalt  }
0x4d: {  	_ =	shalt  }
0x4e: {  	_ =	shalt  }
0x4f: {  	_ =	shalt  }
0x50: {  	_ =	shalt  }
0x51: {  	_ =	shalt  }
0x52: {  	_ =	shalt  }
0x53: {  	_ =	shalt  }
0x54: {  	_ =	shalt  }
0x55: {  	_ =	shalt  }
0x56: {  	_ =	shalt  }
0x57: {  	_ =	shalt  }
0x58: {  	_ =	shalt  }
0x59: {  	_ =	shalt  }
0x5a: {  	_ =	shalt  }
0x5b: {  	_ =	shalt  }
0x5c: {  	_ =	shalt  }
0x5d: {  	_ =	shalt  }
0x5e: {  	_ =	shalt  }
0x5f: {  	_ =	shalt  }
0x60: {  	_ =	shalt  }
0x61: {  	_ =	shalt  }
0x62: {  	_ =	shalt  }
0x63: {  	_ =	shalt  }
0x64: {  	_ =	shalt  }
0x65: {  	_ =	shalt  }
0x66: {  	_ =	shalt  }
0x67: {  	_ =	shalt  }
0x68: {  	_ =	shalt  }
0x69: {  	_ =	shalt  }
0x6a: {  	_ =	shalt  }
0x6b: {  	_ =	shalt  }
0x6c: {  	_ =	shalt  }
0x6d: {  	_ =	shalt  }
0x6e: {  	_ =	shalt  }
0x6f: {  	_ =	shalt  }
0x70: {  	_ =	shalt  }
0x71: {  	_ =	shalt  }
0x72: {  	_ =	shalt  }
0x73: {  	_ =	shalt  }
0x74: {  	_ =	shalt  }
0x75: {  	_ =	shalt  }
0x76: {  	_ =	shalt  }
0x77: {  	_ =	shalt  }
0x78: {  	_ =	shalt  }
0x79: {  	_ =	shalt  }
0x7a: {  	_ =	shalt  }
0x7b: {  	_ =	shalt  }
0x7c: {  	_ =	shalt  }
0x7d: {  	_ =	shalt  }
0x7e: {  	_ =	shalt  }
0x7f: {  	_ =	shalt  }
0x80: {  	_ =	shalt  }
0x81: {  	_ =	shalt  }
0x82: {  	_ =	shalt  }
0x83: {  	_ =	shalt  }
0x84: {  	_ =	shalt  }
0x85: {  	_ =	shalt  }
0x86: {  	_ =	shalt  }
0x87: {  	_ =	shalt  }
.Lfunc_end0:
.L_simem_size_0:
called_computation.4_lowered:
.L_overlay_start_0:
0x88: {  	s2 =	sld [smem:$0x3FD9]  }
0x89: {  	s3 =	sld [smem:$0x3FFE];
	_ =	sdelay $0x1  }
0x8a: {  	s1 =	srdreg.scid  }
0x8b: {  	s0 =	sand.u32 $0x1, s1  }
0x8c: {  	s16 =	sshll.u32 s0, $0xA;
	s2 =	sadd.s32 s3, s2  }
0x8d: {  	s2 =	sadd.s32 s2, s16  }
0x8e: {  	[smem:$0x3FB1] =	sst s2  }
0x8f: {  	_ = 	snop  }
0x90: {  	(tm) =	ssettm $0x1  }
0x91: {  	s17 =	sld [smem:$0x3FFB];
	_ =	sdelay $0x3  }
0x92: {  	_ =	strace s17  }
0x93: {  	s2 =	sld [smem:$0x3FFC];
	_ =	sdelay $0x3  }
0x94: {  	_ =	strace s2  }
0x95: {  	s2 =	sld [smem:$0x3FFD];
	_ =	sdelay $0x3  }
0x96: {  	_ =	strace s2  }
0x97: {  	_ =	strace $0x8FFFFFFF  }
0x98: {  	s18 =	sld [smem:$0x3FDB];
	_ =	sdelay $0x1  }
0x99: {  	s19 =	simm.s32 $_scs_section_size  }
0x9a: {  	s4 =	simm.s32 $_size__tile_overlayer_lowered;
	s5 =	simm.s32 $_tile_overlayer_lowered  }
0x9b: {  	s22 =	simm.s32 $0x1BFF;
	s21 =	sshll.u32 s5, $0x1;
	s2 =	sadd.s32 s19, s18  }
0x9c: {  	s6 =	simm.s32 $0x0;
	s20 =	sshll.u32 s4, $0x1;
	s4 =	sadd.s32 s21, s2  }
0x9d: {  	[timem:s6], [sflag:s22] =	dma.local [hbm:s4], s20  }
0x9e: {  	_ =	swait.ge [sflag:s22], s20  }
0x9f: {  	s3 =	ssub.s32 $0x0, s20;
	[sflag:s22] =	ssyncset.done $0x0  }
0xa0: {  	[sflag:s22] =	ssyncadd.s32 s3;
	_ =	sdelay $0x1  }
0xa1: {  	s23 =	simm.s32 $0x1B8B  }
0xa2: {  	_ =	swait.ge [sflag:s23], $0x1  }
0xa3: {  	[sflag:s23] =	ssyncset.done $0x0  }
0xa4: {  	s25 =	simm.s32 $0x1B8E;
	s24 =	sld [smem:$0x3FFE];
	[sflag:s23] =	ssyncadd.s32 $0xFFFFFFFF  }
0xa5: {  	s26 =	simm.s32 $execute0_lowered;
	[smem:$0x3FD2] =	sst s25  }
0xa6: {  	s4 =	sshll.u32 s26, $0x1;
	_ =	strace $0x80000052;
	[dreg:$0x1] =	wrdreg $0xFFFFFFFF  }
0xa7: {  	s28 =	simm.s32 $_size_execute0_lowered;
	s2 =	sadd.s32 s2, s4;
	[dreg:$0x0] =	wrdreg $0x0  }
0xa8: {  	s4 =	sshll.u32 s28, $0x1;
	[dreg:$0x2] =	wrdreg s2  }
0xa9: {  	[dreg:$0x3] =	wrdreg s4  }
0xaa: {  	[dreg:$0x4] =	wrdreg $0xC0  }
0xab: {  	_ =	task [dreg:s6], $0x5FFFF  }
0xac: {  	[dreg:$0x1] =	wrdreg $0xFFFFFFFF  }
0xad: {  	[dreg:$0x0] =	wrdreg $0x60  }
0xae: {  	[dreg:$0x2] =	wrdreg s24  }
0xaf: {  	[dreg:$0x3] =	wrdreg $0x9  }
0xb0: {  	_ =	task.clear_ibuf [dreg:s6], $0x4FFFF;
	_ =	strace $0x90000052  }
0xb1: {  	s29 =	simm.s32 $0x9;
	_ =	strace $0x80000054  }
0xb2: {  	_ =	swait.ge [sflag:s29], $0x1  }
0xb3: {  	[sflag:s29] =	ssyncadd.s32 $0xFFFFFFFF  }
0xb4: {  	_ =	strace $0x90000054  }
0xb5: {  	_ =	sfence  }
0xb6: {  	s30 =	sld [smem:$0x0];
	_ =	sdelay $0x2  }
0xb7: {  	s31 =	sshll.u32 s1, $0xD;
	s1 =	sshrl.u32 s1, $0x2  }
0xb8: {  	s3 =	sand.u32 $0x4000, s31;
	s1 =	sadd.s32 s1, s30  }
0xb9: {  	s0 =	sor.u32 s3, s0;
	s1 =	sshll.u32 s1, $0x11  }
0xba: {  	s0 =	sor.u32 s1, s0  }
0xbb: {  	s0 =	sadd.s32 $0x8F2B, s0  }
0xbc: {  	[sflag:s0] =	ssyncadd.remote.s32 $0x1  }
0xbd: {  	_ =	sfence.sel $0xFFFF  }
0xbe: {  	[dreg:$0x0] =	wrdreg $0xFFFFFFFF;
	(pc) =	sbr.abs _section_cstart, $3  }
0xbf: {  	[dreg:$0x1] =	wrdreg $0xFFFFFFFF  }
0xc0: {  	_ =	task.clear_ibuf [dreg:s6], $0x2FFFF;
	_ =	strace $0x9FFFFFFF  }
0xc1: {  	(tm) =	ssettm $0x7FFFFFFF  }
tec
execute0_lowered:
.L_overlay_start_1:
0x0: {  	(tag) =	ssettag $0x1  }
0x1: {  	s0 =	srdreg.scid  }
0x2: {  	s10 =	stileid.u32;
	s1 =	rddreg [dreg:$0x0];
	s2 =	simm.s32 $0x0  }
0x3: {  	s15 =	simm.s32 $0x9;
	s16 =	simm.s32 $0x80;
	s17 =	simm.s32 $0x4A00  }
0x4: {  	s18 =	simm.s32 $0x6A00;
	s20 =	simm.s32 $0x8A00;
	s22 =	simm.s32 $0xAA00  }
0x5: {  	s23 =	simm.s32 $0x1;
	s28 =	simm.s32 $0x4;
	s7 =	smul.u32 $0x250000, s10  }
0x6: {  	s0 =	sand.u32 $0x1, s0;
	s3 =	sshll.u32 s10, $0x1;
	s10 =	smul.u32 $0x9400, s10  }
0x7: {  	s29 =	simm.s32 $0x5;
	s19 =	simm.s32 $0xCA00;
	s11 =	smul.u32 $0x4A00, s0  }
0x8: {  	s5 =	sor.u32 s0, s3;
	s9 =	ssub.s32 $0x2, s0;
	s0 =	smul.u32 $0x128000, s0  }
0x9: {  	s31 =	simm.s32 $0x6;
	[smem:$0x7FF] =	sst s2;
	s6 =	smul.u32 $0x4A00, s5  }
0xa: {  	s21 =	simm.s32 $0x8;
	_ =	strace $0x80000053;
	s5 =	smul.u32 $0x128000, s5  }
0xb: {  	s3 =	sadd.s32 $0x8B000, s1;
	s24 =	sshrl.u32 s9, $0x1;
	s26 =	sadd.s32 s11, s10  }
0xc: {  	s0 =	sadd.s32 s0, s7;
	s4 =	sshrl.u32 s6, $0x3;
	[dreg:$0x3] =	wrdreg s5  }
0xd: {  	s25 =	sor.u32 $0x80, s6;
	s30 =	sor.u32 $0x100, s6;
	s5 =	sshll.u32 s26, $0x3  }
0xe: {  	s6 =	sor.u32 $0x180, s6;
	s0 =	sshrl.u32 s0, $0x3;
	[dreg:$0x4] =	wrdreg s25  }
0xf: {  	s26 =	simm.s32 $0x3;
	s8 =	sadd.s32 s4, s1;
	[dreg:$0x5] =	wrdreg s30  }
0x10: {  	s4 =	sadd.s32 $0x9EA00, s1;
	s1 =	ssub.s32 s9, s24;
	[dreg:$0x6] =	wrdreg s6  }
.Ltmp0:
0x11: {  	s24 =	simm.s32 $0xA;
	s25 =	simm.s32 $0x2;
	(pc) =	sbr.rel .LBB2_1-.Ltmp0, $4  }
0x12: {  	s6 =	simm.s32 $0x0;
	s8 =	sadd.s32 $0x51600, s8;
	s5 =	sadd.s32 s5, s4  }
0x13: {  	s1 =	smax.u32 s1, $0x1;
	s11 =	sadd.s32 s0, s4;
	[dreg:$0x2] =	wrdreg s8  }
0x14: {  	s0 =	simm.s32 $0x7;
	[dreg:$0x7] =	wrdreg s1;
	s12 =	sadd.s32 $0xC00, s5  }
0x15: {  	s13 =	sadd.s32 $0x800, s5;
	s14 =	sadd.s32 $0x400, s5;
	s5 =	simm.s32 $0x10A00  }
.LBB2_9:
0x16: {  	s6 =	rddreg [dreg:$0x8]  }
0x17: {  	s1 =	rddreg [dreg:$0x7];
	s6 =	sadd.s32 $0x1, s6  }
0x18: {  	p0 =	sne.s32 s6, s1  }
.Ltmp1:
0x19: {  	_ = 	snop;
	(pc) =	sbr.rel @!p0 .LBB2_10-.Ltmp1, $1  }
0x1a: {  	_ =	sdelay $0x3  }
.LBB2_1:
0x1b: {  	[dreg:$0x8] =	wrdreg s6  }
0x1c: {  	s1 =	rddreg [dreg:$0x2]  }
0x1d: {  	[tilespmem:s2], [sflag:$0x9] =	stream.linear.gather [hbm4b:s1+s2], $0x4A00, $0x38;
	[tilespmem:$0x14A00] =	vst v63  }
0x1e: {  	_ =	swait.ge [sflag:s15], $0x4A00  }
0x1f: {  	[sflag:s15] =	ssyncset.done $0x0  }
0x20: {  	[sflag:s15] =	ssyncadd.s32 $0xFFFFB600  }
0x21: {  	[tilespmem:s17], [sflag:$0x1] =	stream.indirect.gather [hbm4b:s3+s16], $0x40, s2, s16, $0xb8;
	[tilespmem:$0x14A00] =	vst v63  }
0x22: {  	_ = 	snop  }
0x23: {  	[tilespmem:s18], [sflag:$0x2] =	stream.indirect.gather [hbm4b:s3+s16], $0x40, s16, s16, $0xb8;
	[tilespmem:$0x14A00] =	vst v63  }
.Ltmp2:
0x24: {  	_ = 	snop;
	(pc) =	sbr.rel .LBB2_2-.Ltmp2, $4  }
0x25: {  	s10 =	simm.s32 $0x100;
	s30 =	simm.s32 $0x180  }
0x26: {  	[tilespmem:s20], [sflag:$0x3] =	stream.indirect.gather [hbm4b:s3+s16], $0x40, s10, s16, $0xb8;
	[tilespmem:$0x14A00] =	vst v63  }
0x27: {  	s6 =	simm.s32 $0x0;
	s7 =	simm.s32 $0x0;
	s10 =	simm.s32 $0x200  }
0x28: {  	[tilespmem:s22], [sflag:$0x4] =	stream.indirect.gather [hbm4b:s3+s16], $0x40, s30, s16, $0xb8;
	[tilespmem:$0x14A00] =	vst v63  }
.LBB2_11:
0x29: {  	[tilespmem:s17], [sflag:$0x1] =	stream.indirect.gather [hbm4b:s3+s16], $0x40, s10, s16, $0xb8;
	[tilespmem:$0x14A00] =	vst v63  }
0x2a: {  	_ = 	snop  }
0x2b: {  	[tilespmem:s18], [sflag:$0x2] =	stream.indirect.gather [hbm4b:s3+s16], $0x40, s30, s16, $0xb8;
	[tilespmem:$0x14A00] =	vst v63  }
0x2c: {  	_ = 	snop  }
0x2d: {  	[tilespmem:s20], [sflag:$0x3] =	stream.indirect.gather [hbm4b:s3+s16], $0x40, s9, s16, $0xb8;
	[tilespmem:$0x14A00] =	vst v63  }
0x2e: {  	s8 =	sadd.s32 s6, s12  }
0x2f: {  	[tilespmem:s22], [sflag:$0x4] =	stream.indirect.gather [hbm4b:s3+s16], $0x40, s1, s16, $0xb8;
	[tilespmem:$0x14A00] =	vst v63  }
0x30: {  	s30 =	sadd.s32 s6, s14;
	s9 =	sadd.s32 s6, s13;
	s1 =	sadd.s32 s6, s11  }
.LBB2_7:
0x31: {  	_ =	swait.ge [sflag:s29], $0x2000  }
0x32: {  	[sflag:s29] =	ssyncset.done $0x0  }
0x33: {  	[sflag:s29] =	ssyncadd.s32 $0xFFFFE000  }
0x34: {  	[hbm4b:s1+s2] =	stream.linear.scatter [tilespmem:s19], [sflag:$0xA], $0x2000, $0x38;
	[tilespmem:$0x14A00] =	vst v63  }
0x35: {  	_ =	swait.ge [sflag:s24], $0x2000  }
0x36: {  	[sflag:s24] =	ssyncset.done $0x0  }
0x37: {  	[sflag:s24] =	ssyncadd.s32 $0xFFFFE000  }
0x38: {  	_ =	swait.ge [sflag:s31], $0x2000  }
0x39: {  	[sflag:s31] =	ssyncset.done $0x0  }
0x3a: {  	s1 =	simm.s32 $0xEA00;
	[sflag:s31] =	ssyncadd.s32 $0xFFFFE000  }
0x3b: {  	[hbm4b:s30+s2] =	stream.linear.scatter [tilespmem:s1], [sflag:$0xA], $0x2000, $0x38;
	[tilespmem:$0x14A00] =	vst v63  }
0x3c: {  	_ =	swait.ge [sflag:s24], $0x2000  }
0x3d: {  	[sflag:s24] =	ssyncset.done $0x0  }
0x3e: {  	[sflag:s24] =	ssyncadd.s32 $0xFFFFE000  }
0x3f: {  	_ =	swait.ge [sflag:s0], $0x2000  }
0x40: {  	[sflag:s0] =	ssyncset.done $0x0  }
0x41: {  	[sflag:s0] =	ssyncadd.s32 $0xFFFFE000  }
0x42: {  	[hbm4b:s9+s2] =	stream.linear.scatter [tilespmem:s5], [sflag:$0xA], $0x2000, $0x38;
	[tilespmem:$0x14A00] =	vst v63  }
0x43: {  	_ =	swait.ge [sflag:s24], $0x2000  }
0x44: {  	[sflag:s24] =	ssyncset.done $0x0  }
0x45: {  	[sflag:s24] =	ssyncadd.s32 $0xFFFFE000  }
0x46: {  	_ =	swait.ge [sflag:s21], $0x2000  }
0x47: {  	[sflag:s21] =	ssyncset.done $0x0  }
0x48: {  	s30 =	simm.s32 $0x12A00;
	[sflag:s21] =	ssyncadd.s32 $0xFFFFE000  }
0x49: {  	[hbm4b:s8+s2] =	stream.linear.scatter [tilespmem:s30], [sflag:$0x9], $0x2000, $0x38;
	[tilespmem:$0x14A00] =	vst v63  }
0x4a: {  	_ =	swait.ge [sflag:s15], $0x2000  }
0x4b: {  	[sflag:s15] =	ssyncset.done $0x0  }
0x4c: {  	[sflag:s15] =	ssyncadd.s32 $0xFFFFE000  }
.LBB2_8:
0x4d: {  	s6 =	sadd.s32 $0x1000, s6  }
0x4e: {  	p0 =	sne.s32 s6, $0x25000  }
.Ltmp3:
0x4f: {  	_ = 	snop;
	(pc) =	sbr.rel @!p0 .LBB2_9-.Ltmp3, $2  }
0x50: {  	_ =	sdelay $0x2  }
0x51: {  	s10 =	sadd.s32 $0x200, s10;
	s7 =	sadd.s32 $0x1, s7  }
.LBB2_2:
0x52: {  	p0 =	seq.s32 s6, $0x24000  }
.Ltmp4:
0x53: {  	_ = 	snop;
	(pc) =	sbr.rel @p0 .LBB2_5-.Ltmp4, $2  }
0x54: {  	_ =	sdelay $0x2  }
0x55: {  	s8 =	sand.u32 $0x1, s7  }
0x56: {  	p0 =	seq.s32 s8, $0x1  }
.Ltmp5:
0x57: {  	_ = 	snop;
	(pc) =	sbr.rel @p0 .LBB2_11-.Ltmp5, $2  }
0x58: {  	_ =	sdelay $0x2  }
0x59: {  	s30 =	sadd.s32 $0x80, s10;
	s9 =	sadd.s32 $0x100, s10;
	s1 =	sadd.s32 $0x180, s10  }
0x5a: {  	[tilespmem:s19], [sflag:$0x5] =	stream.indirect.gather [hbm4b:s3+s16], $0x40, s10, s16, $0xb8;
	[tilespmem:$0x14A00] =	vst v63  }
0x5b: {  	s5 =	simm.s32 $0xEA00  }
0x5c: {  	[tilespmem:s5], [sflag:$0x6] =	stream.indirect.gather [hbm4b:s3+s16], $0x40, s30, s16, $0xb8;
	[tilespmem:$0x14A00] =	vst v63  }
0x5d: {  	s5 =	simm.s32 $0x10A00  }
0x5e: {  	[tilespmem:s5], [sflag:$0x7] =	stream.indirect.gather [hbm4b:s3+s16], $0x40, s9, s16, $0xb8;
	[tilespmem:$0x14A00] =	vst v63  }
0x5f: {  	s30 =	simm.s32 $0x12A00  }
0x60: {  	[tilespmem:s30], [sflag:$0x8] =	stream.indirect.gather [hbm4b:s3+s16], $0x40, s1, s16, $0xb8;
	[tilespmem:$0x14A00] =	vst v63  }
.LBB2_5:
0x61: {  	_ =	swait.ge [sflag:s23], $0x2000  }
0x62: {  	[sflag:s23] =	ssyncset.done $0x0  }
0x63: {  	s1 =	sadd.s32 s6, s11;
	[sflag:s23] =	ssyncadd.s32 $0xFFFFE000  }
0x64: {  	[hbm4b:s1+s2] =	stream.linear.scatter [tilespmem:s17], [sflag:$0xA], $0x2000, $0x38;
	[tilespmem:$0x14A00] =	vst v63  }
0x65: {  	_ =	swait.ge [sflag:s24], $0x2000  }
0x66: {  	[sflag:s24] =	ssyncset.done $0x0  }
0x67: {  	[sflag:s24] =	ssyncadd.s32 $0xFFFFE000  }
0x68: {  	_ =	swait.ge [sflag:s25], $0x2000  }
0x69: {  	[sflag:s25] =	ssyncset.done $0x0  }
0x6a: {  	s30 =	sadd.s32 s6, s14;
	[sflag:s25] =	ssyncadd.s32 $0xFFFFE000  }
0x6b: {  	[hbm4b:s30+s2] =	stream.linear.scatter [tilespmem:s18], [sflag:$0xA], $0x2000, $0x38;
	[tilespmem:$0x14A00] =	vst v63  }
0x6c: {  	_ =	swait.ge [sflag:s24], $0x2000  }
0x6d: {  	[sflag:s24] =	ssyncset.done $0x0  }
0x6e: {  	[sflag:s24] =	ssyncadd.s32 $0xFFFFE000  }
0x6f: {  	_ =	swait.ge [sflag:s26], $0x2000  }
0x70: {  	[sflag:s26] =	ssyncset.done $0x0  }
0x71: {  	s9 =	sadd.s32 s6, s13;
	[sflag:s26] =	ssyncadd.s32 $0xFFFFE000  }
0x72: {  	[hbm4b:s9+s2] =	stream.linear.scatter [tilespmem:s20], [sflag:$0xA], $0x2000, $0x38;
	[tilespmem:$0x14A00] =	vst v63  }
0x73: {  	_ =	swait.ge [sflag:s24], $0x2000  }
0x74: {  	[sflag:s24] =	ssyncset.done $0x0  }
0x75: {  	[sflag:s24] =	ssyncadd.s32 $0xFFFFE000  }
0x76: {  	_ =	swait.ge [sflag:s28], $0x2000  }
0x77: {  	p0 =	seq.s32 s8, $0x0;
	[sflag:s28] =	ssyncset.done $0x0  }
.Ltmp6:
0x78: {  	s30 =	sadd.s32 s6, s12;
	[sflag:s28] =	ssyncadd.s32 $0xFFFFE000;
	(pc) =	sbr.rel @p0 .LBB2_8-.Ltmp6, $4  }
0x79: {  	[hbm4b:s30+s2] =	stream.linear.scatter [tilespmem:s22], [sflag:$0xA], $0x2000, $0x38;
	[tilespmem:$0x14A00] =	vst v63  }
0x7a: {  	_ =	swait.ge [sflag:s24], $0x2000  }
0x7b: {  	[sflag:s24] =	ssyncset.done $0x0  }
0x7c: {  	[sflag:s24] =	ssyncadd.s32 $0xFFFFE000  }
0x7d: {  	s1 =	sshll.u32 s7, $0xF;
	s8 =	rddreg [dreg:$0x3]  }
0x7e: {  	s9 =	rddreg [dreg:$0x4];
	s1 =	sadd.s32 s8, s1;
	s8 =	sshll.u32 s7, $0x9  }
0x7f: {  	s19 =	rddreg [dreg:$0x5];
	s1 =	sshrl.u32 s1, $0x3;
	s9 =	sadd.s32 s8, s9  }
.Ltmp7:
0x80: {  	s30 =	sadd.s32 s8, s19;
	s19 =	rddreg [dreg:$0x6];
	(pc) =	sbr.rel .LBB2_7-.Ltmp7, $4  }
0x81: {  	s9 =	sshll.u32 s9, $0x3;
	s8 =	sadd.s32 s8, s19;
	s30 =	sshll.u32 s30, $0x3  }
0x82: {  	s1 =	sadd.s32 s4, s1;
	s9 =	sand.u32 $0x1FFFF400, s9;
	s8 =	sshll.u32 s8, $0x3  }
0x83: {  	s19 =	sand.u32 $0x1FFFF800, s30;
	s8 =	sand.u32 $0x1FFFFC00, s8;
	s30 =	sadd.s32 s4, s9  }
0x84: {  	s9 =	sadd.s32 s4, s19;
	s19 =	simm.s32 $0xCA00;
	s8 =	sadd.s32 s4, s8  }
.LBB2_10:
0x85: {  	_ =	sfence.sel $0x180000  }
0x86: {  	[bflag:$0x0] =	sbarrier.arrive $0xFFFF  }
0x87: {  	_ =	strace $0x90000053  }
0x88: {  	s0 =	stileid.u32;
	[bflag:$0x2] =	sbarrier.arrive $0xFFFF  }
0x89: {  	p0 =	sne.s32 s0, $0x0;
	s0 =	rddreg [dreg:$0x1]  }
0x8a: {  	s0 =	sadd.s32 @!p0 $0x100000, s0  }
0x8b: {  	[sflag:s0] =	ssyncadd.tile.s32 @!p0 $0x1;
	_ =	shalt  }
.Lfunc_end2:
_tile_overlayer_lowered:
.L_overlay_start_2:
0x8c: {  	(tag) =	ssettag $0x2  }
0x8d: {  	s0 =	rddreg [dreg:$0x0];
	s2 =	stileid.u32  }
0x8e: {  	s1 =	rddreg [dreg:$0x1];
	p0 =	sne.s32 s2, $0x0  }
0x8f: {  	s3 =	rddreg [dreg:$0x2];
	[bflag:$0x3] =	sbarrier.arrive $0xFFFF;
	s2 =	simm.s32 @!p0 $0x1C09  }
0x90: {  	[timem:s3], [sflag:s2] =	dma.local @!p0 [hbm:s0], s1  }
0x91: {  	s0 =	simm.s32 @!p0 $0x9  }
0x92: {  	_ =	swait.ge @!p0 [sflag:s0], s1  }
0x93: {  	s1 =	ssub.s32 @!p0 $0x0, s1;
	[sflag:s0] =	ssyncset.done @!p0 $0x0  }
0x94: {  	[sflag:s0] =	ssyncadd.s32 @!p0 s1  }
0x95: {  	[bflag:$0x3] =	sbarrier.arrive $0xFFFF  }
0x96: {  	_ =	shalt  }

// kernel: scatter_offload_async_start
scs
__scs_entry_jumppad:
0x0: {  	(pc) =	sbr.rel $0x88, $3  }
0x1: {  	(tag) =	ssettag $0x0;
	lr =	simm.s32 $0x1  }
0x2: {  	[smem:$0x3F8A] =	sst lr;
	_ =	strace $0xD0000000  }
0x3: {  	_ = 	snop  }
0x4: {  	_ = 	snop  }
0x5: {  	_ = 	snop  }
0x6: {  	_ = 	snop  }
0x7: {  	_ = 	snop  }
__scs_overlays_trampoline_lowered:
0x8: {  	[smem:$0x3F99] =	sst s0  }
0x9: {  	[smem:$0x3F9A] =	sst s1  }
0xa: {  	[smem:$0x3F9B] =	sst s2  }
0xb: {  	[smem:$0x3F9C] =	sst s3  }
0xc: {  	[smem:$0x3F9D] =	sst s4  }
0xd: {  	[smem:$0x3F9E] =	sst s5  }
0xe: {  	[smem:$0x3F9F] =	sst s6  }
0xf: {  	[smem:$0x3FA0] =	sst s7  }
0x10: {  	[smem:$0x3FA1] =	sst s8  }
0x11: {  	[smem:$0x3FA2] =	sst s9;
	s0 =	simm.s32 @!p0 $0x0  }
0x12: {  	s1 =	sld [smem:$0x3F88];
	s0 =	simm.s32 @p0 $0x1  }
0x13: {  	[smem:$0x3FA3] =	sst s0;
	s0 =	simm.s32 @!p1 $0x0  }
0x14: {  	s2 =	sld [smem:$0x3F87];
	s0 =	simm.s32 @p1 $0x1  }
0x15: {  	[smem:$0x3FA4] =	sst s0;
	s0 =	simm.s32 @!p2 $0x0  }
0x16: {  	s3 =	sld [smem:$0x3FDB];
	s0 =	simm.s32 @p2 $0x1  }
0x17: {  	s4 =	simm.s32 $0x1BF5;
	[smem:$0x3FA6] =	sst s0  }
0x18: {  	s0 =	sld [smem:$0x3F89];
	_ =	swait.ge [sflag:s4], $0x0  }
0x19: {  	s7 =	sld [smem:$0x3F8A]  }
0x1a: {  	s8 =	sadd.s32 $0xFFFFE003, lr  }
0x1b: {  	s9 =	sadd.s32 $0xFFFFFEF7, lr;
	s5 =	simm.s32 $0xFFFFFFFF;
	p2 =	slt.u32 s8, $0xFFFFF086  }
0x1c: {  	p1 =	slt.u32 s9, $0xF7A;
	s5 =	simm.s32 @!p2 $0x0  }
0x1d: {  	s5 =	simm.s32 @p1 $0x1;
	p0 =	seq.s32 s7, s2  }
0x1e: {  	s7 =	smul.u32 @!p0 $0xF7A, s2;
	p2 =	seq.s32 @!p0 s5, $0x0  }
0x1f: {  	s9 =	smul.u32 $0xF7A, s1;
	s8 =	simm.s32 @!p0 $0x1BF5;
	p2 =	por !p2, p0  }
0x20: {  	[sflag:s8] =	ssyncset.s32 @!p0 $0xFFFFF086;
	s6 =	sadd.s32 @!p0 s3, s7;
	s7 =	simm.s32 @!p0 $0x108  }
0x21: {  	s3 =	sadd.s32 s3, s9;
	s6 =	sadd.s32 @!p0 $0x88, s6;
	s7 =	simm.s32 @p2 $0x1082  }
0x22: {  	[simem:s7], [sflag:s8] =	dma.local @!p0 [hbm:s6], $0xF7A  }
0x23: {  	s9 =	sor.u32 $0xD0000000, s2;
	s6 =	simm.s32 $0x108;
	_ =	swait.ge @!p0 [sflag:s8], $0x0  }
0x24: {  	s3 =	sadd.s32 $0x88, s3;
	s6 =	simm.s32 @!p1 $0x1082;
	[sflag:s4] =	ssyncset.s32 $0xFFFFF086  }
0x25: {  	[simem:s6], [sflag:s4] =	dma.local [hbm:s3], $0xF7A  }
0x26: {  	[smem:$0x3F8A] =	sst s1;
	(tag) =	ssettag s2;
	_ =	strace s9  }
0x27: {  	s1 =	sld [smem:$0x3F9A]  }
0x28: {  	s2 =	sld [smem:$0x3F9B]  }
0x29: {  	s4 =	sld [smem:$0x3F9D]  }
0x2a: {  	p0 =	seq.s32 s5, $0x0;
	s5 =	sld [smem:$0x3F9E]  }
0x2b: {  	s6 =	sld [smem:$0x3F9F]  }
0x2c: {  	s7 =	sld [smem:$0x3FA0]  }
0x2d: {  	s3 =	simm.s32 $0x108;
	s8 =	sld [smem:$0x3FA1]  }
0x2e: {  	s3 =	simm.s32 @!p0 $0x1082;
	s9 =	sld [smem:$0x3FA2]  }
0x2f: {  	lr =	sadd.s32 s0, s3;
	s0 =	sld [smem:$0x3F99]  }
0x30: {  	s3 =	sld [smem:$0x3F9C]  }
0x31: {  	[smem:$0x3FA5] =	sst s10  }
0x32: {  	s10 =	sld [smem:$0x3FA3];
	_ =	sdelay $0x3  }
0x33: {  	p0 =	seq.s32 s10, $0x1;
	s10 =	sld [smem:$0x3FA5];
	_ =	sdelay $0x3  }
0x34: {  	[smem:$0x3FA5] =	sst s10  }
0x35: {  	s10 =	sld [smem:$0x3FA4];
	_ =	sdelay $0x3  }
0x36: {  	p1 =	seq.s32 s10, $0x1;
	s10 =	sld [smem:$0x3FA5];
	_ =	sdelay $0x3  }
0x37: {  	[smem:$0x3FA5] =	sst s10  }
0x38: {  	s10 =	sld [smem:$0x3FA6]  }
0x39: {  	_ = 	snop;
	(pc) =	sbr.ind lr, $3  }
0x3a: {  	_ = 	snop  }
0x3b: {  	_ = 	snop  }
0x3c: {  	p2 =	seq.s32 s10, $0x1;
	s10 =	sld [smem:$0x3FA5]  }
0x3d: {  	_ =	shalt  }
0x3e: {  	_ =	shalt  }
0x3f: {  	_ =	shalt  }
0x40: {  	_ =	shalt  }
0x41: {  	_ =	shalt  }
0x42: {  	_ =	shalt  }
0x43: {  	_ =	shalt  }
0x44: {  	_ =	shalt  }
0x45: {  	_ =	shalt  }
0x46: {  	_ =	shalt  }
0x47: {  	_ =	shalt  }
0x48: {  	_ =	shalt  }
0x49: {  	_ =	shalt  }
0x4a: {  	_ =	shalt  }
0x4b: {  	_ =	shalt  }
0x4c: {  	_ =	shalt  }
0x4d: {  	_ =	shalt  }
0x4e: {  	_ =	shalt  }
0x4f: {  	_ =	shalt  }
0x50: {  	_ =	shalt  }
0x51: {  	_ =	shalt  }
0x52: {  	_ =	shalt  }
0x53: {  	_ =	shalt  }
0x54: {  	_ =	shalt  }
0x55: {  	_ =	shalt  }
0x56: {  	_ =	shalt  }
0x57: {  	_ =	shalt  }
0x58: {  	_ =	shalt  }
0x59: {  	_ =	shalt  }
0x5a: {  	_ =	shalt  }
0x5b: {  	_ =	shalt  }
0x5c: {  	_ =	shalt  }
0x5d: {  	_ =	shalt  }
0x5e: {  	_ =	shalt  }
0x5f: {  	_ =	shalt  }
0x60: {  	_ =	shalt  }
0x61: {  	_ =	shalt  }
0x62: {  	_ =	shalt  }
0x63: {  	_ =	shalt  }
0x64: {  	_ =	shalt  }
0x65: {  	_ =	shalt  }
0x66: {  	_ =	shalt  }
0x67: {  	_ =	shalt  }
0x68: {  	_ =	shalt  }
0x69: {  	_ =	shalt  }
0x6a: {  	_ =	shalt  }
0x6b: {  	_ =	shalt  }
0x6c: {  	_ =	shalt  }
0x6d: {  	_ =	shalt  }
0x6e: {  	_ =	shalt  }
0x6f: {  	_ =	shalt  }
0x70: {  	_ =	shalt  }
0x71: {  	_ =	shalt  }
0x72: {  	_ =	shalt  }
0x73: {  	_ =	shalt  }
0x74: {  	_ =	shalt  }
0x75: {  	_ =	shalt  }
0x76: {  	_ =	shalt  }
0x77: {  	_ =	shalt  }
0x78: {  	_ =	shalt  }
0x79: {  	_ =	shalt  }
0x7a: {  	_ =	shalt  }
0x7b: {  	_ =	shalt  }
0x7c: {  	_ =	shalt  }
0x7d: {  	_ =	shalt  }
0x7e: {  	_ =	shalt  }
0x7f: {  	_ =	shalt  }
0x80: {  	_ =	shalt  }
0x81: {  	_ =	shalt  }
0x82: {  	_ =	shalt  }
0x83: {  	_ =	shalt  }
0x84: {  	_ =	shalt  }
0x85: {  	_ =	shalt  }
0x86: {  	_ =	shalt  }
0x87: {  	_ =	shalt  }
.Lfunc_end0:
.L_simem_size_0:
called_computation_lowered:
.L_overlay_start_0:
0x88: {  	s2 =	sld [smem:$0x3FD9]  }
0x89: {  	s3 =	sld [smem:$0x3FFE];
	_ =	sdelay $0x1  }
0x8a: {  	s1 =	srdreg.scid  }
0x8b: {  	s0 =	sand.u32 $0x1, s1  }
0x8c: {  	s15 =	sshll.u32 s0, $0xA;
	s2 =	sadd.s32 s3, s2  }
0x8d: {  	s2 =	sadd.s32 s2, s15  }
0x8e: {  	[smem:$0x3FB1] =	sst s2  }
0x8f: {  	_ = 	snop  }
0x90: {  	(tm) =	ssettm $0x1  }
0x91: {  	s16 =	sld [smem:$0x3FFB];
	_ =	sdelay $0x3  }
0x92: {  	_ =	strace s16  }
0x93: {  	s2 =	sld [smem:$0x3FFC];
	_ =	sdelay $0x3  }
0x94: {  	_ =	strace s2  }
0x95: {  	s2 =	sld [smem:$0x3FFD];
	_ =	sdelay $0x3  }
0x96: {  	_ =	strace s2  }
0x97: {  	_ =	strace $0x8FFFFFFF  }
0x98: {  	s17 =	sld [smem:$0x3FDB];
	_ =	sdelay $0x1  }
0x99: {  	s18 =	simm.s32 $_scs_section_size  }
0x9a: {  	s4 =	simm.s32 $_size__tile_overlayer_lowered;
	s5 =	simm.s32 $_tile_overlayer_lowered  }
0x9b: {  	s21 =	simm.s32 $0x1BFF;
	s20 =	sshll.u32 s5, $0x1;
	s2 =	sadd.s32 s18, s17  }
0x9c: {  	s6 =	simm.s32 $0x0;
	s19 =	sshll.u32 s4, $0x1;
	s4 =	sadd.s32 s20, s2  }
0x9d: {  	[timem:s6], [sflag:s21] =	dma.local [hbm:s4], s19  }
0x9e: {  	_ =	swait.ge [sflag:s21], s19  }
0x9f: {  	s3 =	ssub.s32 $0x0, s19;
	[sflag:s21] =	ssyncset.done $0x0  }
0xa0: {  	[sflag:s21] =	ssyncadd.s32 s3;
	_ =	sdelay $0x1  }
0xa1: {  	s22 =	simm.s32 $0x1B8B  }
0xa2: {  	_ =	swait.ge [sflag:s22], $0x1  }
0xa3: {  	[sflag:s22] =	ssyncset.done $0x0  }
0xa4: {  	s23 =	sld [smem:$0x3FFE];
	[sflag:s22] =	ssyncadd.s32 $0xFFFFFFFF  }
0xa5: {  	s25 =	simm.s32 $0x1B8E;
	s24 =	sld [smem:$0x0]  }
0xa6: {  	s26 =	simm.s32 $execute0_lowered;
	[smem:$0x3FD2] =	sst s25  }
0xa7: {  	s5 =	sshll.u32 s26, $0x1;
	_ =	strace $0x8000004C;
	[dreg:$0x1] =	wrdreg $0xFFFFFFFF  }
0xa8: {  	s28 =	simm.s32 $_size_execute0_lowered;
	s2 =	sadd.s32 s2, s5;
	[dreg:$0x0] =	wrdreg $0x0  }
0xa9: {  	s5 =	sshll.u32 s28, $0x1;
	[dreg:$0x2] =	wrdreg s2  }
0xaa: {  	[dreg:$0x3] =	wrdreg s5  }
0xab: {  	[dreg:$0x4] =	wrdreg $0xC0  }
0xac: {  	_ =	task [dreg:s6], $0x5FFFF  }
0xad: {  	[dreg:$0x1] =	wrdreg $0xFFFFFFFF  }
0xae: {  	[dreg:$0x0] =	wrdreg $0x60  }
0xaf: {  	[dreg:$0x2] =	wrdreg s23  }
0xb0: {  	[dreg:$0x3] =	wrdreg s1  }
0xb1: {  	[dreg:$0x4] =	wrdreg s24  }
0xb2: {  	[dreg:$0x5] =	wrdreg $0x9  }
0xb3: {  	_ =	task.clear_ibuf [dreg:s6], $0x6FFFF;
	_ =	strace $0x9000004C  }
0xb4: {  	s29 =	simm.s32 $0x9;
	_ =	strace $0x8000004E  }
0xb5: {  	_ =	swait.ge [sflag:s29], $0x1  }
0xb6: {  	[sflag:s29] =	ssyncadd.s32 $0xFFFFFFFF  }
0xb7: {  	_ =	strace $0x9000004E  }
0xb8: {  	_ =	sfence  }
0xb9: {  	s30 =	sld [smem:$0x0];
	_ =	sdelay $0x2  }
0xba: {  	s31 =	sshll.u32 s1, $0xD;
	s1 =	sshrl.u32 s1, $0x2  }
0xbb: {  	s3 =	sand.u32 $0x4000, s31;
	s1 =	sadd.s32 s1, s30  }
0xbc: {  	s0 =	sor.u32 s3, s0;
	s1 =	sshll.u32 s1, $0x11  }
0xbd: {  	s0 =	sor.u32 s1, s0  }
0xbe: {  	s0 =	sadd.s32 $0x8F2B, s0  }
0xbf: {  	[sflag:s0] =	ssyncadd.remote.s32 $0x1  }
0xc0: {  	_ =	sfence.sel $0xFFFF  }
0xc1: {  	[dreg:$0x0] =	wrdreg $0xFFFFFFFF;
	(pc) =	sbr.abs _section_cstart, $3  }
0xc2: {  	[dreg:$0x1] =	wrdreg $0xFFFFFFFF  }
0xc3: {  	_ =	task.clear_ibuf [dreg:s6], $0x2FFFF;
	_ =	strace $0x9FFFFFFF  }
0xc4: {  	(tm) =	ssettm $0x7FFFFFFF  }
0xc5: {  	_ =	shalt  }
tec
execute0_lowered:
.L_overlay_start_1:
0x0: {  	(tag) =	ssettag $0x1  }
0x1: {  	s2 =	rddreg [dreg:$0x0]  }
0x2: {  	s4 =	rddreg [dreg:$0x1];
	_ =	strace $0x8000004D;
	s0 =	simm.s32 $0x1  }
0x3: {  	s3 =	simm.s32 $0x88;
	v0 =	vimm.s32 $0x0;
	[sflag:s0] =	ssyncpa.u1 $0x0  }
0x4: {  	[tilespmem:s3+$0x30] =	vst v0  }
0x5: {  	s1 =	sadd.s32 $0xD000, s2;
	s0 =	sadd.s32 $0x3200, s2;
	s6 =	sadd.s32 $0x53E800, s2;
	[tilespmem:s3+$0x20] =	vst v0  }
0x6: {  	s2 =	sadd.s32 $0x534A00, s2;
	s7 =	sand.u32 $0x1, s4;
	s4 =	simm.s32 $0x40;
	[tilespmem:s3+$0x10] =	vst v0  }
.LBB2_1:
0x7: {  	s4 =	sadd.s32 $0x40, s4  }
0x8: {  	[tilespmem:s3+$0x0] =	vst v0;
	s3 =	sadd.s32 $0x40, s3;
	p0 =	slt.u32 s4, $0x5040  }
.Ltmp0:
0x9: {  	(pc) =	sbr.rel @p0 .LBB2_1-.Ltmp0, $4  }
0xa: {  	_ = 	snop  }
0xb: {  	[tilespmem:s3+$0x30] =	vst v0  }
0xc: {  	[tilespmem:s3+$0x20] =	vst v0  }
0xd: {  	[tilespmem:s3+$0x10] =	vst v0  }
0xe: {  	s8 =	stileid.u32  }
0xf: {  	s4 =	smul.u32 $0x1F, s8  }
0x10: {  	s5 =	smin.u32 s8, $0x4  }
0x11: {  	s4 =	sadd.s32 s5, s4  }
0x12: {  	p0 =	slt.u32 s8, $0x4;
	s12 =	smul.u32 $0x140, s4;
	s4 =	simm.s32 $0x2800  }
0x13: {  	s4 =	simm.s32 @!p0 $0x26C0  }
0x14: {  	s25 =	simm.s32 $0x2;
	s4 =	sadd.s32 s4, s12  }
0x15: {  	s28 =	simm.s32 $0x9;
	s9 =	simm.s32 $0xA;
	s14 =	smin.u32 s4, $0x27100  }
0x16: {  	s30 =	simm.s32 $0xB;
	[dreg:$0x4] =	wrdreg s7;
	s4 =	ssub.s32 s14, s12  }
0x17: {  	s31 =	smul.u32 $0x4E20, s7;
	s13 =	simm.s32 $0x1;
	p0 =	sgt.s32 s4, $0x0  }
0x18: {  	s19 =	simm.s32 $0x0;
	s20 =	simm.s32 $0xA808;
	s4 =	simm.s32 @!p0 $0x0  }
0x19: {  	s21 =	simm.s32 $0xFFFFFFFF;
	p1 =	por $0x0, $0x0;
	s26 =	smulhi.u32 $0x66666667, s4  }
0x1a: {  	[tilespmem:s3+$0x0] =	vst v0;
	s23 =	simm.s32 $0x0;
	[sflag:s25] =	ssyncpa.u1 $0x0;
	s18 =	sshll.u32 s8, $0x7  }
0x1b: {  	s0 =	sadd.s32 s31, s0;
	[dreg:$0xa] =	wrdreg s18;
	s3 =	sshrl.u32 s26, $0x7  }
0x1c: {  	v0 =	vimm.s32 $0xFFFFFFFF;
	s17 =	sadd.s32 s31, s2;
	[dreg:$0x9] =	wrdreg s0;
	s29 =	smul.u32 $0x140, s3  }
0x1d: {  	s25 =	simm.s32 $0x0;
	[tilespmem:$0xA108] =	vst v0;
	[sflag:s28] =	ssyncpa.u1 $0x0;
	[dreg:$0x8] =	wrdreg s17  }
.Ltmp1:
0x1e: {  	p0 =	sne.s32 s4, s29;
	s4 =	simm.s32 $0x1;
	(pc) =	sbr.rel .LBB2_3-.Ltmp1, $4  }
0x1f: {  	[sflag:s9] =	ssyncpa.u1 $0x0;
	[dreg:$0x5] =	wrdreg s12;
	s4 =	simm.s32 @!p0 $0x0  }
0x20: {  	[sflag:s30] =	ssyncpa.u1 $0x0;
	[dreg:$0x6] =	wrdreg s14;
	s15 =	sadd.s32 s4, s3  }
0x21: {  	s24 =	smov.u32 s12;
	s22 =	sadd.s32 $0x1, s15;
	[dreg:$0x7] =	wrdreg s15  }
0x22: {  	v0 =	vlaneseq.u32;
	s26 =	simm.s32 $0x0;
	p0 =	por $0x1, $0x1;
	[dreg:$0xb] =	wrdreg s22  }
.LBB2_22:
0x23: {  	s0 =	sshrl.u32 s2, $0x2  }
.LBB2_24:
0x24: {  	s2 =	simm.s32 $0xC  }
0x25: {  	_ =	swait.ge [sflag:s2], s0  }
0x26: {  	s31 =	ssub.s32 $0x0, s0;
	v1 =	vmov s4;
	vm0 =	veq.s32 v0, $0x0;
	[sflag:s2] =	ssyncset.done $0x0  }
0x27: {  	vm15 =	veq.s32 v0, $0x2;
	v1 =	vsel vm0, s5, v1;
	[sflag:s2] =	ssyncadd.s32 s31  }
0x28: {  	v1 =	vsel vm15, s26, v1;
	[sflag:s2] =	ssyncpa.u1 $0x1  }
0x29: {  	[tilespmem:$0xA108] =	vst v1  }
.LBB2_25:
0x2a: {  	s0 =	sadd.s32 $0x140, s24  }
0x2b: {  	s2 =	smov.u32 s12;
	p2 =	slt.s32 s0, s14  }
0x2c: {  	s2 =	smov.u32 @p2 s0;
	p2 =	sne.s32 s25, s22  }
.Ltmp2:
0x2d: {  	_ = 	snop;
	(pc) =	sbr.rel @!p2 .LBB2_26-.Ltmp2, $4  }
0x2e: {  	_ = 	snop  }
0x2f: {  	s26 =	smov.u32 s23;
	s31 =	sadd.s32 $0x1, s25;
	p0 =	por !p0, !p0  }
0x30: {  	s23 =	smov.u32 s24;
	s20 =	sadd.s32 $0x140, s20;
	s21 =	sadd.s32 $0x1, s21  }
0x31: {  	p1 =	por !p1, !p1;
	s25 =	smov.u32 s31;
	s24 =	smov.u32 s2  }
.LBB2_3:
0x32: {  	p2 =	sge.u32 s25, s15  }
0x33: {  	s0 =	smulhi.u32 @!p2 $0xAAAAAAAB, s25  }
0x34: {  	s2 =	smov.u32 s24;
	p3 =	sgt.s32 @!p2 s24, $0x26FC0  }
0x35: {  	s3 =	sshra.s32 @!p2 s24, $0x1F;
	p3 =	por !p3, p2;
	s0 =	sshrl.u32 @!p2 s0, $0x1  }
0x36: {  	s3 =	sand.u32 @!p2 s3, s24;
	s2 =	simm.s32 @p3 $0x26FC0;
	s0 =	smul.u32 @!p2 $0x3, s0  }
0x37: {  	s2 =	ssub.s32 @!p2 s2, s3  }
0x38: {  	s2 =	sadd.s32 @!p2 $0xFFFD9040, s2;
	s0 =	ssub.s32 @!p2 s25, s0  }
0x39: {  	s3 =	sshll.u32 @!p2 s2, $0x2;
	p3 =	sgt.s32 @!p2 s2, $0x13F;
	s0 =	smul.u32 @!p2 $0x500, s0  }
0x3a: {  	s4 =	sand.u32 @!p2 $0x7, s24;
	s2 =	ssub.s32 @!p2 $0x500, s3;
	p3 =	por !p3, p2  }
0x3b: {  	s3 =	sshrl.u32 @!p2 s24, $0x3;
	s2 =	sshrl.u32 @!p2 s2, $0x2;
	s0 =	sshrl.u32 @!p2 s0, $0x2  }
0x3c: {  	s3 =	sadd.s32 @!p2 s3, s17;
	s2 =	simm.s32 @!p3 $0x0;
	s0 =	sadd.s32 @!p2 $0xA948, s0  }
0x3d: {  	[tilespmem:s0], [sflag:$0xA] =	stream.linear.gather @!p2 [hbm4b:s3+s4], s2, $0x38;
	[tilespmem:$0x1EF88] =	vst v63  }
0x3e: {  	s0 =	sadd.s32 $0xFFFFFFFF, s25  }
0x3f: {  	p2 =	sge.u32 s0, s15  }
.Ltmp3:
0x40: {  	_ = 	snop;
	(pc) =	sbr.rel @p2 .LBB2_7-.Ltmp3, $1  }
0x41: {  	_ =	sdelay $0x3  }
0x42: {  	p2 =	sgt.s32 s23, $0x26FC0;
	s2 =	smov.u32 s23;
	s3 =	sshra.s32 s23, $0x1F  }
0x43: {  	s2 =	simm.s32 @!p2 $0x26FC0;
	s3 =	sand.u32 s3, s23  }
0x44: {  	s2 =	ssub.s32 s2, s3  }
0x45: {  	s17 =	smulhi.u32 $0xAAAAAAAB, s21;
	s0 =	sand.u32 $0x1, s0;
	s2 =	sadd.s32 $0xFFFD9040, s2  }
0x46: {  	s5 =	simm.s32 $0xA;
	s22 =	sshrl.u32 s23, $0x3;
	s4 =	sshll.u32 s2, $0x2  }
0x47: {  	s0 =	smul.u32 $0x500, s0;
	s3 =	sshrl.u32 s17, $0x1;
	s4 =	ssub.s32 $0x500, s4  }
0x48: {  	s3 =	smul.u32 $0xFFFFF100, s3;
	p2 =	sgt.s32 s2, $0x13F;
	s2 =	sshrl.u32 s4, $0x2  }
0x49: {  	s7 =	sand.u32 $0x7, s23;
	s0 =	sshrl.u32 s0, $0x2;
	s2 =	simm.s32 @p2 $0x0  }
0x4a: {  	s0 =	sadd.s32 $0xAD08, s0;
	s3 =	sshra.s32 s3, $0x2;
	_ =	swait.ge [sflag:s5], s2  }
0x4b: {  	s18 =	ssub.s32 $0x0, s2;
	[sflag:s5] =	ssyncset.done $0x0;
	s31 =	rddreg [dreg:$0x9]  }
0x4c: {  	s4 =	sadd.s32 s3, s20;
	[sflag:s5] =	ssyncadd.s32 s18;
	s3 =	sadd.s32 s22, s31  }
0x4d: {  	[tilespmem:s0], [sflag:$0xB] =	stream.linear.gather [hbm4b:s3+s7], s2, $0x38;
	[tilespmem:$0x1EF88] =	vst v63  }
0x4e: {  	v1 =	vld.msk [tilespmem:s4+$0x0], $0xffff;
	_ =	sdelay $0x4  }
0x4f: {  	v1 =	vshll.u32 v1, $0x4  }
0x50: {  	(v2sf) =	vpush v1, $0x0;
	_ =	sdelay $0x1  }
0x51: {  	(v2sf) =	vpush v1, $0x1  }
0x52: {  	(v2sf) =	vpush v1, $0x2;
	_ =	sdelay $0x1  }
0x53: {  	(v2sf) =	vpush v1, $0x3  }
0x54: {  	(v2sf) =	vpush v1, $0x4;
	_ =	sdelay $0x1  }
0x55: {  	(v2sf) =	vpush v1, $0x5  }
0x56: {  	s0 =	simm.s32 $0x1  }
0x57: {  	s0 =	simm.s32 @!p0 $0x0  }
0x58: {  	s0 =	smul.u32 $0x28000, s0  }
0x59: {  	(v2sf) =	vpush v1, $0x6  }
0x5a: {  	s0 =	sshrl.u32 s0, $0x2  }
0x5b: {  	s28 =	sadd.s32 $0xB708, s0  }
0x5c: {  	s10 =	sadd.s32 $0xFFFFF880, s28;
	s15 =	sadd.s32 $0xFFFFF900, s28;
	s8 =	spop (v2sf)  }
0x5d: {  	s16 =	sadd.s32 $0xFFFFF980, s28;
	s31 =	sadd.s32 $0xFFFFFA00, s28;
	(v2sf) =	vpush v1, $0x7;
	s9 =	sand.u32 $0x1FFFFFF0, s8  }
0x5e: {  	s3 =	sadd.s32 $0xFFFFFA80, s28;
	s11 =	spop (v2sf);
	s0 =	sadd.s32 s6, s9  }
0x5f: {  	(v2sf) =	vpush v1, $0x8;
	s12 =	sand.u32 $0x1FFFFFF0, s11;
	s14 =	spop (v2sf);
	s9 =	sadd.s32 $0xFFFFFB00, s28  }
0x60: {  	(v2sf) =	vpush v1, $0x9;
	[tilespmem:s10], [sflag:$0x9] =	stream.linear.gather [hbm4b:s0+s19], $0x40, $0x38;
	[tilespmem:$0x1EF88] =	vst v63  }
0x61: {  	s0 =	sadd.s32 s6, s12;
	s2 =	sand.u32 $0x1FFFFFF0, s14;
	s17 =	spop (v2sf)  }
0x62: {  	(v2sf) =	vpush v1, $0xA;
	s10 =	sadd.s32 $0xFFFFFB80, s28;
	s18 =	sand.u32 $0x1FFFFFF0, s17;
	s22 =	spop (v2sf)  }
0x63: {  	[tilespmem:s15], [sflag:$0x9] =	stream.linear.gather [hbm4b:s0+s19], $0x40, $0x38;
	[tilespmem:$0x1EF88] =	vst v63  }
0x64: {  	s2 =	sadd.s32 s6, s2;
	(v2sf) =	vpush v1, $0xB;
	s0 =	sadd.s32 s6, s18;
	s5 =	spop (v2sf)  }
0x65: {  	[tilespmem:s16], [sflag:$0x9] =	stream.linear.gather [hbm4b:s2+s19], $0x40, $0x38;
	[tilespmem:$0x1EF88] =	vst v63  }
0x66: {  	(v2sf) =	vpush v1, $0xC;
	s15 =	sadd.s32 $0xFFFFFC00, s28;
	s7 =	sand.u32 $0x1FFFFFF0, s5;
	s2 =	sand.u32 $0x1FFFFFF0, s22  }
0x67: {  	[tilespmem:s31], [sflag:$0x9] =	stream.linear.gather [hbm4b:s0+s19], $0x40, $0x38;
	[tilespmem:$0x1EF88] =	vst v63  }
0x68: {  	s8 =	spop (v2sf);
	(v2sf) =	vpush v1, $0xD;
	s5 =	sadd.s32 $0xFFFFFD80, s28;
	s2 =	sadd.s32 s6, s2  }
0x69: {  	[tilespmem:s3], [sflag:$0x9] =	stream.linear.gather [hbm4b:s2+s19], $0x40, $0x38;
	[tilespmem:$0x1EF88] =	vst v63  }
0x6a: {  	s16 =	sadd.s32 $0xFFFFFC80, s28;
	s0 =	sadd.s32 s6, s7;
	s2 =	sand.u32 $0x1FFFFFF0, s8  }
0x6b: {  	[tilespmem:s9], [sflag:$0x9] =	stream.linear.gather [hbm4b:s0+s19], $0x40, $0x38;
	[tilespmem:$0x1EF88] =	vst v63  }
0x6c: {  	s31 =	sadd.s32 $0xFFFFFD00, s28;
	s2 =	sadd.s32 s6, s2;
	s11 =	spop (v2sf);
	(v2sf) =	vpush v1, $0xE  }
0x6d: {  	[tilespmem:s10], [sflag:$0x9] =	stream.linear.gather [hbm4b:s2+s19], $0x40, $0x38;
	[tilespmem:$0x1EF88] =	vst v63  }
0x6e: {  	s10 =	sadd.s32 $0xFFFFFE00, s28;
	s12 =	sand.u32 $0x1FFFFFF0, s11;
	s14 =	spop (v2sf);
	(v2sf) =	vpush v1, $0xF  }
0x6f: {  	s0 =	sadd.s32 s6, s12;
	s2 =	sand.u32 $0x1FFFFFF0, s14;
	s17 =	spop (v2sf)  }
0x70: {  	[tilespmem:s15], [sflag:$0x9] =	stream.linear.gather [hbm4b:s0+s19], $0x40, $0x38;
	[tilespmem:$0x1EF88] =	vst v63  }
0x71: {  	s2 =	sadd.s32 s6, s2;
	s18 =	sand.u32 $0x1FFFFFF0, s17;
	s22 =	spop (v2sf)  }
0x72: {  	[tilespmem:s16], [sflag:$0x9] =	stream.linear.gather [hbm4b:s2+s19], $0x40, $0x38;
	[tilespmem:$0x1EF88] =	vst v63  }
0x73: {  	s0 =	sadd.s32 s6, s18;
	s7 =	spop (v2sf);
	s2 =	sand.u32 $0x1FFFFFF0, s22  }
0x74: {  	[tilespmem:s31], [sflag:$0x9] =	stream.linear.gather [hbm4b:s0+s19], $0x40, $0x38;
	[tilespmem:$0x1EF88] =	vst v63  }
0x75: {  	s8 =	sand.u32 $0x1FFFFFF0, s7;
	s9 =	spop (v2sf);
	s2 =	sadd.s32 s6, s2  }
0x76: {  	[tilespmem:s5], [sflag:$0x9] =	stream.linear.gather [hbm4b:s2+s19], $0x40, $0x38;
	[tilespmem:$0x1EF88] =	vst v63  }
0x77: {  	s12 =	spop (v2sf);
	s0 =	sadd.s32 s6, s8;
	s2 =	sand.u32 $0x1FFFFFF0, s9  }
0x78: {  	[tilespmem:s10], [sflag:$0x9] =	stream.linear.gather [hbm4b:s0+s19], $0x40, $0x38;
	[tilespmem:$0x1EF88] =	vst v63  }
0x79: {  	s11 =	sadd.s32 $0xFFFFFE80, s28;
	s14 =	sand.u32 $0x1FFFFFF0, s12;
	s2 =	sadd.s32 s6, s2  }
0x7a: {  	[tilespmem:s11], [sflag:$0x9] =	stream.linear.gather [hbm4b:s2+s19], $0x40, $0x38;
	[tilespmem:$0x1EF88] =	vst v63  }
0x7b: {  	s16 =	sadd.s32 $0xFFFFFF00, s28;
	s0 =	sadd.s32 s6, s14;
	s15 =	spop (v2sf)  }
0x7c: {  	[tilespmem:s16], [sflag:$0x9] =	stream.linear.gather [hbm4b:s0+s19], $0x40, $0x38;
	[tilespmem:$0x1EF88] =	vst v63  }
0x7d: {  	s30 =	sadd.s32 $0x10, s4;
	s2 =	sand.u32 $0x1FFFFFF0, s15;
	s17 =	spop (v2sf)  }
0x7e: {  	s22 =	sadd.s32 $0xFFFFFF80, s28;
	s18 =	sadd.s32 s6, s2;
	s31 =	sand.u32 $0x1FFFFFF0, s17  }
0x7f: {  	[tilespmem:s22], [sflag:$0x9] =	stream.linear.gather [hbm4b:s18+s19], $0x40, $0x38;
	[tilespmem:$0x1EF88] =	vst v63  }
0x80: {  	s29 =	sadd.s32 $0x800, s28;
	s0 =	simm.s32 $0x0;
	s2 =	sadd.s32 s6, s31  }
.LBB2_5:
0x81: {  	[tilespmem:s28], [sflag:$0x9] =	stream.linear.gather [hbm4b:s2+s19], $0x40, $0x38;
	[tilespmem:$0x1EF88] =	vst v63  }
0x82: {  	s0 =	sadd.s32 $0x10, s0;
	s28 =	smov.u32 s29  }
0x83: {  	p2 =	slt.u32 s0, $0x130;
	v1 =	vld.msk [tilespmem:s30+$0x0], $0xffff;
	_ =	sdelay $0x4  }
0x84: {  	v1 =	vshll.u32 v1, $0x4  }
0x85: {  	(v2sf) =	vpush v1, $0x0  }
0x86: {  	(v2sf) =	vpush v1, $0x1  }
0x87: {  	(v2sf) =	vpush v1, $0x2;
	_ =	sdelay $0x1  }
0x88: {  	(v2sf) =	vpush v1, $0x3;
	_ =	sdelay $0x1  }
0x89: {  	(v2sf) =	vpush v1, $0x4;
	_ =	sdelay $0x1  }
0x8a: {  	(v2sf) =	vpush v1, $0x5;
	_ =	sdelay $0x1  }
0x8b: {  	(v2sf) =	vpush v1, $0x6  }
0x8c: {  	s31 =	sadd.s32 $0xFFFFFE80, s29;
	s4 =	sadd.s32 $0xFFFFFF00, s29  }
0x8d: {  	s3 =	sadd.s32 $0xFFFFFD00, s29;
	s2 =	sadd.s32 $0xFFFFFD80, s29;
	s5 =	sadd.s32 $0xFFFFFE00, s29;
	(v2sf) =	vpush v1, $0x7  }
0x8e: {  	s10 =	sadd.s32 $0xFFFFFB80, s29;
	s9 =	sadd.s32 $0xFFFFFC00, s29;
	s16 =	sadd.s32 $0xFFFFFC80, s29  }
0x8f: {  	s11 =	sadd.s32 $0xFFFFFA00, s29;
	s12 =	sadd.s32 $0xFFFFFA80, s29;
	s15 =	sadd.s32 $0xFFFFFB00, s29;
	(v2sf) =	vpush v1, $0x8  }
0x90: {  	s18 =	sadd.s32 $0xFFFFF900, s29;
	s7 =	sadd.s32 $0xFFFFF980, s29;
	s22 =	spop (v2sf)  }
0x91: {  	s8 =	sadd.s32 $0xFFFFF880, s29;
	s22 =	sand.u32 $0x1FFFFFF0, s22;
	s14 =	spop (v2sf);
	(v2sf) =	vpush v1, $0x9  }
0x92: {  	s22 =	sadd.s32 s6, s22;
	s14 =	sand.u32 $0x1FFFFFF0, s14;
	s17 =	spop (v2sf)  }
0x93: {  	[tilespmem:s8], [sflag:$0x9] =	stream.linear.gather [hbm4b:s22+s19], $0x40, $0x38;
	(v2sf) =	vpush v1, $0xA;
	[tilespmem:$0x1EF88] =	vst v63  }
0x94: {  	s8 =	sadd.s32 s6, s14;
	s14 =	sand.u32 $0x1FFFFFF0, s17;
	s17 =	spop (v2sf)  }
0x95: {  	[tilespmem:s18], [sflag:$0x9] =	stream.linear.gather [hbm4b:s8+s19], $0x40, $0x38;
	(v2sf) =	vpush v1, $0xB;
	[tilespmem:$0x1EF88] =	vst v63  }
0x96: {  	s8 =	sadd.s32 s6, s14;
	s14 =	sand.u32 $0x1FFFFFF0, s17;
	s17 =	spop (v2sf)  }
0x97: {  	[tilespmem:s7], [sflag:$0x9] =	stream.linear.gather [hbm4b:s8+s19], $0x40, $0x38;
	(v2sf) =	vpush v1, $0xC;
	[tilespmem:$0x1EF88] =	vst v63  }
0x98: {  	s7 =	sadd.s32 s6, s14;
	s8 =	sand.u32 $0x1FFFFFF0, s17;
	s14 =	spop (v2sf)  }
0x99: {  	[tilespmem:s11], [sflag:$0x9] =	stream.linear.gather [hbm4b:s7+s19], $0x40, $0x38;
	(v2sf) =	vpush v1, $0xD;
	[tilespmem:$0x1EF88] =	vst v63  }
0x9a: {  	s7 =	sadd.s32 s6, s8;
	s8 =	sand.u32 $0x1FFFFFF0, s14;
	s11 =	spop (v2sf)  }
0x9b: {  	[tilespmem:s12], [sflag:$0x9] =	stream.linear.gather [hbm4b:s7+s19], $0x40, $0x38;
	(v2sf) =	vpush v1, $0xE;
	[tilespmem:$0x1EF88] =	vst v63  }
0x9c: {  	s7 =	sadd.s32 s6, s8;
	s8 =	sand.u32 $0x1FFFFFF0, s11;
	s11 =	spop (v2sf)  }
0x9d: {  	[tilespmem:s15], [sflag:$0x9] =	stream.linear.gather [hbm4b:s7+s19], $0x40, $0x38;
	(v2sf) =	vpush v1, $0xF;
	[tilespmem:$0x1EF88] =	vst v63  }
0x9e: {  	s7 =	sadd.s32 s6, s8;
	s8 =	sand.u32 $0x1FFFFFF0, s11;
	s11 =	spop (v2sf)  }
0x9f: {  	[tilespmem:s10], [sflag:$0x9] =	stream.linear.gather [hbm4b:s7+s19], $0x40, $0x38;
	[tilespmem:$0x1EF88] =	vst v63  }
0xa0: {  	s7 =	sadd.s32 s6, s8;
	s8 =	sand.u32 $0x1FFFFFF0, s11;
	s10 =	spop (v2sf)  }
0xa1: {  	[tilespmem:s9], [sflag:$0x9] =	stream.linear.gather [hbm4b:s7+s19], $0x40, $0x38;
	[tilespmem:$0x1EF88] =	vst v63  }
0xa2: {  	s7 =	sadd.s32 s6, s8;
	s8 =	sand.u32 $0x1FFFFFF0, s10;
	s9 =	spop (v2sf)  }
0xa3: {  	[tilespmem:s16], [sflag:$0x9] =	stream.linear.gather [hbm4b:s7+s19], $0x40, $0x38;
	[tilespmem:$0x1EF88] =	vst v63  }
0xa4: {  	s7 =	sadd.s32 s6, s8;
	s8 =	sand.u32 $0x1FFFFFF0, s9;
	s9 =	spop (v2sf)  }
0xa5: {  	[tilespmem:s3], [sflag:$0x9] =	stream.linear.gather [hbm4b:s7+s19], $0x40, $0x38;
	[tilespmem:$0x1EF88] =	vst v63  }
0xa6: {  	s3 =	sadd.s32 s6, s8;
	s7 =	sand.u32 $0x1FFFFFF0, s9;
	s8 =	spop (v2sf)  }
0xa7: {  	[tilespmem:s2], [sflag:$0x9] =	stream.linear.gather [hbm4b:s3+s19], $0x40, $0x38;
	[tilespmem:$0x1EF88] =	vst v63  }
0xa8: {  	s2 =	sadd.s32 s6, s7;
	s3 =	sand.u32 $0x1FFFFFF0, s8;
	s7 =	spop (v2sf)  }
0xa9: {  	[tilespmem:s5], [sflag:$0x9] =	stream.linear.gather [hbm4b:s2+s19], $0x40, $0x38;
	[tilespmem:$0x1EF88] =	vst v63  }
0xaa: {  	s2 =	sadd.s32 s6, s3;
	s3 =	sand.u32 $0x1FFFFFF0, s7;
	s5 =	spop (v2sf)  }
0xab: {  	[tilespmem:s31], [sflag:$0x9] =	stream.linear.gather [hbm4b:s2+s19], $0x40, $0x38;
	[tilespmem:$0x1EF88] =	vst v63  }
0xac: {  	s2 =	sadd.s32 s6, s3  }
.Ltmp4:
0xad: {  	s3 =	sand.u32 $0x1FFFFFF0, s5;
	s5 =	spop (v2sf);
	(pc) =	sbr.rel @p2 .LBB2_5-.Ltmp4, $4  }
0xae: {  	[tilespmem:s4], [sflag:$0x9] =	stream.linear.gather [hbm4b:s2+s19], $0x40, $0x38;
	[tilespmem:$0x1EF88] =	vst v63  }
0xaf: {  	s2 =	sadd.s32 s6, s3;
	s3 =	sadd.s32 $0xFFFFFF80, s29;
	s4 =	sand.u32 $0x1FFFFFF0, s5  }
0xb0: {  	[tilespmem:s3], [sflag:$0x9] =	stream.linear.gather [hbm4b:s2+s19], $0x40, $0x38;
	[tilespmem:$0x1EF88] =	vst v63  }
0xb1: {  	s30 =	sadd.s32 $0x10, s30;
	s29 =	sadd.s32 $0x800, s29;
	s2 =	sadd.s32 s6, s4  }
0xb2: {  	[tilespmem:s28], [sflag:$0x9] =	stream.linear.gather [hbm4b:s2+s19], $0x40, $0x38;
	[tilespmem:$0x1EF88] =	vst v63  }
0xb3: {  	s12 =	rddreg [dreg:$0x5]  }
0xb4: {  	s14 =	rddreg [dreg:$0x6]  }
0xb5: {  	s15 =	rddreg [dreg:$0x7]  }
0xb6: {  	s17 =	rddreg [dreg:$0x8]  }
0xb7: {  	s18 =	rddreg [dreg:$0xa]  }
0xb8: {  	s22 =	rddreg [dreg:$0xb]  }
.LBB2_7:
0xb9: {  	p2 =	slt.u32 s25, $0x2  }
.Ltmp5:
0xba: {  	_ = 	snop;
	(pc) =	sbr.rel @p2 .LBB2_25-.Ltmp5, $1  }
0xbb: {  	_ =	sdelay $0x3  }
0xbc: {  	p2 =	sgt.s32 s26, $0x26FC0;
	s0 =	smov.u32 s26;
	s2 =	sshra.s32 s26, $0x1F  }
0xbd: {  	s0 =	simm.s32 @!p2 $0x26FC0;
	s2 =	sand.u32 s2, s26  }
0xbe: {  	s0 =	ssub.s32 s0, s2  }
0xbf: {  	s0 =	sadd.s32 $0xFFFD9040, s0  }
0xc0: {  	s3 =	simm.s32 $0x9;
	s29 =	sshll.u32 s0, $0x2  }
0xc1: {  	_ =	swait.ge [sflag:s3], $0x5000;
	s2 =	ssub.s32 $0x500, s29  }
0xc2: {  	[sflag:s3] =	ssyncset.done $0x0;
	p2 =	sgt.s32 s0, $0x13F;
	s0 =	sshrl.u32 s2, $0x2  }
0xc3: {  	s30 =	simm.s32 $0xB;
	[sflag:s3] =	ssyncadd.s32 $0xFFFFB000;
	s0 =	simm.s32 @p2 $0x0  }
0xc4: {  	_ =	swait.ge [sflag:s30], s0  }
0xc5: {  	s0 =	ssub.s32 $0x0, s0;
	[sflag:s30] =	ssyncset.done $0x0  }
0xc6: {  	[sflag:s30] =	ssyncadd.s32 s0  }
0xc7: {  	v1 =	vld [tilespmem:$0xA108];
	_ =	sdelay $0x4  }
0xc8: {  	(v2sf) =	vpush v1, $0x0  }
0xc9: {  	(v2sf) =	vpush v1, $0x1  }
0xca: {  	(v2sf) =	vpush v1, $0x2;
	_ =	sdelay $0x3  }
0xcb: {  	s0 =	sadd.s32 $0x140, s26  }
0xcc: {  	s4 =	ssub.s32 $0x4E200, s26;
	p2 =	slt.s32 s14, s0  }
0xcd: {  	s0 =	smov.u32 @p2 s14;
	p2 =	sgt.s32 s4, $0x0  }
0xce: {  	s0 =	ssub.s32 s0, s26;
	s4 =	simm.s32 @!p2 $0x0  }
0xcf: {  	p2 =	slt.s32 s4, s0  }
0xd0: {  	s0 =	smov.u32 @p2 s4  }
0xd1: {  	s2 =	simm.s32 $0x1;
	p2 =	slt.s32 s0, $0x1  }
.Ltmp6:
0xd2: {  	s2 =	simm.s32 @!p1 $0x0;
	(pc) =	sbr.rel @p2 .LBB2_12-.Ltmp6, $4  }
0xd3: {  	s7 =	smul.u32 $0x500, s2  }
0xd4: {  	s3 =	spop (v2sf)  }
0xd5: {  	s31 =	sshrl.u32 s7, $0x2;
	s5 =	spop (v2sf)  }
0xd6: {  	s28 =	sadd.s32 $0xAD08, s31;
	s26 =	spop (v2sf)  }
0xd7: {  	s4 =	smin.u32 s0, $0x10  }
0xd8: {  	v1 =	vmov s4  }
0xd9: {  	p3 =	sgt.s32 s0, $0x10;
	vm1 =	vgt.u32 v1, v0  }
.Ltmp7:
0xda: {  	_ = 	snop;
	(pc) =	sbr.rel @!p3 .LBB2_11-.Ltmp7, $2  }
0xdb: {  	_ =	sdelay $0x2  }
0xdc: {  	s9 =	simm.s32 $0x10;
	s10 =	sadd.s32 $0xFFFFFFF0, s0;
	s4 =	smov.u32 s28;
	vm0 =	vmmov vm1  }
.LBB2_10:
0xdd: {  	s7 =	smin.u32 s10, $0x10;
	s9 =	sadd.s32 $0x10, s9;
	v1 =	vld.msk [tilespmem:s4+$0x0 ss:$0x1], vm1  }
0xde: {  	v2 =	vmov s7;
	p3 =	slt.s32 s9, s0  }
0xdf: {  	vm1 =	vgt.u32 v2, v0  }
.Ltmp8:
0xe0: {  	(pc) =	sbr.rel @p3 .LBB2_10-.Ltmp8, $3  }
0xe1: {  	_ =	sdelay $0x1  }
0xe2: {  	v1 =	vshll.u32 v1, $0x4  }
0xe3: {  	s10 =	sadd.s32 $0xFFFFFFF0, s10;
	[tilespmem:s4+$0x0] =	vst.msk vm0, v1;
	s4 =	sadd.s32 $0x10, s4;
	vm0 =	vmmov vm1  }
.LBB2_11:
0xe4: {  	_ =	sdelay $0x4  }
0xe5: {  	v1 =	vld.msk [tilespmem:s4+$0x0 ss:$0x1], vm1;
	_ =	sdelay $0x4  }
0xe6: {  	v1 =	vshll.u32 v1, $0x4  }
0xe7: {  	[tilespmem:s4+$0x0] =	vst.msk vm0, v1  }
.LBB2_12:
0xe8: {  	s4 =	sand.u32 $0x1, s25  }
0xe9: {  	s7 =	smul.u32 $0xA000, s4  }
0xea: {  	p3 =	sne.s32 s5, $0xFFFFFFFF;
	s4 =	smul.u32 $0x140, s4  }
0xeb: {  	v1 =	vld @!p3 [tilespmem:s7+$0xAF88]  }
0xec: {  	v2 =	vld.msk @!p3 [tilespmem:s4+$0xAD08], $0x1;
	_ =	sdelay $0x3  }
0xed: {  	[tilespmem:$0x88] =	vst @!p3 v1  }
0xee: {  	(v2sf) =	vpush @!p3 v2, $0x0;
	v1 =	vld @!p3 [tilespmem:s7+$0xAF98];
	_ =	sdelay $0x4  }
0xef: {  	[tilespmem:$0x98] =	vst @!p3 v1  }
0xf0: {  	v1 =	vld @!p3 [tilespmem:s7+$0xAFA8];
	_ =	sdelay $0x4  }
0xf1: {  	[tilespmem:$0xA8] =	vst @!p3 v1  }
0xf2: {  	v1 =	vld @!p3 [tilespmem:s7+$0xAFB8]  }
.Ltmp9:
0xf3: {  	_ = 	snop;
	(pc) =	sbr.rel @p2 .LBB2_23-.Ltmp9, $4  }
0xf4: {  	_ = 	snop  }
0xf5: {  	s29 =	spop @!p3 (v2sf)  }
0xf6: {  	s31 =	simm.s32 $0xC;
	s26 =	simm.s32 @!p3 $0x0;
	s4 =	smov.u32 s29  }
0xf7: {  	s29 =	smov.u32 @p3 s3;
	s4 =	smov.u32 @p3 s5;
	[tilespmem:$0xB8] =	vst @!p3 v1;
	[sflag:s31] =	ssyncpa.u1 $0x0  }
0xf8: {  	v1 =	vld.msk [tilespmem:s28+$0x0], $0x1;
	_ =	sdelay $0x4  }
0xf9: {  	(v2sf) =	vpush v1, $0x0;
	_ =	sdelay $0xe  }
0xfa: {  	s2 =	smul.u32 $0x28000, s2;
	s5 =	spop (v2sf)  }
0xfb: {  	s31 =	ssub.s32 $0x0, s0;
	p2 =	seq.s32 s29, s5  }
0xfc: {  	s3 =	smov.u32 s29;
	s2 =	sshrl.u32 s2, $0x2;
	p3 =	sgt.s32 @!p2 s29, $0x0  }
0xfd: {  	s30 =	sadd.s32 $0xAFA8, s2;
	s2 =	sadd.s32 $0x1, s31;
	p3 =	por !p3, p2  }
0xfe: {  	s3 =	simm.s32 @p3 $0x0;
	p3 =	seq.s32 s2, $0x0  }
.Ltmp10:
0xff: {  	_ = 	snop;
	(pc) =	sbr.rel @p3 .LBB2_15-.Ltmp10, $4  }
0x100: {  	_ = 	snop  }
0x101: {  	s0 =	simm.s32 $0x0;
	s9 =	simm.s32 @!p2 $0x1;
	s3 =	smin.u32 @!p2 s3, $0x270F8  }
0x102: {  	s10 =	simm.s32 @!p2 $0x50C8;
	s9 =	smov.u32 @p2 s0;
	s7 =	sand.u32 @!p2 $0x3FFF8, s3  }
0x103: {  	s16 =	sand.u32 @!p2 $0x7, s3;
	s3 =	sadd.s32 $0x1, s28;
	s11 =	sadd.s32 @!p2 s1, s7  }
.LBB2_14:
0x104: {  	s7 =	smov.u32 s9  }
0x105: {  	[tilespmem:s10], [sflag:$0x2] =	stream.linear.gather @!p2 [hbm4b:s11+s16], $0x40, $0x38;
	[tilespmem:$0x1EF88] =	vst v63  }
0x106: {  	s2 =	sadd.s32 $0x1, s2;
	s8 =	smov.u32 s5;
	v1 =	vld.msk [tilespmem:s3+$0x0], $0x1  }
0x107: {  	p3 =	seq.s32 s2, $0x0;
	_ =	sdelay $0x3  }
0x108: {  	(v2sf) =	vpush v1, $0x0;
	_ =	sdelay $0xe  }
0x109: {  	s5 =	spop (v2sf)  }
0x10a: {  	p2 =	seq.s32 s8, s5  }
0x10b: {  	p4 =	sgt.s32 @!p2 s8, $0x0;
	s10 =	sshll.u32 @!p2 s9, $0x8;
	s9 =	sadd.s32 @!p2 $0x1, s9  }
.Ltmp11:
0x10c: {  	p4 =	por !p4, p2;
	s10 =	sshra.s32 @!p2 s10, $0x2;
	(pc) =	sbr.rel @!p3 .LBB2_14-.Ltmp11, $4  }
0x10d: {  	s9 =	smov.u32 @p2 s7;
	s8 =	simm.s32 @p4 $0x0;
	s10 =	sadd.s32 @!p2 $0x50C8, s10  }
0x10e: {  	s7 =	smin.u32 @!p2 s8, $0x270F8  }
0x10f: {  	s8 =	sand.u32 @!p2 $0x3FFF8, s7;
	s16 =	sand.u32 @!p2 $0x7, s7  }
0x110: {  	s3 =	sadd.s32 $0x1, s3;
	s11 =	sadd.s32 @!p2 s1, s8  }
.LBB2_15:
0x111: {  	[tilespmem:s10], [sflag:$0x2] =	stream.linear.gather @!p2 [hbm4b:s11+s16], $0x40, $0x38;
	[tilespmem:$0x1EF88] =	vst v63  }
.Ltmp12:
0x112: {  	s2 =	sshll.u32 s9, $0x6;
	(pc) =	sbr.rel .LBB2_16-.Ltmp12, $4  }
0x113: {  	s3 =	simm.s32 $0x2;
	s2 =	sand.u32 $0x3FFFFFC0, s2  }
0x114: {  	_ =	swait.ge [sflag:s3], s2  }
0x115: {  	s2 =	ssub.s32 $0x0, s2;
	[sflag:s3] =	ssyncset.done $0x0  }
0x116: {  	[sflag:s3] =	ssyncadd.s32 s2;
	s2 =	simm.s32 $0x0  }
.LBB2_17:
0x117: {  	v1 =	vld [tilespmem:s30+$0xFFFFFFE0]  }
0x118: {  	v2 =	vld [tilespmem:s3+$0x88];
	_ =	sdelay $0x4  }
0x119: {  	v1 =	vmax.f32 v1, v2  }
0x11a: {  	v2 =	vld [tilespmem:s3+$0x98];
	[tilespmem:s3+$0x88] =	vst v1  }
0x11b: {  	v1 =	vld [tilespmem:s30+$0xFFFFFFF0];
	_ =	sdelay $0x4  }
0x11c: {  	v1 =	vmax.f32 v1, v2  }
0x11d: {  	v2 =	vld [tilespmem:s3+$0xA8];
	[tilespmem:s3+$0x98] =	vst v1  }
0x11e: {  	v1 =	vld [tilespmem:s30+$0x0];
	_ =	sdelay $0x4  }
0x11f: {  	v1 =	vmax.f32 v1, v2  }
0x120: {  	v2 =	vld [tilespmem:s3+$0xB8];
	[tilespmem:s3+$0xA8] =	vst v1  }
0x121: {  	v1 =	vld [tilespmem:s30+$0x10];
	_ =	sdelay $0x4  }
0x122: {  	v1 =	vmax.f32 v1, v2  }
0x123: {  	[tilespmem:s3+$0xB8] =	vst v1  }
.LBB2_21:
0x124: {  	s31 =	sadd.s32 $0x1, s31  }
0x125: {  	p2 =	seq.s32 s31, $0x0  }
.Ltmp13:
0x126: {  	_ = 	snop;
	(pc) =	sbr.rel @p2 .LBB2_22-.Ltmp13, $2  }
0x127: {  	_ =	sdelay $0x2  }
0x128: {  	s30 =	sadd.s32 $0x80, s30;
	s28 =	sadd.s32 $0x1, s28;
	s29 =	smov.u32 s5  }
.LBB2_16:
0x129: {  	v1 =	vld.msk [tilespmem:s28+$0x0], $0x1;
	_ =	sdelay $0x4  }
0x12a: {  	(v2sf) =	vpush v1, $0x0;
	_ =	sdelay $0xe  }
0x12b: {  	s5 =	spop (v2sf)  }
0x12c: {  	p2 =	sne.s32 s29, s5  }
.Ltmp14:
0x12d: {  	_ = 	snop;
	(pc) =	sbr.rel @!p2 .LBB2_17-.Ltmp14, $3  }
0x12e: {  	_ =	sdelay $0x1  }
0x12f: {  	s3 =	sshll.u32 s26, $0x8  }
0x130: {  	s3 =	sshra.s32 s3, $0x2  }
0x131: {  	p2 =	seq.s32 s29, s4  }
.Ltmp15:
0x132: {  	_ = 	snop;
	(pc) =	sbr.rel @!p2 .LBB2_19-.Ltmp15, $1  }
0x133: {  	_ =	sdelay $0x3  }
.Ltmp16:
0x134: {  	s3 =	sadd.s32 $0x88, s3;
	(pc) =	sbr.rel .LBB2_20-.Ltmp16, $4  }
0x135: {  	[spmem:s18] =	stream.linear.scatter [tilespmem:s3], [sflag:$0x1], $0x40, $0x38;
	[tilespmem:$0x1EF88] =	vst v63  }
0x136: {  	_ =	swait.ge [sflag:s13], $0x40  }
0x137: {  	[sflag:s13] =	ssyncset.done $0x0  }
0x138: {  	[sflag:s13] =	ssyncadd.s32 $0xFFFFFFC0  }
.LBB2_19:
0x139: {  	s7 =	sshll.u32 s0, $0x8  }
0x13a: {  	v2 =	vld [tilespmem:s3+$0x88];
	s7 =	sshra.s32 s7, $0x2  }
0x13b: {  	v1 =	vld [tilespmem:s7+$0x50C8];
	_ =	sdelay $0x4  }
0x13c: {  	v1 =	vmax.f32 v1, v2  }
0x13d: {  	v2 =	vld [tilespmem:s3+$0x98];
	[tilespmem:s3+$0x88] =	vst v1  }
0x13e: {  	v1 =	vld [tilespmem:s7+$0x50D8];
	_ =	sdelay $0x4  }
0x13f: {  	v1 =	vmax.f32 v1, v2  }
0x140: {  	v2 =	vld [tilespmem:s3+$0xA8];
	[tilespmem:s3+$0x98] =	vst v1  }
0x141: {  	v1 =	vld [tilespmem:s7+$0x50E8];
	_ =	sdelay $0x4  }
0x142: {  	v1 =	vmax.f32 v1, v2  }
0x143: {  	v2 =	vld [tilespmem:s3+$0xB8];
	[tilespmem:s3+$0xA8] =	vst v1  }
0x144: {  	v1 =	vld [tilespmem:s7+$0x50F8];
	_ =	sdelay $0x3  }
0x145: {  	p2 =	sgt.u32 s29, $0x270F8  }
0x146: {  	s7 =	sand.u32 @!p2 $0x3FFF8, s29;
	v1 =	vmax.f32 v1, v2  }
0x147: {  	s8 =	sadd.s32 $0x88, s3;
	[tilespmem:s3+$0xB8] =	vst v1;
	s3 =	sadd.s32 @!p2 s1, s7;
	s7 =	sand.u32 @!p2 $0x7, s29  }
0x148: {  	[hbm4b:s3+s7] =	stream.linear.scatter @!p2 [tilespmem:s8], [sflag:$0xC], $0x40, $0x38;
	[tilespmem:$0x1EF88] =	vst v63  }
0x149: {  	s3 =	simm.s32 $0x0  }
0x14a: {  	s3 =	simm.s32 @!p2 $0x100  }
0x14b: {  	s2 =	sadd.s32 s3, s2  }
.LBB2_20:
0x14c: {  	s3 =	sadd.s32 $0x1, s26  }
0x14d: {  	s7 =	smulhi.u32 $0xCCCCCCCD, s3;
	_ =	sdelay $0x1  }
0x14e: {  	v1 =	vld [tilespmem:s30+$0xFFFFFFE0];
	s7 =	sshrl.u32 s7, $0x8  }
0x14f: {  	s7 =	smul.u32 $0x140, s7;
	_ =	sdelay $0x1  }
0x150: {  	s26 =	ssub.s32 s3, s7  }
0x151: {  	s3 =	sshll.u32 s26, $0x6  }
0x152: {  	[tilespmem:s3+$0x88] =	vst v1  }
0x153: {  	v1 =	vld [tilespmem:s30+$0xFFFFFFF0];
	_ =	sdelay $0x4  }
0x154: {  	[tilespmem:s3+$0x98] =	vst v1  }
0x155: {  	v1 =	vld [tilespmem:s30+$0x0];
	_ =	sdelay $0x4  }
0x156: {  	[tilespmem:s3+$0xA8] =	vst v1  }
0x157: {  	v1 =	vld [tilespmem:s30+$0x10]  }
.Ltmp17:
0x158: {  	_ = 	snop;
	(pc) =	sbr.rel .LBB2_21-.Ltmp17, $2  }
0x159: {  	_ =	sdelay $0x2  }
0x15a: {  	s0 =	sadd.s32 $0x1, s0;
	[tilespmem:s3+$0xB8] =	vst v1  }
.LBB2_23:
.Ltmp18:
0x15b: {  	(pc) =	sbr.rel .LBB2_24-.Ltmp18, $4  }
0x15c: {  	_ = 	snop  }
0x15d: {  	s0 =	simm.s32 $0x2  }
0x15e: {  	_ =	swait.ge [sflag:s0], $0x0  }
0x15f: {  	s5 =	smov.u32 s29;
	[sflag:s0] =	ssyncset.done $0x0;
	s0 =	simm.s32 $0x0  }
.LBB2_26:
0x160: {  	_ =	sfence.sel $0x180000  }
0x161: {  	s0 =	simm.s32 $0x9;
	[bflag:$0x0] =	sbarrier.arrive $0xFFFF  }
0x162: {  	s24 =	simm.s32 $0xA;
	[sflag:s0] =	ssyncpa.u1 $0x1  }
0x163: {  	s25 =	simm.s32 $0xB;
	[sflag:s24] =	ssyncpa.u1 $0x1  }
0x164: {  	s26 =	simm.s32 $0x2;
	[sflag:s25] =	ssyncpa.u1 $0x1  }
0x165: {  	[sflag:s26] =	ssyncpa.u1 $0x1  }
0x166: {  	v0 =	vld [tilespmem:$0xA108];
	_ =	sdelay $0x4  }
0x167: {  	(v2sf) =	vpush v0, $0x0  }
0x168: {  	(v2sf) =	vpush v0, $0x1;
	_ =	sdelay $0x1  }
0x169: {  	(v2sf) =	vpush v0, $0x2;
	_ =	sdelay $0xb  }
0x16a: {  	s0 =	spop (v2sf)  }
0x16b: {  	s2 =	spop (v2sf)  }
0x16c: {  	s3 =	smov.u32 s0;
	p0 =	sne.s32 s0, s2  }
0x16d: {  	s4 =	spop (v2sf);
	s3 =	simm.s32 @!p0 $0xFFFFFFFF  }
0x16e: {  	v2 =	vimm.s32 $0x1;
	v3 =	vlaneseq.u32;
	p0 =	seq.s32 s4, $0xFFFFFFFF;
	v1 =	vmov s3  }
0x16f: {  	s14 =	stileid.u32;
	v0 =	vperm.xlane v0, v2;
	p1 =	sne.s32 @!p0 s0, s2;
	v1 =	vperm.xlane v1, v3  }
0x170: {  	vm0 =	vcmask $0x3F04;
	s6 =	simm.s32 $0xA108;
	s0 =	simm.s32 @!p0 $0x1;
	p1 =	por !p1, p0  }
0x171: {  	s3 =	sshll.u32 s14, $0x1;
	s2 =	sshll.u32 @!p0 s4, $0x8;
	s0 =	simm.s32 @p1 $0x0;
	v0 =	vsel vm0, v1, v0  }
0x172: {  	s5 =	sor.u32 $0x800, s3;
	s2 =	sshra.s32 @!p0 s2, $0x2;
	s0 =	sor.u32 @!p0 s0, s3;
	[tilespmem:$0xA108] =	vst v0  }
0x173: {  	[spmem:s5] =	stream.linear.scatter [tilespmem:s6], [sflag:$0x1], $0x2, $0x38;
	[tilespmem:$0x1EF88] =	vst v63  }
0x174: {  	s2 =	sadd.s32 @!p0 $0x88, s2;
	s0 =	sshll.u32 @!p0 s0, $0x6  }
0x175: {  	[spmem:s0] =	stream.linear.scatter @!p0 [tilespmem:s2], [sflag:$0x1], $0x40, $0x38;
	[tilespmem:$0x1EF88] =	vst v63  }
0x176: {  	s0 =	simm.s32 @!p0 $0x42  }
0x177: {  	s28 =	simm.s32 $0x1;
	s0 =	simm.s32 @p0 $0x2  }
0x178: {  	_ =	swait.ge [sflag:s28], s0  }
0x179: {  	s0 =	ssub.s32 $0x0, s0;
	[sflag:s28] =	ssyncset.done $0x0  }
0x17a: {  	p0 =	sne.s32 s14, $0x0;
	[sflag:s28] =	ssyncadd.s32 s0  }
.Ltmp19:
0x17b: {  	_ =	sfence.stream.spmem;
	(pc) =	sbr.rel @p0 .LBB2_43-.Ltmp19, $4  }
0x17c: {  	s29 =	simm.s32 $0x3;
	[bflag:$0x0] =	sbarrier.arrive $0xFFFF  }
0x17d: {  	s30 =	simm.s32 $0x4;
	[sflag:s29] =	ssyncpa.u1 $0x1  }
0x17e: {  	s31 =	simm.s32 $0x3C;
	[sflag:s30] =	ssyncpa.u1 $0x1  }
0x17f: {  	s13 =	rddreg [dreg:$0x4];
	[sflag:s31] =	ssyncpa.u1 $0x1  }
0x180: {  	_ =	sfence.stream.spmem;
	s0 =	simm.s32 $0x5  }
0x181: {  	s2 =	simm.s32 $0x800;
	s3 =	simm.s32 $0xA118;
	[sflag:s0] =	ssyncpa.u1 $0x0  }
0x182: {  	[tilespmem:s3], [sflag:$0x5] =	stream.linear.gather [spmem:s2], $0x20, $0x38;
	[tilespmem:$0x1EF88] =	vst v63  }
0x183: {  	s26 =	simm.s32 $0x0;
	s28 =	simm.s32 $0xA138  }
0x184: {  	[tilespmem:s28], [sflag:$0x5] =	stream.linear.gather [spmem:s26], $0x800, $0x38;
	[tilespmem:$0x1EF88] =	vst v63  }
0x185: {  	_ =	swait.ge [sflag:s0], $0x820  }
0x186: {  	[sflag:s0] =	ssyncset.done $0x0  }
0x187: {  	s29 =	simm.s32 $0x0;
	[sflag:s0] =	ssyncadd.s32 $0xFFFFF7E0  }
0x188: {  	v0 =	vld.msk [tilespmem:s29+$0xA118], $0x1;
	_ =	sdelay $0x1  }
0x189: {  	s30 =	simm.s32 $0x1  }
0x18a: {  	v1 =	vld.msk [tilespmem:s30+$0xA118], $0x1;
	_ =	sdelay $0x1  }
0x18b: {  	(v2sf) =	vpush v0, $0x0;
	_ =	sdelay $0x2  }
0x18c: {  	(v2sf) =	vpush v1, $0x0;
	_ =	sdelay $0x2  }
0x18d: {  	s31 =	simm.s32 $0x2  }
0x18e: {  	v0 =	vld.msk [tilespmem:s31+$0xA118], $0x1;
	_ =	sdelay $0x2  }
0x18f: {  	s2 =	simm.s32 $0xFFFFFFFF;
	s3 =	simm.s32 $0xFFFFFFFF;
	s0 =	simm.s32 $0xC  }
.LBB2_28:
0x190: {  	s4 =	smov.u32 s3;
	s5 =	smov.u32 s2  }
0x191: {  	s2 =	sshra.s32 s0, $0x2;
	p1 =	sne.s32 s0, $0x7C;
	s0 =	sadd.s32 $0x4, s0;
	(v2sf) =	vpush v0, $0x0  }
0x192: {  	v0 =	vld.msk [tilespmem:s2+$0xA118], $0x1  }
.Ltmp20:
0x193: {  	(pc) =	sbr.rel @p1 .LBB2_28-.Ltmp20, $4  }
0x194: {  	s3 =	spop (v2sf)  }
0x195: {  	p2 =	sne.s32 s5, $0xFFFFFFFF;
	s2 =	smov.u32 s3  }
0x196: {  	p3 =	seq.s32 s3, $0xFFFFFFFF;
	s2 =	smov.u32 @p2 s5  }
0x197: {  	s3 =	smov.u32 @p3 s4;
	s2 =	smov.u32 @p3 s5  }
0x198: {  	(v2sf) =	vpush v0, $0x0;
	_ =	sdelay $0x8  }
0x199: {  	s0 =	spop (v2sf)  }
0x19a: {  	p1 =	sne.s32 s2, $0xFFFFFFFF;
	s4 =	smov.u32 s0  }
0x19b: {  	s6 =	simm.s32 $0x0;
	p2 =	seq.s32 s0, $0xFFFFFFFF;
	s4 =	smov.u32 @p1 s2  }
0x19c: {  	s9 =	simm.s32 $0xA0C8;
	s4 =	smov.u32 @p2 s2;
	s2 =	spop (v2sf)  }
0x19d: {  	s0 =	smov.u32 @p2 s3;
	p1 =	sne.s32 s4, $0xFFFFFFFF;
	s5 =	smov.u32 s2  }
.Ltmp21:
0x19e: {  	p2 =	seq.s32 s2, $0xFFFFFFFF;
	s5 =	smov.u32 @p1 s4;
	(pc) =	sbr.rel .LBB2_30-.Ltmp21, $4  }
0x19f: {  	s10 =	simm.s32 $0x0;
	s5 =	smov.u32 @p2 s4;
	s7 =	spop (v2sf)  }
0x1a0: {  	s2 =	smov.u32 @p2 s0;
	p1 =	sne.s32 s5, $0xFFFFFFFF;
	s8 =	smov.u32 s7  }
0x1a1: {  	s0 =	simm.s32 $0x6;
	p2 =	seq.s32 s7, $0xFFFFFFFF;
	s8 =	smov.u32 @p1 s5  }
0x1a2: {  	[sflag:s0] =	ssyncpa.u1 $0x0;
	s7 =	smov.u32 @p2 s2;
	s8 =	smov.u32 @p2 s5  }
.LBB2_36:
0x1a3: {  	p1 =	sgt.u32 s2, $0x270F8  }
0x1a4: {  	p2 =	seq.s32 @!p1 s2, s8  }
0x1a5: {  	p1 =	por p1, p2  }
0x1a6: {  	p2 =	sne.s32 @!p1 s2, s7  }
0x1a7: {  	p1 =	por p1, !p2  }
0x1a8: {  	s2 =	sshll.u32 @p1 s10, $0x8  }
0x1a9: {  	s3 =	sand.u32 @!p1 $0x3FFF8, s2  }
0x1aa: {  	s2 =	sand.u32 @!p1 $0x7, s2;
	s3 =	sadd.s32 @!p1 s1, s3  }
0x1ab: {  	[tilespmem:s9], [sflag:$0x6] =	stream.linear.gather @!p1 [hbm4b:s3+s2], $0x40, $0x38;
	[tilespmem:$0x1EF88] =	vst v63  }
0x1ac: {  	_ =	swait.ge @!p1 [sflag:s0], $0x40  }
0x1ad: {  	[sflag:s0] =	ssyncset.done @!p1 $0x0  }
0x1ae: {  	s2 =	sshll.u32 @!p1 s10, $0x8;
	[sflag:s0] =	ssyncadd.s32 @!p1 $0xFFFFFFC0  }
0x1af: {  	s3 =	sshrl.u32 @!p1 s2, $0x2;
	v1 =	vld @!p1 [tilespmem:$0xA0C8]  }
0x1b0: {  	v2 =	vld @!p1 [tilespmem:s3+$0xA138];
	_ =	sdelay $0x4  }
0x1b1: {  	v1 =	vmax.f32 @!p1 v1, v2  }
0x1b2: {  	v2 =	vld @!p1 [tilespmem:s3+$0xA148];
	[tilespmem:s3+$0xA138] =	vst @!p1 v1  }
0x1b3: {  	v1 =	vld @!p1 [tilespmem:$0xA0D8];
	_ =	sdelay $0x4  }
0x1b4: {  	v1 =	vmax.f32 @!p1 v1, v2  }
0x1b5: {  	v2 =	vld @!p1 [tilespmem:s3+$0xA158];
	[tilespmem:s3+$0xA148] =	vst @!p1 v1  }
0x1b6: {  	v1 =	vld @!p1 [tilespmem:$0xA0E8];
	_ =	sdelay $0x4  }
0x1b7: {  	v1 =	vmax.f32 @!p1 v1, v2  }
0x1b8: {  	v2 =	vld @!p1 [tilespmem:s3+$0xA168];
	[tilespmem:s3+$0xA158] =	vst @!p1 v1  }
0x1b9: {  	v1 =	vld @!p1 [tilespmem:$0xA0F8];
	_ =	sdelay $0x4  }
0x1ba: {  	v1 =	vmax.f32 @!p1 v1, v2  }
0x1bb: {  	[tilespmem:s3+$0xA168] =	vst @!p1 v1  }
0x1bc: {  	s2 =	sshrl.u32 s2, $0x2;
	[tilespmem:s6+$0xA118] =	vst.msk $0x1, v0  }
0x1bd: {  	v0 =	vld [tilespmem:s2+$0xA138];
	_ =	sdelay $0x2  }
0x1be: {  	s31 =	sshll.u32 s6, $0x8  }
0x1bf: {  	s3 =	sshra.s32 s31, $0x2  }
0x1c0: {  	[tilespmem:s3+$0xA138] =	vst v0  }
0x1c1: {  	v0 =	vld [tilespmem:s2+$0xA148];
	_ =	sdelay $0x4  }
0x1c2: {  	[tilespmem:s3+$0xA148] =	vst v0  }
0x1c3: {  	v0 =	vld [tilespmem:s2+$0xA158];
	_ =	sdelay $0x4  }
0x1c4: {  	[tilespmem:s3+$0xA158] =	vst v0  }
0x1c5: {  	v0 =	vld [tilespmem:s2+$0xA168];
	_ =	sdelay $0x4  }
0x1c6: {  	s6 =	sadd.s32 $0x1, s6;
	[tilespmem:s3+$0xA168] =	vst v0  }
.LBB2_37:
0x1c7: {  	s10 =	sadd.s32 $0x1, s10  }
0x1c8: {  	p1 =	sne.s32 s10, $0x20  }
.Ltmp22:
0x1c9: {  	_ = 	snop;
	(pc) =	sbr.rel @!p1 .LBB2_38-.Ltmp22, $1  }
0x1ca: {  	_ =	sdelay $0x3  }
.LBB2_30:
0x1cb: {  	v0 =	vld.msk [tilespmem:s10+$0xA118], $0x1;
	_ =	sdelay $0x4  }
0x1cc: {  	(v2sf) =	vpush v0, $0x0;
	_ =	sdelay $0xe  }
0x1cd: {  	s2 =	spop (v2sf)  }
0x1ce: {  	p1 =	seq.s32 s2, $0xFFFFFFFF  }
.Ltmp23:
0x1cf: {  	_ = 	snop;
	(pc) =	sbr.rel @p1 .LBB2_37-.Ltmp23, $1  }
0x1d0: {  	_ =	sdelay $0x3  }
0x1d1: {  	p1 =	slt.s32 s6, $0x1  }
.Ltmp24:
0x1d2: {  	_ = 	snop;
	(pc) =	sbr.rel @p1 .LBB2_36-.Ltmp24, $1  }
0x1d3: {  	_ =	sdelay $0x3  }
0x1d4: {  	s3 =	simm.s32 $0xA118;
	p1 =	por $0x0, $0x0  }
0x1d5: {  	v1 =	vld.msk @!p1 [tilespmem:s3+$0x0], $0x1;
	_ =	sdelay $0x4  }
0x1d6: {  	(v2sf) =	vpush @!p1 v1, $0x0;
	_ =	sdelay $0xd  }
0x1d7: {  	p3 =	sne.s32 s6, $0x1  }
.Ltmp25:
0x1d8: {  	s4 =	spop @!p1 (v2sf);
	(pc) =	sbr.rel @!p3 .LBB2_34-.Ltmp25, $4  }
0x1d9: {  	p2 =	seq.s32 @!p1 s2, s4  }
0x1da: {  	s4 =	simm.s32 $0x0;
	p2 =	por !p2, p1  }
0x1db: {  	s11 =	simm.s32 $0xFFFFFFFF;
	s4 =	simm.s32 @p2 $0xFFFFFFFF  }
0x1dc: {  	s5 =	simm.s32 $0x1;
	s4 =	smov.u32 @p1 s11  }
.LBB2_33:
0x1dd: {  	s11 =	smov.u32 s4;
	p1 =	sne.s32 s4, $0xFFFFFFFF  }
0x1de: {  	s3 =	sadd.s32 $0x1, s3;
	s4 =	smov.u32 s5;
	s5 =	sadd.s32 $0x1, s5  }
0x1df: {  	p2 =	sne.s32 s6, s5;
	v1 =	vld.msk @!p1 [tilespmem:s3+$0x0], $0x1;
	_ =	sdelay $0x4  }
0x1e0: {  	(v2sf) =	vpush @!p1 v1, $0x0;
	_ =	sdelay $0xe  }
.Ltmp26:
0x1e1: {  	s12 =	spop @!p1 (v2sf);
	(pc) =	sbr.rel @p2 .LBB2_33-.Ltmp26, $4  }
0x1e2: {  	p3 =	seq.s32 @!p1 s2, s12  }
0x1e3: {  	p3 =	por !p3, p1  }
0x1e4: {  	s4 =	simm.s32 @p3 $0xFFFFFFFF  }
0x1e5: {  	s4 =	smov.u32 @p1 s11  }
.LBB2_34:
0x1e6: {  	p1 =	seq.s32 s4, $0xFFFFFFFF  }
.Ltmp27:
0x1e7: {  	_ = 	snop;
	(pc) =	sbr.rel @p1 .LBB2_36-.Ltmp27, $1  }
0x1e8: {  	_ =	sdelay $0x3  }
0x1e9: {  	s2 =	sshll.u32 s10, $0x6  }
0x1ea: {  	s3 =	sshll.u32 s4, $0x8;
	s2 =	sand.u32 $0x3FFFFFC0, s2  }
0x1eb: {  	s3 =	sshra.s32 s3, $0x2;
	v0 =	vld [tilespmem:s2+$0xA138]  }
0x1ec: {  	v1 =	vld [tilespmem:s3+$0xA138];
	_ =	sdelay $0x4  }
0x1ed: {  	v0 =	vmax.f32 v0, v1  }
0x1ee: {  	v61 =	vld [tilespmem:s3+$0xA148];
	[tilespmem:s3+$0xA138] =	vst v0  }
0x1ef: {  	v0 =	vld [tilespmem:s2+$0xA148];
	_ =	sdelay $0x4  }
0x1f0: {  	v0 =	vmax.f32 v0, v61  }
0x1f1: {  	v62 =	vld [tilespmem:s3+$0xA158];
	[tilespmem:s3+$0xA148] =	vst v0  }
0x1f2: {  	v0 =	vld [tilespmem:s2+$0xA158];
	_ =	sdelay $0x4  }
0x1f3: {  	v0 =	vmax.f32 v0, v62  }
0x1f4: {  	v63 =	vld [tilespmem:s3+$0xA168];
	[tilespmem:s3+$0xA158] =	vst v0  }
0x1f5: {  	v0 =	vld [tilespmem:s2+$0xA168];
	_ =	sdelay $0x1  }
.Ltmp28:
0x1f6: {  	_ = 	snop;
	(pc) =	sbr.rel .LBB2_37-.Ltmp28, $3  }
0x1f7: {  	_ =	sdelay $0x1  }
0x1f8: {  	v0 =	vmax.f32 v0, v63  }
0x1f9: {  	[tilespmem:s3+$0xA168] =	vst v0  }
.LBB2_38:
0x1fa: {  	s0 =	simm.s32 $0x6;
	p1 =	seq.s32 s6, $0x0  }
0x1fb: {  	[sflag:s0] =	ssyncpa.u1 $0x1;
	v0 =	vimm.s32 @p1 $0xFFFFFFFF  }
0x1fc: {  	s0 =	sadd.s32 $0xFFFFFFFF, s6;
	[tilespmem:$0xA938] =	vst @p1 v0  }
0x1fd: {  	v0 =	vld.msk @!p1 [tilespmem:s0+$0xA118], $0x1;
	_ =	sdelay $0x1  }
0x1fe: {  	v1 =	vld.msk @!p1 [tilespmem:$0xA118], $0x1;
	_ =	sdelay $0x2  }
0x1ff: {  	p2 =	seq.s32 @!p1 s0, $0x0;
	v0 =	vbroadcast @!p1 v0, $0x0  }
0x200: {  	vm0 =	vmmov @!p1 $0x1;
	p2 =	por !p2, p1  }
0x201: {  	v1 =	vnsel @!p1 vm0, $0xFFFFFFFF, v1;
	vm0 =	vcmask @!p1 $0x308;
	v0 =	vpsel !p2, $0xFFFFFFFF, v0  }
0x202: {  	p2 =	sne.s32 @!p1 s8, s7;
	v0 =	vsel @!p1 vm0, v1, v0  }
0x203: {  	s2 =	simm.s32 @!p1 $0xA138;
	s3 =	simm.s32 @!p1 $0x0;
	p3 =	por !p2, p1;
	[tilespmem:$0xA938] =	vst @!p1 v0  }
0x204: {  	[spmem:s3] =	stream.linear.scatter @!p1 [tilespmem:s2], [sflag:$0x1], $0x40, $0x38;
	[tilespmem:$0x1EF88] =	vst v63  }
0x205: {  	s2 =	sshll.u32 @!p3 s0, $0x8  }
0x206: {  	s2 =	sshra.s32 @!p3 s2, $0x2  }
0x207: {  	s3 =	simm.s32 @!p3 $0x40;
	s2 =	sadd.s32 @!p3 $0xA138, s2  }
0x208: {  	[spmem:s3] =	stream.linear.scatter @!p3 [tilespmem:s2], [sflag:$0x1], $0x40, $0x38;
	[tilespmem:$0x1EF88] =	vst v63  }
0x209: {  	s2 =	simm.s32 @!p3 $0x1  }
0x20a: {  	_ =	swait.ge @!p3 [sflag:s2], $0x80  }
0x20b: {  	p1 =	por p2, p1;
	[sflag:s2] =	ssyncset.done @!p3 $0x0  }
0x20c: {  	[sflag:s2] =	ssyncadd.s32 @!p3 $0xFFFFFF80;
	s2 =	simm.s32 @!p1 $0x1  }
0x20d: {  	_ =	swait.ge @!p1 [sflag:s2], $0x40  }
0x20e: {  	s29 =	simm.s32 $0xA938;
	[sflag:s2] =	ssyncset.done @!p1 $0x0  }
0x20f: {  	s30 =	simm.s32 $0x800;
	s31 =	simm.s32 $0x1;
	[sflag:s2] =	ssyncadd.s32 @!p1 $0xFFFFFFC0  }
0x210: {  	[spmem:s30] =	stream.linear.scatter [tilespmem:s29], [sflag:$0x1], $0x10, $0x38;
	[tilespmem:$0x1EF88] =	vst v63  }
0x211: {  	_ =	swait.ge [sflag:s31], $0x10  }
0x212: {  	[sflag:s31] =	ssyncset.done $0x0  }
0x213: {  	p1 =	seq.s32 s13, $0x0;
	s9 =	rddreg [dreg:$0x1];
	[sflag:s31] =	ssyncadd.s32 $0xFFFFFFF0  }
0x214: {  	s3 =	sshll.u32 @p1 s9, $0xE;
	s8 =	rddreg [dreg:$0x2]  }
0x215: {  	s2 =	sadd.s32 @p1 $0x15C3C, s3;
	s3 =	sshll.u32 @p1 s8, $0x11  }
0x216: {  	_ =	sfence.stream.spmem;
	s2 =	sor.u32 @p1 s3, s2  }
0x217: {  	[sflag:s2] =	ssyncadd.remote.s32 @p1 $0x1;
	s2 =	simm.s32 @p1 $0x4  }
0x218: {  	s4 =	simm.s32 @!p1 $0x3C;
	s3 =	sand.u32 $0xFFFFFFFE, s9;
	_ =	swait.ge @p1 [sflag:s2], $0x12  }
0x219: {  	s5 =	simm.s32 @!p1 $0x0;
	s3 =	sadd.s32 @!p1 $0x4, s3;
	[sflag:s2] =	ssyncset.done @p1 $0x0  }
0x21a: {  	s7 =	simm.s32 @!p1 $0x80;
	[sflag:s2] =	ssyncadd.s32 @p1 $0xFFFFFFEE;
	s2 =	sshll.u32 @!p1 s3, $0x1A  }
0x21b: {  	s3 =	sshll.u32 @!p1 s3, $0xD;
	s2 =	sor.u32 @!p1 s2, s8;
	_ =	swait.eq @!p1 [sflag:s4], $0x1  }
0x21c: {  	s3 =	sor.u32 @!p1 $0x1C04, s3;
	s4 =	simm.s32 @!p1 $0x1C03;
	s2 =	sor.u32 @!p1 $0x80004000, s2  }
0x21d: {  	[spmem:s7], [sflag:s3] =	dma.general @!p1 [spmem:s5], [sflag:s4], length:$0x10, [dreg:$0x0], stride_count:$0x0, ici_dest:s2, dma_misc:DstOpCode:WRITE  }
0x21e: {  	p2 =	slt.s32 s0, $0x2;
	s5 =	simm.s32 @!p1 $0x100;
	s7 =	simm.s32 @!p1 $0x102  }
0x21f: {  	[spmem:s7], [sflag:s3] =	dma.general @!p1 [spmem:s5], [sflag:s4], length:$0x2, [dreg:$0x0], stride_count:$0x0, ici_dest:s2, dma_misc:DstOpCode:WRITE  }
.Ltmp29:
0x220: {  	s2 =	simm.s32 @!p1 $0x3;
	(pc) =	sbr.rel @p2 .LBB2_42-.Ltmp29, $4  }
0x221: {  	s3 =	sshll.u32 @!p1 s9, $0xE;
	_ =	swait.ge @!p1 [sflag:s2], $0x12  }
0x222: {  	s4 =	sshll.u32 @!p1 s8, $0x11;
	s3 =	sadd.s32 @!p1 $0x11C3C, s3;
	[sflag:s2] =	ssyncset.done @!p1 $0x0  }
0x223: {  	[sflag:s2] =	ssyncadd.s32 @!p1 $0xFFFFFFEE;
	s2 =	sor.u32 @!p1 s4, s3  }
0x224: {  	s0 =	simm.s32 $0x0;
	[sflag:s2] =	ssyncadd.remote.s32 @!p1 $0xFFFFFFFF  }
0x225: {  	s0 =	simm.s32 $0xA119  }
0x226: {  	v0 =	vld.msk [tilespmem:s0+$0x0], $0x1;
	_ =	sdelay $0x4  }
0x227: {  	(v2sf) =	vpush v0, $0x0;
	_ =	sdelay $0xc  }
0x228: {  	s2 =	sadd.s32 $0xFFFFFFFE, s6  }
0x229: {  	s2 =	sadd.s32 $0xFFFFFFFF, s2  }
0x22a: {  	p2 =	sne.s32 s2, $0x0;
	s3 =	spop (v2sf)  }
.Ltmp30:
0x22b: {  	p1 =	sgt.u32 s3, $0x270F8;
	(pc) =	sbr.rel @!p2 .LBB2_41-.Ltmp30, $4  }
0x22c: {  	s5 =	simm.s32 $0x0;
	s4 =	sand.u32 @!p1 $0x3FFF8, s3  }
0x22d: {  	s0 =	simm.s32 $0xA178;
	s3 =	sand.u32 @!p1 $0x7, s3;
	s4 =	sadd.s32 @!p1 s1, s4  }
0x22e: {  	[hbm4b:s4+s3] =	stream.linear.scatter @!p1 [tilespmem:s0], [sflag:$0x5], $0x40, $0x38;
	[tilespmem:$0x1EF88] =	vst v63  }
0x22f: {  	s5 =	simm.s32 @!p1 $0x100;
	s3 =	simm.s32 $0x0;
	s4 =	simm.s32 $0xA11A  }
.LBB2_40:
0x230: {  	v0 =	vld.msk [tilespmem:s4+$0x0], $0x1;
	s2 =	sadd.s32 $0xFFFFFFFF, s2;
	s3 =	sadd.s32 s3, s5  }
0x231: {  	p1 =	sne.s32 s2, $0x0;
	_ =	sdelay $0x3  }
0x232: {  	(v2sf) =	vpush v0, $0x0;
	_ =	sdelay $0xe  }
.Ltmp31:
0x233: {  	s6 =	spop (v2sf);
	(pc) =	sbr.rel @p1 .LBB2_40-.Ltmp31, $4  }
0x234: {  	s5 =	simm.s32 $0x0;
	p2 =	sgt.u32 s6, $0x270F8  }
0x235: {  	s0 =	sadd.s32 $0x40, s0;
	s5 =	simm.s32 @!p2 $0x100;
	s7 =	sand.u32 @!p2 $0x3FFF8, s6  }
0x236: {  	s4 =	sadd.s32 $0x1, s4;
	s6 =	sand.u32 @!p2 $0x7, s6;
	s7 =	sadd.s32 @!p2 s1, s7  }
0x237: {  	[hbm4b:s7+s6] =	stream.linear.scatter @!p2 [tilespmem:s0], [sflag:$0x5], $0x40, $0x38;
	[tilespmem:$0x1EF88] =	vst v63  }
.LBB2_41:
0x238: {  	s0 =	sadd.s32 s3, s5  }
0x239: {  	s0 =	sshrl.u32 s0, $0x2  }
.LBB2_42:
0x23a: {  	s2 =	simm.s32 $0x5  }
0x23b: {  	_ =	swait.ge [sflag:s2], s0  }
0x23c: {  	s31 =	ssub.s32 $0x0, s0;
	[sflag:s2] =	ssyncset.done $0x0  }
0x23d: {  	[sflag:s2] =	ssyncadd.s32 s31  }
0x23e: {  	[sflag:s2] =	ssyncpa.u1 $0x1  }
.LBB2_43:
0x23f: {  	s0 =	sor.u32 s13, s14  }
0x240: {  	p1 =	sne.s32 s0, $0x0  }
.Ltmp32:
0x241: {  	_ = 	snop;
	(pc) =	sbr.rel @p1 .LBB2_58-.Ltmp32, $3  }
0x242: {  	_ =	sdelay $0x1  }
0x243: {  	[bflag:$0x0] =	sbarrier.arrive $0xFFFF  }
0x244: {  	_ =	sfence  }
0x245: {  	s2 =	simm.s32 $0x7  }
0x246: {  	s0 =	simm.s32 $0x800;
	s3 =	simm.s32 $0xA118;
	[sflag:s2] =	ssyncpa.u1 $0x0  }
0x247: {  	[tilespmem:s3], [sflag:$0x7] =	stream.linear.gather [spmem:s0], $0x20, $0x38;
	[tilespmem:$0x1EF88] =	vst v63  }
0x248: {  	s30 =	simm.s32 $0xA138;
	s0 =	simm.s32 $0x0  }
0x249: {  	[tilespmem:s30], [sflag:$0x7] =	stream.linear.gather [spmem:s0], $0x800, $0x38;
	[tilespmem:$0x1EF88] =	vst v63  }
.Ltmp33:
0x24a: {  	_ = 	snop;
	(pc) =	sbr.rel .LBB2_45-.Ltmp33, $4  }
0x24b: {  	_ =	swait.ge [sflag:s2], $0x820  }
0x24c: {  	[sflag:s2] =	ssyncset.done $0x0  }
0x24d: {  	s31 =	simm.s32 $0x8;
	[sflag:s2] =	ssyncadd.s32 $0xFFFFF7E0  }
0x24e: {  	s2 =	simm.s32 $0x0;
	[sflag:s31] =	ssyncpa.u1 $0x0  }
.LBB2_51:
0x24f: {  	p1 =	slt.u32 s3, $0x270F9  }
0x250: {  	s4 =	sand.u32 @p1 $0x3FFF8, s3  }
0x251: {  	s3 =	sand.u32 @p1 $0x7, s3;
	s5 =	simm.s32 @p1 $0xA0C8;
	s4 =	sadd.s32 @p1 s1, s4  }
0x252: {  	[tilespmem:s5], [sflag:$0x8] =	stream.linear.gather @p1 [hbm4b:s4+s3], $0x40, $0x38;
	[tilespmem:$0x1EF88] =	vst v63  }
0x253: {  	s3 =	simm.s32 @p1 $0x8  }
0x254: {  	_ =	swait.ge @p1 [sflag:s3], $0x40  }
0x255: {  	[sflag:s3] =	ssyncset.done @p1 $0x0  }
0x256: {  	[sflag:s3] =	ssyncadd.s32 @p1 $0xFFFFFFC0;
	s3 =	sshll.u32 @p1 s2, $0x8  }
0x257: {  	s4 =	sshrl.u32 @p1 s3, $0x2;
	v1 =	vld @p1 [tilespmem:$0xA0C8]  }
0x258: {  	v2 =	vld @p1 [tilespmem:s4+$0xA138];
	_ =	sdelay $0x4  }
0x259: {  	v1 =	vmax.f32 @p1 v1, v2  }
0x25a: {  	v2 =	vld @p1 [tilespmem:s4+$0xA148];
	[tilespmem:s4+$0xA138] =	vst @p1 v1  }
0x25b: {  	v1 =	vld @p1 [tilespmem:$0xA0D8];
	_ =	sdelay $0x4  }
0x25c: {  	v1 =	vmax.f32 @p1 v1, v2  }
0x25d: {  	v2 =	vld @p1 [tilespmem:s4+$0xA158];
	[tilespmem:s4+$0xA148] =	vst @p1 v1  }
0x25e: {  	v1 =	vld @p1 [tilespmem:$0xA0E8];
	_ =	sdelay $0x4  }
0x25f: {  	v1 =	vmax.f32 @p1 v1, v2  }
0x260: {  	v2 =	vld @p1 [tilespmem:s4+$0xA168];
	[tilespmem:s4+$0xA158] =	vst @p1 v1  }
0x261: {  	v1 =	vld @p1 [tilespmem:$0xA0F8];
	_ =	sdelay $0x4  }
0x262: {  	s5 =	sshll.u32 @!p1 s2, $0x8;
	v1 =	vmax.f32 @p1 v1, v2  }
0x263: {  	s5 =	smov.u32 @p1 s3;
	[tilespmem:s4+$0xA168] =	vst @p1 v1  }
0x264: {  	s3 =	sshrl.u32 s5, $0x2;
	[tilespmem:s0+$0xA118] =	vst.msk $0x1, v0  }
0x265: {  	v0 =	vld [tilespmem:s3+$0xA138];
	_ =	sdelay $0x2  }
0x266: {  	s31 =	sshll.u32 s0, $0x8  }
0x267: {  	s4 =	sshra.s32 s31, $0x2  }
0x268: {  	[tilespmem:s4+$0xA138] =	vst v0  }
0x269: {  	v0 =	vld [tilespmem:s3+$0xA148];
	_ =	sdelay $0x4  }
0x26a: {  	[tilespmem:s4+$0xA148] =	vst v0  }
0x26b: {  	v0 =	vld [tilespmem:s3+$0xA158];
	_ =	sdelay $0x4  }
0x26c: {  	[tilespmem:s4+$0xA158] =	vst v0  }
0x26d: {  	v0 =	vld [tilespmem:s3+$0xA168];
	_ =	sdelay $0x4  }
0x26e: {  	s0 =	sadd.s32 $0x1, s0;
	[tilespmem:s4+$0xA168] =	vst v0  }
.LBB2_52:
0x26f: {  	s2 =	sadd.s32 $0x1, s2  }
0x270: {  	p1 =	sne.s32 s2, $0x20  }
.Ltmp34:
0x271: {  	_ = 	snop;
	(pc) =	sbr.rel @!p1 .LBB2_53-.Ltmp34, $1  }
0x272: {  	_ =	sdelay $0x3  }
.LBB2_45:
0x273: {  	v0 =	vld.msk [tilespmem:s2+$0xA118], $0x1;
	_ =	sdelay $0x4  }
0x274: {  	(v2sf) =	vpush v0, $0x0;
	_ =	sdelay $0xe  }
0x275: {  	s3 =	spop (v2sf)  }
0x276: {  	p1 =	seq.s32 s3, $0xFFFFFFFF  }
.Ltmp35:
0x277: {  	_ = 	snop;
	(pc) =	sbr.rel @p1 .LBB2_52-.Ltmp35, $1  }
0x278: {  	_ =	sdelay $0x3  }
0x279: {  	p1 =	slt.s32 s0, $0x1  }
.Ltmp36:
0x27a: {  	_ = 	snop;
	(pc) =	sbr.rel @p1 .LBB2_51-.Ltmp36, $1  }
0x27b: {  	_ =	sdelay $0x3  }
0x27c: {  	s4 =	simm.s32 $0xA118;
	p1 =	por $0x0, $0x0  }
0x27d: {  	v1 =	vld.msk @!p1 [tilespmem:s4+$0x0], $0x1;
	_ =	sdelay $0x4  }
0x27e: {  	(v2sf) =	vpush @!p1 v1, $0x0;
	_ =	sdelay $0xd  }
0x27f: {  	p3 =	sne.s32 s0, $0x1  }
.Ltmp37:
0x280: {  	s5 =	spop @!p1 (v2sf);
	(pc) =	sbr.rel @!p3 .LBB2_49-.Ltmp37, $4  }
0x281: {  	p2 =	seq.s32 @!p1 s3, s5  }
0x282: {  	s5 =	simm.s32 $0x0;
	p2 =	por !p2, p1  }
0x283: {  	s7 =	simm.s32 $0xFFFFFFFF;
	s5 =	simm.s32 @p2 $0xFFFFFFFF  }
0x284: {  	s6 =	simm.s32 $0x1;
	s5 =	smov.u32 @p1 s7  }
.LBB2_48:
0x285: {  	s7 =	smov.u32 s5;
	p1 =	sne.s32 s5, $0xFFFFFFFF  }
0x286: {  	s4 =	sadd.s32 $0x1, s4;
	s5 =	smov.u32 s6;
	s6 =	sadd.s32 $0x1, s6  }
0x287: {  	p2 =	sne.s32 s0, s6;
	v1 =	vld.msk @!p1 [tilespmem:s4+$0x0], $0x1;
	_ =	sdelay $0x4  }
0x288: {  	(v2sf) =	vpush @!p1 v1, $0x0;
	_ =	sdelay $0xe  }
.Ltmp38:
0x289: {  	s8 =	spop @!p1 (v2sf);
	(pc) =	sbr.rel @p2 .LBB2_48-.Ltmp38, $4  }
0x28a: {  	p3 =	seq.s32 @!p1 s3, s8  }
0x28b: {  	p3 =	por !p3, p1  }
0x28c: {  	s5 =	simm.s32 @p3 $0xFFFFFFFF  }
0x28d: {  	s5 =	smov.u32 @p1 s7  }
.LBB2_49:
0x28e: {  	p1 =	seq.s32 s5, $0xFFFFFFFF  }
.Ltmp39:
0x28f: {  	_ = 	snop;
	(pc) =	sbr.rel @p1 .LBB2_51-.Ltmp39, $1  }
0x290: {  	_ =	sdelay $0x3  }
0x291: {  	s3 =	sshll.u32 s2, $0x6  }
0x292: {  	s4 =	sshll.u32 s5, $0x8;
	s3 =	sand.u32 $0x3FFFFFC0, s3  }
0x293: {  	s4 =	sshra.s32 s4, $0x2;
	v0 =	vld [tilespmem:s3+$0xA138]  }
0x294: {  	v1 =	vld [tilespmem:s4+$0xA138];
	_ =	sdelay $0x4  }
0x295: {  	v0 =	vmax.f32 v0, v1  }
0x296: {  	v61 =	vld [tilespmem:s4+$0xA148];
	[tilespmem:s4+$0xA138] =	vst v0  }
0x297: {  	v0 =	vld [tilespmem:s3+$0xA148];
	_ =	sdelay $0x4  }
0x298: {  	v0 =	vmax.f32 v0, v61  }
0x299: {  	v62 =	vld [tilespmem:s4+$0xA158];
	[tilespmem:s4+$0xA148] =	vst v0  }
0x29a: {  	v0 =	vld [tilespmem:s3+$0xA158];
	_ =	sdelay $0x4  }
0x29b: {  	v0 =	vmax.f32 v0, v62  }
0x29c: {  	v63 =	vld [tilespmem:s4+$0xA168];
	[tilespmem:s4+$0xA158] =	vst v0  }
0x29d: {  	v0 =	vld [tilespmem:s3+$0xA168];
	_ =	sdelay $0x1  }
.Ltmp40:
0x29e: {  	_ = 	snop;
	(pc) =	sbr.rel .LBB2_52-.Ltmp40, $3  }
0x29f: {  	_ =	sdelay $0x1  }
0x2a0: {  	v0 =	vmax.f32 v0, v63  }
0x2a1: {  	[tilespmem:s4+$0xA168] =	vst v0  }
.LBB2_53:
0x2a2: {  	p1 =	slt.s32 s0, $0x1  }
.Ltmp41:
0x2a3: {  	_ = 	snop;
	(pc) =	sbr.rel @p1 .LBB2_57-.Ltmp41, $3  }
0x2a4: {  	_ =	sdelay $0x1  }
0x2a5: {  	s2 =	simm.s32 $0x8  }
0x2a6: {  	[sflag:s2] =	ssyncpa.u1 $0x1;
	s2 =	simm.s32 $0x0  }
0x2a7: {  	s3 =	simm.s32 $0xA118  }
0x2a8: {  	v0 =	vld.msk [tilespmem:s3+$0x0], $0x1;
	_ =	sdelay $0x4  }
0x2a9: {  	(v2sf) =	vpush v0, $0x0;
	_ =	sdelay $0xe  }
0x2aa: {  	s0 =	sadd.s32 $0xFFFFFFFF, s0;
	s4 =	spop (v2sf)  }
0x2ab: {  	p2 =	sne.s32 s0, $0x0;
	p1 =	sgt.u32 s4, $0x270F8  }
.Ltmp42:
0x2ac: {  	s5 =	sand.u32 @!p1 $0x3FFF8, s4;
	(pc) =	sbr.rel @!p2 .LBB2_56-.Ltmp42, $4  }
0x2ad: {  	s3 =	simm.s32 $0xA138;
	s4 =	sand.u32 @!p1 $0x7, s4;
	s5 =	sadd.s32 @!p1 s1, s5  }
0x2ae: {  	[hbm4b:s5+s4] =	stream.linear.scatter @!p1 [tilespmem:s3], [sflag:$0x7], $0x40, $0x38;
	[tilespmem:$0x1EF88] =	vst v63  }
0x2af: {  	s5 =	simm.s32 $0x0  }
0x2b0: {  	s4 =	simm.s32 $0xA119;
	s5 =	simm.s32 @!p1 $0x100  }
.LBB2_55:
0x2b1: {  	v0 =	vld.msk [tilespmem:s4+$0x0], $0x1;
	s0 =	sadd.s32 $0xFFFFFFFF, s0;
	s2 =	sadd.s32 s2, s5  }
0x2b2: {  	p1 =	sne.s32 s0, $0x0;
	_ =	sdelay $0x3  }
0x2b3: {  	(v2sf) =	vpush v0, $0x0;
	_ =	sdelay $0xe  }
.Ltmp43:
0x2b4: {  	s6 =	spop (v2sf);
	(pc) =	sbr.rel @p1 .LBB2_55-.Ltmp43, $4  }
0x2b5: {  	s5 =	simm.s32 $0x0;
	p2 =	sgt.u32 s6, $0x270F8  }
0x2b6: {  	s3 =	sadd.s32 $0x40, s3;
	s5 =	simm.s32 @!p2 $0x100;
	s7 =	sand.u32 @!p2 $0x3FFF8, s6  }
0x2b7: {  	s4 =	sadd.s32 $0x1, s4;
	s6 =	sand.u32 @!p2 $0x7, s6;
	s7 =	sadd.s32 @!p2 s1, s7  }
0x2b8: {  	[hbm4b:s7+s6] =	stream.linear.scatter @!p2 [tilespmem:s3], [sflag:$0x7], $0x40, $0x38;
	[tilespmem:$0x1EF88] =	vst v63  }
.LBB2_56:
0x2b9: {  	s0 =	sadd.s32 s2, s5  }
0x2ba: {  	s2 =	sshrl.u32 s0, $0x2  }
.LBB2_57:
0x2bb: {  	s0 =	simm.s32 $0x7  }
0x2bc: {  	_ =	swait.ge [sflag:s0], s2  }
0x2bd: {  	s1 =	ssub.s32 $0x0, s2;
	[sflag:s0] =	ssyncset.done $0x0  }
0x2be: {  	[sflag:s0] =	ssyncadd.s32 s1  }
0x2bf: {  	[sflag:s0] =	ssyncpa.u1 $0x1  }
.LBB2_58:
0x2c0: {  	_ =	sfence;
	s0 =	simm.s32 $0x1  }
0x2c1: {  	[sflag:s0] =	ssyncpa.u1 $0x1  }
0x2c2: {  	_ =	strace $0x9000004D  }
0x2c3: {  	[bflag:$0x2] =	sbarrier.arrive $0xFFFF  }
0x2c4: {  	s0 =	rddreg [dreg:$0x3]  }
0x2c5: {  	s0 =	sadd.s32 @!p0 $0x100000, s0  }
0x2c6: {  	[sflag:s0] =	ssyncadd.tile.s32 @!p0 $0x1;
	_ =	shalt  }
.Lfunc_end2:
_tile_overlayer_lowered:
.L_overlay_start_2:
0x2c7: {  	(tag) =	ssettag $0x2  }
0x2c8: {  	s0 =	rddreg [dreg:$0x0];
	s2 =	stileid.u32  }
0x2c9: {  	s1 =	rddreg [dreg:$0x1];
	p0 =	sne.s32 s2, $0x0  }
0x2ca: {  	s3 =	rddreg [dreg:$0x2];
	[bflag:$0x3] =	sbarrier.arrive $0xFFFF;
	s2 =	simm.s32 @!p0 $0x1C01  }
0x2cb: {  	[timem:s3], [sflag:s2] =	dma.local @!p0 [hbm:s0], s1  }
0x2cc: {  	s0 =	simm.s32 @!p0 $0x1  }
0x2cd: {  	_ =	swait.ge @!p0 [sflag:s0], s1  }
0x2ce: {  	s1 =	ssub.s32 @!p0 $0x0, s1;
	[sflag:s0] =	ssyncset.done @!p0 $0x0  }
0x2cf: {  	[sflag:s0] =	ssyncadd.s32 @!p0 s1  }
0x2d0: {  	[bflag:$0x3] =	sbarrier.arrive $0xFFFF  }
0x2d1: {  	_ =	shalt  }

</sc_bundles>
